<compile_context>
chip_gen: v7x
topology: tpu7x:2x2x1
jax: 0.10.2.dev20260603
libtpu: 0.0.44.dev20260713+nightly
codegen_flags: <defaults>
</compile_context>

<pallas_src>
import functools

import jax
import jax.numpy as jnp
from jax import lax
from jax.experimental import pallas as pl
from jax.experimental.pallas import tpu as pltpu
from jax.experimental.pallas import tpu_sc as plsc

N_NODES = 10000
E = 320000
NC, NS = 2, 16
NW = NC * NS
EPT = 10240
EPAD = NW * EPT
NROWS = 10112
NZT = 16
ZR = NROWS // NZT
BR = 1000
DW = 8

_mesh = plsc.VectorSubcoreMesh(
    core_axis_name="c", subcore_axis_name="s", num_cores=NC, num_subcores=NS)

_params = pltpu.CompilerParams(use_tc_tiling_on_sc=False)


DEG_CHUNK = 64
DEG_CPT = EPT // DEG_CHUNK


@functools.partial(
    pl.kernel,
    out_type=jax.ShapeDtypeStruct((NC * NROWS, DW), jnp.float32),
    mesh=_mesh,
    compiler_params=_params,
    scratch_types=[
        pltpu.VMEM((2, DEG_CHUNK), jnp.int32),
        pltpu.VMEM((2, DEG_CHUNK), jnp.int32),
        pltpu.VMEM((DEG_CHUNK, DW), jnp.float32),
        pltpu.VMEM_SHARED((NROWS, DW), jnp.float32),
        pltpu.SemaphoreType.DMA,
        pltpu.SemaphoreType.DMA,
    ],
)
def _deg_kernel(sd_hbm, ones_hbm, zero_hbm, out_hbm,
                ib0, ib1, ones_v, deg_sh, si0, si1):
    cid = lax.axis_index("c")
    tid = lax.axis_index("s")
    wid = cid * NS + tid
    pltpu.sync_copy(ones_hbm, ones_v)

    @pl.when(tid < NZT)
    def _zero():
        pltpu.sync_copy(zero_hbm, deg_sh.at[pl.ds(tid * ZR, ZR)])

    plsc.subcore_barrier()

    pltpu.async_copy(sd_hbm.at[wid, 0], ib0, si0)
    pltpu.async_copy(sd_hbm.at[wid, 1], ib1, si1)

    def body(j2, carry):
        a = 2 * j2
        pltpu.make_async_copy(sd_hbm.at[wid, a], ib0, si0).wait()
        pltpu.sync_copy(ones_v, deg_sh.at[ib0.at[1]], add=True)
        pltpu.async_copy(
            sd_hbm.at[wid, jnp.minimum(a + 2, DEG_CPT - 1)], ib0, si0)
        pltpu.make_async_copy(sd_hbm.at[wid, a + 1], ib1, si1).wait()
        pltpu.sync_copy(ones_v, deg_sh.at[ib1.at[1]], add=True)
        pltpu.async_copy(
            sd_hbm.at[wid, jnp.minimum(a + 3, DEG_CPT - 1)], ib1, si1)
        return carry

    lax.fori_loop(0, DEG_CPT // 2, body, 0)
    pltpu.make_async_copy(sd_hbm.at[wid, DEG_CPT - 1], ib0, si0).wait()
    pltpu.make_async_copy(sd_hbm.at[wid, DEG_CPT - 1], ib1, si1).wait()

    plsc.subcore_barrier()

    @pl.when(tid < NZT)
    def _dump():
        pltpu.sync_copy(
            deg_sh.at[pl.ds(tid * ZR, ZR)],
            out_hbm.at[pl.ds(cid * NROWS + tid * ZR, ZR)],
        )


def _make_agg_ring(D, CHUNK, CPT0, CPT1):
    assert CPT0 % 8 == 0 and CPT1 % 8 == 0

    @functools.partial(
        pl.kernel,
        out_type=jax.ShapeDtypeStruct((NC * NROWS, D), jnp.float32),
        mesh=_mesh,
        compiler_params=_params,
        scratch_types=(
            [pltpu.VMEM((2, CHUNK), jnp.int32)] * 8
            + [pltpu.VMEM((CHUNK, D), jnp.float32)] * 4
            + [pltpu.VMEM_SHARED((NROWS, D), jnp.float32)]
            + [pltpu.SemaphoreType.DMA] * 12
        ),
    )
    def _agg_kernel(tbl_hbm, sd_hbm, zero_hbm, out_hbm, *sc):
        jb = sc[0:8]
        buf = sc[8:12]
        acc_sh = sc[12]
        si = sc[13:21]
        sg = sc[21:25]
        cid = lax.axis_index("c")
        tid = lax.axis_index("s")
        base = jnp.where(cid == 0, tid * CPT0, NS * CPT0 + tid * CPT1)
        cpt = jnp.where(cid == 0, CPT0, CPT1)
        last = base + cpt - 1

        @pl.when(tid < NZT)
        def _zero():
            pltpu.sync_copy(zero_hbm, acc_sh.at[pl.ds(tid * ZR, ZR)])

        plsc.subcore_barrier()

        for t in range(8):
            pltpu.async_copy(sd_hbm.at[base + t], jb[t], si[t])
        for r in range(4):
            pltpu.make_async_copy(sd_hbm.at[base + r], jb[r], si[r]).wait()
            pltpu.async_copy(tbl_hbm.at[jb[r].at[0]], buf[r], sg[r])

        def body(k, carry):
            c0 = base + 8 * k
            for r in range(8):
                c = c0 + r
                pltpu.make_async_copy(
                    tbl_hbm.at[jb[r].at[0]], buf[r % 4], sg[r % 4]).wait()
                pltpu.sync_copy(buf[r % 4], acc_sh.at[jb[r].at[1]], add=True)
                pltpu.make_async_copy(
                    sd_hbm.at[c], jb[(r + 4) % 8], si[(r + 4) % 8]).wait()
                pltpu.async_copy(
                    tbl_hbm.at[jb[(r + 4) % 8].at[0]], buf[r % 4], sg[r % 4])
                pltpu.async_copy(
                    sd_hbm.at[jnp.minimum(c + 8, last)], jb[r], si[r])
            return carry

        lax.fori_loop(0, cpt // 8, body, 0)
        for r in range(4):
            pltpu.make_async_copy(
                tbl_hbm.at[jb[r].at[0]], buf[r], sg[r]).wait()
        for r in range(4, 8):
            pltpu.make_async_copy(sd_hbm.at[last], jb[r], si[r]).wait()

        plsc.subcore_barrier()

        @pl.when(tid < NZT)
        def _dump():
            pltpu.sync_copy(
                acc_sh.at[pl.ds(tid * ZR, ZR)],
                out_hbm.at[pl.ds(cid * NROWS + tid * ZR, ZR)],
            )

    return _agg_kernel


AGG_CHUNK = 32
NCH = EPAD // AGG_CHUNK // NS
CPT128_0, CPT128_1 = 496, 144
CPT32_0, CPT32_1 = 440, 200
assert CPT128_0 + CPT128_1 == NCH and CPT32_0 + CPT32_1 == NCH
_agg128 = _make_agg_ring(128, AGG_CHUNK, CPT128_0, CPT128_1)
_agg32 = _make_agg_ring(32, AGG_CHUNK, CPT32_0, CPT32_1)


def _stage_a(degp, x):
    def body(degp_ref, x_ref, y_ref, dinv_ref):
        deg = degp_ref[0] + degp_ref[1] + 1.0
        dinv = lax.rsqrt(deg)
        dinv_ref[...] = dinv
        y_ref[...] = x_ref[...] * dinv[:, :1]

    return pl.pallas_call(
        body,
        grid=(N_NODES // BR,),
        in_specs=[
            pl.BlockSpec((2, BR, DW), lambda i: (0, i, 0)),
            pl.BlockSpec((BR, 128), lambda i: (i, 0)),
        ],
        out_specs=[
            pl.BlockSpec((BR, 128), lambda i: (i, 0)),
            pl.BlockSpec((BR, DW), lambda i: (i, 0)),
        ],
        out_shape=[
            jax.ShapeDtypeStruct((N_NODES, 128), jnp.float32),
            jax.ShapeDtypeStruct((N_NODES, DW), jnp.float32),
        ],
    )(degp, x)


def _stage_b(p, y, dinv8, W1, b1, W2):
    def body(p_ref, y_ref, dinv_ref, W1_ref, b1_ref, W2_ref, u_ref):
        dinv = dinv_ref[:, :1]
        agg = (p_ref[0] + p_ref[1] + y_ref[...]) * dinv
        h = jnp.dot(agg, W1_ref[...], preferred_element_type=jnp.float32)
        h = jnp.maximum(h + b1_ref[...], 0.0)
        t = jnp.dot(h, W2_ref[...], preferred_element_type=jnp.float32)
        u_ref[...] = t * dinv

    return pl.pallas_call(
        body,
        grid=(N_NODES // BR,),
        in_specs=[
            pl.BlockSpec((2, BR, 128), lambda i: (0, i, 0)),
            pl.BlockSpec((BR, 128), lambda i: (i, 0)),
            pl.BlockSpec((BR, DW), lambda i: (i, 0)),
            pl.BlockSpec((128, 256), lambda i: (0, 0)),
            pl.BlockSpec((1, 256), lambda i: (0, 0)),
            pl.BlockSpec((256, 32), lambda i: (0, 0)),
        ],
        out_specs=pl.BlockSpec((BR, 32), lambda i: (i, 0)),
        out_shape=jax.ShapeDtypeStruct((N_NODES, 32), jnp.float32),
    )(p, y, dinv8, W1, b1, W2)


def _stage_c(q, u, dinv8, b2):
    def body(q_ref, u_ref, dinv_ref, b2_ref, z_ref):
        dinv = dinv_ref[:, :1]
        z_ref[...] = (q_ref[0] + q_ref[1] + u_ref[...]) * dinv + b2_ref[...]

    return pl.pallas_call(
        body,
        grid=(N_NODES // BR,),
        in_specs=[
            pl.BlockSpec((2, BR, 32), lambda i: (0, i, 0)),
            pl.BlockSpec((BR, 32), lambda i: (i, 0)),
            pl.BlockSpec((BR, DW), lambda i: (i, 0)),
            pl.BlockSpec((1, 32), lambda i: (0, 0)),
        ],
        out_specs=pl.BlockSpec((BR, 32), lambda i: (i, 0)),
        out_shape=jax.ShapeDtypeStruct((N_NODES, 32), jnp.float32),
    )(q, u, dinv8, b2)


def _make_sd(spad, dpad, chunk):
    cpt = EPT // chunk
    return jnp.stack(
        [spad.reshape(NW, cpt, chunk), dpad.reshape(NW, cpt, chunk)], axis=2)


def kernel(x, edge_index, W1, b1, W2, b2):
    src = edge_index[0].astype(jnp.int32)
    dst = edge_index[1].astype(jnp.int32)
    pad = EPAD - E
    spad = jnp.concatenate([src, jnp.zeros((pad,), jnp.int32)])
    dpad = jnp.concatenate([dst, jnp.full((pad,), N_NODES, jnp.int32)])
    sd64 = _make_sd(spad, dpad, DEG_CHUNK)
    sd32 = jnp.stack(
        [spad.reshape(-1, AGG_CHUNK), dpad.reshape(-1, AGG_CHUNK)], axis=1)

    ones = jnp.ones((DEG_CHUNK, DW), jnp.float32)
    zd = jnp.zeros((ZR, DW), jnp.float32)
    z128 = jnp.zeros((ZR, 128), jnp.float32)
    z32 = jnp.zeros((ZR, 32), jnp.float32)

    degp = _deg_kernel(sd64, ones, zd).reshape(NC, NROWS, DW)[:, :N_NODES]
    y, dinv8 = _stage_a(degp, x)
    p = _agg128(y, sd32, z128).reshape(NC, NROWS, 128)[:, :N_NODES]
    u = _stage_b(p, y, dinv8, W1, b1.reshape(1, -1), W2)
    q = _agg32(u, sd32, z32).reshape(NC, NROWS, 32)[:, :N_NODES]
    z = _stage_c(q, u, dinv8, b2.reshape(1, -1))
    return z

# --- scband reference (transcript-rebuilt; emitter-appended) ---
"""Pipeline reference for scband-gcn-link-prediction-63565515981283 (READ-ONLY COPY).

The authoritative reference and input builder live on the scoring server;
editing this copy changes nothing except your own understanding.
"""

import jax, jax.numpy as jnp
import numpy as np

N_NODES = 10000


def gcn_conv(x, src, dst, W, b, num_nodes):
    # add self-loops (GCNConv default)
    loop = jnp.arange(num_nodes, dtype=src.dtype)
    s = jnp.concatenate([src, loop])
    d = jnp.concatenate([dst, loop])
    # symmetric normalization with unit edge weights
    deg = jnp.zeros((num_nodes,), dtype=x.dtype).at[d].add(1.0)
    dinv = jnp.where(deg > 0, jax.lax.rsqrt(deg), 0.0)
    norm = dinv[s] * dinv[d]
    h = x @ W
    msg = h[s] * norm[:, None]
    out = jnp.zeros((num_nodes, W.shape[1]), dtype=x.dtype).at[d].add(msg)
    return out + b


def setup_inputs(seed: int = 0) -> dict:
    key = jax.random.key(seed)
    k1, k2, k3, k4 = jax.random.split(key, 4)
    x = jax.random.normal(k1, (N_NODES, 128), dtype=jnp.float32)
    edge_index = jax.random.randint(k2, (2, 320000), 0, N_NODES, dtype=jnp.int64 if jax.config.read('jax_enable_x64') else jnp.int32)
    W1 = jax.random.normal(k3, (128, 256), dtype=jnp.float32) * (1.0 / np.sqrt(128))
    b1 = jnp.zeros((256,), dtype=jnp.float32)
    W2 = jax.random.normal(k4, (256, 32), dtype=jnp.float32) * (1.0 / np.sqrt(256))
    b2 = jnp.zeros((32,), dtype=jnp.float32)
    return {"x": x, "edge_index": edge_index, "W1": W1, "b1": b1, "W2": W2, "b2": b2}


def reference(x, edge_index, W1, b1, W2, b2):
    src = edge_index[0]
    dst = edge_index[1]
    # dropout p=0.0 -> identity; use_bn=False
    h = gcn_conv(x, src, dst, W1, b1, N_NODES)
    h = jax.nn.relu(h)
    z = gcn_conv(h, src, dst, W2, b2, N_NODES)
    return z

if __name__ == "__main__":
    import jax
    _d = setup_inputs()
    print(jax.jit(kernel)(*tuple(_d.values())))

</pallas_src>

<mosaic_0001>
#map = affine_map<(d0, d1) -> (0, 0, 0, 0)>
#map1 = affine_map<(d0, d1) -> (0, 0)>
module attributes {stable_mosaic.version = 14 : i64} {
  func.func @_deg_kernel(%arg0: i32, %arg1: i32, %arg2: memref<32x160x2x64xi32, #tpu.memory_space<hbm>>, %arg3: memref<64x8xf32, #tpu.memory_space<hbm>>, %arg4: memref<632x8xf32, #tpu.memory_space<hbm>>, %arg5: memref<20224x8xf32, #tpu.memory_space<hbm>>, %arg6: memref<2x64xi32, #tpu.memory_space<vmem>>, %arg7: memref<2x64xi32, #tpu.memory_space<vmem>>, %arg8: memref<64x8xf32, #tpu.memory_space<vmem>>, %arg9: memref<10112x8xf32, #tpu.memory_space<vmem_shared>>, %arg10: memref<!tpu.dma_semaphore, #tpu.memory_space<semaphore_mem>>, %arg11: memref<!tpu.dma_semaphore, #tpu.memory_space<semaphore_mem>>) attributes {dimension_semantics = [#tpu.dimension_semantics<core_parallel>, #tpu.dimension_semantics<subcore_parallel>], iteration_bounds = array<i64: 2, 16>, scalar_prefetch = 0 : i64, scratch_operands = 6 : i64, tpu.core_type = #tpu.core_type<sc_vector_subcore>, window_params = [{transform_indices = #map}, {transform_indices = #map1}, {transform_indices = #map1}, {transform_indices = #map1}]} {
    %mul3A = arith.constant 16 : i32
    %mul3A_0 = arith.muli %arg0, %mul3A : i32
    %add3A = arith.addi %mul3A_0, %arg1 : i32
    "tpu.region"() ({
      %run_scoped3A = tpu.sem_alloc : memref<!tpu.dma_semaphore, #tpu.memory_space<semaphore_mem>>
      tpu.enqueue_dma source(%arg3 : memref<64x8xf32, #tpu.memory_space<hbm>>) target(%arg8 : memref<64x8xf32, #tpu.memory_space<vmem>>) target_semaphore(%run_scoped3A : memref<!tpu.dma_semaphore, #tpu.memory_space<semaphore_mem>>)
      tpu.wait_dma2 semaphore(%run_scoped3A : memref<!tpu.dma_semaphore, #tpu.memory_space<semaphore_mem>>) src(%arg3 : memref<64x8xf32, #tpu.memory_space<hbm>>) dst(%arg8 : memref<64x8xf32, #tpu.memory_space<vmem>>)
      tpu.yield
    }) : () -> ()
    %lt3A = arith.constant 16 : i32
    %lt3A_1 = arith.cmpi slt, %arg1, %lt3A : i32
    %convert_element_type3A = arith.extui %lt3A_1 : i1 to i32
    %cond3A = arith.constant 0 : i32
    %cond3A_2 = arith.cmpi ne, %convert_element_type3A, %cond3A : i32
    scf.if %cond3A_2 {
      %mul3A_48 = arith.constant 632 : i32
      %mul3A_49 = arith.muli %arg1, %mul3A_48 : i32
      "tpu.region"() ({
        %run_scoped3A = tpu.sem_alloc : memref<!tpu.dma_semaphore, #tpu.memory_space<semaphore_mem>>
        %dma_start3A_50 = arith.constant 0 : i32
        %dma_start3A_51 = tpu.memref_slice %arg9[%mul3A_49, %dma_start3A_50] : memref<10112x8xf32, #tpu.memory_space<vmem_shared>> -> memref<632x8xf32, #tpu.memory_space<vmem_shared>>
        tpu.enqueue_dma source(%arg4 : memref<632x8xf32, #tpu.memory_space<hbm>>) target(%dma_start3A_51 : memref<632x8xf32, #tpu.memory_space<vmem_shared>>) target_semaphore(%run_scoped3A : memref<!tpu.dma_semaphore, #tpu.memory_space<semaphore_mem>>)
        %dma_wait3A_52 = arith.constant 0 : i32
        %dma_wait3A_53 = tpu.memref_slice %arg9[%mul3A_49, %dma_wait3A_52] : memref<10112x8xf32, #tpu.memory_space<vmem_shared>> -> memref<632x8xf32, #tpu.memory_space<vmem_shared>>
        tpu.wait_dma2 semaphore(%run_scoped3A : memref<!tpu.dma_semaphore, #tpu.memory_space<semaphore_mem>>) src(%arg4 : memref<632x8xf32, #tpu.memory_space<hbm>>) dst(%dma_wait3A_53 : memref<632x8xf32, #tpu.memory_space<vmem_shared>>)
        tpu.yield
      }) : () -> ()
    } else {
    }
    %barrier3A = arith.constant 0 : index
    tpu.barrier barrier_id(%barrier3A)
    %dma_start3A = arith.constant 0 : i32
    %dma_start3A_3 = arith.constant 0 : i32
    %dma_start3A_4 = arith.constant 0 : i32
    %dma_start3A_5 = tpu.memref_slice %arg2[%add3A, %dma_start3A, %dma_start3A_3, %dma_start3A_4] : memref<32x160x2x64xi32, #tpu.memory_space<hbm>> -> memref<1x1x2x64xi32, #tpu.memory_space<hbm>>
    %dma_start3A_6 = tpu.memref_squeeze %dma_start3A_5 : memref<1x1x2x64xi32, #tpu.memory_space<hbm>> -> memref<2x64xi32, #tpu.memory_space<hbm>>
    %dma_start3A_7 = arith.constant 0 : i32
    %dma_start3A_8 = arith.constant 0 : i32
    %dma_start3A_9 = tpu.memref_slice %arg2[%add3A, %dma_start3A, %dma_start3A_7, %dma_start3A_8] : memref<32x160x2x64xi32, #tpu.memory_space<hbm>> -> memref<1x1x2x64xi32, #tpu.memory_space<hbm>>
    %dma_start3A_10 = tpu.memref_squeeze %dma_start3A_9 : memref<1x1x2x64xi32, #tpu.memory_space<hbm>> -> memref<2x64xi32, #tpu.memory_space<hbm>>
    tpu.enqueue_dma source(%dma_start3A_10 : memref<2x64xi32, #tpu.memory_space<hbm>>) target(%arg6 : memref<2x64xi32, #tpu.memory_space<vmem>>) target_semaphore(%arg10 : memref<!tpu.dma_semaphore, #tpu.memory_space<semaphore_mem>>)
    %dma_start3A_11 = arith.constant 1 : i32
    %dma_start3A_12 = arith.constant 0 : i32
    %dma_start3A_13 = arith.constant 0 : i32
    %dma_start3A_14 = tpu.memref_slice %arg2[%add3A, %dma_start3A_11, %dma_start3A_12, %dma_start3A_13] : memref<32x160x2x64xi32, #tpu.memory_space<hbm>> -> memref<1x1x2x64xi32, #tpu.memory_space<hbm>>
    %dma_start3A_15 = tpu.memref_squeeze %dma_start3A_14 : memref<1x1x2x64xi32, #tpu.memory_space<hbm>> -> memref<2x64xi32, #tpu.memory_space<hbm>>
    %dma_start3A_16 = arith.constant 0 : i32
    %dma_start3A_17 = arith.constant 0 : i32
    %dma_start3A_18 = tpu.memref_slice %arg2[%add3A, %dma_start3A_11, %dma_start3A_16, %dma_start3A_17] : memref<32x160x2x64xi32, #tpu.memory_space<hbm>> -> memref<1x1x2x64xi32, #tpu.memory_space<hbm>>
    %dma_start3A_19 = tpu.memref_squeeze %dma_start3A_18 : memref<1x1x2x64xi32, #tpu.memory_space<hbm>> -> memref<2x64xi32, #tpu.memory_space<hbm>>
    tpu.enqueue_dma source(%dma_start3A_19 : memref<2x64xi32, #tpu.memory_space<hbm>>) target(%arg7 : memref<2x64xi32, #tpu.memory_space<vmem>>) target_semaphore(%arg11 : memref<!tpu.dma_semaphore, #tpu.memory_space<semaphore_mem>>)
    %scan3A = arith.constant 0 : i32
    %scan3A_20 = arith.constant 0 : i32
    %scan3A_21 = arith.constant 80 : i32
    %scan3A_22 = arith.addi %scan3A_20, %scan3A_21 : i32
    %scan3A_23 = arith.constant 1 : i32
    scf.for %scan3A_48 = %scan3A_20 to %scan3A_22 step %scan3A_23  : i32 {
      %mul3A_49 = arith.constant 2 : i32
      %mul3A_50 = arith.muli %mul3A_49, %scan3A_48 : i32
      %dma_wait3A_51 = arith.constant 0 : i32
      %dma_wait3A_52 = arith.constant 0 : i32
      %dma_wait3A_53 = tpu.memref_slice %arg2[%add3A, %mul3A_50, %dma_wait3A_51, %dma_wait3A_52] : memref<32x160x2x64xi32, #tpu.memory_space<hbm>> -> memref<1x1x2x64xi32, #tpu.memory_space<hbm>>
      %dma_wait3A_54 = tpu.memref_squeeze %dma_wait3A_53 : memref<1x1x2x64xi32, #tpu.memory_space<hbm>> -> memref<2x64xi32, #tpu.memory_space<hbm>>
      %dma_wait3A_55 = arith.constant 0 : i32
      %dma_wait3A_56 = arith.constant 0 : i32
      %dma_wait3A_57 = tpu.memref_slice %arg2[%add3A, %mul3A_50, %dma_wait3A_55, %dma_wait3A_56] : memref<32x160x2x64xi32, #tpu.memory_space<hbm>> -> memref<1x1x2x64xi32, #tpu.memory_space<hbm>>
      %dma_wait3A_58 = tpu.memref_squeeze %dma_wait3A_57 : memref<1x1x2x64xi32, #tpu.memory_space<hbm>> -> memref<2x64xi32, #tpu.memory_space<hbm>>
      tpu.wait_dma2 semaphore(%arg10 : memref<!tpu.dma_semaphore, #tpu.memory_space<semaphore_mem>>) src(%dma_wait3A_58 : memref<2x64xi32, #tpu.memory_space<hbm>>) dst(%arg6 : memref<2x64xi32, #tpu.memory_space<vmem>>)
      %run_scoped3A = arith.constant 1 : i32
      "tpu.region"() ({
        %run_scoped3A_93 = tpu.sem_alloc : memref<!tpu.dma_semaphore, #tpu.memory_space<semaphore_mem>>
        %dma_start3A_94 = arith.constant 0 : i32
        %dma_start3A_95 = tpu.memref_slice %arg6[%run_scoped3A, %dma_start3A_94] : memref<2x64xi32, #tpu.memory_space<vmem>> -> memref<1x64xi32, #tpu.memory_space<vmem>>
        %dma_start3A_96 = tpu.memref_squeeze %dma_start3A_95 : memref<1x64xi32, #tpu.memory_space<vmem>> -> memref<64xi32, #tpu.memory_space<vmem>>
        %dma_start3A_97 = arith.constant 0 : i32
        %dma_start3A_98 = arith.constant 0 : i32
        %dma_start3A_99 = tpu.memref_slice %arg9[%dma_start3A_97, %dma_start3A_98] : memref<10112x8xf32, #tpu.memory_space<vmem_shared>> -> memref<10112x8xf32, #tpu.memory_space<vmem_shared>>
        tpu.enqueue_indirect_dma source(%arg8 : memref<64x8xf32, #tpu.memory_space<vmem>>) target(%dma_start3A_99 : memref<10112x8xf32, #tpu.memory_space<vmem_shared>>) offsets(%dma_start3A_96 : memref<64xi32, #tpu.memory_space<vmem>>) semaphore(%run_scoped3A_93 : memref<!tpu.dma_semaphore, #tpu.memory_space<semaphore_mem>>) {add = true}
        %dma_wait3A_100 = arith.constant 0 : i32
        %dma_wait3A_101 = tpu.memref_slice %arg6[%run_scoped3A, %dma_wait3A_100] : memref<2x64xi32, #tpu.memory_space<vmem>> -> memref<1x64xi32, #tpu.memory_space<vmem>>
        %dma_wait3A_102 = tpu.memref_squeeze %dma_wait3A_101 : memref<1x64xi32, #tpu.memory_space<vmem>> -> memref<64xi32, #tpu.memory_space<vmem>>
        %dma_wait3A_103 = arith.constant 0 : i32
        %dma_wait3A_104 = arith.constant 0 : i32
        %dma_wait3A_105 = tpu.memref_slice %arg9[%dma_wait3A_103, %dma_wait3A_104] : memref<10112x8xf32, #tpu.memory_space<vmem_shared>> -> memref<10112x8xf32, #tpu.memory_space<vmem_shared>>
        tpu.wait_indirect_dma semaphore(%run_scoped3A_93 : memref<!tpu.dma_semaphore, #tpu.memory_space<semaphore_mem>>) src(%arg8 : memref<64x8xf32, #tpu.memory_space<vmem>>) dst(%dma_wait3A_105 : memref<10112x8xf32, #tpu.memory_space<vmem_shared>>)
        tpu.yield
      }) : () -> ()
      %add3A_59 = arith.constant 2 : i32
      %add3A_60 = arith.addi %mul3A_50, %add3A_59 : i32
      %min3A = arith.constant 159 : i32
      %min3A_61 = arith.minsi %add3A_60, %min3A : i32
      %dma_start3A_62 = arith.constant 0 : i32
      %dma_start3A_63 = arith.constant 0 : i32
      %dma_start3A_64 = tpu.memref_slice %arg2[%add3A, %min3A_61, %dma_start3A_62, %dma_start3A_63] : memref<32x160x2x64xi32, #tpu.memory_space<hbm>> -> memref<1x1x2x64xi32, #tpu.memory_space<hbm>>
      %dma_start3A_65 = tpu.memref_squeeze %dma_start3A_64 : memref<1x1x2x64xi32, #tpu.memory_space<hbm>> -> memref<2x64xi32, #tpu.memory_space<hbm>>
      %dma_start3A_66 = arith.constant 0 : i32
      %dma_start3A_67 = arith.constant 0 : i32
      %dma_start3A_68 = tpu.memref_slice %arg2[%add3A, %min3A_61, %dma_start3A_66, %dma_start3A_67] : memref<32x160x2x64xi32, #tpu.memory_space<hbm>> -> memref<1x1x2x64xi32, #tpu.memory_space<hbm>>
      %dma_start3A_69 = tpu.memref_squeeze %dma_start3A_68 : memref<1x1x2x64xi32, #tpu.memory_space<hbm>> -> memref<2x64xi32, #tpu.memory_space<hbm>>
      tpu.enqueue_dma source(%dma_start3A_69 : memref<2x64xi32, #tpu.memory_space<hbm>>) target(%arg6 : memref<2x64xi32, #tpu.memory_space<vmem>>) target_semaphore(%arg10 : memref<!tpu.dma_semaphore, #tpu.memory_space<semaphore_mem>>)
      %add3A_70 = arith.constant 1 : i32
      %add3A_71 = arith.addi %mul3A_50, %add3A_70 : i32
      %dma_wait3A_72 = arith.constant 0 : i32
      %dma_wait3A_73 = arith.constant 0 : i32
      %dma_wait3A_74 = tpu.memref_slice %arg2[%add3A, %add3A_71, %dma_wait3A_72, %dma_wait3A_73] : memref<32x160x2x64xi32, #tpu.memory_space<hbm>> -> memref<1x1x2x64xi32, #tpu.memory_space<hbm>>
      %dma_wait3A_75 = tpu.memref_squeeze %dma_wait3A_74 : memref<1x1x2x64xi32, #tpu.memory_space<hbm>> -> memref<2x64xi32, #tpu.memory_space<hbm>>
      %dma_wait3A_76 = arith.constant 0 : i32
      %dma_wait3A_77 = arith.constant 0 : i32
      %dma_wait3A_78 = tpu.memref_slice %arg2[%add3A, %add3A_71, %dma_wait3A_76, %dma_wait3A_77] : memref<32x160x2x64xi32, #tpu.memory_space<hbm>> -> memref<1x1x2x64xi32, #tpu.memory_space<hbm>>
      %dma_wait3A_79 = tpu.memref_squeeze %dma_wait3A_78 : memref<1x1x2x64xi32, #tpu.memory_space<hbm>> -> memref<2x64xi32, #tpu.memory_space<hbm>>
      tpu.wait_dma2 semaphore(%arg11 : memref<!tpu.dma_semaphore, #tpu.memory_space<semaphore_mem>>) src(%dma_wait3A_79 : memref<2x64xi32, #tpu.memory_space<hbm>>) dst(%arg7 : memref<2x64xi32, #tpu.memory_space<vmem>>)
      %run_scoped3A_80 = arith.constant 1 : i32
      "tpu.region"() ({
        %run_scoped3A_93 = tpu.sem_alloc : memref<!tpu.dma_semaphore, #tpu.memory_space<semaphore_mem>>
        %dma_start3A_94 = arith.constant 0 : i32
        %dma_start3A_95 = tpu.memref_slice %arg7[%run_scoped3A_80, %dma_start3A_94] : memref<2x64xi32, #tpu.memory_space<vmem>> -> memref<1x64xi32, #tpu.memory_space<vmem>>
        %dma_start3A_96 = tpu.memref_squeeze %dma_start3A_95 : memref<1x64xi32, #tpu.memory_space<vmem>> -> memref<64xi32, #tpu.memory_space<vmem>>
        %dma_start3A_97 = arith.constant 0 : i32
        %dma_start3A_98 = arith.constant 0 : i32
        %dma_start3A_99 = tpu.memref_slice %arg9[%dma_start3A_97, %dma_start3A_98] : memref<10112x8xf32, #tpu.memory_space<vmem_shared>> -> memref<10112x8xf32, #tpu.memory_space<vmem_shared>>
        tpu.enqueue_indirect_dma source(%arg8 : memref<64x8xf32, #tpu.memory_space<vmem>>) target(%dma_start3A_99 : memref<10112x8xf32, #tpu.memory_space<vmem_shared>>) offsets(%dma_start3A_96 : memref<64xi32, #tpu.memory_space<vmem>>) semaphore(%run_scoped3A_93 : memref<!tpu.dma_semaphore, #tpu.memory_space<semaphore_mem>>) {add = true}
        %dma_wait3A_100 = arith.constant 0 : i32
        %dma_wait3A_101 = tpu.memref_slice %arg7[%run_scoped3A_80, %dma_wait3A_100] : memref<2x64xi32, #tpu.memory_space<vmem>> -> memref<1x64xi32, #tpu.memory_space<vmem>>
        %dma_wait3A_102 = tpu.memref_squeeze %dma_wait3A_101 : memref<1x64xi32, #tpu.memory_space<vmem>> -> memref<64xi32, #tpu.memory_space<vmem>>
        %dma_wait3A_103 = arith.constant 0 : i32
        %dma_wait3A_104 = arith.constant 0 : i32
        %dma_wait3A_105 = tpu.memref_slice %arg9[%dma_wait3A_103, %dma_wait3A_104] : memref<10112x8xf32, #tpu.memory_space<vmem_shared>> -> memref<10112x8xf32, #tpu.memory_space<vmem_shared>>
        tpu.wait_indirect_dma semaphore(%run_scoped3A_93 : memref<!tpu.dma_semaphore, #tpu.memory_space<semaphore_mem>>) src(%arg8 : memref<64x8xf32, #tpu.memory_space<vmem>>) dst(%dma_wait3A_105 : memref<10112x8xf32, #tpu.memory_space<vmem_shared>>)
        tpu.yield
      }) : () -> ()
      %add3A_81 = arith.constant 3 : i32
      %add3A_82 = arith.addi %mul3A_50, %add3A_81 : i32
      %min3A_83 = arith.constant 159 : i32
      %min3A_84 = arith.minsi %add3A_82, %min3A_83 : i32
      %dma_start3A_85 = arith.constant 0 : i32
      %dma_start3A_86 = arith.constant 0 : i32
      %dma_start3A_87 = tpu.memref_slice %arg2[%add3A, %min3A_84, %dma_start3A_85, %dma_start3A_86] : memref<32x160x2x64xi32, #tpu.memory_space<hbm>> -> memref<1x1x2x64xi32, #tpu.memory_space<hbm>>
      %dma_start3A_88 = tpu.memref_squeeze %dma_start3A_87 : memref<1x1x2x64xi32, #tpu.memory_space<hbm>> -> memref<2x64xi32, #tpu.memory_space<hbm>>
      %dma_start3A_89 = arith.constant 0 : i32
      %dma_start3A_90 = arith.constant 0 : i32
      %dma_start3A_91 = tpu.memref_slice %arg2[%add3A, %min3A_84, %dma_start3A_89, %dma_start3A_90] : memref<32x160x2x64xi32, #tpu.memory_space<hbm>> -> memref<1x1x2x64xi32, #tpu.memory_space<hbm>>
      %dma_start3A_92 = tpu.memref_squeeze %dma_start3A_91 : memref<1x1x2x64xi32, #tpu.memory_space<hbm>> -> memref<2x64xi32, #tpu.memory_space<hbm>>
      tpu.enqueue_dma source(%dma_start3A_92 : memref<2x64xi32, #tpu.memory_space<hbm>>) target(%arg7 : memref<2x64xi32, #tpu.memory_space<vmem>>) target_semaphore(%arg11 : memref<!tpu.dma_semaphore, #tpu.memory_space<semaphore_mem>>)
    }
    %scan3A_24 = arith.constant 80 : i32
    %dma_wait3A = arith.constant 159 : i32
    %dma_wait3A_25 = arith.constant 0 : i32
    %dma_wait3A_26 = arith.constant 0 : i32
    %dma_wait3A_27 = tpu.memref_slice %arg2[%add3A, %dma_wait3A, %dma_wait3A_25, %dma_wait3A_26] : memref<32x160x2x64xi32, #tpu.memory_space<hbm>> -> memref<1x1x2x64xi32, #tpu.memory_space<hbm>>
    %dma_wait3A_28 = tpu.memref_squeeze %dma_wait3A_27 : memref<1x1x2x64xi32, #tpu.memory_space<hbm>> -> memref<2x64xi32, #tpu.memory_space<hbm>>
    %dma_wait3A_29 = arith.constant 0 : i32
    %dma_wait3A_30 = arith.constant 0 : i32
    %dma_wait3A_31 = tpu.memref_slice %arg2[%add3A, %dma_wait3A, %dma_wait3A_29, %dma_wait3A_30] : memref<32x160x2x64xi32, #tpu.memory_space<hbm>> -> memref<1x1x2x64xi32, #tpu.memory_space<hbm>>
    %dma_wait3A_32 = tpu.memref_squeeze %dma_wait3A_31 : memref<1x1x2x64xi32, #tpu.memory_space<hbm>> -> memref<2x64xi32, #tpu.memory_space<hbm>>
    tpu.wait_dma2 semaphore(%arg10 : memref<!tpu.dma_semaphore, #tpu.memory_space<semaphore_mem>>) src(%dma_wait3A_32 : memref<2x64xi32, #tpu.memory_space<hbm>>) dst(%arg6 : memref<2x64xi32, #tpu.memory_space<vmem>>)
    %dma_wait3A_33 = arith.constant 159 : i32
    %dma_wait3A_34 = arith.constant 0 : i32
    %dma_wait3A_35 = arith.constant 0 : i32
    %dma_wait3A_36 = tpu.memref_slice %arg2[%add3A, %dma_wait3A_33, %dma_wait3A_34, %dma_wait3A_35] : memref<32x160x2x64xi32, #tpu.memory_space<hbm>> -> memref<1x1x2x64xi32, #tpu.memory_space<hbm>>
    %dma_wait3A_37 = tpu.memref_squeeze %dma_wait3A_36 : memref<1x1x2x64xi32, #tpu.memory_space<hbm>> -> memref<2x64xi32, #tpu.memory_space<hbm>>
    %dma_wait3A_38 = arith.constant 0 : i32
    %dma_wait3A_39 = arith.constant 0 : i32
    %dma_wait3A_40 = tpu.memref_slice %arg2[%add3A, %dma_wait3A_33, %dma_wait3A_38, %dma_wait3A_39] : memref<32x160x2x64xi32, #tpu.memory_space<hbm>> -> memref<1x1x2x64xi32, #tpu.memory_space<hbm>>
    %dma_wait3A_41 = tpu.memref_squeeze %dma_wait3A_40 : memref<1x1x2x64xi32, #tpu.memory_space<hbm>> -> memref<2x64xi32, #tpu.memory_space<hbm>>
    tpu.wait_dma2 semaphore(%arg11 : memref<!tpu.dma_semaphore, #tpu.memory_space<semaphore_mem>>) src(%dma_wait3A_41 : memref<2x64xi32, #tpu.memory_space<hbm>>) dst(%arg7 : memref<2x64xi32, #tpu.memory_space<vmem>>)
    %barrier3A_42 = arith.constant 0 : index
    tpu.barrier barrier_id(%barrier3A_42)
    %lt3A_43 = arith.constant 16 : i32
    %lt3A_44 = arith.cmpi slt, %arg1, %lt3A_43 : i32
    %convert_element_type3A_45 = arith.extui %lt3A_44 : i1 to i32
    %cond3A_46 = arith.constant 0 : i32
    %cond3A_47 = arith.cmpi ne, %convert_element_type3A_45, %cond3A_46 : i32
    scf.if %cond3A_47 {
      %mul3A_48 = arith.constant 632 : i32
      %mul3A_49 = arith.muli %arg1, %mul3A_48 : i32
      %mul3A_50 = arith.constant 10112 : i32
      %mul3A_51 = arith.muli %arg0, %mul3A_50 : i32
      %mul3A_52 = arith.constant 632 : i32
      %mul3A_53 = arith.muli %arg1, %mul3A_52 : i32
      %add3A_54 = arith.addi %mul3A_51, %mul3A_53 : i32
      "tpu.region"() ({
        %run_scoped3A = tpu.sem_alloc : memref<!tpu.dma_semaphore, #tpu.memory_space<semaphore_mem>>
        %dma_start3A_55 = arith.constant 0 : i32
        %dma_start3A_56 = tpu.memref_slice %arg5[%add3A_54, %dma_start3A_55] : memref<20224x8xf32, #tpu.memory_space<hbm>> -> memref<632x8xf32, #tpu.memory_space<hbm>>
        %dma_start3A_57 = arith.constant 0 : i32
        %dma_start3A_58 = tpu.memref_slice %arg9[%mul3A_49, %dma_start3A_57] : memref<10112x8xf32, #tpu.memory_space<vmem_shared>> -> memref<632x8xf32, #tpu.memory_space<vmem_shared>>
        tpu.enqueue_dma source(%dma_start3A_58 : memref<632x8xf32, #tpu.memory_space<vmem_shared>>) target(%dma_start3A_56 : memref<632x8xf32, #tpu.memory_space<hbm>>) target_semaphore(%run_scoped3A : memref<!tpu.dma_semaphore, #tpu.memory_space<semaphore_mem>>)
        %dma_wait3A_59 = arith.constant 0 : i32
        %dma_wait3A_60 = tpu.memref_slice %arg5[%add3A_54, %dma_wait3A_59] : memref<20224x8xf32, #tpu.memory_space<hbm>> -> memref<632x8xf32, #tpu.memory_space<hbm>>
        %dma_wait3A_61 = arith.constant 0 : i32
        %dma_wait3A_62 = tpu.memref_slice %arg9[%mul3A_49, %dma_wait3A_61] : memref<10112x8xf32, #tpu.memory_space<vmem_shared>> -> memref<632x8xf32, #tpu.memory_space<vmem_shared>>
        tpu.wait_dma2 semaphore(%run_scoped3A : memref<!tpu.dma_semaphore, #tpu.memory_space<semaphore_mem>>) src(%dma_wait3A_62 : memref<632x8xf32, #tpu.memory_space<vmem_shared>>) dst(%dma_wait3A_60 : memref<632x8xf32, #tpu.memory_space<hbm>>)
        tpu.yield
      }) : () -> ()
    } else {
    }
    return
  }
}

#map = affine_map<(d0, d1) -> (0, 0)>
#map1 = affine_map<(d0, d1) -> (0, 0, 0)>
module attributes {stable_mosaic.version = 14 : i64} {
  func.func @_agg_kernel(%arg0: i32, %arg1: i32, %arg2: memref<10000x128xf32, #tpu.memory_space<hbm>>, %arg3: memref<10240x2x32xi32, #tpu.memory_space<hbm>>, %arg4: memref<632x128xf32, #tpu.memory_space<hbm>>, %arg5: memref<20224x128xf32, #tpu.memory_space<hbm>>, %arg6: memref<2x32xi32, #tpu.memory_space<vmem>>, %arg7: memref<2x32xi32, #tpu.memory_space<vmem>>, %arg8: memref<2x32xi32, #tpu.memory_space<vmem>>, %arg9: memref<2x32xi32, #tpu.memory_space<vmem>>, %arg10: memref<2x32xi32, #tpu.memory_space<vmem>>, %arg11: memref<2x32xi32, #tpu.memory_space<vmem>>, %arg12: memref<2x32xi32, #tpu.memory_space<vmem>>, %arg13: memref<2x32xi32, #tpu.memory_space<vmem>>, %arg14: memref<32x128xf32, #tpu.memory_space<vmem>>, %arg15: memref<32x128xf32, #tpu.memory_space<vmem>>, %arg16: memref<32x128xf32, #tpu.memory_space<vmem>>, %arg17: memref<32x128xf32, #tpu.memory_space<vmem>>, %arg18: memref<10112x128xf32, #tpu.memory_space<vmem_shared>>, %arg19: memref<!tpu.dma_semaphore, #tpu.memory_space<semaphore_mem>>, %arg20: memref<!tpu.dma_semaphore, #tpu.memory_space<semaphore_mem>>, %arg21: memref<!tpu.dma_semaphore, #tpu.memory_space<semaphore_mem>>, %arg22: memref<!tpu.dma_semaphore, #tpu.memory_space<semaphore_mem>>, %arg23: memref<!tpu.dma_semaphore, #tpu.memory_space<semaphore_mem>>, %arg24: memref<!tpu.dma_semaphore, #tpu.memory_space<semaphore_mem>>, %arg25: memref<!tpu.dma_semaphore, #tpu.memory_space<semaphore_mem>>, %arg26: memref<!tpu.dma_semaphore, #tpu.memory_space<semaphore_mem>>, %arg27: memref<!tpu.dma_semaphore, #tpu.memory_space<semaphore_mem>>, %arg28: memref<!tpu.dma_semaphore, #tpu.memory_space<semaphore_mem>>, %arg29: memref<!tpu.dma_semaphore, #tpu.memory_space<semaphore_mem>>, %arg30: memref<!tpu.dma_semaphore, #tpu.memory_space<semaphore_mem>>) attributes {dimension_semantics = [#tpu.dimension_semantics<core_parallel>, #tpu.dimension_semantics<subcore_parallel>], iteration_bounds = array<i64: 2, 16>, scalar_prefetch = 0 : i64, scratch_operands = 25 : i64, tpu.core_type = #tpu.core_type<sc_vector_subcore>, window_params = [{transform_indices = #map}, {transform_indices = #map1}, {transform_indices = #map}, {transform_indices = #map}]} {
    %eq3A = arith.constant 0 : i32
    %eq3A_0 = arith.cmpi eq, %arg0, %eq3A : i32
    %mul3A = arith.constant 496 : i32
    %mul3A_1 = arith.muli %arg1, %mul3A : i32
    %mul3A_2 = arith.constant 144 : i32
    %mul3A_3 = arith.muli %arg1, %mul3A_2 : i32
    %add3A = arith.constant 7936 : i32
    %add3A_4 = arith.addi %add3A, %mul3A_3 : i32
    %select_n3A = arith.select %eq3A_0, %mul3A_1, %add3A_4 : i32
    %eq3A_5 = arith.constant 0 : i32
    %eq3A_6 = arith.cmpi eq, %arg0, %eq3A_5 : i32
    %jit3A = arith.constant 496 : i32
    %jit3A_7 = arith.constant 144 : i32
    %select_n3A_8 = arith.select %eq3A_6, %jit3A, %jit3A_7 : i32
    %add3A_9 = arith.addi %select_n3A, %select_n3A_8 : i32
    %sub3A = arith.constant 1 : i32
    %sub3A_10 = arith.subi %add3A_9, %sub3A : i32
    %lt3A = arith.constant 16 : i32
    %lt3A_11 = arith.cmpi slt, %arg1, %lt3A : i32
    %convert_element_type3A = arith.extui %lt3A_11 : i1 to i32
    %cond3A = arith.constant 0 : i32
    %cond3A_12 = arith.cmpi ne, %convert_element_type3A, %cond3A : i32
    scf.if %cond3A_12 {
      %mul3A_253 = arith.constant 632 : i32
      %mul3A_254 = arith.muli %arg1, %mul3A_253 : i32
      "tpu.region"() ({
        %run_scoped3A = tpu.sem_alloc : memref<!tpu.dma_semaphore, #tpu.memory_space<semaphore_mem>>
        %dma_start3A_255 = arith.constant 0 : i32
        %dma_start3A_256 = tpu.memref_slice %arg18[%mul3A_254, %dma_start3A_255] : memref<10112x128xf32, #tpu.memory_space<vmem_shared>> -> memref<632x128xf32, #tpu.memory_space<vmem_shared>>
        tpu.enqueue_dma source(%arg4 : memref<632x128xf32, #tpu.memory_space<hbm>>) target(%dma_start3A_256 : memref<632x128xf32, #tpu.memory_space<vmem_shared>>) target_semaphore(%run_scoped3A : memref<!tpu.dma_semaphore, #tpu.memory_space<semaphore_mem>>)
        %dma_wait3A_257 = arith.constant 0 : i32
        %dma_wait3A_258 = tpu.memref_slice %arg18[%mul3A_254, %dma_wait3A_257] : memref<10112x128xf32, #tpu.memory_space<vmem_shared>> -> memref<632x128xf32, #tpu.memory_space<vmem_shared>>
        tpu.wait_dma2 semaphore(%run_scoped3A : memref<!tpu.dma_semaphore, #tpu.memory_space<semaphore_mem>>) src(%arg4 : memref<632x128xf32, #tpu.memory_space<hbm>>) dst(%dma_wait3A_258 : memref<632x128xf32, #tpu.memory_space<vmem_shared>>)
        tpu.yield
      }) : () -> ()
    } else {
    }
    %barrier3A = arith.constant 0 : index
    tpu.barrier barrier_id(%barrier3A)
    %add3A_13 = arith.constant 0 : i32
    %add3A_14 = arith.addi %select_n3A, %add3A_13 : i32
    %dma_start3A = arith.constant 0 : i32
    %dma_start3A_15 = arith.constant 0 : i32
    %dma_start3A_16 = tpu.memref_slice %arg3[%add3A_14, %dma_start3A, %dma_start3A_15] : memref<10240x2x32xi32, #tpu.memory_space<hbm>> -> memref<1x2x32xi32, #tpu.memory_space<hbm>>
    %dma_start3A_17 = tpu.memref_squeeze %dma_start3A_16 : memref<1x2x32xi32, #tpu.memory_space<hbm>> -> memref<2x32xi32, #tpu.memory_space<hbm>>
    %dma_start3A_18 = arith.constant 0 : i32
    %dma_start3A_19 = arith.constant 0 : i32
    %dma_start3A_20 = tpu.memref_slice %arg3[%add3A_14, %dma_start3A_18, %dma_start3A_19] : memref<10240x2x32xi32, #tpu.memory_space<hbm>> -> memref<1x2x32xi32, #tpu.memory_space<hbm>>
    %dma_start3A_21 = tpu.memref_squeeze %dma_start3A_20 : memref<1x2x32xi32, #tpu.memory_space<hbm>> -> memref<2x32xi32, #tpu.memory_space<hbm>>
    tpu.enqueue_dma source(%dma_start3A_21 : memref<2x32xi32, #tpu.memory_space<hbm>>) target(%arg6 : memref<2x32xi32, #tpu.memory_space<vmem>>) target_semaphore(%arg19 : memref<!tpu.dma_semaphore, #tpu.memory_space<semaphore_mem>>)
    %add3A_22 = arith.constant 1 : i32
    %add3A_23 = arith.addi %select_n3A, %add3A_22 : i32
    %dma_start3A_24 = arith.constant 0 : i32
    %dma_start3A_25 = arith.constant 0 : i32
    %dma_start3A_26 = tpu.memref_slice %arg3[%add3A_23, %dma_start3A_24, %dma_start3A_25] : memref<10240x2x32xi32, #tpu.memory_space<hbm>> -> memref<1x2x32xi32, #tpu.memory_space<hbm>>
    %dma_start3A_27 = tpu.memref_squeeze %dma_start3A_26 : memref<1x2x32xi32, #tpu.memory_space<hbm>> -> memref<2x32xi32, #tpu.memory_space<hbm>>
    %dma_start3A_28 = arith.constant 0 : i32
    %dma_start3A_29 = arith.constant 0 : i32
    %dma_start3A_30 = tpu.memref_slice %arg3[%add3A_23, %dma_start3A_28, %dma_start3A_29] : memref<10240x2x32xi32, #tpu.memory_space<hbm>> -> memref<1x2x32xi32, #tpu.memory_space<hbm>>
    %dma_start3A_31 = tpu.memref_squeeze %dma_start3A_30 : memref<1x2x32xi32, #tpu.memory_space<hbm>> -> memref<2x32xi32, #tpu.memory_space<hbm>>
    tpu.enqueue_dma source(%dma_start3A_31 : memref<2x32xi32, #tpu.memory_space<hbm>>) target(%arg7 : memref<2x32xi32, #tpu.memory_space<vmem>>) target_semaphore(%arg20 : memref<!tpu.dma_semaphore, #tpu.memory_space<semaphore_mem>>)
    %add3A_32 = arith.constant 2 : i32
    %add3A_33 = arith.addi %select_n3A, %add3A_32 : i32
    %dma_start3A_34 = arith.constant 0 : i32
    %dma_start3A_35 = arith.constant 0 : i32
    %dma_start3A_36 = tpu.memref_slice %arg3[%add3A_33, %dma_start3A_34, %dma_start3A_35] : memref<10240x2x32xi32, #tpu.memory_space<hbm>> -> memref<1x2x32xi32, #tpu.memory_space<hbm>>
    %dma_start3A_37 = tpu.memref_squeeze %dma_start3A_36 : memref<1x2x32xi32, #tpu.memory_space<hbm>> -> memref<2x32xi32, #tpu.memory_space<hbm>>
    %dma_start3A_38 = arith.constant 0 : i32
    %dma_start3A_39 = arith.constant 0 : i32
    %dma_start3A_40 = tpu.memref_slice %arg3[%add3A_33, %dma_start3A_38, %dma_start3A_39] : memref<10240x2x32xi32, #tpu.memory_space<hbm>> -> memref<1x2x32xi32, #tpu.memory_space<hbm>>
    %dma_start3A_41 = tpu.memref_squeeze %dma_start3A_40 : memref<1x2x32xi32, #tpu.memory_space<hbm>> -> memref<2x32xi32, #tpu.memory_space<hbm>>
    tpu.enqueue_dma source(%dma_start3A_41 : memref<2x32xi32, #tpu.memory_space<hbm>>) target(%arg8 : memref<2x32xi32, #tpu.memory_space<vmem>>) target_semaphore(%arg21 : memref<!tpu.dma_semaphore, #tpu.memory_space<semaphore_mem>>)
    %add3A_42 = arith.constant 3 : i32
    %add3A_43 = arith.addi %select_n3A, %add3A_42 : i32
    %dma_start3A_44 = arith.constant 0 : i32
    %dma_start3A_45 = arith.constant 0 : i32
    %dma_start3A_46 = tpu.memref_slice %arg3[%add3A_43, %dma_start3A_44, %dma_start3A_45] : memref<10240x2x32xi32, #tpu.memory_space<hbm>> -> memref<1x2x32xi32, #tpu.memory_space<hbm>>
    %dma_start3A_47 = tpu.memref_squeeze %dma_start3A_46 : memref<1x2x32xi32, #tpu.memory_space<hbm>> -> memref<2x32xi32, #tpu.memory_space<hbm>>
    %dma_start3A_48 = arith.constant 0 : i32
    %dma_start3A_49 = arith.constant 0 : i32
    %dma_start3A_50 = tpu.memref_slice %arg3[%add3A_43, %dma_start3A_48, %dma_start3A_49] : memref<10240x2x32xi32, #tpu.memory_space<hbm>> -> memref<1x2x32xi32, #tpu.memory_space<hbm>>
    %dma_start3A_51 = tpu.memref_squeeze %dma_start3A_50 : memref<1x2x32xi32, #tpu.memory_space<hbm>> -> memref<2x32xi32, #tpu.memory_space<hbm>>
    tpu.enqueue_dma source(%dma_start3A_51 : memref<2x32xi32, #tpu.memory_space<hbm>>) target(%arg9 : memref<2x32xi32, #tpu.memory_space<vmem>>) target_semaphore(%arg22 : memref<!tpu.dma_semaphore, #tpu.memory_space<semaphore_mem>>)
    %add3A_52 = arith.constant 4 : i32
    %add3A_53 = arith.addi %select_n3A, %add3A_52 : i32
    %dma_start3A_54 = arith.constant 0 : i32
    %dma_start3A_55 = arith.constant 0 : i32
    %dma_start3A_56 = tpu.memref_slice %arg3[%add3A_53, %dma_start3A_54, %dma_start3A_55] : memref<10240x2x32xi32, #tpu.memory_space<hbm>> -> memref<1x2x32xi32, #tpu.memory_space<hbm>>
    %dma_start3A_57 = tpu.memref_squeeze %dma_start3A_56 : memref<1x2x32xi32, #tpu.memory_space<hbm>> -> memref<2x32xi32, #tpu.memory_space<hbm>>
    %dma_start3A_58 = arith.constant 0 : i32
    %dma_start3A_59 = arith.constant 0 : i32
    %dma_start3A_60 = tpu.memref_slice %arg3[%add3A_53, %dma_start3A_58, %dma_start3A_59] : memref<10240x2x32xi32, #tpu.memory_space<hbm>> -> memref<1x2x32xi32, #tpu.memory_space<hbm>>
    %dma_start3A_61 = tpu.memref_squeeze %dma_start3A_60 : memref<1x2x32xi32, #tpu.memory_space<hbm>> -> memref<2x32xi32, #tpu.memory_space<hbm>>
    tpu.enqueue_dma source(%dma_start3A_61 : memref<2x32xi32, #tpu.memory_space<hbm>>) target(%arg10 : memref<2x32xi32, #tpu.memory_space<vmem>>) target_semaphore(%arg23 : memref<!tpu.dma_semaphore, #tpu.memory_space<semaphore_mem>>)
    %add3A_62 = arith.constant 5 : i32
    %add3A_63 = arith.addi %select_n3A, %add3A_62 : i32
    %dma_start3A_64 = arith.constant 0 : i32
    %dma_start3A_65 = arith.constant 0 : i32
    %dma_start3A_66 = tpu.memref_slice %arg3[%add3A_63, %dma_start3A_64, %dma_start3A_65] : memref<10240x2x32xi32, #tpu.memory_space<hbm>> -> memref<1x2x32xi32, #tpu.memory_space<hbm>>
    %dma_start3A_67 = tpu.memref_squeeze %dma_start3A_66 : memref<1x2x32xi32, #tpu.memory_space<hbm>> -> memref<2x32xi32, #tpu.memory_space<hbm>>
    %dma_start3A_68 = arith.constant 0 : i32
    %dma_start3A_69 = arith.constant 0 : i32
    %dma_start3A_70 = tpu.memref_slice %arg3[%add3A_63, %dma_start3A_68, %dma_start3A_69] : memref<10240x2x32xi32, #tpu.memory_space<hbm>> -> memref<1x2x32xi32, #tpu.memory_space<hbm>>
    %dma_start3A_71 = tpu.memref_squeeze %dma_start3A_70 : memref<1x2x32xi32, #tpu.memory_space<hbm>> -> memref<2x32xi32, #tpu.memory_space<hbm>>
    tpu.enqueue_dma source(%dma_start3A_71 : memref<2x32xi32, #tpu.memory_space<hbm>>) target(%arg11 : memref<2x32xi32, #tpu.memory_space<vmem>>) target_semaphore(%arg24 : memref<!tpu.dma_semaphore, #tpu.memory_space<semaphore_mem>>)
    %add3A_72 = arith.constant 6 : i32
    %add3A_73 = arith.addi %select_n3A, %add3A_72 : i32
    %dma_start3A_74 = arith.constant 0 : i32
    %dma_start3A_75 = arith.constant 0 : i32
    %dma_start3A_76 = tpu.memref_slice %arg3[%add3A_73, %dma_start3A_74, %dma_start3A_75] : memref<10240x2x32xi32, #tpu.memory_space<hbm>> -> memref<1x2x32xi32, #tpu.memory_space<hbm>>
    %dma_start3A_77 = tpu.memref_squeeze %dma_start3A_76 : memref<1x2x32xi32, #tpu.memory_space<hbm>> -> memref<2x32xi32, #tpu.memory_space<hbm>>
    %dma_start3A_78 = arith.constant 0 : i32
    %dma_start3A_79 = arith.constant 0 : i32
    %dma_start3A_80 = tpu.memref_slice %arg3[%add3A_73, %dma_start3A_78, %dma_start3A_79] : memref<10240x2x32xi32, #tpu.memory_space<hbm>> -> memref<1x2x32xi32, #tpu.memory_space<hbm>>
    %dma_start3A_81 = tpu.memref_squeeze %dma_start3A_80 : memref<1x2x32xi32, #tpu.memory_space<hbm>> -> memref<2x32xi32, #tpu.memory_space<hbm>>
    tpu.enqueue_dma source(%dma_start3A_81 : memref<2x32xi32, #tpu.memory_space<hbm>>) target(%arg12 : memref<2x32xi32, #tpu.memory_space<vmem>>) target_semaphore(%arg25 : memref<!tpu.dma_semaphore, #tpu.memory_space<semaphore_mem>>)
    %add3A_82 = arith.constant 7 : i32
    %add3A_83 = arith.addi %select_n3A, %add3A_82 : i32
    %dma_start3A_84 = arith.constant 0 : i32
    %dma_start3A_85 = arith.constant 0 : i32
    %dma_start3A_86 = tpu.memref_slice %arg3[%add3A_83, %dma_start3A_84, %dma_start3A_85] : memref<10240x2x32xi32, #tpu.memory_space<hbm>> -> memref<1x2x32xi32, #tpu.memory_space<hbm>>
    %dma_start3A_87 = tpu.memref_squeeze %dma_start3A_86 : memref<1x2x32xi32, #tpu.memory_space<hbm>> -> memref<2x32xi32, #tpu.memory_space<hbm>>
    %dma_start3A_88 = arith.constant 0 : i32
    %dma_start3A_89 = arith.constant 0 : i32
    %dma_start3A_90 = tpu.memref_slice %arg3[%add3A_83, %dma_start3A_88, %dma_start3A_89] : memref<10240x2x32xi32, #tpu.memory_space<hbm>> -> memref<1x2x32xi32, #tpu.memory_space<hbm>>
    %dma_start3A_91 = tpu.memref_squeeze %dma_start3A_90 : memref<1x2x32xi32, #tpu.memory_space<hbm>> -> memref<2x32xi32, #tpu.memory_space<hbm>>
    tpu.enqueue_dma source(%dma_start3A_91 : memref<2x32xi32, #tpu.memory_space<hbm>>) target(%arg13 : memref<2x32xi32, #tpu.memory_space<vmem>>) target_semaphore(%arg26 : memref<!tpu.dma_semaphore, #tpu.memory_space<semaphore_mem>>)
    %add3A_92 = arith.constant 0 : i32
    %add3A_93 = arith.addi %select_n3A, %add3A_92 : i32
    %dma_wait3A = arith.constant 0 : i32
    %dma_wait3A_94 = arith.constant 0 : i32
    %dma_wait3A_95 = tpu.memref_slice %arg3[%add3A_93, %dma_wait3A, %dma_wait3A_94] : memref<10240x2x32xi32, #tpu.memory_space<hbm>> -> memref<1x2x32xi32, #tpu.memory_space<hbm>>
    %dma_wait3A_96 = tpu.memref_squeeze %dma_wait3A_95 : memref<1x2x32xi32, #tpu.memory_space<hbm>> -> memref<2x32xi32, #tpu.memory_space<hbm>>
    %dma_wait3A_97 = arith.constant 0 : i32
    %dma_wait3A_98 = arith.constant 0 : i32
    %dma_wait3A_99 = tpu.memref_slice %arg3[%add3A_93, %dma_wait3A_97, %dma_wait3A_98] : memref<10240x2x32xi32, #tpu.memory_space<hbm>> -> memref<1x2x32xi32, #tpu.memory_space<hbm>>
    %dma_wait3A_100 = tpu.memref_squeeze %dma_wait3A_99 : memref<1x2x32xi32, #tpu.memory_space<hbm>> -> memref<2x32xi32, #tpu.memory_space<hbm>>
    tpu.wait_dma2 semaphore(%arg19 : memref<!tpu.dma_semaphore, #tpu.memory_space<semaphore_mem>>) src(%dma_wait3A_100 : memref<2x32xi32, #tpu.memory_space<hbm>>) dst(%arg6 : memref<2x32xi32, #tpu.memory_space<vmem>>)
    %dma_start3A_101 = arith.constant 0 : i32
    %dma_start3A_102 = arith.constant 0 : i32
    %dma_start3A_103 = tpu.memref_slice %arg6[%dma_start3A_101, %dma_start3A_102] : memref<2x32xi32, #tpu.memory_space<vmem>> -> memref<1x32xi32, #tpu.memory_space<vmem>>
    %dma_start3A_104 = tpu.memref_squeeze %dma_start3A_103 : memref<1x32xi32, #tpu.memory_space<vmem>> -> memref<32xi32, #tpu.memory_space<vmem>>
    %dma_start3A_105 = arith.constant 0 : i32
    %dma_start3A_106 = arith.constant 0 : i32
    %dma_start3A_107 = tpu.memref_slice %arg2[%dma_start3A_105, %dma_start3A_106] : memref<10000x128xf32, #tpu.memory_space<hbm>> -> memref<10000x128xf32, #tpu.memory_space<hbm>>
    tpu.enqueue_indirect_dma source(%dma_start3A_107 : memref<10000x128xf32, #tpu.memory_space<hbm>>) target(%arg14 : memref<32x128xf32, #tpu.memory_space<vmem>>) offsets(%dma_start3A_104 : memref<32xi32, #tpu.memory_space<vmem>>) semaphore(%arg27 : memref<!tpu.dma_semaphore, #tpu.memory_space<semaphore_mem>>)
    %add3A_108 = arith.constant 1 : i32
    %add3A_109 = arith.addi %select_n3A, %add3A_108 : i32
    %dma_wait3A_110 = arith.constant 0 : i32
    %dma_wait3A_111 = arith.constant 0 : i32
    %dma_wait3A_112 = tpu.memref_slice %arg3[%add3A_109, %dma_wait3A_110, %dma_wait3A_111] : memref<10240x2x32xi32, #tpu.memory_space<hbm>> -> memref<1x2x32xi32, #tpu.memory_space<hbm>>
    %dma_wait3A_113 = tpu.memref_squeeze %dma_wait3A_112 : memref<1x2x32xi32, #tpu.memory_space<hbm>> -> memref<2x32xi32, #tpu.memory_space<hbm>>
    %dma_wait3A_114 = arith.constant 0 : i32
    %dma_wait3A_115 = arith.constant 0 : i32
    %dma_wait3A_116 = tpu.memref_slice %arg3[%add3A_109, %dma_wait3A_114, %dma_wait3A_115] : memref<10240x2x32xi32, #tpu.memory_space<hbm>> -> memref<1x2x32xi32, #tpu.memory_space<hbm>>
    %dma_wait3A_117 = tpu.memref_squeeze %dma_wait3A_116 : memref<1x2x32xi32, #tpu.memory_space<hbm>> -> memref<2x32xi32, #tpu.memory_space<hbm>>
    tpu.wait_dma2 semaphore(%arg20 : memref<!tpu.dma_semaphore, #tpu.memory_space<semaphore_mem>>) src(%dma_wait3A_117 : memref<2x32xi32, #tpu.memory_space<hbm>>) dst(%arg7 : memref<2x32xi32, #tpu.memory_space<vmem>>)
    %dma_start3A_118 = arith.constant 0 : i32
    %dma_start3A_119 = arith.constant 0 : i32
    %dma_start3A_120 = tpu.memref_slice %arg7[%dma_start3A_118, %dma_start3A_119] : memref<2x32xi32, #tpu.memory_space<vmem>> -> memref<1x32xi32, #tpu.memory_space<vmem>>
    %dma_start3A_121 = tpu.memref_squeeze %dma_start3A_120 : memref<1x32xi32, #tpu.memory_space<vmem>> -> memref<32xi32, #tpu.memory_space<vmem>>
    %dma_start3A_122 = arith.constant 0 : i32
    %dma_start3A_123 = arith.constant 0 : i32
    %dma_start3A_124 = tpu.memref_slice %arg2[%dma_start3A_122, %dma_start3A_123] : memref<10000x128xf32, #tpu.memory_space<hbm>> -> memref<10000x128xf32, #tpu.memory_space<hbm>>
    tpu.enqueue_indirect_dma source(%dma_start3A_124 : memref<10000x128xf32, #tpu.memory_space<hbm>>) target(%arg15 : memref<32x128xf32, #tpu.memory_space<vmem>>) offsets(%dma_start3A_121 : memref<32xi32, #tpu.memory_space<vmem>>) semaphore(%arg28 : memref<!tpu.dma_semaphore, #tpu.memory_space<semaphore_mem>>)
    %add3A_125 = arith.constant 2 : i32
    %add3A_126 = arith.addi %select_n3A, %add3A_125 : i32
    %dma_wait3A_127 = arith.constant 0 : i32
    %dma_wait3A_128 = arith.constant 0 : i32
    %dma_wait3A_129 = tpu.memref_slice %arg3[%add3A_126, %dma_wait3A_127, %dma_wait3A_128] : memref<10240x2x32xi32, #tpu.memory_space<hbm>> -> memref<1x2x32xi32, #tpu.memory_space<hbm>>
    %dma_wait3A_130 = tpu.memref_squeeze %dma_wait3A_129 : memref<1x2x32xi32, #tpu.memory_space<hbm>> -> memref<2x32xi32, #tpu.memory_space<hbm>>
    %dma_wait3A_131 = arith.constant 0 : i32
    %dma_wait3A_132 = arith.constant 0 : i32
    %dma_wait3A_133 = tpu.memref_slice %arg3[%add3A_126, %dma_wait3A_131, %dma_wait3A_132] : memref<10240x2x32xi32, #tpu.memory_space<hbm>> -> memref<1x2x32xi32, #tpu.memory_space<hbm>>
    %dma_wait3A_134 = tpu.memref_squeeze %dma_wait3A_133 : memref<1x2x32xi32, #tpu.memory_space<hbm>> -> memref<2x32xi32, #tpu.memory_space<hbm>>
    tpu.wait_dma2 semaphore(%arg21 : memref<!tpu.dma_semaphore, #tpu.memory_space<semaphore_mem>>) src(%dma_wait3A_134 : memref<2x32xi32, #tpu.memory_space<hbm>>) dst(%arg8 : memref<2x32xi32, #tpu.memory_space<vmem>>)
    %dma_start3A_135 = arith.constant 0 : i32
    %dma_start3A_136 = arith.constant 0 : i32
    %dma_start3A_137 = tpu.memref_slice %arg8[%dma_start3A_135, %dma_start3A_136] : memref<2x32xi32, #tpu.memory_space<vmem>> -> memref<1x32xi32, #tpu.memory_space<vmem>>
    %dma_start3A_138 = tpu.memref_squeeze %dma_start3A_137 : memref<1x32xi32, #tpu.memory_space<vmem>> -> memref<32xi32, #tpu.memory_space<vmem>>
    %dma_start3A_139 = arith.constant 0 : i32
    %dma_start3A_140 = arith.constant 0 : i32
    %dma_start3A_141 = tpu.memref_slice %arg2[%dma_start3A_139, %dma_start3A_140] : memref<10000x128xf32, #tpu.memory_space<hbm>> -> memref<10000x128xf32, #tpu.memory_space<hbm>>
    tpu.enqueue_indirect_dma source(%dma_start3A_141 : memref<10000x128xf32, #tpu.memory_space<hbm>>) target(%arg16 : memref<32x128xf32, #tpu.memory_space<vmem>>) offsets(%dma_start3A_138 : memref<32xi32, #tpu.memory_space<vmem>>) semaphore(%arg29 : memref<!tpu.dma_semaphore, #tpu.memory_space<semaphore_mem>>)
    %add3A_142 = arith.constant 3 : i32
    %add3A_143 = arith.addi %select_n3A, %add3A_142 : i32
    %dma_wait3A_144 = arith.constant 0 : i32
    %dma_wait3A_145 = arith.constant 0 : i32
    %dma_wait3A_146 = tpu.memref_slice %arg3[%add3A_143, %dma_wait3A_144, %dma_wait3A_145] : memref<10240x2x32xi32, #tpu.memory_space<hbm>> -> memref<1x2x32xi32, #tpu.memory_space<hbm>>
    %dma_wait3A_147 = tpu.memref_squeeze %dma_wait3A_146 : memref<1x2x32xi32, #tpu.memory_space<hbm>> -> memref<2x32xi32, #tpu.memory_space<hbm>>
    %dma_wait3A_148 = arith.constant 0 : i32
    %dma_wait3A_149 = arith.constant 0 : i32
    %dma_wait3A_150 = tpu.memref_slice %arg3[%add3A_143, %dma_wait3A_148, %dma_wait3A_149] : memref<10240x2x32xi32, #tpu.memory_space<hbm>> -> memref<1x2x32xi32, #tpu.memory_space<hbm>>
    %dma_wait3A_151 = tpu.memref_squeeze %dma_wait3A_150 : memref<1x2x32xi32, #tpu.memory_space<hbm>> -> memref<2x32xi32, #tpu.memory_space<hbm>>
    tpu.wait_dma2 semaphore(%arg22 : memref<!tpu.dma_semaphore, #tpu.memory_space<semaphore_mem>>) src(%dma_wait3A_151 : memref<2x32xi32, #tpu.memory_space<hbm>>) dst(%arg9 : memref<2x32xi32, #tpu.memory_space<vmem>>)
    %dma_start3A_152 = arith.constant 0 : i32
    %dma_start3A_153 = arith.constant 0 : i32
    %dma_start3A_154 = tpu.memref_slice %arg9[%dma_start3A_152, %dma_start3A_153] : memref<2x32xi32, #tpu.memory_space<vmem>> -> memref<1x32xi32, #tpu.memory_space<vmem>>
    %dma_start3A_155 = tpu.memref_squeeze %dma_start3A_154 : memref<1x32xi32, #tpu.memory_space<vmem>> -> memref<32xi32, #tpu.memory_space<vmem>>
    %dma_start3A_156 = arith.constant 0 : i32
    %dma_start3A_157 = arith.constant 0 : i32
    %dma_start3A_158 = tpu.memref_slice %arg2[%dma_start3A_156, %dma_start3A_157] : memref<10000x128xf32, #tpu.memory_space<hbm>> -> memref<10000x128xf32, #tpu.memory_space<hbm>>
    tpu.enqueue_indirect_dma source(%dma_start3A_158 : memref<10000x128xf32, #tpu.memory_space<hbm>>) target(%arg17 : memref<32x128xf32, #tpu.memory_space<vmem>>) offsets(%dma_start3A_155 : memref<32xi32, #tpu.memory_space<vmem>>) semaphore(%arg30 : memref<!tpu.dma_semaphore, #tpu.memory_space<semaphore_mem>>)
    %jit3A_159 = arith.constant 8 : i32
    %div3A = arith.divsi %select_n3A_8, %jit3A_159 : i32
    %sign3A = arith.constant 0 : i32
    %sign3A_160 = arith.cmpi sgt, %select_n3A_8, %sign3A : i32
    %sign3A_161 = arith.extui %sign3A_160 : i1 to i32
    %sign3A_162 = arith.constant 0 : i32
    %sign3A_163 = arith.cmpi slt, %select_n3A_8, %sign3A_162 : i32
    %sign3A_164 = arith.extui %sign3A_163 : i1 to i32
    %sign3A_165 = arith.subi %sign3A_161, %sign3A_164 : i32
    %sign3A_166 = arith.constant 0 : i32
    %sign3A_167 = arith.cmpi sgt, %jit3A_159, %sign3A_166 : i32
    %sign3A_168 = arith.extui %sign3A_167 : i1 to i32
    %sign3A_169 = arith.constant 0 : i32
    %sign3A_170 = arith.cmpi slt, %jit3A_159, %sign3A_169 : i32
    %sign3A_171 = arith.extui %sign3A_170 : i1 to i32
    %sign3A_172 = arith.subi %sign3A_168, %sign3A_171 : i32
    %ne3A = arith.cmpi ne, %sign3A_165, %sign3A_172 : i32
    %rem3A = arith.remsi %select_n3A_8, %jit3A_159 : i32
    %ne3A_173 = arith.constant 0 : i32
    %ne3A_174 = arith.cmpi ne, %rem3A, %ne3A_173 : i32
    %and3A = arith.andi %ne3A, %ne3A_174 : i1
    %sub3A_175 = arith.constant 1 : i32
    %sub3A_176 = arith.subi %div3A, %sub3A_175 : i32
    %select_n3A_177 = arith.select %and3A, %sub3A_176, %div3A : i32
    %while3A = arith.constant 0 : i32
    %while3A_178 = arith.constant 0 : i32
    %while3A_179 = arith.subi %select_n3A_177, %while3A_178 : i32
    %while3A_180 = arith.addi %while3A_178, %while3A_179 : i32
    %while3A_181 = arith.constant 1 : i32
    %while3A_182 = arith.divsi %while3A_179, %while3A_181 : i32
    %while3A_183 = arith.muli %while3A_182, %while3A_181 : i32
    %while3A_184 = arith.addi %while3A_178, %while3A_183 : i32
    %while3A_185 = arith.constant 1 : i32
    scf.for %while3A_253 = %while3A_178 to %while3A_184 step %while3A_185  : i32 {
      %mul3A_254 = arith.constant 8 : i32
      %mul3A_255 = arith.muli %mul3A_254, %while3A_253 : i32
      %add3A_256 = arith.addi %select_n3A, %mul3A_255 : i32
      %add3A_257 = arith.constant 0 : i32
      %add3A_258 = arith.addi %add3A_256, %add3A_257 : i32
      %dma_wait3A_259 = arith.constant 0 : i32
      %dma_wait3A_260 = arith.constant 0 : i32
      %dma_wait3A_261 = tpu.memref_slice %arg6[%dma_wait3A_259, %dma_wait3A_260] : memref<2x32xi32, #tpu.memory_space<vmem>> -> memref<1x32xi32, #tpu.memory_space<vmem>>
      %dma_wait3A_262 = tpu.memref_squeeze %dma_wait3A_261 : memref<1x32xi32, #tpu.memory_space<vmem>> -> memref<32xi32, #tpu.memory_space<vmem>>
      %dma_wait3A_263 = arith.constant 0 : i32
      %dma_wait3A_264 = arith.constant 0 : i32
      %dma_wait3A_265 = tpu.memref_slice %arg2[%dma_wait3A_263, %dma_wait3A_264] : memref<10000x128xf32, #tpu.memory_space<hbm>> -> memref<10000x128xf32, #tpu.memory_space<hbm>>
      tpu.wait_indirect_dma semaphore(%arg27 : memref<!tpu.dma_semaphore, #tpu.memory_space<semaphore_mem>>) src(%dma_wait3A_265 : memref<10000x128xf32, #tpu.memory_space<hbm>>) dst(%arg14 : memref<32x128xf32, #tpu.memory_space<vmem>>)
      %run_scoped3A = arith.constant 1 : i32
      "tpu.region"() ({
        %run_scoped3A_543 = tpu.sem_alloc : memref<!tpu.dma_semaphore, #tpu.memory_space<semaphore_mem>>
        %dma_start3A_544 = arith.constant 0 : i32
        %dma_start3A_545 = tpu.memref_slice %arg6[%run_scoped3A, %dma_start3A_544] : memref<2x32xi32, #tpu.memory_space<vmem>> -> memref<1x32xi32, #tpu.memory_space<vmem>>
        %dma_start3A_546 = tpu.memref_squeeze %dma_start3A_545 : memref<1x32xi32, #tpu.memory_space<vmem>> -> memref<32xi32, #tpu.memory_space<vmem>>
        %dma_start3A_547 = arith.constant 0 : i32
        %dma_start3A_548 = arith.constant 0 : i32
        %dma_start3A_549 = tpu.memref_slice %arg18[%dma_start3A_547, %dma_start3A_548] : memref<10112x128xf32, #tpu.memory_space<vmem_shared>> -> memref<10112x128xf32, #tpu.memory_space<vmem_shared>>
        tpu.enqueue_indirect_dma source(%arg14 : memref<32x128xf32, #tpu.memory_space<vmem>>) target(%dma_start3A_549 : memref<10112x128xf32, #tpu.memory_space<vmem_shared>>) offsets(%dma_start3A_546 : memref<32xi32, #tpu.memory_space<vmem>>) semaphore(%run_scoped3A_543 : memref<!tpu.dma_semaphore, #tpu.memory_space<semaphore_mem>>) {add = true}
        %dma_wait3A_550 = arith.constant 0 : i32
        %dma_wait3A_551 = tpu.memref_slice %arg6[%run_scoped3A, %dma_wait3A_550] : memref<2x32xi32, #tpu.memory_space<vmem>> -> memref<1x32xi32, #tpu.memory_space<vmem>>
        %dma_wait3A_552 = tpu.memref_squeeze %dma_wait3A_551 : memref<1x32xi32, #tpu.memory_space<vmem>> -> memref<32xi32, #tpu.memory_space<vmem>>
        %dma_wait3A_553 = arith.constant 0 : i32
        %dma_wait3A_554 = arith.constant 0 : i32
        %dma_wait3A_555 = tpu.memref_slice %arg18[%dma_wait3A_553, %dma_wait3A_554] : memref<10112x128xf32, #tpu.memory_space<vmem_shared>> -> memref<10112x128xf32, #tpu.memory_space<vmem_shared>>
        tpu.wait_indirect_dma semaphore(%run_scoped3A_543 : memref<!tpu.dma_semaphore, #tpu.memory_space<semaphore_mem>>) src(%arg14 : memref<32x128xf32, #tpu.memory_space<vmem>>) dst(%dma_wait3A_555 : memref<10112x128xf32, #tpu.memory_space<vmem_shared>>)
        tpu.yield
      }) : () -> ()
      %dma_wait3A_266 = arith.constant 0 : i32
      %dma_wait3A_267 = arith.constant 0 : i32
      %dma_wait3A_268 = tpu.memref_slice %arg3[%add3A_258, %dma_wait3A_266, %dma_wait3A_267] : memref<10240x2x32xi32, #tpu.memory_space<hbm>> -> memref<1x2x32xi32, #tpu.memory_space<hbm>>
      %dma_wait3A_269 = tpu.memref_squeeze %dma_wait3A_268 : memref<1x2x32xi32, #tpu.memory_space<hbm>> -> memref<2x32xi32, #tpu.memory_space<hbm>>
      %dma_wait3A_270 = arith.constant 0 : i32
      %dma_wait3A_271 = arith.constant 0 : i32
      %dma_wait3A_272 = tpu.memref_slice %arg3[%add3A_258, %dma_wait3A_270, %dma_wait3A_271] : memref<10240x2x32xi32, #tpu.memory_space<hbm>> -> memref<1x2x32xi32, #tpu.memory_space<hbm>>
      %dma_wait3A_273 = tpu.memref_squeeze %dma_wait3A_272 : memref<1x2x32xi32, #tpu.memory_space<hbm>> -> memref<2x32xi32, #tpu.memory_space<hbm>>
      tpu.wait_dma2 semaphore(%arg23 : memref<!tpu.dma_semaphore, #tpu.memory_space<semaphore_mem>>) src(%dma_wait3A_273 : memref<2x32xi32, #tpu.memory_space<hbm>>) dst(%arg10 : memref<2x32xi32, #tpu.memory_space<vmem>>)
      %dma_start3A_274 = arith.constant 0 : i32
      %dma_start3A_275 = arith.constant 0 : i32
      %dma_start3A_276 = tpu.memref_slice %arg10[%dma_start3A_274, %dma_start3A_275] : memref<2x32xi32, #tpu.memory_space<vmem>> -> memref<1x32xi32, #tpu.memory_space<vmem>>
      %dma_start3A_277 = tpu.memref_squeeze %dma_start3A_276 : memref<1x32xi32, #tpu.memory_space<vmem>> -> memref<32xi32, #tpu.memory_space<vmem>>
      %dma_start3A_278 = arith.constant 0 : i32
      %dma_start3A_279 = arith.constant 0 : i32
      %dma_start3A_280 = tpu.memref_slice %arg2[%dma_start3A_278, %dma_start3A_279] : memref<10000x128xf32, #tpu.memory_space<hbm>> -> memref<10000x128xf32, #tpu.memory_space<hbm>>
      tpu.enqueue_indirect_dma source(%dma_start3A_280 : memref<10000x128xf32, #tpu.memory_space<hbm>>) target(%arg14 : memref<32x128xf32, #tpu.memory_space<vmem>>) offsets(%dma_start3A_277 : memref<32xi32, #tpu.memory_space<vmem>>) semaphore(%arg27 : memref<!tpu.dma_semaphore, #tpu.memory_space<semaphore_mem>>)
      %add3A_281 = arith.constant 8 : i32
      %add3A_282 = arith.addi %add3A_258, %add3A_281 : i32
      %min3A = arith.minsi %add3A_282, %sub3A_10 : i32
      %dma_start3A_283 = arith.constant 0 : i32
      %dma_start3A_284 = arith.constant 0 : i32
      %dma_start3A_285 = tpu.memref_slice %arg3[%min3A, %dma_start3A_283, %dma_start3A_284] : memref<10240x2x32xi32, #tpu.memory_space<hbm>> -> memref<1x2x32xi32, #tpu.memory_space<hbm>>
      %dma_start3A_286 = tpu.memref_squeeze %dma_start3A_285 : memref<1x2x32xi32, #tpu.memory_space<hbm>> -> memref<2x32xi32, #tpu.memory_space<hbm>>
      %dma_start3A_287 = arith.constant 0 : i32
      %dma_start3A_288 = arith.constant 0 : i32
      %dma_start3A_289 = tpu.memref_slice %arg3[%min3A, %dma_start3A_287, %dma_start3A_288] : memref<10240x2x32xi32, #tpu.memory_space<hbm>> -> memref<1x2x32xi32, #tpu.memory_space<hbm>>
      %dma_start3A_290 = tpu.memref_squeeze %dma_start3A_289 : memref<1x2x32xi32, #tpu.memory_space<hbm>> -> memref<2x32xi32, #tpu.memory_space<hbm>>
      tpu.enqueue_dma source(%dma_start3A_290 : memref<2x32xi32, #tpu.memory_space<hbm>>) target(%arg6 : memref<2x32xi32, #tpu.memory_space<vmem>>) target_semaphore(%arg19 : memref<!tpu.dma_semaphore, #tpu.memory_space<semaphore_mem>>)
      %add3A_291 = arith.constant 1 : i32
      %add3A_292 = arith.addi %add3A_256, %add3A_291 : i32
      %dma_wait3A_293 = arith.constant 0 : i32
      %dma_wait3A_294 = arith.constant 0 : i32
      %dma_wait3A_295 = tpu.memref_slice %arg7[%dma_wait3A_293, %dma_wait3A_294] : memref<2x32xi32, #tpu.memory_space<vmem>> -> memref<1x32xi32, #tpu.memory_space<vmem>>
      %dma_wait3A_296 = tpu.memref_squeeze %dma_wait3A_295 : memref<1x32xi32, #tpu.memory_space<vmem>> -> memref<32xi32, #tpu.memory_space<vmem>>
      %dma_wait3A_297 = arith.constant 0 : i32
      %dma_wait3A_298 = arith.constant 0 : i32
      %dma_wait3A_299 = tpu.memref_slice %arg2[%dma_wait3A_297, %dma_wait3A_298] : memref<10000x128xf32, #tpu.memory_space<hbm>> -> memref<10000x128xf32, #tpu.memory_space<hbm>>
      tpu.wait_indirect_dma semaphore(%arg28 : memref<!tpu.dma_semaphore, #tpu.memory_space<semaphore_mem>>) src(%dma_wait3A_299 : memref<10000x128xf32, #tpu.memory_space<hbm>>) dst(%arg15 : memref<32x128xf32, #tpu.memory_space<vmem>>)
      %run_scoped3A_300 = arith.constant 1 : i32
      "tpu.region"() ({
        %run_scoped3A_543 = tpu.sem_alloc : memref<!tpu.dma_semaphore, #tpu.memory_space<semaphore_mem>>
        %dma_start3A_544 = arith.constant 0 : i32
        %dma_start3A_545 = tpu.memref_slice %arg7[%run_scoped3A_300, %dma_start3A_544] : memref<2x32xi32, #tpu.memory_space<vmem>> -> memref<1x32xi32, #tpu.memory_space<vmem>>
        %dma_start3A_546 = tpu.memref_squeeze %dma_start3A_545 : memref<1x32xi32, #tpu.memory_space<vmem>> -> memref<32xi32, #tpu.memory_space<vmem>>
        %dma_start3A_547 = arith.constant 0 : i32
        %dma_start3A_548 = arith.constant 0 : i32
        %dma_start3A_549 = tpu.memref_slice %arg18[%dma_start3A_547, %dma_start3A_548] : memref<10112x128xf32, #tpu.memory_space<vmem_shared>> -> memref<10112x128xf32, #tpu.memory_space<vmem_shared>>
        tpu.enqueue_indirect_dma source(%arg15 : memref<32x128xf32, #tpu.memory_space<vmem>>) target(%dma_start3A_549 : memref<10112x128xf32, #tpu.memory_space<vmem_shared>>) offsets(%dma_start3A_546 : memref<32xi32, #tpu.memory_space<vmem>>) semaphore(%run_scoped3A_543 : memref<!tpu.dma_semaphore, #tpu.memory_space<semaphore_mem>>) {add = true}
        %dma_wait3A_550 = arith.constant 0 : i32
        %dma_wait3A_551 = tpu.memref_slice %arg7[%run_scoped3A_300, %dma_wait3A_550] : memref<2x32xi32, #tpu.memory_space<vmem>> -> memref<1x32xi32, #tpu.memory_space<vmem>>
        %dma_wait3A_552 = tpu.memref_squeeze %dma_wait3A_551 : memref<1x32xi32, #tpu.memory_space<vmem>> -> memref<32xi32, #tpu.memory_space<vmem>>
        %dma_wait3A_553 = arith.constant 0 : i32
        %dma_wait3A_554 = arith.constant 0 : i32
        %dma_wait3A_555 = tpu.memref_slice %arg18[%dma_wait3A_553, %dma_wait3A_554] : memref<10112x128xf32, #tpu.memory_space<vmem_shared>> -> memref<10112x128xf32, #tpu.memory_space<vmem_shared>>
        tpu.wait_indirect_dma semaphore(%run_scoped3A_543 : memref<!tpu.dma_semaphore, #tpu.memory_space<semaphore_mem>>) src(%arg15 : memref<32x128xf32, #tpu.memory_space<vmem>>) dst(%dma_wait3A_555 : memref<10112x128xf32, #tpu.memory_space<vmem_shared>>)
        tpu.yield
      }) : () -> ()
      %dma_wait3A_301 = arith.constant 0 : i32
      %dma_wait3A_302 = arith.constant 0 : i32
      %dma_wait3A_303 = tpu.memref_slice %arg3[%add3A_292, %dma_wait3A_301, %dma_wait3A_302] : memref<10240x2x32xi32, #tpu.memory_space<hbm>> -> memref<1x2x32xi32, #tpu.memory_space<hbm>>
      %dma_wait3A_304 = tpu.memref_squeeze %dma_wait3A_303 : memref<1x2x32xi32, #tpu.memory_space<hbm>> -> memref<2x32xi32, #tpu.memory_space<hbm>>
      %dma_wait3A_305 = arith.constant 0 : i32
      %dma_wait3A_306 = arith.constant 0 : i32
      %dma_wait3A_307 = tpu.memref_slice %arg3[%add3A_292, %dma_wait3A_305, %dma_wait3A_306] : memref<10240x2x32xi32, #tpu.memory_space<hbm>> -> memref<1x2x32xi32, #tpu.memory_space<hbm>>
      %dma_wait3A_308 = tpu.memref_squeeze %dma_wait3A_307 : memref<1x2x32xi32, #tpu.memory_space<hbm>> -> memref<2x32xi32, #tpu.memory_space<hbm>>
      tpu.wait_dma2 semaphore(%arg24 : memref<!tpu.dma_semaphore, #tpu.memory_space<semaphore_mem>>) src(%dma_wait3A_308 : memref<2x32xi32, #tpu.memory_space<hbm>>) dst(%arg11 : memref<2x32xi32, #tpu.memory_space<vmem>>)
      %dma_start3A_309 = arith.constant 0 : i32
      %dma_start3A_310 = arith.constant 0 : i32
      %dma_start3A_311 = tpu.memref_slice %arg11[%dma_start3A_309, %dma_start3A_310] : memref<2x32xi32, #tpu.memory_space<vmem>> -> memref<1x32xi32, #tpu.memory_space<vmem>>
      %dma_start3A_312 = tpu.memref_squeeze %dma_start3A_311 : memref<1x32xi32, #tpu.memory_space<vmem>> -> memref<32xi32, #tpu.memory_space<vmem>>
      %dma_start3A_313 = arith.constant 0 : i32
      %dma_start3A_314 = arith.constant 0 : i32
      %dma_start3A_315 = tpu.memref_slice %arg2[%dma_start3A_313, %dma_start3A_314] : memref<10000x128xf32, #tpu.memory_space<hbm>> -> memref<10000x128xf32, #tpu.memory_space<hbm>>
      tpu.enqueue_indirect_dma source(%dma_start3A_315 : memref<10000x128xf32, #tpu.memory_space<hbm>>) target(%arg15 : memref<32x128xf32, #tpu.memory_space<vmem>>) offsets(%dma_start3A_312 : memref<32xi32, #tpu.memory_space<vmem>>) semaphore(%arg28 : memref<!tpu.dma_semaphore, #tpu.memory_space<semaphore_mem>>)
      %add3A_316 = arith.constant 8 : i32
      %add3A_317 = arith.addi %add3A_292, %add3A_316 : i32
      %min3A_318 = arith.minsi %add3A_317, %sub3A_10 : i32
      %dma_start3A_319 = arith.constant 0 : i32
      %dma_start3A_320 = arith.constant 0 : i32
      %dma_start3A_321 = tpu.memref_slice %arg3[%min3A_318, %dma_start3A_319, %dma_start3A_320] : memref<10240x2x32xi32, #tpu.memory_space<hbm>> -> memref<1x2x32xi32, #tpu.memory_space<hbm>>
      %dma_start3A_322 = tpu.memref_squeeze %dma_start3A_321 : memref<1x2x32xi32, #tpu.memory_space<hbm>> -> memref<2x32xi32, #tpu.memory_space<hbm>>
      %dma_start3A_323 = arith.constant 0 : i32
      %dma_start3A_324 = arith.constant 0 : i32
      %dma_start3A_325 = tpu.memref_slice %arg3[%min3A_318, %dma_start3A_323, %dma_start3A_324] : memref<10240x2x32xi32, #tpu.memory_space<hbm>> -> memref<1x2x32xi32, #tpu.memory_space<hbm>>
      %dma_start3A_326 = tpu.memref_squeeze %dma_start3A_325 : memref<1x2x32xi32, #tpu.memory_space<hbm>> -> memref<2x32xi32, #tpu.memory_space<hbm>>
      tpu.enqueue_dma source(%dma_start3A_326 : memref<2x32xi32, #tpu.memory_space<hbm>>) target(%arg7 : memref<2x32xi32, #tpu.memory_space<vmem>>) target_semaphore(%arg20 : memref<!tpu.dma_semaphore, #tpu.memory_space<semaphore_mem>>)
      %add3A_327 = arith.constant 2 : i32
      %add3A_328 = arith.addi %add3A_256, %add3A_327 : i32
      %dma_wait3A_329 = arith.constant 0 : i32
      %dma_wait3A_330 = arith.constant 0 : i32
      %dma_wait3A_331 = tpu.memref_slice %arg8[%dma_wait3A_329, %dma_wait3A_330] : memref<2x32xi32, #tpu.memory_space<vmem>> -> memref<1x32xi32, #tpu.memory_space<vmem>>
      %dma_wait3A_332 = tpu.memref_squeeze %dma_wait3A_331 : memref<1x32xi32, #tpu.memory_space<vmem>> -> memref<32xi32, #tpu.memory_space<vmem>>
      %dma_wait3A_333 = arith.constant 0 : i32
      %dma_wait3A_334 = arith.constant 0 : i32
      %dma_wait3A_335 = tpu.memref_slice %arg2[%dma_wait3A_333, %dma_wait3A_334] : memref<10000x128xf32, #tpu.memory_space<hbm>> -> memref<10000x128xf32, #tpu.memory_space<hbm>>
      tpu.wait_indirect_dma semaphore(%arg29 : memref<!tpu.dma_semaphore, #tpu.memory_space<semaphore_mem>>) src(%dma_wait3A_335 : memref<10000x128xf32, #tpu.memory_space<hbm>>) dst(%arg16 : memref<32x128xf32, #tpu.memory_space<vmem>>)
      %run_scoped3A_336 = arith.constant 1 : i32
      "tpu.region"() ({
        %run_scoped3A_543 = tpu.sem_alloc : memref<!tpu.dma_semaphore, #tpu.memory_space<semaphore_mem>>
        %dma_start3A_544 = arith.constant 0 : i32
        %dma_start3A_545 = tpu.memref_slice %arg8[%run_scoped3A_336, %dma_start3A_544] : memref<2x32xi32, #tpu.memory_space<vmem>> -> memref<1x32xi32, #tpu.memory_space<vmem>>
        %dma_start3A_546 = tpu.memref_squeeze %dma_start3A_545 : memref<1x32xi32, #tpu.memory_space<vmem>> -> memref<32xi32, #tpu.memory_space<vmem>>
        %dma_start3A_547 = arith.constant 0 : i32
        %dma_start3A_548 = arith.constant 0 : i32
        %dma_start3A_549 = tpu.memref_slice %arg18[%dma_start3A_547, %dma_start3A_548] : memref<10112x128xf32, #tpu.memory_space<vmem_shared>> -> memref<10112x128xf32, #tpu.memory_space<vmem_shared>>
        tpu.enqueue_indirect_dma source(%arg16 : memref<32x128xf32, #tpu.memory_space<vmem>>) target(%dma_start3A_549 : memref<10112x128xf32, #tpu.memory_space<vmem_shared>>) offsets(%dma_start3A_546 : memref<32xi32, #tpu.memory_space<vmem>>) semaphore(%run_scoped3A_543 : memref<!tpu.dma_semaphore, #tpu.memory_space<semaphore_mem>>) {add = true}
        %dma_wait3A_550 = arith.constant 0 : i32
        %dma_wait3A_551 = tpu.memref_slice %arg8[%run_scoped3A_336, %dma_wait3A_550] : memref<2x32xi32, #tpu.memory_space<vmem>> -> memref<1x32xi32, #tpu.memory_space<vmem>>
        %dma_wait3A_552 = tpu.memref_squeeze %dma_wait3A_551 : memref<1x32xi32, #tpu.memory_space<vmem>> -> memref<32xi32, #tpu.memory_space<vmem>>
        %dma_wait3A_553 = arith.constant 0 : i32
        %dma_wait3A_554 = arith.constant 0 : i32
        %dma_wait3A_555 = tpu.memref_slice %arg18[%dma_wait3A_553, %dma_wait3A_554] : memref<10112x128xf32, #tpu.memory_space<vmem_shared>> -> memref<10112x128xf32, #tpu.memory_space<vmem_shared>>
        tpu.wait_indirect_dma semaphore(%run_scoped3A_543 : memref<!tpu.dma_semaphore, #tpu.memory_space<semaphore_mem>>) src(%arg16 : memref<32x128xf32, #tpu.memory_space<vmem>>) dst(%dma_wait3A_555 : memref<10112x128xf32, #tpu.memory_space<vmem_shared>>)
        tpu.yield
      }) : () -> ()
      %dma_wait3A_337 = arith.constant 0 : i32
      %dma_wait3A_338 = arith.constant 0 : i32
      %dma_wait3A_339 = tpu.memref_slice %arg3[%add3A_328, %dma_wait3A_337, %dma_wait3A_338] : memref<10240x2x32xi32, #tpu.memory_space<hbm>> -> memref<1x2x32xi32, #tpu.memory_space<hbm>>
      %dma_wait3A_340 = tpu.memref_squeeze %dma_wait3A_339 : memref<1x2x32xi32, #tpu.memory_space<hbm>> -> memref<2x32xi32, #tpu.memory_space<hbm>>
      %dma_wait3A_341 = arith.constant 0 : i32
      %dma_wait3A_342 = arith.constant 0 : i32
      %dma_wait3A_343 = tpu.memref_slice %arg3[%add3A_328, %dma_wait3A_341, %dma_wait3A_342] : memref<10240x2x32xi32, #tpu.memory_space<hbm>> -> memref<1x2x32xi32, #tpu.memory_space<hbm>>
      %dma_wait3A_344 = tpu.memref_squeeze %dma_wait3A_343 : memref<1x2x32xi32, #tpu.memory_space<hbm>> -> memref<2x32xi32, #tpu.memory_space<hbm>>
      tpu.wait_dma2 semaphore(%arg25 : memref<!tpu.dma_semaphore, #tpu.memory_space<semaphore_mem>>) src(%dma_wait3A_344 : memref<2x32xi32, #tpu.memory_space<hbm>>) dst(%arg12 : memref<2x32xi32, #tpu.memory_space<vmem>>)
      %dma_start3A_345 = arith.constant 0 : i32
      %dma_start3A_346 = arith.constant 0 : i32
      %dma_start3A_347 = tpu.memref_slice %arg12[%dma_start3A_345, %dma_start3A_346] : memref<2x32xi32, #tpu.memory_space<vmem>> -> memref<1x32xi32, #tpu.memory_space<vmem>>
      %dma_start3A_348 = tpu.memref_squeeze %dma_start3A_347 : memref<1x32xi32, #tpu.memory_space<vmem>> -> memref<32xi32, #tpu.memory_space<vmem>>
      %dma_start3A_349 = arith.constant 0 : i32
      %dma_start3A_350 = arith.constant 0 : i32
      %dma_start3A_351 = tpu.memref_slice %arg2[%dma_start3A_349, %dma_start3A_350] : memref<10000x128xf32, #tpu.memory_space<hbm>> -> memref<10000x128xf32, #tpu.memory_space<hbm>>
      tpu.enqueue_indirect_dma source(%dma_start3A_351 : memref<10000x128xf32, #tpu.memory_space<hbm>>) target(%arg16 : memref<32x128xf32, #tpu.memory_space<vmem>>) offsets(%dma_start3A_348 : memref<32xi32, #tpu.memory_space<vmem>>) semaphore(%arg29 : memref<!tpu.dma_semaphore, #tpu.memory_space<semaphore_mem>>)
      %add3A_352 = arith.constant 8 : i32
      %add3A_353 = arith.addi %add3A_328, %add3A_352 : i32
      %min3A_354 = arith.minsi %add3A_353, %sub3A_10 : i32
      %dma_start3A_355 = arith.constant 0 : i32
      %dma_start3A_356 = arith.constant 0 : i32
      %dma_start3A_357 = tpu.memref_slice %arg3[%min3A_354, %dma_start3A_355, %dma_start3A_356] : memref<10240x2x32xi32, #tpu.memory_space<hbm>> -> memref<1x2x32xi32, #tpu.memory_space<hbm>>
      %dma_start3A_358 = tpu.memref_squeeze %dma_start3A_357 : memref<1x2x32xi32, #tpu.memory_space<hbm>> -> memref<2x32xi32, #tpu.memory_space<hbm>>
      %dma_start3A_359 = arith.constant 0 : i32
      %dma_start3A_360 = arith.constant 0 : i32
      %dma_start3A_361 = tpu.memref_slice %arg3[%min3A_354, %dma_start3A_359, %dma_start3A_360] : memref<10240x2x32xi32, #tpu.memory_space<hbm>> -> memref<1x2x32xi32, #tpu.memory_space<hbm>>
      %dma_start3A_362 = tpu.memref_squeeze %dma_start3A_361 : memref<1x2x32xi32, #tpu.memory_space<hbm>> -> memref<2x32xi32, #tpu.memory_space<hbm>>
      tpu.enqueue_dma source(%dma_start3A_362 : memref<2x32xi32, #tpu.memory_space<hbm>>) target(%arg8 : memref<2x32xi32, #tpu.memory_space<vmem>>) target_semaphore(%arg21 : memref<!tpu.dma_semaphore, #tpu.memory_space<semaphore_mem>>)
      %add3A_363 = arith.constant 3 : i32
      %add3A_364 = arith.addi %add3A_256, %add3A_363 : i32
      %dma_wait3A_365 = arith.constant 0 : i32
      %dma_wait3A_366 = arith.constant 0 : i32
      %dma_wait3A_367 = tpu.memref_slice %arg9[%dma_wait3A_365, %dma_wait3A_366] : memref<2x32xi32, #tpu.memory_space<vmem>> -> memref<1x32xi32, #tpu.memory_space<vmem>>
      %dma_wait3A_368 = tpu.memref_squeeze %dma_wait3A_367 : memref<1x32xi32, #tpu.memory_space<vmem>> -> memref<32xi32, #tpu.memory_space<vmem>>
      %dma_wait3A_369 = arith.constant 0 : i32
      %dma_wait3A_370 = arith.constant 0 : i32
      %dma_wait3A_371 = tpu.memref_slice %arg2[%dma_wait3A_369, %dma_wait3A_370] : memref<10000x128xf32, #tpu.memory_space<hbm>> -> memref<10000x128xf32, #tpu.memory_space<hbm>>
      tpu.wait_indirect_dma semaphore(%arg30 : memref<!tpu.dma_semaphore, #tpu.memory_space<semaphore_mem>>) src(%dma_wait3A_371 : memref<10000x128xf32, #tpu.memory_space<hbm>>) dst(%arg17 : memref<32x128xf32, #tpu.memory_space<vmem>>)
      %run_scoped3A_372 = arith.constant 1 : i32
      "tpu.region"() ({
        %run_scoped3A_543 = tpu.sem_alloc : memref<!tpu.dma_semaphore, #tpu.memory_space<semaphore_mem>>
        %dma_start3A_544 = arith.constant 0 : i32
        %dma_start3A_545 = tpu.memref_slice %arg9[%run_scoped3A_372, %dma_start3A_544] : memref<2x32xi32, #tpu.memory_space<vmem>> -> memref<1x32xi32, #tpu.memory_space<vmem>>
        %dma_start3A_546 = tpu.memref_squeeze %dma_start3A_545 : memref<1x32xi32, #tpu.memory_space<vmem>> -> memref<32xi32, #tpu.memory_space<vmem>>
        %dma_start3A_547 = arith.constant 0 : i32
        %dma_start3A_548 = arith.constant 0 : i32
        %dma_start3A_549 = tpu.memref_slice %arg18[%dma_start3A_547, %dma_start3A_548] : memref<10112x128xf32, #tpu.memory_space<vmem_shared>> -> memref<10112x128xf32, #tpu.memory_space<vmem_shared>>
        tpu.enqueue_indirect_dma source(%arg17 : memref<32x128xf32, #tpu.memory_space<vmem>>) target(%dma_start3A_549 : memref<10112x128xf32, #tpu.memory_space<vmem_shared>>) offsets(%dma_start3A_546 : memref<32xi32, #tpu.memory_space<vmem>>) semaphore(%run_scoped3A_543 : memref<!tpu.dma_semaphore, #tpu.memory_space<semaphore_mem>>) {add = true}
        %dma_wait3A_550 = arith.constant 0 : i32
        %dma_wait3A_551 = tpu.memref_slice %arg9[%run_scoped3A_372, %dma_wait3A_550] : memref<2x32xi32, #tpu.memory_space<vmem>> -> memref<1x32xi32, #tpu.memory_space<vmem>>
        %dma_wait3A_552 = tpu.memref_squeeze %dma_wait3A_551 : memref<1x32xi32, #tpu.memory_space<vmem>> -> memref<32xi32, #tpu.memory_space<vmem>>
        %dma_wait3A_553 = arith.constant 0 : i32
        %dma_wait3A_554 = arith.constant 0 : i32
        %dma_wait3A_555 = tpu.memref_slice %arg18[%dma_wait3A_553, %dma_wait3A_554] : memref<10112x128xf32, #tpu.memory_space<vmem_shared>> -> memref<10112x128xf32, #tpu.memory_space<vmem_shared>>
        tpu.wait_indirect_dma semaphore(%run_scoped3A_543 : memref<!tpu.dma_semaphore, #tpu.memory_space<semaphore_mem>>) src(%arg17 : memref<32x128xf32, #tpu.memory_space<vmem>>) dst(%dma_wait3A_555 : memref<10112x128xf32, #tpu.memory_space<vmem_shared>>)
        tpu.yield
      }) : () -> ()
      %dma_wait3A_373 = arith.constant 0 : i32
      %dma_wait3A_374 = arith.constant 0 : i32
      %dma_wait3A_375 = tpu.memref_slice %arg3[%add3A_364, %dma_wait3A_373, %dma_wait3A_374] : memref<10240x2x32xi32, #tpu.memory_space<hbm>> -> memref<1x2x32xi32, #tpu.memory_space<hbm>>
      %dma_wait3A_376 = tpu.memref_squeeze %dma_wait3A_375 : memref<1x2x32xi32, #tpu.memory_space<hbm>> -> memref<2x32xi32, #tpu.memory_space<hbm>>
      %dma_wait3A_377 = arith.constant 0 : i32
      %dma_wait3A_378 = arith.constant 0 : i32
      %dma_wait3A_379 = tpu.memref_slice %arg3[%add3A_364, %dma_wait3A_377, %dma_wait3A_378] : memref<10240x2x32xi32, #tpu.memory_space<hbm>> -> memref<1x2x32xi32, #tpu.memory_space<hbm>>
      %dma_wait3A_380 = tpu.memref_squeeze %dma_wait3A_379 : memref<1x2x32xi32, #tpu.memory_space<hbm>> -> memref<2x32xi32, #tpu.memory_space<hbm>>
      tpu.wait_dma2 semaphore(%arg26 : memref<!tpu.dma_semaphore, #tpu.memory_space<semaphore_mem>>) src(%dma_wait3A_380 : memref<2x32xi32, #tpu.memory_space<hbm>>) dst(%arg13 : memref<2x32xi32, #tpu.memory_space<vmem>>)
      %dma_start3A_381 = arith.constant 0 : i32
      %dma_start3A_382 = arith.constant 0 : i32
      %dma_start3A_383 = tpu.memref_slice %arg13[%dma_start3A_381, %dma_start3A_382] : memref<2x32xi32, #tpu.memory_space<vmem>> -> memref<1x32xi32, #tpu.memory_space<vmem>>
      %dma_start3A_384 = tpu.memref_squeeze %dma_start3A_383 : memref<1x32xi32, #tpu.memory_space<vmem>> -> memref<32xi32, #tpu.memory_space<vmem>>
      %dma_start3A_385 = arith.constant 0 : i32
      %dma_start3A_386 = arith.constant 0 : i32
      %dma_start3A_387 = tpu.memref_slice %arg2[%dma_start3A_385, %dma_start3A_386] : memref<10000x128xf32, #tpu.memory_space<hbm>> -> memref<10000x128xf32, #tpu.memory_space<hbm>>
      tpu.enqueue_indirect_dma source(%dma_start3A_387 : memref<10000x128xf32, #tpu.memory_space<hbm>>) target(%arg17 : memref<32x128xf32, #tpu.memory_space<vmem>>) offsets(%dma_start3A_384 : memref<32xi32, #tpu.memory_space<vmem>>) semaphore(%arg30 : memref<!tpu.dma_semaphore, #tpu.memory_space<semaphore_mem>>)
      %add3A_388 = arith.constant 8 : i32
      %add3A_389 = arith.addi %add3A_364, %add3A_388 : i32
      %min3A_390 = arith.minsi %add3A_389, %sub3A_10 : i32
      %dma_start3A_391 = arith.constant 0 : i32
      %dma_start3A_392 = arith.constant 0 : i32
      %dma_start3A_393 = tpu.memref_slice %arg3[%min3A_390, %dma_start3A_391, %dma_start3A_392] : memref<10240x2x32xi32, #tpu.memory_space<hbm>> -> memref<1x2x32xi32, #tpu.memory_space<hbm>>
      %dma_start3A_394 = tpu.memref_squeeze %dma_start3A_393 : memref<1x2x32xi32, #tpu.memory_space<hbm>> -> memref<2x32xi32, #tpu.memory_space<hbm>>
      %dma_start3A_395 = arith.constant 0 : i32
      %dma_start3A_396 = arith.constant 0 : i32
      %dma_start3A_397 = tpu.memref_slice %arg3[%min3A_390, %dma_start3A_395, %dma_start3A_396] : memref<10240x2x32xi32, #tpu.memory_space<hbm>> -> memref<1x2x32xi32, #tpu.memory_space<hbm>>
      %dma_start3A_398 = tpu.memref_squeeze %dma_start3A_397 : memref<1x2x32xi32, #tpu.memory_space<hbm>> -> memref<2x32xi32, #tpu.memory_space<hbm>>
      tpu.enqueue_dma source(%dma_start3A_398 : memref<2x32xi32, #tpu.memory_space<hbm>>) target(%arg9 : memref<2x32xi32, #tpu.memory_space<vmem>>) target_semaphore(%arg22 : memref<!tpu.dma_semaphore, #tpu.memory_space<semaphore_mem>>)
      %add3A_399 = arith.constant 4 : i32
      %add3A_400 = arith.addi %add3A_256, %add3A_399 : i32
      %dma_wait3A_401 = arith.constant 0 : i32
      %dma_wait3A_402 = arith.constant 0 : i32
      %dma_wait3A_403 = tpu.memref_slice %arg10[%dma_wait3A_401, %dma_wait3A_402] : memref<2x32xi32, #tpu.memory_space<vmem>> -> memref<1x32xi32, #tpu.memory_space<vmem>>
      %dma_wait3A_404 = tpu.memref_squeeze %dma_wait3A_403 : memref<1x32xi32, #tpu.memory_space<vmem>> -> memref<32xi32, #tpu.memory_space<vmem>>
      %dma_wait3A_405 = arith.constant 0 : i32
      %dma_wait3A_406 = arith.constant 0 : i32
      %dma_wait3A_407 = tpu.memref_slice %arg2[%dma_wait3A_405, %dma_wait3A_406] : memref<10000x128xf32, #tpu.memory_space<hbm>> -> memref<10000x128xf32, #tpu.memory_space<hbm>>
      tpu.wait_indirect_dma semaphore(%arg27 : memref<!tpu.dma_semaphore, #tpu.memory_space<semaphore_mem>>) src(%dma_wait3A_407 : memref<10000x128xf32, #tpu.memory_space<hbm>>) dst(%arg14 : memref<32x128xf32, #tpu.memory_space<vmem>>)
      %run_scoped3A_408 = arith.constant 1 : i32
      "tpu.region"() ({
        %run_scoped3A_543 = tpu.sem_alloc : memref<!tpu.dma_semaphore, #tpu.memory_space<semaphore_mem>>
        %dma_start3A_544 = arith.constant 0 : i32
        %dma_start3A_545 = tpu.memref_slice %arg10[%run_scoped3A_408, %dma_start3A_544] : memref<2x32xi32, #tpu.memory_space<vmem>> -> memref<1x32xi32, #tpu.memory_space<vmem>>
        %dma_start3A_546 = tpu.memref_squeeze %dma_start3A_545 : memref<1x32xi32, #tpu.memory_space<vmem>> -> memref<32xi32, #tpu.memory_space<vmem>>
        %dma_start3A_547 = arith.constant 0 : i32
        %dma_start3A_548 = arith.constant 0 : i32
        %dma_start3A_549 = tpu.memref_slice %arg18[%dma_start3A_547, %dma_start3A_548] : memref<10112x128xf32, #tpu.memory_space<vmem_shared>> -> memref<10112x128xf32, #tpu.memory_space<vmem_shared>>
        tpu.enqueue_indirect_dma source(%arg14 : memref<32x128xf32, #tpu.memory_space<vmem>>) target(%dma_start3A_549 : memref<10112x128xf32, #tpu.memory_space<vmem_shared>>) offsets(%dma_start3A_546 : memref<32xi32, #tpu.memory_space<vmem>>) semaphore(%run_scoped3A_543 : memref<!tpu.dma_semaphore, #tpu.memory_space<semaphore_mem>>) {add = true}
        %dma_wait3A_550 = arith.constant 0 : i32
        %dma_wait3A_551 = tpu.memref_slice %arg10[%run_scoped3A_408, %dma_wait3A_550] : memref<2x32xi32, #tpu.memory_space<vmem>> -> memref<1x32xi32, #tpu.memory_space<vmem>>
        %dma_wait3A_552 = tpu.memref_squeeze %dma_wait3A_551 : memref<1x32xi32, #tpu.memory_space<vmem>> -> memref<32xi32, #tpu.memory_space<vmem>>
        %dma_wait3A_553 = arith.constant 0 : i32
        %dma_wait3A_554 = arith.constant 0 : i32
        %dma_wait3A_555 = tpu.memref_slice %arg18[%dma_wait3A_553, %dma_wait3A_554] : memref<10112x128xf32, #tpu.memory_space<vmem_shared>> -> memref<10112x128xf32, #tpu.memory_space<vmem_shared>>
        tpu.wait_indirect_dma semaphore(%run_scoped3A_543 : memref<!tpu.dma_semaphore, #tpu.memory_space<semaphore_mem>>) src(%arg14 : memref<32x128xf32, #tpu.memory_space<vmem>>) dst(%dma_wait3A_555 : memref<10112x128xf32, #tpu.memory_space<vmem_shared>>)
        tpu.yield
      }) : () -> ()
      %dma_wait3A_409 = arith.constant 0 : i32
      %dma_wait3A_410 = arith.constant 0 : i32
      %dma_wait3A_411 = tpu.memref_slice %arg3[%add3A_400, %dma_wait3A_409, %dma_wait3A_410] : memref<10240x2x32xi32, #tpu.memory_space<hbm>> -> memref<1x2x32xi32, #tpu.memory_space<hbm>>
      %dma_wait3A_412 = tpu.memref_squeeze %dma_wait3A_411 : memref<1x2x32xi32, #tpu.memory_space<hbm>> -> memref<2x32xi32, #tpu.memory_space<hbm>>
      %dma_wait3A_413 = arith.constant 0 : i32
      %dma_wait3A_414 = arith.constant 0 : i32
      %dma_wait3A_415 = tpu.memref_slice %arg3[%add3A_400, %dma_wait3A_413, %dma_wait3A_414] : memref<10240x2x32xi32, #tpu.memory_space<hbm>> -> memref<1x2x32xi32, #tpu.memory_space<hbm>>
      %dma_wait3A_416 = tpu.memref_squeeze %dma_wait3A_415 : memref<1x2x32xi32, #tpu.memory_space<hbm>> -> memref<2x32xi32, #tpu.memory_space<hbm>>
      tpu.wait_dma2 semaphore(%arg19 : memref<!tpu.dma_semaphore, #tpu.memory_space<semaphore_mem>>) src(%dma_wait3A_416 : memref<2x32xi32, #tpu.memory_space<hbm>>) dst(%arg6 : memref<2x32xi32, #tpu.memory_space<vmem>>)
      %dma_start3A_417 = arith.constant 0 : i32
      %dma_start3A_418 = arith.constant 0 : i32
      %dma_start3A_419 = tpu.memref_slice %arg6[%dma_start3A_417, %dma_start3A_418] : memref<2x32xi32, #tpu.memory_space<vmem>> -> memref<1x32xi32, #tpu.memory_space<vmem>>
      %dma_start3A_420 = tpu.memref_squeeze %dma_start3A_419 : memref<1x32xi32, #tpu.memory_space<vmem>> -> memref<32xi32, #tpu.memory_space<vmem>>
      %dma_start3A_421 = arith.constant 0 : i32
      %dma_start3A_422 = arith.constant 0 : i32
      %dma_start3A_423 = tpu.memref_slice %arg2[%dma_start3A_421, %dma_start3A_422] : memref<10000x128xf32, #tpu.memory_space<hbm>> -> memref<10000x128xf32, #tpu.memory_space<hbm>>
      tpu.enqueue_indirect_dma source(%dma_start3A_423 : memref<10000x128xf32, #tpu.memory_space<hbm>>) target(%arg14 : memref<32x128xf32, #tpu.memory_space<vmem>>) offsets(%dma_start3A_420 : memref<32xi32, #tpu.memory_space<vmem>>) semaphore(%arg27 : memref<!tpu.dma_semaphore, #tpu.memory_space<semaphore_mem>>)
      %add3A_424 = arith.constant 8 : i32
      %add3A_425 = arith.addi %add3A_400, %add3A_424 : i32
      %min3A_426 = arith.minsi %add3A_425, %sub3A_10 : i32
      %dma_start3A_427 = arith.constant 0 : i32
      %dma_start3A_428 = arith.constant 0 : i32
      %dma_start3A_429 = tpu.memref_slice %arg3[%min3A_426, %dma_start3A_427, %dma_start3A_428] : memref<10240x2x32xi32, #tpu.memory_space<hbm>> -> memref<1x2x32xi32, #tpu.memory_space<hbm>>
      %dma_start3A_430 = tpu.memref_squeeze %dma_start3A_429 : memref<1x2x32xi32, #tpu.memory_space<hbm>> -> memref<2x32xi32, #tpu.memory_space<hbm>>
      %dma_start3A_431 = arith.constant 0 : i32
      %dma_start3A_432 = arith.constant 0 : i32
      %dma_start3A_433 = tpu.memref_slice %arg3[%min3A_426, %dma_start3A_431, %dma_start3A_432] : memref<10240x2x32xi32, #tpu.memory_space<hbm>> -> memref<1x2x32xi32, #tpu.memory_space<hbm>>
      %dma_start3A_434 = tpu.memref_squeeze %dma_start3A_433 : memref<1x2x32xi32, #tpu.memory_space<hbm>> -> memref<2x32xi32, #tpu.memory_space<hbm>>
      tpu.enqueue_dma source(%dma_start3A_434 : memref<2x32xi32, #tpu.memory_space<hbm>>) target(%arg10 : memref<2x32xi32, #tpu.memory_space<vmem>>) target_semaphore(%arg23 : memref<!tpu.dma_semaphore, #tpu.memory_space<semaphore_mem>>)
      %add3A_435 = arith.constant 5 : i32
      %add3A_436 = arith.addi %add3A_256, %add3A_435 : i32
      %dma_wait3A_437 = arith.constant 0 : i32
      %dma_wait3A_438 = arith.constant 0 : i32
      %dma_wait3A_439 = tpu.memref_slice %arg11[%dma_wait3A_437, %dma_wait3A_438] : memref<2x32xi32, #tpu.memory_space<vmem>> -> memref<1x32xi32, #tpu.memory_space<vmem>>
      %dma_wait3A_440 = tpu.memref_squeeze %dma_wait3A_439 : memref<1x32xi32, #tpu.memory_space<vmem>> -> memref<32xi32, #tpu.memory_space<vmem>>
      %dma_wait3A_441 = arith.constant 0 : i32
      %dma_wait3A_442 = arith.constant 0 : i32
      %dma_wait3A_443 = tpu.memref_slice %arg2[%dma_wait3A_441, %dma_wait3A_442] : memref<10000x128xf32, #tpu.memory_space<hbm>> -> memref<10000x128xf32, #tpu.memory_space<hbm>>
      tpu.wait_indirect_dma semaphore(%arg28 : memref<!tpu.dma_semaphore, #tpu.memory_space<semaphore_mem>>) src(%dma_wait3A_443 : memref<10000x128xf32, #tpu.memory_space<hbm>>) dst(%arg15 : memref<32x128xf32, #tpu.memory_space<vmem>>)
      %run_scoped3A_444 = arith.constant 1 : i32
      "tpu.region"() ({
        %run_scoped3A_543 = tpu.sem_alloc : memref<!tpu.dma_semaphore, #tpu.memory_space<semaphore_mem>>
        %dma_start3A_544 = arith.constant 0 : i32
        %dma_start3A_545 = tpu.memref_slice %arg11[%run_scoped3A_444, %dma_start3A_544] : memref<2x32xi32, #tpu.memory_space<vmem>> -> memref<1x32xi32, #tpu.memory_space<vmem>>
        %dma_start3A_546 = tpu.memref_squeeze %dma_start3A_545 : memref<1x32xi32, #tpu.memory_space<vmem>> -> memref<32xi32, #tpu.memory_space<vmem>>
        %dma_start3A_547 = arith.constant 0 : i32
        %dma_start3A_548 = arith.constant 0 : i32
        %dma_start3A_549 = tpu.memref_slice %arg18[%dma_start3A_547, %dma_start3A_548] : memref<10112x128xf32, #tpu.memory_space<vmem_shared>> -> memref<10112x128xf32, #tpu.memory_space<vmem_shared>>
        tpu.enqueue_indirect_dma source(%arg15 : memref<32x128xf32, #tpu.memory_space<vmem>>) target(%dma_start3A_549 : memref<10112x128xf32, #tpu.memory_space<vmem_shared>>) offsets(%dma_start3A_546 : memref<32xi32, #tpu.memory_space<vmem>>) semaphore(%run_scoped3A_543 : memref<!tpu.dma_semaphore, #tpu.memory_space<semaphore_mem>>) {add = true}
        %dma_wait3A_550 = arith.constant 0 : i32
        %dma_wait3A_551 = tpu.memref_slice %arg11[%run_scoped3A_444, %dma_wait3A_550] : memref<2x32xi32, #tpu.memory_space<vmem>> -> memref<1x32xi32, #tpu.memory_space<vmem>>
        %dma_wait3A_552 = tpu.memref_squeeze %dma_wait3A_551 : memref<1x32xi32, #tpu.memory_space<vmem>> -> memref<32xi32, #tpu.memory_space<vmem>>
        %dma_wait3A_553 = arith.constant 0 : i32
        %dma_wait3A_554 = arith.constant 0 : i32
        %dma_wait3A_555 = tpu.memref_slice %arg18[%dma_wait3A_553, %dma_wait3A_554] : memref<10112x128xf32, #tpu.memory_space<vmem_shared>> -> memref<10112x128xf32, #tpu.memory_space<vmem_shared>>
        tpu.wait_indirect_dma semaphore(%run_scoped3A_543 : memref<!tpu.dma_semaphore, #tpu.memory_space<semaphore_mem>>) src(%arg15 : memref<32x128xf32, #tpu.memory_space<vmem>>) dst(%dma_wait3A_555 : memref<10112x128xf32, #tpu.memory_space<vmem_shared>>)
        tpu.yield
      }) : () -> ()
      %dma_wait3A_445 = arith.constant 0 : i32
      %dma_wait3A_446 = arith.constant 0 : i32
      %dma_wait3A_447 = tpu.memref_slice %arg3[%add3A_436, %dma_wait3A_445, %dma_wait3A_446] : memref<10240x2x32xi32, #tpu.memory_space<hbm>> -> memref<1x2x32xi32, #tpu.memory_space<hbm>>
      %dma_wait3A_448 = tpu.memref_squeeze %dma_wait3A_447 : memref<1x2x32xi32, #tpu.memory_space<hbm>> -> memref<2x32xi32, #tpu.memory_space<hbm>>
      %dma_wait3A_449 = arith.constant 0 : i32
      %dma_wait3A_450 = arith.constant 0 : i32
      %dma_wait3A_451 = tpu.memref_slice %arg3[%add3A_436, %dma_wait3A_449, %dma_wait3A_450] : memref<10240x2x32xi32, #tpu.memory_space<hbm>> -> memref<1x2x32xi32, #tpu.memory_space<hbm>>
      %dma_wait3A_452 = tpu.memref_squeeze %dma_wait3A_451 : memref<1x2x32xi32, #tpu.memory_space<hbm>> -> memref<2x32xi32, #tpu.memory_space<hbm>>
      tpu.wait_dma2 semaphore(%arg20 : memref<!tpu.dma_semaphore, #tpu.memory_space<semaphore_mem>>) src(%dma_wait3A_452 : memref<2x32xi32, #tpu.memory_space<hbm>>) dst(%arg7 : memref<2x32xi32, #tpu.memory_space<vmem>>)
      %dma_start3A_453 = arith.constant 0 : i32
      %dma_start3A_454 = arith.constant 0 : i32
      %dma_start3A_455 = tpu.memref_slice %arg7[%dma_start3A_453, %dma_start3A_454] : memref<2x32xi32, #tpu.memory_space<vmem>> -> memref<1x32xi32, #tpu.memory_space<vmem>>
      %dma_start3A_456 = tpu.memref_squeeze %dma_start3A_455 : memref<1x32xi32, #tpu.memory_space<vmem>> -> memref<32xi32, #tpu.memory_space<vmem>>
      %dma_start3A_457 = arith.constant 0 : i32
      %dma_start3A_458 = arith.constant 0 : i32
      %dma_start3A_459 = tpu.memref_slice %arg2[%dma_start3A_457, %dma_start3A_458] : memref<10000x128xf32, #tpu.memory_space<hbm>> -> memref<10000x128xf32, #tpu.memory_space<hbm>>
      tpu.enqueue_indirect_dma source(%dma_start3A_459 : memref<10000x128xf32, #tpu.memory_space<hbm>>) target(%arg15 : memref<32x128xf32, #tpu.memory_space<vmem>>) offsets(%dma_start3A_456 : memref<32xi32, #tpu.memory_space<vmem>>) semaphore(%arg28 : memref<!tpu.dma_semaphore, #tpu.memory_space<semaphore_mem>>)
      %add3A_460 = arith.constant 8 : i32
      %add3A_461 = arith.addi %add3A_436, %add3A_460 : i32
      %min3A_462 = arith.minsi %add3A_461, %sub3A_10 : i32
      %dma_start3A_463 = arith.constant 0 : i32
      %dma_start3A_464 = arith.constant 0 : i32
      %dma_start3A_465 = tpu.memref_slice %arg3[%min3A_462, %dma_start3A_463, %dma_start3A_464] : memref<10240x2x32xi32, #tpu.memory_space<hbm>> -> memref<1x2x32xi32, #tpu.memory_space<hbm>>
      %dma_start3A_466 = tpu.memref_squeeze %dma_start3A_465 : memref<1x2x32xi32, #tpu.memory_space<hbm>> -> memref<2x32xi32, #tpu.memory_space<hbm>>
      %dma_start3A_467 = arith.constant 0 : i32
      %dma_start3A_468 = arith.constant 0 : i32
      %dma_start3A_469 = tpu.memref_slice %arg3[%min3A_462, %dma_start3A_467, %dma_start3A_468] : memref<10240x2x32xi32, #tpu.memory_space<hbm>> -> memref<1x2x32xi32, #tpu.memory_space<hbm>>
      %dma_start3A_470 = tpu.memref_squeeze %dma_start3A_469 : memref<1x2x32xi32, #tpu.memory_space<hbm>> -> memref<2x32xi32, #tpu.memory_space<hbm>>
      tpu.enqueue_dma source(%dma_start3A_470 : memref<2x32xi32, #tpu.memory_space<hbm>>) target(%arg11 : memref<2x32xi32, #tpu.memory_space<vmem>>) target_semaphore(%arg24 : memref<!tpu.dma_semaphore, #tpu.memory_space<semaphore_mem>>)
      %add3A_471 = arith.constant 6 : i32
      %add3A_472 = arith.addi %add3A_256, %add3A_471 : i32
      %dma_wait3A_473 = arith.constant 0 : i32
      %dma_wait3A_474 = arith.constant 0 : i32
      %dma_wait3A_475 = tpu.memref_slice %arg12[%dma_wait3A_473, %dma_wait3A_474] : memref<2x32xi32, #tpu.memory_space<vmem>> -> memref<1x32xi32, #tpu.memory_space<vmem>>
      %dma_wait3A_476 = tpu.memref_squeeze %dma_wait3A_475 : memref<1x32xi32, #tpu.memory_space<vmem>> -> memref<32xi32, #tpu.memory_space<vmem>>
      %dma_wait3A_477 = arith.constant 0 : i32
      %dma_wait3A_478 = arith.constant 0 : i32
      %dma_wait3A_479 = tpu.memref_slice %arg2[%dma_wait3A_477, %dma_wait3A_478] : memref<10000x128xf32, #tpu.memory_space<hbm>> -> memref<10000x128xf32, #tpu.memory_space<hbm>>
      tpu.wait_indirect_dma semaphore(%arg29 : memref<!tpu.dma_semaphore, #tpu.memory_space<semaphore_mem>>) src(%dma_wait3A_479 : memref<10000x128xf32, #tpu.memory_space<hbm>>) dst(%arg16 : memref<32x128xf32, #tpu.memory_space<vmem>>)
      %run_scoped3A_480 = arith.constant 1 : i32
      "tpu.region"() ({
        %run_scoped3A_543 = tpu.sem_alloc : memref<!tpu.dma_semaphore, #tpu.memory_space<semaphore_mem>>
        %dma_start3A_544 = arith.constant 0 : i32
        %dma_start3A_545 = tpu.memref_slice %arg12[%run_scoped3A_480, %dma_start3A_544] : memref<2x32xi32, #tpu.memory_space<vmem>> -> memref<1x32xi32, #tpu.memory_space<vmem>>
        %dma_start3A_546 = tpu.memref_squeeze %dma_start3A_545 : memref<1x32xi32, #tpu.memory_space<vmem>> -> memref<32xi32, #tpu.memory_space<vmem>>
        %dma_start3A_547 = arith.constant 0 : i32
        %dma_start3A_548 = arith.constant 0 : i32
        %dma_start3A_549 = tpu.memref_slice %arg18[%dma_start3A_547, %dma_start3A_548] : memref<10112x128xf32, #tpu.memory_space<vmem_shared>> -> memref<10112x128xf32, #tpu.memory_space<vmem_shared>>
        tpu.enqueue_indirect_dma source(%arg16 : memref<32x128xf32, #tpu.memory_space<vmem>>) target(%dma_start3A_549 : memref<10112x128xf32, #tpu.memory_space<vmem_shared>>) offsets(%dma_start3A_546 : memref<32xi32, #tpu.memory_space<vmem>>) semaphore(%run_scoped3A_543 : memref<!tpu.dma_semaphore, #tpu.memory_space<semaphore_mem>>) {add = true}
        %dma_wait3A_550 = arith.constant 0 : i32
        %dma_wait3A_551 = tpu.memref_slice %arg12[%run_scoped3A_480, %dma_wait3A_550] : memref<2x32xi32, #tpu.memory_space<vmem>> -> memref<1x32xi32, #tpu.memory_space<vmem>>
        %dma_wait3A_552 = tpu.memref_squeeze %dma_wait3A_551 : memref<1x32xi32, #tpu.memory_space<vmem>> -> memref<32xi32, #tpu.memory_space<vmem>>
        %dma_wait3A_553 = arith.constant 0 : i32
        %dma_wait3A_554 = arith.constant 0 : i32
        %dma_wait3A_555 = tpu.memref_slice %arg18[%dma_wait3A_553, %dma_wait3A_554] : memref<10112x128xf32, #tpu.memory_space<vmem_shared>> -> memref<10112x128xf32, #tpu.memory_space<vmem_shared>>
        tpu.wait_indirect_dma semaphore(%run_scoped3A_543 : memref<!tpu.dma_semaphore, #tpu.memory_space<semaphore_mem>>) src(%arg16 : memref<32x128xf32, #tpu.memory_space<vmem>>) dst(%dma_wait3A_555 : memref<10112x128xf32, #tpu.memory_space<vmem_shared>>)
        tpu.yield
      }) : () -> ()
      %dma_wait3A_481 = arith.constant 0 : i32
      %dma_wait3A_482 = arith.constant 0 : i32
      %dma_wait3A_483 = tpu.memref_slice %arg3[%add3A_472, %dma_wait3A_481, %dma_wait3A_482] : memref<10240x2x32xi32, #tpu.memory_space<hbm>> -> memref<1x2x32xi32, #tpu.memory_space<hbm>>
      %dma_wait3A_484 = tpu.memref_squeeze %dma_wait3A_483 : memref<1x2x32xi32, #tpu.memory_space<hbm>> -> memref<2x32xi32, #tpu.memory_space<hbm>>
      %dma_wait3A_485 = arith.constant 0 : i32
      %dma_wait3A_486 = arith.constant 0 : i32
      %dma_wait3A_487 = tpu.memref_slice %arg3[%add3A_472, %dma_wait3A_485, %dma_wait3A_486] : memref<10240x2x32xi32, #tpu.memory_space<hbm>> -> memref<1x2x32xi32, #tpu.memory_space<hbm>>
      %dma_wait3A_488 = tpu.memref_squeeze %dma_wait3A_487 : memref<1x2x32xi32, #tpu.memory_space<hbm>> -> memref<2x32xi32, #tpu.memory_space<hbm>>
      tpu.wait_dma2 semaphore(%arg21 : memref<!tpu.dma_semaphore, #tpu.memory_space<semaphore_mem>>) src(%dma_wait3A_488 : memref<2x32xi32, #tpu.memory_space<hbm>>) dst(%arg8 : memref<2x32xi32, #tpu.memory_space<vmem>>)
      %dma_start3A_489 = arith.constant 0 : i32
      %dma_start3A_490 = arith.constant 0 : i32
      %dma_start3A_491 = tpu.memref_slice %arg8[%dma_start3A_489, %dma_start3A_490] : memref<2x32xi32, #tpu.memory_space<vmem>> -> memref<1x32xi32, #tpu.memory_space<vmem>>
      %dma_start3A_492 = tpu.memref_squeeze %dma_start3A_491 : memref<1x32xi32, #tpu.memory_space<vmem>> -> memref<32xi32, #tpu.memory_space<vmem>>
      %dma_start3A_493 = arith.constant 0 : i32
      %dma_start3A_494 = arith.constant 0 : i32
      %dma_start3A_495 = tpu.memref_slice %arg2[%dma_start3A_493, %dma_start3A_494] : memref<10000x128xf32, #tpu.memory_space<hbm>> -> memref<10000x128xf32, #tpu.memory_space<hbm>>
      tpu.enqueue_indirect_dma source(%dma_start3A_495 : memref<10000x128xf32, #tpu.memory_space<hbm>>) target(%arg16 : memref<32x128xf32, #tpu.memory_space<vmem>>) offsets(%dma_start3A_492 : memref<32xi32, #tpu.memory_space<vmem>>) semaphore(%arg29 : memref<!tpu.dma_semaphore, #tpu.memory_space<semaphore_mem>>)
      %add3A_496 = arith.constant 8 : i32
      %add3A_497 = arith.addi %add3A_472, %add3A_496 : i32
      %min3A_498 = arith.minsi %add3A_497, %sub3A_10 : i32
      %dma_start3A_499 = arith.constant 0 : i32
      %dma_start3A_500 = arith.constant 0 : i32
      %dma_start3A_501 = tpu.memref_slice %arg3[%min3A_498, %dma_start3A_499, %dma_start3A_500] : memref<10240x2x32xi32, #tpu.memory_space<hbm>> -> memref<1x2x32xi32, #tpu.memory_space<hbm>>
      %dma_start3A_502 = tpu.memref_squeeze %dma_start3A_501 : memref<1x2x32xi32, #tpu.memory_space<hbm>> -> memref<2x32xi32, #tpu.memory_space<hbm>>
      %dma_start3A_503 = arith.constant 0 : i32
      %dma_start3A_504 = arith.constant 0 : i32
      %dma_start3A_505 = tpu.memref_slice %arg3[%min3A_498, %dma_start3A_503, %dma_start3A_504] : memref<10240x2x32xi32, #tpu.memory_space<hbm>> -> memref<1x2x32xi32, #tpu.memory_space<hbm>>
      %dma_start3A_506 = tpu.memref_squeeze %dma_start3A_505 : memref<1x2x32xi32, #tpu.memory_space<hbm>> -> memref<2x32xi32, #tpu.memory_space<hbm>>
      tpu.enqueue_dma source(%dma_start3A_506 : memref<2x32xi32, #tpu.memory_space<hbm>>) target(%arg12 : memref<2x32xi32, #tpu.memory_space<vmem>>) target_semaphore(%arg25 : memref<!tpu.dma_semaphore, #tpu.memory_space<semaphore_mem>>)
      %add3A_507 = arith.constant 7 : i32
      %add3A_508 = arith.addi %add3A_256, %add3A_507 : i32
      %dma_wait3A_509 = arith.constant 0 : i32
      %dma_wait3A_510 = arith.constant 0 : i32
      %dma_wait3A_511 = tpu.memref_slice %arg13[%dma_wait3A_509, %dma_wait3A_510] : memref<2x32xi32, #tpu.memory_space<vmem>> -> memref<1x32xi32, #tpu.memory_space<vmem>>
      %dma_wait3A_512 = tpu.memref_squeeze %dma_wait3A_511 : memref<1x32xi32, #tpu.memory_space<vmem>> -> memref<32xi32, #tpu.memory_space<vmem>>
      %dma_wait3A_513 = arith.constant 0 : i32
      %dma_wait3A_514 = arith.constant 0 : i32
      %dma_wait3A_515 = tpu.memref_slice %arg2[%dma_wait3A_513, %dma_wait3A_514] : memref<10000x128xf32, #tpu.memory_space<hbm>> -> memref<10000x128xf32, #tpu.memory_space<hbm>>
      tpu.wait_indirect_dma semaphore(%arg30 : memref<!tpu.dma_semaphore, #tpu.memory_space<semaphore_mem>>) src(%dma_wait3A_515 : memref<10000x128xf32, #tpu.memory_space<hbm>>) dst(%arg17 : memref<32x128xf32, #tpu.memory_space<vmem>>)
      %run_scoped3A_516 = arith.constant 1 : i32
      "tpu.region"() ({
        %run_scoped3A_543 = tpu.sem_alloc : memref<!tpu.dma_semaphore, #tpu.memory_space<semaphore_mem>>
        %dma_start3A_544 = arith.constant 0 : i32
        %dma_start3A_545 = tpu.memref_slice %arg13[%run_scoped3A_516, %dma_start3A_544] : memref<2x32xi32, #tpu.memory_space<vmem>> -> memref<1x32xi32, #tpu.memory_space<vmem>>
        %dma_start3A_546 = tpu.memref_squeeze %dma_start3A_545 : memref<1x32xi32, #tpu.memory_space<vmem>> -> memref<32xi32, #tpu.memory_space<vmem>>
        %dma_start3A_547 = arith.constant 0 : i32
        %dma_start3A_548 = arith.constant 0 : i32
        %dma_start3A_549 = tpu.memref_slice %arg18[%dma_start3A_547, %dma_start3A_548] : memref<10112x128xf32, #tpu.memory_space<vmem_shared>> -> memref<10112x128xf32, #tpu.memory_space<vmem_shared>>
        tpu.enqueue_indirect_dma source(%arg17 : memref<32x128xf32, #tpu.memory_space<vmem>>) target(%dma_start3A_549 : memref<10112x128xf32, #tpu.memory_space<vmem_shared>>) offsets(%dma_start3A_546 : memref<32xi32, #tpu.memory_space<vmem>>) semaphore(%run_scoped3A_543 : memref<!tpu.dma_semaphore, #tpu.memory_space<semaphore_mem>>) {add = true}
        %dma_wait3A_550 = arith.constant 0 : i32
        %dma_wait3A_551 = tpu.memref_slice %arg13[%run_scoped3A_516, %dma_wait3A_550] : memref<2x32xi32, #tpu.memory_space<vmem>> -> memref<1x32xi32, #tpu.memory_space<vmem>>
        %dma_wait3A_552 = tpu.memref_squeeze %dma_wait3A_551 : memref<1x32xi32, #tpu.memory_space<vmem>> -> memref<32xi32, #tpu.memory_space<vmem>>
        %dma_wait3A_553 = arith.constant 0 : i32
        %dma_wait3A_554 = arith.constant 0 : i32
        %dma_wait3A_555 = tpu.memref_slice %arg18[%dma_wait3A_553, %dma_wait3A_554] : memref<10112x128xf32, #tpu.memory_space<vmem_shared>> -> memref<10112x128xf32, #tpu.memory_space<vmem_shared>>
        tpu.wait_indirect_dma semaphore(%run_scoped3A_543 : memref<!tpu.dma_semaphore, #tpu.memory_space<semaphore_mem>>) src(%arg17 : memref<32x128xf32, #tpu.memory_space<vmem>>) dst(%dma_wait3A_555 : memref<10112x128xf32, #tpu.memory_space<vmem_shared>>)
        tpu.yield
      }) : () -> ()
      %dma_wait3A_517 = arith.constant 0 : i32
      %dma_wait3A_518 = arith.constant 0 : i32
      %dma_wait3A_519 = tpu.memref_slice %arg3[%add3A_508, %dma_wait3A_517, %dma_wait3A_518] : memref<10240x2x32xi32, #tpu.memory_space<hbm>> -> memref<1x2x32xi32, #tpu.memory_space<hbm>>
      %dma_wait3A_520 = tpu.memref_squeeze %dma_wait3A_519 : memref<1x2x32xi32, #tpu.memory_space<hbm>> -> memref<2x32xi32, #tpu.memory_space<hbm>>
      %dma_wait3A_521 = arith.constant 0 : i32
      %dma_wait3A_522 = arith.constant 0 : i32
      %dma_wait3A_523 = tpu.memref_slice %arg3[%add3A_508, %dma_wait3A_521, %dma_wait3A_522] : memref<10240x2x32xi32, #tpu.memory_space<hbm>> -> memref<1x2x32xi32, #tpu.memory_space<hbm>>
      %dma_wait3A_524 = tpu.memref_squeeze %dma_wait3A_523 : memref<1x2x32xi32, #tpu.memory_space<hbm>> -> memref<2x32xi32, #tpu.memory_space<hbm>>
      tpu.wait_dma2 semaphore(%arg22 : memref<!tpu.dma_semaphore, #tpu.memory_space<semaphore_mem>>) src(%dma_wait3A_524 : memref<2x32xi32, #tpu.memory_space<hbm>>) dst(%arg9 : memref<2x32xi32, #tpu.memory_space<vmem>>)
      %dma_start3A_525 = arith.constant 0 : i32
      %dma_start3A_526 = arith.constant 0 : i32
      %dma_start3A_527 = tpu.memref_slice %arg9[%dma_start3A_525, %dma_start3A_526] : memref<2x32xi32, #tpu.memory_space<vmem>> -> memref<1x32xi32, #tpu.memory_space<vmem>>
      %dma_start3A_528 = tpu.memref_squeeze %dma_start3A_527 : memref<1x32xi32, #tpu.memory_space<vmem>> -> memref<32xi32, #tpu.memory_space<vmem>>
      %dma_start3A_529 = arith.constant 0 : i32
      %dma_start3A_530 = arith.constant 0 : i32
      %dma_start3A_531 = tpu.memref_slice %arg2[%dma_start3A_529, %dma_start3A_530] : memref<10000x128xf32, #tpu.memory_space<hbm>> -> memref<10000x128xf32, #tpu.memory_space<hbm>>
      tpu.enqueue_indirect_dma source(%dma_start3A_531 : memref<10000x128xf32, #tpu.memory_space<hbm>>) target(%arg17 : memref<32x128xf32, #tpu.memory_space<vmem>>) offsets(%dma_start3A_528 : memref<32xi32, #tpu.memory_space<vmem>>) semaphore(%arg30 : memref<!tpu.dma_semaphore, #tpu.memory_space<semaphore_mem>>)
      %add3A_532 = arith.constant 8 : i32
      %add3A_533 = arith.addi %add3A_508, %add3A_532 : i32
      %min3A_534 = arith.minsi %add3A_533, %sub3A_10 : i32
      %dma_start3A_535 = arith.constant 0 : i32
      %dma_start3A_536 = arith.constant 0 : i32
      %dma_start3A_537 = tpu.memref_slice %arg3[%min3A_534, %dma_start3A_535, %dma_start3A_536] : memref<10240x2x32xi32, #tpu.memory_space<hbm>> -> memref<1x2x32xi32, #tpu.memory_space<hbm>>
      %dma_start3A_538 = tpu.memref_squeeze %dma_start3A_537 : memref<1x2x32xi32, #tpu.memory_space<hbm>> -> memref<2x32xi32, #tpu.memory_space<hbm>>
      %dma_start3A_539 = arith.constant 0 : i32
      %dma_start3A_540 = arith.constant 0 : i32
      %dma_start3A_541 = tpu.memref_slice %arg3[%min3A_534, %dma_start3A_539, %dma_start3A_540] : memref<10240x2x32xi32, #tpu.memory_space<hbm>> -> memref<1x2x32xi32, #tpu.memory_space<hbm>>
      %dma_start3A_542 = tpu.memref_squeeze %dma_start3A_541 : memref<1x2x32xi32, #tpu.memory_space<hbm>> -> memref<2x32xi32, #tpu.memory_space<hbm>>
      tpu.enqueue_dma source(%dma_start3A_542 : memref<2x32xi32, #tpu.memory_space<hbm>>) target(%arg13 : memref<2x32xi32, #tpu.memory_space<vmem>>) target_semaphore(%arg26 : memref<!tpu.dma_semaphore, #tpu.memory_space<semaphore_mem>>)
    }
    %while3A_186 = arith.constant 1 : i32
    scf.for %while3A_253 = %while3A_184 to %while3A_180 step %while3A_186  : i32 {
      %mul3A_254 = arith.constant 8 : i32
      %mul3A_255 = arith.muli %mul3A_254, %while3A_253 : i32
      %add3A_256 = arith.addi %select_n3A, %mul3A_255 : i32
      %add3A_257 = arith.constant 0 : i32
      %add3A_258 = arith.addi %add3A_256, %add3A_257 : i32
      %dma_wait3A_259 = arith.constant 0 : i32
      %dma_wait3A_260 = arith.constant 0 : i32
      %dma_wait3A_261 = tpu.memref_slice %arg6[%dma_wait3A_259, %dma_wait3A_260] : memref<2x32xi32, #tpu.memory_space<vmem>> -> memref<1x32xi32, #tpu.memory_space<vmem>>
      %dma_wait3A_262 = tpu.memref_squeeze %dma_wait3A_261 : memref<1x32xi32, #tpu.memory_space<vmem>> -> memref<32xi32, #tpu.memory_space<vmem>>
      %dma_wait3A_263 = arith.constant 0 : i32
      %dma_wait3A_264 = arith.constant 0 : i32
      %dma_wait3A_265 = tpu.memref_slice %arg2[%dma_wait3A_263, %dma_wait3A_264] : memref<10000x128xf32, #tpu.memory_space<hbm>> -> memref<10000x128xf32, #tpu.memory_space<hbm>>
      tpu.wait_indirect_dma semaphore(%arg27 : memref<!tpu.dma_semaphore, #tpu.memory_space<semaphore_mem>>) src(%dma_wait3A_265 : memref<10000x128xf32, #tpu.memory_space<hbm>>) dst(%arg14 : memref<32x128xf32, #tpu.memory_space<vmem>>)
      %run_scoped3A = arith.constant 1 : i32
      "tpu.region"() ({
        %run_scoped3A_543 = tpu.sem_alloc : memref<!tpu.dma_semaphore, #tpu.memory_space<semaphore_mem>>
        %dma_start3A_544 = arith.constant 0 : i32
        %dma_start3A_545 = tpu.memref_slice %arg6[%run_scoped3A, %dma_start3A_544] : memref<2x32xi32, #tpu.memory_space<vmem>> -> memref<1x32xi32, #tpu.memory_space<vmem>>
        %dma_start3A_546 = tpu.memref_squeeze %dma_start3A_545 : memref<1x32xi32, #tpu.memory_space<vmem>> -> memref<32xi32, #tpu.memory_space<vmem>>
        %dma_start3A_547 = arith.constant 0 : i32
        %dma_start3A_548 = arith.constant 0 : i32
        %dma_start3A_549 = tpu.memref_slice %arg18[%dma_start3A_547, %dma_start3A_548] : memref<10112x128xf32, #tpu.memory_space<vmem_shared>> -> memref<10112x128xf32, #tpu.memory_space<vmem_shared>>
        tpu.enqueue_indirect_dma source(%arg14 : memref<32x128xf32, #tpu.memory_space<vmem>>) target(%dma_start3A_549 : memref<10112x128xf32, #tpu.memory_space<vmem_shared>>) offsets(%dma_start3A_546 : memref<32xi32, #tpu.memory_space<vmem>>) semaphore(%run_scoped3A_543 : memref<!tpu.dma_semaphore, #tpu.memory_space<semaphore_mem>>) {add = true}
        %dma_wait3A_550 = arith.constant 0 : i32
        %dma_wait3A_551 = tpu.memref_slice %arg6[%run_scoped3A, %dma_wait3A_550] : memref<2x32xi32, #tpu.memory_space<vmem>> -> memref<1x32xi32, #tpu.memory_space<vmem>>
        %dma_wait3A_552 = tpu.memref_squeeze %dma_wait3A_551 : memref<1x32xi32, #tpu.memory_space<vmem>> -> memref<32xi32, #tpu.memory_space<vmem>>
        %dma_wait3A_553 = arith.constant 0 : i32
        %dma_wait3A_554 = arith.constant 0 : i32
        %dma_wait3A_555 = tpu.memref_slice %arg18[%dma_wait3A_553, %dma_wait3A_554] : memref<10112x128xf32, #tpu.memory_space<vmem_shared>> -> memref<10112x128xf32, #tpu.memory_space<vmem_shared>>
        tpu.wait_indirect_dma semaphore(%run_scoped3A_543 : memref<!tpu.dma_semaphore, #tpu.memory_space<semaphore_mem>>) src(%arg14 : memref<32x128xf32, #tpu.memory_space<vmem>>) dst(%dma_wait3A_555 : memref<10112x128xf32, #tpu.memory_space<vmem_shared>>)
        tpu.yield
      }) : () -> ()
      %dma_wait3A_266 = arith.constant 0 : i32
      %dma_wait3A_267 = arith.constant 0 : i32
      %dma_wait3A_268 = tpu.memref_slice %arg3[%add3A_258, %dma_wait3A_266, %dma_wait3A_267] : memref<10240x2x32xi32, #tpu.memory_space<hbm>> -> memref<1x2x32xi32, #tpu.memory_space<hbm>>
      %dma_wait3A_269 = tpu.memref_squeeze %dma_wait3A_268 : memref<1x2x32xi32, #tpu.memory_space<hbm>> -> memref<2x32xi32, #tpu.memory_space<hbm>>
      %dma_wait3A_270 = arith.constant 0 : i32
      %dma_wait3A_271 = arith.constant 0 : i32
      %dma_wait3A_272 = tpu.memref_slice %arg3[%add3A_258, %dma_wait3A_270, %dma_wait3A_271] : memref<10240x2x32xi32, #tpu.memory_space<hbm>> -> memref<1x2x32xi32, #tpu.memory_space<hbm>>
      %dma_wait3A_273 = tpu.memref_squeeze %dma_wait3A_272 : memref<1x2x32xi32, #tpu.memory_space<hbm>> -> memref<2x32xi32, #tpu.memory_space<hbm>>
      tpu.wait_dma2 semaphore(%arg23 : memref<!tpu.dma_semaphore, #tpu.memory_space<semaphore_mem>>) src(%dma_wait3A_273 : memref<2x32xi32, #tpu.memory_space<hbm>>) dst(%arg10 : memref<2x32xi32, #tpu.memory_space<vmem>>)
      %dma_start3A_274 = arith.constant 0 : i32
      %dma_start3A_275 = arith.constant 0 : i32
      %dma_start3A_276 = tpu.memref_slice %arg10[%dma_start3A_274, %dma_start3A_275] : memref<2x32xi32, #tpu.memory_space<vmem>> -> memref<1x32xi32, #tpu.memory_space<vmem>>
      %dma_start3A_277 = tpu.memref_squeeze %dma_start3A_276 : memref<1x32xi32, #tpu.memory_space<vmem>> -> memref<32xi32, #tpu.memory_space<vmem>>
      %dma_start3A_278 = arith.constant 0 : i32
      %dma_start3A_279 = arith.constant 0 : i32
      %dma_start3A_280 = tpu.memref_slice %arg2[%dma_start3A_278, %dma_start3A_279] : memref<10000x128xf32, #tpu.memory_space<hbm>> -> memref<10000x128xf32, #tpu.memory_space<hbm>>
      tpu.enqueue_indirect_dma source(%dma_start3A_280 : memref<10000x128xf32, #tpu.memory_space<hbm>>) target(%arg14 : memref<32x128xf32, #tpu.memory_space<vmem>>) offsets(%dma_start3A_277 : memref<32xi32, #tpu.memory_space<vmem>>) semaphore(%arg27 : memref<!tpu.dma_semaphore, #tpu.memory_space<semaphore_mem>>)
      %add3A_281 = arith.constant 8 : i32
      %add3A_282 = arith.addi %add3A_258, %add3A_281 : i32
      %min3A = arith.minsi %add3A_282, %sub3A_10 : i32
      %dma_start3A_283 = arith.constant 0 : i32
      %dma_start3A_284 = arith.constant 0 : i32
      %dma_start3A_285 = tpu.memref_slice %arg3[%min3A, %dma_start3A_283, %dma_start3A_284] : memref<10240x2x32xi32, #tpu.memory_space<hbm>> -> memref<1x2x32xi32, #tpu.memory_space<hbm>>
      %dma_start3A_286 = tpu.memref_squeeze %dma_start3A_285 : memref<1x2x32xi32, #tpu.memory_space<hbm>> -> memref<2x32xi32, #tpu.memory_space<hbm>>
      %dma_start3A_287 = arith.constant 0 : i32
      %dma_start3A_288 = arith.constant 0 : i32
      %dma_start3A_289 = tpu.memref_slice %arg3[%min3A, %dma_start3A_287, %dma_start3A_288] : memref<10240x2x32xi32, #tpu.memory_space<hbm>> -> memref<1x2x32xi32, #tpu.memory_space<hbm>>
      %dma_start3A_290 = tpu.memref_squeeze %dma_start3A_289 : memref<1x2x32xi32, #tpu.memory_space<hbm>> -> memref<2x32xi32, #tpu.memory_space<hbm>>
      tpu.enqueue_dma source(%dma_start3A_290 : memref<2x32xi32, #tpu.memory_space<hbm>>) target(%arg6 : memref<2x32xi32, #tpu.memory_space<vmem>>) target_semaphore(%arg19 : memref<!tpu.dma_semaphore, #tpu.memory_space<semaphore_mem>>)
      %add3A_291 = arith.constant 1 : i32
      %add3A_292 = arith.addi %add3A_256, %add3A_291 : i32
      %dma_wait3A_293 = arith.constant 0 : i32
      %dma_wait3A_294 = arith.constant 0 : i32
      %dma_wait3A_295 = tpu.memref_slice %arg7[%dma_wait3A_293, %dma_wait3A_294] : memref<2x32xi32, #tpu.memory_space<vmem>> -> memref<1x32xi32, #tpu.memory_space<vmem>>
      %dma_wait3A_296 = tpu.memref_squeeze %dma_wait3A_295 : memref<1x32xi32, #tpu.memory_space<vmem>> -> memref<32xi32, #tpu.memory_space<vmem>>
      %dma_wait3A_297 = arith.constant 0 : i32
      %dma_wait3A_298 = arith.constant 0 : i32
      %dma_wait3A_299 = tpu.memref_slice %arg2[%dma_wait3A_297, %dma_wait3A_298] : memref<10000x128xf32, #tpu.memory_space<hbm>> -> memref<10000x128xf32, #tpu.memory_space<hbm>>
      tpu.wait_indirect_dma semaphore(%arg28 : memref<!tpu.dma_semaphore, #tpu.memory_space<semaphore_mem>>) src(%dma_wait3A_299 : memref<10000x128xf32, #tpu.memory_space<hbm>>) dst(%arg15 : memref<32x128xf32, #tpu.memory_space<vmem>>)
      %run_scoped3A_300 = arith.constant 1 : i32
      "tpu.region"() ({
        %run_scoped3A_543 = tpu.sem_alloc : memref<!tpu.dma_semaphore, #tpu.memory_space<semaphore_mem>>
        %dma_start3A_544 = arith.constant 0 : i32
        %dma_start3A_545 = tpu.memref_slice %arg7[%run_scoped3A_300, %dma_start3A_544] : memref<2x32xi32, #tpu.memory_space<vmem>> -> memref<1x32xi32, #tpu.memory_space<vmem>>
        %dma_start3A_546 = tpu.memref_squeeze %dma_start3A_545 : memref<1x32xi32, #tpu.memory_space<vmem>> -> memref<32xi32, #tpu.memory_space<vmem>>
        %dma_start3A_547 = arith.constant 0 : i32
        %dma_start3A_548 = arith.constant 0 : i32
        %dma_start3A_549 = tpu.memref_slice %arg18[%dma_start3A_547, %dma_start3A_548] : memref<10112x128xf32, #tpu.memory_space<vmem_shared>> -> memref<10112x128xf32, #tpu.memory_space<vmem_shared>>
        tpu.enqueue_indirect_dma source(%arg15 : memref<32x128xf32, #tpu.memory_space<vmem>>) target(%dma_start3A_549 : memref<10112x128xf32, #tpu.memory_space<vmem_shared>>) offsets(%dma_start3A_546 : memref<32xi32, #tpu.memory_space<vmem>>) semaphore(%run_scoped3A_543 : memref<!tpu.dma_semaphore, #tpu.memory_space<semaphore_mem>>) {add = true}
        %dma_wait3A_550 = arith.constant 0 : i32
        %dma_wait3A_551 = tpu.memref_slice %arg7[%run_scoped3A_300, %dma_wait3A_550] : memref<2x32xi32, #tpu.memory_space<vmem>> -> memref<1x32xi32, #tpu.memory_space<vmem>>
        %dma_wait3A_552 = tpu.memref_squeeze %dma_wait3A_551 : memref<1x32xi32, #tpu.memory_space<vmem>> -> memref<32xi32, #tpu.memory_space<vmem>>
        %dma_wait3A_553 = arith.constant 0 : i32
        %dma_wait3A_554 = arith.constant 0 : i32
        %dma_wait3A_555 = tpu.memref_slice %arg18[%dma_wait3A_553, %dma_wait3A_554] : memref<10112x128xf32, #tpu.memory_space<vmem_shared>> -> memref<10112x128xf32, #tpu.memory_space<vmem_shared>>
        tpu.wait_indirect_dma semaphore(%run_scoped3A_543 : memref<!tpu.dma_semaphore, #tpu.memory_space<semaphore_mem>>) src(%arg15 : memref<32x128xf32, #tpu.memory_space<vmem>>) dst(%dma_wait3A_555 : memref<10112x128xf32, #tpu.memory_space<vmem_shared>>)
        tpu.yield
      }) : () -> ()
      %dma_wait3A_301 = arith.constant 0 : i32
      %dma_wait3A_302 = arith.constant 0 : i32
      %dma_wait3A_303 = tpu.memref_slice %arg3[%add3A_292, %dma_wait3A_301, %dma_wait3A_302] : memref<10240x2x32xi32, #tpu.memory_space<hbm>> -> memref<1x2x32xi32, #tpu.memory_space<hbm>>
      %dma_wait3A_304 = tpu.memref_squeeze %dma_wait3A_303 : memref<1x2x32xi32, #tpu.memory_space<hbm>> -> memref<2x32xi32, #tpu.memory_space<hbm>>
      %dma_wait3A_305 = arith.constant 0 : i32
      %dma_wait3A_306 = arith.constant 0 : i32
      %dma_wait3A_307 = tpu.memref_slice %arg3[%add3A_292, %dma_wait3A_305, %dma_wait3A_306] : memref<10240x2x32xi32, #tpu.memory_space<hbm>> -> memref<1x2x32xi32, #tpu.memory_space<hbm>>
      %dma_wait3A_308 = tpu.memref_squeeze %dma_wait3A_307 : memref<1x2x32xi32, #tpu.memory_space<hbm>> -> memref<2x32xi32, #tpu.memory_space<hbm>>
      tpu.wait_dma2 semaphore(%arg24 : memref<!tpu.dma_semaphore, #tpu.memory_space<semaphore_mem>>) src(%dma_wait3A_308 : memref<2x32xi32, #tpu.memory_space<hbm>>) dst(%arg11 : memref<2x32xi32, #tpu.memory_space<vmem>>)
      %dma_start3A_309 = arith.constant 0 : i32
      %dma_start3A_310 = arith.constant 0 : i32
      %dma_start3A_311 = tpu.memref_slice %arg11[%dma_start3A_309, %dma_start3A_310] : memref<2x32xi32, #tpu.memory_space<vmem>> -> memref<1x32xi32, #tpu.memory_space<vmem>>
      %dma_start3A_312 = tpu.memref_squeeze %dma_start3A_311 : memref<1x32xi32, #tpu.memory_space<vmem>> -> memref<32xi32, #tpu.memory_space<vmem>>
      %dma_start3A_313 = arith.constant 0 : i32
      %dma_start3A_314 = arith.constant 0 : i32
      %dma_start3A_315 = tpu.memref_slice %arg2[%dma_start3A_313, %dma_start3A_314] : memref<10000x128xf32, #tpu.memory_space<hbm>> -> memref<10000x128xf32, #tpu.memory_space<hbm>>
      tpu.enqueue_indirect_dma source(%dma_start3A_315 : memref<10000x128xf32, #tpu.memory_space<hbm>>) target(%arg15 : memref<32x128xf32, #tpu.memory_space<vmem>>) offsets(%dma_start3A_312 : memref<32xi32, #tpu.memory_space<vmem>>) semaphore(%arg28 : memref<!tpu.dma_semaphore, #tpu.memory_space<semaphore_mem>>)
      %add3A_316 = arith.constant 8 : i32
      %add3A_317 = arith.addi %add3A_292, %add3A_316 : i32
      %min3A_318 = arith.minsi %add3A_317, %sub3A_10 : i32
      %dma_start3A_319 = arith.constant 0 : i32
      %dma_start3A_320 = arith.constant 0 : i32
      %dma_start3A_321 = tpu.memref_slice %arg3[%min3A_318, %dma_start3A_319, %dma_start3A_320] : memref<10240x2x32xi32, #tpu.memory_space<hbm>> -> memref<1x2x32xi32, #tpu.memory_space<hbm>>
      %dma_start3A_322 = tpu.memref_squeeze %dma_start3A_321 : memref<1x2x32xi32, #tpu.memory_space<hbm>> -> memref<2x32xi32, #tpu.memory_space<hbm>>
      %dma_start3A_323 = arith.constant 0 : i32
      %dma_start3A_324 = arith.constant 0 : i32
      %dma_start3A_325 = tpu.memref_slice %arg3[%min3A_318, %dma_start3A_323, %dma_start3A_324] : memref<10240x2x32xi32, #tpu.memory_space<hbm>> -> memref<1x2x32xi32, #tpu.memory_space<hbm>>
      %dma_start3A_326 = tpu.memref_squeeze %dma_start3A_325 : memref<1x2x32xi32, #tpu.memory_space<hbm>> -> memref<2x32xi32, #tpu.memory_space<hbm>>
      tpu.enqueue_dma source(%dma_start3A_326 : memref<2x32xi32, #tpu.memory_space<hbm>>) target(%arg7 : memref<2x32xi32, #tpu.memory_space<vmem>>) target_semaphore(%arg20 : memref<!tpu.dma_semaphore, #tpu.memory_space<semaphore_mem>>)
      %add3A_327 = arith.constant 2 : i32
      %add3A_328 = arith.addi %add3A_256, %add3A_327 : i32
      %dma_wait3A_329 = arith.constant 0 : i32
      %dma_wait3A_330 = arith.constant 0 : i32
      %dma_wait3A_331 = tpu.memref_slice %arg8[%dma_wait3A_329, %dma_wait3A_330] : memref<2x32xi32, #tpu.memory_space<vmem>> -> memref<1x32xi32, #tpu.memory_space<vmem>>
      %dma_wait3A_332 = tpu.memref_squeeze %dma_wait3A_331 : memref<1x32xi32, #tpu.memory_space<vmem>> -> memref<32xi32, #tpu.memory_space<vmem>>
      %dma_wait3A_333 = arith.constant 0 : i32
      %dma_wait3A_334 = arith.constant 0 : i32
      %dma_wait3A_335 = tpu.memref_slice %arg2[%dma_wait3A_333, %dma_wait3A_334] : memref<10000x128xf32, #tpu.memory_space<hbm>> -> memref<10000x128xf32, #tpu.memory_space<hbm>>
      tpu.wait_indirect_dma semaphore(%arg29 : memref<!tpu.dma_semaphore, #tpu.memory_space<semaphore_mem>>) src(%dma_wait3A_335 : memref<10000x128xf32, #tpu.memory_space<hbm>>) dst(%arg16 : memref<32x128xf32, #tpu.memory_space<vmem>>)
      %run_scoped3A_336 = arith.constant 1 : i32
      "tpu.region"() ({
        %run_scoped3A_543 = tpu.sem_alloc : memref<!tpu.dma_semaphore, #tpu.memory_space<semaphore_mem>>
        %dma_start3A_544 = arith.constant 0 : i32
        %dma_start3A_545 = tpu.memref_slice %arg8[%run_scoped3A_336, %dma_start3A_544] : memref<2x32xi32, #tpu.memory_space<vmem>> -> memref<1x32xi32, #tpu.memory_space<vmem>>
        %dma_start3A_546 = tpu.memref_squeeze %dma_start3A_545 : memref<1x32xi32, #tpu.memory_space<vmem>> -> memref<32xi32, #tpu.memory_space<vmem>>
        %dma_start3A_547 = arith.constant 0 : i32
        %dma_start3A_548 = arith.constant 0 : i32
        %dma_start3A_549 = tpu.memref_slice %arg18[%dma_start3A_547, %dma_start3A_548] : memref<10112x128xf32, #tpu.memory_space<vmem_shared>> -> memref<10112x128xf32, #tpu.memory_space<vmem_shared>>
        tpu.enqueue_indirect_dma source(%arg16 : memref<32x128xf32, #tpu.memory_space<vmem>>) target(%dma_start3A_549 : memref<10112x128xf32, #tpu.memory_space<vmem_shared>>) offsets(%dma_start3A_546 : memref<32xi32, #tpu.memory_space<vmem>>) semaphore(%run_scoped3A_543 : memref<!tpu.dma_semaphore, #tpu.memory_space<semaphore_mem>>) {add = true}
        %dma_wait3A_550 = arith.constant 0 : i32
        %dma_wait3A_551 = tpu.memref_slice %arg8[%run_scoped3A_336, %dma_wait3A_550] : memref<2x32xi32, #tpu.memory_space<vmem>> -> memref<1x32xi32, #tpu.memory_space<vmem>>
        %dma_wait3A_552 = tpu.memref_squeeze %dma_wait3A_551 : memref<1x32xi32, #tpu.memory_space<vmem>> -> memref<32xi32, #tpu.memory_space<vmem>>
        %dma_wait3A_553 = arith.constant 0 : i32
        %dma_wait3A_554 = arith.constant 0 : i32
        %dma_wait3A_555 = tpu.memref_slice %arg18[%dma_wait3A_553, %dma_wait3A_554] : memref<10112x128xf32, #tpu.memory_space<vmem_shared>> -> memref<10112x128xf32, #tpu.memory_space<vmem_shared>>
        tpu.wait_indirect_dma semaphore(%run_scoped3A_543 : memref<!tpu.dma_semaphore, #tpu.memory_space<semaphore_mem>>) src(%arg16 : memref<32x128xf32, #tpu.memory_space<vmem>>) dst(%dma_wait3A_555 : memref<10112x128xf32, #tpu.memory_space<vmem_shared>>)
        tpu.yield
      }) : () -> ()
      %dma_wait3A_337 = arith.constant 0 : i32
      %dma_wait3A_338 = arith.constant 0 : i32
      %dma_wait3A_339 = tpu.memref_slice %arg3[%add3A_328, %dma_wait3A_337, %dma_wait3A_338] : memref<10240x2x32xi32, #tpu.memory_space<hbm>> -> memref<1x2x32xi32, #tpu.memory_space<hbm>>
      %dma_wait3A_340 = tpu.memref_squeeze %dma_wait3A_339 : memref<1x2x32xi32, #tpu.memory_space<hbm>> -> memref<2x32xi32, #tpu.memory_space<hbm>>
      %dma_wait3A_341 = arith.constant 0 : i32
      %dma_wait3A_342 = arith.constant 0 : i32
      %dma_wait3A_343 = tpu.memref_slice %arg3[%add3A_328, %dma_wait3A_341, %dma_wait3A_342] : memref<10240x2x32xi32, #tpu.memory_space<hbm>> -> memref<1x2x32xi32, #tpu.memory_space<hbm>>
      %dma_wait3A_344 = tpu.memref_squeeze %dma_wait3A_343 : memref<1x2x32xi32, #tpu.memory_space<hbm>> -> memref<2x32xi32, #tpu.memory_space<hbm>>
      tpu.wait_dma2 semaphore(%arg25 : memref<!tpu.dma_semaphore, #tpu.memory_space<semaphore_mem>>) src(%dma_wait3A_344 : memref<2x32xi32, #tpu.memory_space<hbm>>) dst(%arg12 : memref<2x32xi32, #tpu.memory_space<vmem>>)
      %dma_start3A_345 = arith.constant 0 : i32
      %dma_start3A_346 = arith.constant 0 : i32
      %dma_start3A_347 = tpu.memref_slice %arg12[%dma_start3A_345, %dma_start3A_346] : memref<2x32xi32, #tpu.memory_space<vmem>> -> memref<1x32xi32, #tpu.memory_space<vmem>>
      %dma_start3A_348 = tpu.memref_squeeze %dma_start3A_347 : memref<1x32xi32, #tpu.memory_space<vmem>> -> memref<32xi32, #tpu.memory_space<vmem>>
      %dma_start3A_349 = arith.constant 0 : i32
      %dma_start3A_350 = arith.constant 0 : i32
      %dma_start3A_351 = tpu.memref_slice %arg2[%dma_start3A_349, %dma_start3A_350] : memref<10000x128xf32, #tpu.memory_space<hbm>> -> memref<10000x128xf32, #tpu.memory_space<hbm>>
      tpu.enqueue_indirect_dma source(%dma_start3A_351 : memref<10000x128xf32, #tpu.memory_space<hbm>>) target(%arg16 : memref<32x128xf32, #tpu.memory_space<vmem>>) offsets(%dma_start3A_348 : memref<32xi32, #tpu.memory_space<vmem>>) semaphore(%arg29 : memref<!tpu.dma_semaphore, #tpu.memory_space<semaphore_mem>>)
      %add3A_352 = arith.constant 8 : i32
      %add3A_353 = arith.addi %add3A_328, %add3A_352 : i32
      %min3A_354 = arith.minsi %add3A_353, %sub3A_10 : i32
      %dma_start3A_355 = arith.constant 0 : i32
      %dma_start3A_356 = arith.constant 0 : i32
      %dma_start3A_357 = tpu.memref_slice %arg3[%min3A_354, %dma_start3A_355, %dma_start3A_356] : memref<10240x2x32xi32, #tpu.memory_space<hbm>> -> memref<1x2x32xi32, #tpu.memory_space<hbm>>
      %dma_start3A_358 = tpu.memref_squeeze %dma_start3A_357 : memref<1x2x32xi32, #tpu.memory_space<hbm>> -> memref<2x32xi32, #tpu.memory_space<hbm>>
      %dma_start3A_359 = arith.constant 0 : i32
      %dma_start3A_360 = arith.constant 0 : i32
      %dma_start3A_361 = tpu.memref_slice %arg3[%min3A_354, %dma_start3A_359, %dma_start3A_360] : memref<10240x2x32xi32, #tpu.memory_space<hbm>> -> memref<1x2x32xi32, #tpu.memory_space<hbm>>
      %dma_start3A_362 = tpu.memref_squeeze %dma_start3A_361 : memref<1x2x32xi32, #tpu.memory_space<hbm>> -> memref<2x32xi32, #tpu.memory_space<hbm>>
      tpu.enqueue_dma source(%dma_start3A_362 : memref<2x32xi32, #tpu.memory_space<hbm>>) target(%arg8 : memref<2x32xi32, #tpu.memory_space<vmem>>) target_semaphore(%arg21 : memref<!tpu.dma_semaphore, #tpu.memory_space<semaphore_mem>>)
      %add3A_363 = arith.constant 3 : i32
      %add3A_364 = arith.addi %add3A_256, %add3A_363 : i32
      %dma_wait3A_365 = arith.constant 0 : i32
      %dma_wait3A_366 = arith.constant 0 : i32
      %dma_wait3A_367 = tpu.memref_slice %arg9[%dma_wait3A_365, %dma_wait3A_366] : memref<2x32xi32, #tpu.memory_space<vmem>> -> memref<1x32xi32, #tpu.memory_space<vmem>>
      %dma_wait3A_368 = tpu.memref_squeeze %dma_wait3A_367 : memref<1x32xi32, #tpu.memory_space<vmem>> -> memref<32xi32, #tpu.memory_space<vmem>>
      %dma_wait3A_369 = arith.constant 0 : i32
      %dma_wait3A_370 = arith.constant 0 : i32
      %dma_wait3A_371 = tpu.memref_slice %arg2[%dma_wait3A_369, %dma_wait3A_370] : memref<10000x128xf32, #tpu.memory_space<hbm>> -> memref<10000x128xf32, #tpu.memory_space<hbm>>
      tpu.wait_indirect_dma semaphore(%arg30 : memref<!tpu.dma_semaphore, #tpu.memory_space<semaphore_mem>>) src(%dma_wait3A_371 : memref<10000x128xf32, #tpu.memory_space<hbm>>) dst(%arg17 : memref<32x128xf32, #tpu.memory_space<vmem>>)
      %run_scoped3A_372 = arith.constant 1 : i32
      "tpu.region"() ({
        %run_scoped3A_543 = tpu.sem_alloc : memref<!tpu.dma_semaphore, #tpu.memory_space<semaphore_mem>>
        %dma_start3A_544 = arith.constant 0 : i32
        %dma_start3A_545 = tpu.memref_slice %arg9[%run_scoped3A_372, %dma_start3A_544] : memref<2x32xi32, #tpu.memory_space<vmem>> -> memref<1x32xi32, #tpu.memory_space<vmem>>
        %dma_start3A_546 = tpu.memref_squeeze %dma_start3A_545 : memref<1x32xi32, #tpu.memory_space<vmem>> -> memref<32xi32, #tpu.memory_space<vmem>>
        %dma_start3A_547 = arith.constant 0 : i32
        %dma_start3A_548 = arith.constant 0 : i32
        %dma_start3A_549 = tpu.memref_slice %arg18[%dma_start3A_547, %dma_start3A_548] : memref<10112x128xf32, #tpu.memory_space<vmem_shared>> -> memref<10112x128xf32, #tpu.memory_space<vmem_shared>>
        tpu.enqueue_indirect_dma source(%arg17 : memref<32x128xf32, #tpu.memory_space<vmem>>) target(%dma_start3A_549 : memref<10112x128xf32, #tpu.memory_space<vmem_shared>>) offsets(%dma_start3A_546 : memref<32xi32, #tpu.memory_space<vmem>>) semaphore(%run_scoped3A_543 : memref<!tpu.dma_semaphore, #tpu.memory_space<semaphore_mem>>) {add = true}
        %dma_wait3A_550 = arith.constant 0 : i32
        %dma_wait3A_551 = tpu.memref_slice %arg9[%run_scoped3A_372, %dma_wait3A_550] : memref<2x32xi32, #tpu.memory_space<vmem>> -> memref<1x32xi32, #tpu.memory_space<vmem>>
        %dma_wait3A_552 = tpu.memref_squeeze %dma_wait3A_551 : memref<1x32xi32, #tpu.memory_space<vmem>> -> memref<32xi32, #tpu.memory_space<vmem>>
        %dma_wait3A_553 = arith.constant 0 : i32
        %dma_wait3A_554 = arith.constant 0 : i32
        %dma_wait3A_555 = tpu.memref_slice %arg18[%dma_wait3A_553, %dma_wait3A_554] : memref<10112x128xf32, #tpu.memory_space<vmem_shared>> -> memref<10112x128xf32, #tpu.memory_space<vmem_shared>>
        tpu.wait_indirect_dma semaphore(%run_scoped3A_543 : memref<!tpu.dma_semaphore, #tpu.memory_space<semaphore_mem>>) src(%arg17 : memref<32x128xf32, #tpu.memory_space<vmem>>) dst(%dma_wait3A_555 : memref<10112x128xf32, #tpu.memory_space<vmem_shared>>)
        tpu.yield
      }) : () -> ()
      %dma_wait3A_373 = arith.constant 0 : i32
      %dma_wait3A_374 = arith.constant 0 : i32
      %dma_wait3A_375 = tpu.memref_slice %arg3[%add3A_364, %dma_wait3A_373, %dma_wait3A_374] : memref<10240x2x32xi32, #tpu.memory_space<hbm>> -> memref<1x2x32xi32, #tpu.memory_space<hbm>>
      %dma_wait3A_376 = tpu.memref_squeeze %dma_wait3A_375 : memref<1x2x32xi32, #tpu.memory_space<hbm>> -> memref<2x32xi32, #tpu.memory_space<hbm>>
      %dma_wait3A_377 = arith.constant 0 : i32
      %dma_wait3A_378 = arith.constant 0 : i32
      %dma_wait3A_379 = tpu.memref_slice %arg3[%add3A_364, %dma_wait3A_377, %dma_wait3A_378] : memref<10240x2x32xi32, #tpu.memory_space<hbm>> -> memref<1x2x32xi32, #tpu.memory_space<hbm>>
      %dma_wait3A_380 = tpu.memref_squeeze %dma_wait3A_379 : memref<1x2x32xi32, #tpu.memory_space<hbm>> -> memref<2x32xi32, #tpu.memory_space<hbm>>
      tpu.wait_dma2 semaphore(%arg26 : memref<!tpu.dma_semaphore, #tpu.memory_space<semaphore_mem>>) src(%dma_wait3A_380 : memref<2x32xi32, #tpu.memory_space<hbm>>) dst(%arg13 : memref<2x32xi32, #tpu.memory_space<vmem>>)
      %dma_start3A_381 = arith.constant 0 : i32
      %dma_start3A_382 = arith.constant 0 : i32
      %dma_start3A_383 = tpu.memref_slice %arg13[%dma_start3A_381, %dma_start3A_382] : memref<2x32xi32, #tpu.memory_space<vmem>> -> memref<1x32xi32, #tpu.memory_space<vmem>>
      %dma_start3A_384 = tpu.memref_squeeze %dma_start3A_383 : memref<1x32xi32, #tpu.memory_space<vmem>> -> memref<32xi32, #tpu.memory_space<vmem>>
      %dma_start3A_385 = arith.constant 0 : i32
      %dma_start3A_386 = arith.constant 0 : i32
      %dma_start3A_387 = tpu.memref_slice %arg2[%dma_start3A_385, %dma_start3A_386] : memref<10000x128xf32, #tpu.memory_space<hbm>> -> memref<10000x128xf32, #tpu.memory_space<hbm>>
      tpu.enqueue_indirect_dma source(%dma_start3A_387 : memref<10000x128xf32, #tpu.memory_space<hbm>>) target(%arg17 : memref<32x128xf32, #tpu.memory_space<vmem>>) offsets(%dma_start3A_384 : memref<32xi32, #tpu.memory_space<vmem>>) semaphore(%arg30 : memref<!tpu.dma_semaphore, #tpu.memory_space<semaphore_mem>>)
      %add3A_388 = arith.constant 8 : i32
      %add3A_389 = arith.addi %add3A_364, %add3A_388 : i32
      %min3A_390 = arith.minsi %add3A_389, %sub3A_10 : i32
      %dma_start3A_391 = arith.constant 0 : i32
      %dma_start3A_392 = arith.constant 0 : i32
      %dma_start3A_393 = tpu.memref_slice %arg3[%min3A_390, %dma_start3A_391, %dma_start3A_392] : memref<10240x2x32xi32, #tpu.memory_space<hbm>> -> memref<1x2x32xi32, #tpu.memory_space<hbm>>
      %dma_start3A_394 = tpu.memref_squeeze %dma_start3A_393 : memref<1x2x32xi32, #tpu.memory_space<hbm>> -> memref<2x32xi32, #tpu.memory_space<hbm>>
      %dma_start3A_395 = arith.constant 0 : i32
      %dma_start3A_396 = arith.constant 0 : i32
      %dma_start3A_397 = tpu.memref_slice %arg3[%min3A_390, %dma_start3A_395, %dma_start3A_396] : memref<10240x2x32xi32, #tpu.memory_space<hbm>> -> memref<1x2x32xi32, #tpu.memory_space<hbm>>
      %dma_start3A_398 = tpu.memref_squeeze %dma_start3A_397 : memref<1x2x32xi32, #tpu.memory_space<hbm>> -> memref<2x32xi32, #tpu.memory_space<hbm>>
      tpu.enqueue_dma source(%dma_start3A_398 : memref<2x32xi32, #tpu.memory_space<hbm>>) target(%arg9 : memref<2x32xi32, #tpu.memory_space<vmem>>) target_semaphore(%arg22 : memref<!tpu.dma_semaphore, #tpu.memory_space<semaphore_mem>>)
      %add3A_399 = arith.constant 4 : i32
      %add3A_400 = arith.addi %add3A_256, %add3A_399 : i32
      %dma_wait3A_401 = arith.constant 0 : i32
      %dma_wait3A_402 = arith.constant 0 : i32
      %dma_wait3A_403 = tpu.memref_slice %arg10[%dma_wait3A_401, %dma_wait3A_402] : memref<2x32xi32, #tpu.memory_space<vmem>> -> memref<1x32xi32, #tpu.memory_space<vmem>>
      %dma_wait3A_404 = tpu.memref_squeeze %dma_wait3A_403 : memref<1x32xi32, #tpu.memory_space<vmem>> -> memref<32xi32, #tpu.memory_space<vmem>>
      %dma_wait3A_405 = arith.constant 0 : i32
      %dma_wait3A_406 = arith.constant 0 : i32
      %dma_wait3A_407 = tpu.memref_slice %arg2[%dma_wait3A_405, %dma_wait3A_406] : memref<10000x128xf32, #tpu.memory_space<hbm>> -> memref<10000x128xf32, #tpu.memory_space<hbm>>
      tpu.wait_indirect_dma semaphore(%arg27 : memref<!tpu.dma_semaphore, #tpu.memory_space<semaphore_mem>>) src(%dma_wait3A_407 : memref<10000x128xf32, #tpu.memory_space<hbm>>) dst(%arg14 : memref<32x128xf32, #tpu.memory_space<vmem>>)
      %run_scoped3A_408 = arith.constant 1 : i32
      "tpu.region"() ({
        %run_scoped3A_543 = tpu.sem_alloc : memref<!tpu.dma_semaphore, #tpu.memory_space<semaphore_mem>>
        %dma_start3A_544 = arith.constant 0 : i32
        %dma_start3A_545 = tpu.memref_slice %arg10[%run_scoped3A_408, %dma_start3A_544] : memref<2x32xi32, #tpu.memory_space<vmem>> -> memref<1x32xi32, #tpu.memory_space<vmem>>
        %dma_start3A_546 = tpu.memref_squeeze %dma_start3A_545 : memref<1x32xi32, #tpu.memory_space<vmem>> -> memref<32xi32, #tpu.memory_space<vmem>>
        %dma_start3A_547 = arith.constant 0 : i32
        %dma_start3A_548 = arith.constant 0 : i32
        %dma_start3A_549 = tpu.memref_slice %arg18[%dma_start3A_547, %dma_start3A_548] : memref<10112x128xf32, #tpu.memory_space<vmem_shared>> -> memref<10112x128xf32, #tpu.memory_space<vmem_shared>>
        tpu.enqueue_indirect_dma source(%arg14 : memref<32x128xf32, #tpu.memory_space<vmem>>) target(%dma_start3A_549 : memref<10112x128xf32, #tpu.memory_space<vmem_shared>>) offsets(%dma_start3A_546 : memref<32xi32, #tpu.memory_space<vmem>>) semaphore(%run_scoped3A_543 : memref<!tpu.dma_semaphore, #tpu.memory_space<semaphore_mem>>) {add = true}
        %dma_wait3A_550 = arith.constant 0 : i32
        %dma_wait3A_551 = tpu.memref_slice %arg10[%run_scoped3A_408, %dma_wait3A_550] : memref<2x32xi32, #tpu.memory_space<vmem>> -> memref<1x32xi32, #tpu.memory_space<vmem>>
        %dma_wait3A_552 = tpu.memref_squeeze %dma_wait3A_551 : memref<1x32xi32, #tpu.memory_space<vmem>> -> memref<32xi32, #tpu.memory_space<vmem>>
        %dma_wait3A_553 = arith.constant 0 : i32
        %dma_wait3A_554 = arith.constant 0 : i32
        %dma_wait3A_555 = tpu.memref_slice %arg18[%dma_wait3A_553, %dma_wait3A_554] : memref<10112x128xf32, #tpu.memory_space<vmem_shared>> -> memref<10112x128xf32, #tpu.memory_space<vmem_shared>>
        tpu.wait_indirect_dma semaphore(%run_scoped3A_543 : memref<!tpu.dma_semaphore, #tpu.memory_space<semaphore_mem>>) src(%arg14 : memref<32x128xf32, #tpu.memory_space<vmem>>) dst(%dma_wait3A_555 : memref<10112x128xf32, #tpu.memory_space<vmem_shared>>)
        tpu.yield
      }) : () -> ()
      %dma_wait3A_409 = arith.constant 0 : i32
      %dma_wait3A_410 = arith.constant 0 : i32
      %dma_wait3A_411 = tpu.memref_slice %arg3[%add3A_400, %dma_wait3A_409, %dma_wait3A_410] : memref<10240x2x32xi32, #tpu.memory_space<hbm>> -> memref<1x2x32xi32, #tpu.memory_space<hbm>>
      %dma_wait3A_412 = tpu.memref_squeeze %dma_wait3A_411 : memref<1x2x32xi32, #tpu.memory_space<hbm>> -> memref<2x32xi32, #tpu.memory_space<hbm>>
      %dma_wait3A_413 = arith.constant 0 : i32
      %dma_wait3A_414 = arith.constant 0 : i32
      %dma_wait3A_415 = tpu.memref_slice %arg3[%add3A_400, %dma_wait3A_413, %dma_wait3A_414] : memref<10240x2x32xi32, #tpu.memory_space<hbm>> -> memref<1x2x32xi32, #tpu.memory_space<hbm>>
      %dma_wait3A_416 = tpu.memref_squeeze %dma_wait3A_415 : memref<1x2x32xi32, #tpu.memory_space<hbm>> -> memref<2x32xi32, #tpu.memory_space<hbm>>
      tpu.wait_dma2 semaphore(%arg19 : memref<!tpu.dma_semaphore, #tpu.memory_space<semaphore_mem>>) src(%dma_wait3A_416 : memref<2x32xi32, #tpu.memory_space<hbm>>) dst(%arg6 : memref<2x32xi32, #tpu.memory_space<vmem>>)
      %dma_start3A_417 = arith.constant 0 : i32
      %dma_start3A_418 = arith.constant 0 : i32
      %dma_start3A_419 = tpu.memref_slice %arg6[%dma_start3A_417, %dma_start3A_418] : memref<2x32xi32, #tpu.memory_space<vmem>> -> memref<1x32xi32, #tpu.memory_space<vmem>>
      %dma_start3A_420 = tpu.memref_squeeze %dma_start3A_419 : memref<1x32xi32, #tpu.memory_space<vmem>> -> memref<32xi32, #tpu.memory_space<vmem>>
      %dma_start3A_421 = arith.constant 0 : i32
      %dma_start3A_422 = arith.constant 0 : i32
      %dma_start3A_423 = tpu.memref_slice %arg2[%dma_start3A_421, %dma_start3A_422] : memref<10000x128xf32, #tpu.memory_space<hbm>> -> memref<10000x128xf32, #tpu.memory_space<hbm>>
      tpu.enqueue_indirect_dma source(%dma_start3A_423 : memref<10000x128xf32, #tpu.memory_space<hbm>>) target(%arg14 : memref<32x128xf32, #tpu.memory_space<vmem>>) offsets(%dma_start3A_420 : memref<32xi32, #tpu.memory_space<vmem>>) semaphore(%arg27 : memref<!tpu.dma_semaphore, #tpu.memory_space<semaphore_mem>>)
      %add3A_424 = arith.constant 8 : i32
      %add3A_425 = arith.addi %add3A_400, %add3A_424 : i32
      %min3A_426 = arith.minsi %add3A_425, %sub3A_10 : i32
      %dma_start3A_427 = arith.constant 0 : i32
      %dma_start3A_428 = arith.constant 0 : i32
      %dma_start3A_429 = tpu.memref_slice %arg3[%min3A_426, %dma_start3A_427, %dma_start3A_428] : memref<10240x2x32xi32, #tpu.memory_space<hbm>> -> memref<1x2x32xi32, #tpu.memory_space<hbm>>
      %dma_start3A_430 = tpu.memref_squeeze %dma_start3A_429 : memref<1x2x32xi32, #tpu.memory_space<hbm>> -> memref<2x32xi32, #tpu.memory_space<hbm>>
      %dma_start3A_431 = arith.constant 0 : i32
      %dma_start3A_432 = arith.constant 0 : i32
      %dma_start3A_433 = tpu.memref_slice %arg3[%min3A_426, %dma_start3A_431, %dma_start3A_432] : memref<10240x2x32xi32, #tpu.memory_space<hbm>> -> memref<1x2x32xi32, #tpu.memory_space<hbm>>
      %dma_start3A_434 = tpu.memref_squeeze %dma_start3A_433 : memref<1x2x32xi32, #tpu.memory_space<hbm>> -> memref<2x32xi32, #tpu.memory_space<hbm>>
      tpu.enqueue_dma source(%dma_start3A_434 : memref<2x32xi32, #tpu.memory_space<hbm>>) target(%arg10 : memref<2x32xi32, #tpu.memory_space<vmem>>) target_semaphore(%arg23 : memref<!tpu.dma_semaphore, #tpu.memory_space<semaphore_mem>>)
      %add3A_435 = arith.constant 5 : i32
      %add3A_436 = arith.addi %add3A_256, %add3A_435 : i32
      %dma_wait3A_437 = arith.constant 0 : i32
      %dma_wait3A_438 = arith.constant 0 : i32
      %dma_wait3A_439 = tpu.memref_slice %arg11[%dma_wait3A_437, %dma_wait3A_438] : memref<2x32xi32, #tpu.memory_space<vmem>> -> memref<1x32xi32, #tpu.memory_space<vmem>>
      %dma_wait3A_440 = tpu.memref_squeeze %dma_wait3A_439 : memref<1x32xi32, #tpu.memory_space<vmem>> -> memref<32xi32, #tpu.memory_space<vmem>>
      %dma_wait3A_441 = arith.constant 0 : i32
      %dma_wait3A_442 = arith.constant 0 : i32
      %dma_wait3A_443 = tpu.memref_slice %arg2[%dma_wait3A_441, %dma_wait3A_442] : memref<10000x128xf32, #tpu.memory_space<hbm>> -> memref<10000x128xf32, #tpu.memory_space<hbm>>
      tpu.wait_indirect_dma semaphore(%arg28 : memref<!tpu.dma_semaphore, #tpu.memory_space<semaphore_mem>>) src(%dma_wait3A_443 : memref<10000x128xf32, #tpu.memory_space<hbm>>) dst(%arg15 : memref<32x128xf32, #tpu.memory_space<vmem>>)
      %run_scoped3A_444 = arith.constant 1 : i32
      "tpu.region"() ({
        %run_scoped3A_543 = tpu.sem_alloc : memref<!tpu.dma_semaphore, #tpu.memory_space<semaphore_mem>>
        %dma_start3A_544 = arith.constant 0 : i32
        %dma_start3A_545 = tpu.memref_slice %arg11[%run_scoped3A_444, %dma_start3A_544] : memref<2x32xi32, #tpu.memory_space<vmem>> -> memref<1x32xi32, #tpu.memory_space<vmem>>
        %dma_start3A_546 = tpu.memref_squeeze %dma_start3A_545 : memref<1x32xi32, #tpu.memory_space<vmem>> -> memref<32xi32, #tpu.memory_space<vmem>>
        %dma_start3A_547 = arith.constant 0 : i32
        %dma_start3A_548 = arith.constant 0 : i32
        %dma_start3A_549 = tpu.memref_slice %arg18[%dma_start3A_547, %dma_start3A_548] : memref<10112x128xf32, #tpu.memory_space<vmem_shared>> -> memref<10112x128xf32, #tpu.memory_space<vmem_shared>>
        tpu.enqueue_indirect_dma source(%arg15 : memref<32x128xf32, #tpu.memory_space<vmem>>) target(%dma_start3A_549 : memref<10112x128xf32, #tpu.memory_space<vmem_shared>>) offsets(%dma_start3A_546 : memref<32xi32, #tpu.memory_space<vmem>>) semaphore(%run_scoped3A_543 : memref<!tpu.dma_semaphore, #tpu.memory_space<semaphore_mem>>) {add = true}
        %dma_wait3A_550 = arith.constant 0 : i32
        %dma_wait3A_551 = tpu.memref_slice %arg11[%run_scoped3A_444, %dma_wait3A_550] : memref<2x32xi32, #tpu.memory_space<vmem>> -> memref<1x32xi32, #tpu.memory_space<vmem>>
        %dma_wait3A_552 = tpu.memref_squeeze %dma_wait3A_551 : memref<1x32xi32, #tpu.memory_space<vmem>> -> memref<32xi32, #tpu.memory_space<vmem>>
        %dma_wait3A_553 = arith.constant 0 : i32
        %dma_wait3A_554 = arith.constant 0 : i32
        %dma_wait3A_555 = tpu.memref_slice %arg18[%dma_wait3A_553, %dma_wait3A_554] : memref<10112x128xf32, #tpu.memory_space<vmem_shared>> -> memref<10112x128xf32, #tpu.memory_space<vmem_shared>>
        tpu.wait_indirect_dma semaphore(%run_scoped3A_543 : memref<!tpu.dma_semaphore, #tpu.memory_space<semaphore_mem>>) src(%arg15 : memref<32x128xf32, #tpu.memory_space<vmem>>) dst(%dma_wait3A_555 : memref<10112x128xf32, #tpu.memory_space<vmem_shared>>)
        tpu.yield
      }) : () -> ()
      %dma_wait3A_445 = arith.constant 0 : i32
      %dma_wait3A_446 = arith.constant 0 : i32
      %dma_wait3A_447 = tpu.memref_slice %arg3[%add3A_436, %dma_wait3A_445, %dma_wait3A_446] : memref<10240x2x32xi32, #tpu.memory_space<hbm>> -> memref<1x2x32xi32, #tpu.memory_space<hbm>>
      %dma_wait3A_448 = tpu.memref_squeeze %dma_wait3A_447 : memref<1x2x32xi32, #tpu.memory_space<hbm>> -> memref<2x32xi32, #tpu.memory_space<hbm>>
      %dma_wait3A_449 = arith.constant 0 : i32
      %dma_wait3A_450 = arith.constant 0 : i32
      %dma_wait3A_451 = tpu.memref_slice %arg3[%add3A_436, %dma_wait3A_449, %dma_wait3A_450] : memref<10240x2x32xi32, #tpu.memory_space<hbm>> -> memref<1x2x32xi32, #tpu.memory_space<hbm>>
      %dma_wait3A_452 = tpu.memref_squeeze %dma_wait3A_451 : memref<1x2x32xi32, #tpu.memory_space<hbm>> -> memref<2x32xi32, #tpu.memory_space<hbm>>
      tpu.wait_dma2 semaphore(%arg20 : memref<!tpu.dma_semaphore, #tpu.memory_space<semaphore_mem>>) src(%dma_wait3A_452 : memref<2x32xi32, #tpu.memory_space<hbm>>) dst(%arg7 : memref<2x32xi32, #tpu.memory_space<vmem>>)
      %dma_start3A_453 = arith.constant 0 : i32
      %dma_start3A_454 = arith.constant 0 : i32
      %dma_start3A_455 = tpu.memref_slice %arg7[%dma_start3A_453, %dma_start3A_454] : memref<2x32xi32, #tpu.memory_space<vmem>> -> memref<1x32xi32, #tpu.memory_space<vmem>>
      %dma_start3A_456 = tpu.memref_squeeze %dma_start3A_455 : memref<1x32xi32, #tpu.memory_space<vmem>> -> memref<32xi32, #tpu.memory_space<vmem>>
      %dma_start3A_457 = arith.constant 0 : i32
      %dma_start3A_458 = arith.constant 0 : i32
      %dma_start3A_459 = tpu.memref_slice %arg2[%dma_start3A_457, %dma_start3A_458] : memref<10000x128xf32, #tpu.memory_space<hbm>> -> memref<10000x128xf32, #tpu.memory_space<hbm>>
      tpu.enqueue_indirect_dma source(%dma_start3A_459 : memref<10000x128xf32, #tpu.memory_space<hbm>>) target(%arg15 : memref<32x128xf32, #tpu.memory_space<vmem>>) offsets(%dma_start3A_456 : memref<32xi32, #tpu.memory_space<vmem>>) semaphore(%arg28 : memref<!tpu.dma_semaphore, #tpu.memory_space<semaphore_mem>>)
      %add3A_460 = arith.constant 8 : i32
      %add3A_461 = arith.addi %add3A_436, %add3A_460 : i32
      %min3A_462 = arith.minsi %add3A_461, %sub3A_10 : i32
      %dma_start3A_463 = arith.constant 0 : i32
      %dma_start3A_464 = arith.constant 0 : i32
      %dma_start3A_465 = tpu.memref_slice %arg3[%min3A_462, %dma_start3A_463, %dma_start3A_464] : memref<10240x2x32xi32, #tpu.memory_space<hbm>> -> memref<1x2x32xi32, #tpu.memory_space<hbm>>
      %dma_start3A_466 = tpu.memref_squeeze %dma_start3A_465 : memref<1x2x32xi32, #tpu.memory_space<hbm>> -> memref<2x32xi32, #tpu.memory_space<hbm>>
      %dma_start3A_467 = arith.constant 0 : i32
      %dma_start3A_468 = arith.constant 0 : i32
      %dma_start3A_469 = tpu.memref_slice %arg3[%min3A_462, %dma_start3A_467, %dma_start3A_468] : memref<10240x2x32xi32, #tpu.memory_space<hbm>> -> memref<1x2x32xi32, #tpu.memory_space<hbm>>
      %dma_start3A_470 = tpu.memref_squeeze %dma_start3A_469 : memref<1x2x32xi32, #tpu.memory_space<hbm>> -> memref<2x32xi32, #tpu.memory_space<hbm>>
      tpu.enqueue_dma source(%dma_start3A_470 : memref<2x32xi32, #tpu.memory_space<hbm>>) target(%arg11 : memref<2x32xi32, #tpu.memory_space<vmem>>) target_semaphore(%arg24 : memref<!tpu.dma_semaphore, #tpu.memory_space<semaphore_mem>>)
      %add3A_471 = arith.constant 6 : i32
      %add3A_472 = arith.addi %add3A_256, %add3A_471 : i32
      %dma_wait3A_473 = arith.constant 0 : i32
      %dma_wait3A_474 = arith.constant 0 : i32
      %dma_wait3A_475 = tpu.memref_slice %arg12[%dma_wait3A_473, %dma_wait3A_474] : memref<2x32xi32, #tpu.memory_space<vmem>> -> memref<1x32xi32, #tpu.memory_space<vmem>>
      %dma_wait3A_476 = tpu.memref_squeeze %dma_wait3A_475 : memref<1x32xi32, #tpu.memory_space<vmem>> -> memref<32xi32, #tpu.memory_space<vmem>>
      %dma_wait3A_477 = arith.constant 0 : i32
      %dma_wait3A_478 = arith.constant 0 : i32
      %dma_wait3A_479 = tpu.memref_slice %arg2[%dma_wait3A_477, %dma_wait3A_478] : memref<10000x128xf32, #tpu.memory_space<hbm>> -> memref<10000x128xf32, #tpu.memory_space<hbm>>
      tpu.wait_indirect_dma semaphore(%arg29 : memref<!tpu.dma_semaphore, #tpu.memory_space<semaphore_mem>>) src(%dma_wait3A_479 : memref<10000x128xf32, #tpu.memory_space<hbm>>) dst(%arg16 : memref<32x128xf32, #tpu.memory_space<vmem>>)
      %run_scoped3A_480 = arith.constant 1 : i32
      "tpu.region"() ({
        %run_scoped3A_543 = tpu.sem_alloc : memref<!tpu.dma_semaphore, #tpu.memory_space<semaphore_mem>>
        %dma_start3A_544 = arith.constant 0 : i32
        %dma_start3A_545 = tpu.memref_slice %arg12[%run_scoped3A_480, %dma_start3A_544] : memref<2x32xi32, #tpu.memory_space<vmem>> -> memref<1x32xi32, #tpu.memory_space<vmem>>
        %dma_start3A_546 = tpu.memref_squeeze %dma_start3A_545 : memref<1x32xi32, #tpu.memory_space<vmem>> -> memref<32xi32, #tpu.memory_space<vmem>>
        %dma_start3A_547 = arith.constant 0 : i32
        %dma_start3A_548 = arith.constant 0 : i32
        %dma_start3A_549 = tpu.memref_slice %arg18[%dma_start3A_547, %dma_start3A_548] : memref<10112x128xf32, #tpu.memory_space<vmem_shared>> -> memref<10112x128xf32, #tpu.memory_space<vmem_shared>>
        tpu.enqueue_indirect_dma source(%arg16 : memref<32x128xf32, #tpu.memory_space<vmem>>) target(%dma_start3A_549 : memref<10112x128xf32, #tpu.memory_space<vmem_shared>>) offsets(%dma_start3A_546 : memref<32xi32, #tpu.memory_space<vmem>>) semaphore(%run_scoped3A_543 : memref<!tpu.dma_semaphore, #tpu.memory_space<semaphore_mem>>) {add = true}
        %dma_wait3A_550 = arith.constant 0 : i32
        %dma_wait3A_551 = tpu.memref_slice %arg12[%run_scoped3A_480, %dma_wait3A_550] : memref<2x32xi32, #tpu.memory_space<vmem>> -> memref<1x32xi32, #tpu.memory_space<vmem>>
        %dma_wait3A_552 = tpu.memref_squeeze %dma_wait3A_551 : memref<1x32xi32, #tpu.memory_space<vmem>> -> memref<32xi32, #tpu.memory_space<vmem>>
        %dma_wait3A_553 = arith.constant 0 : i32
        %dma_wait3A_554 = arith.constant 0 : i32
        %dma_wait3A_555 = tpu.memref_slice %arg18[%dma_wait3A_553, %dma_wait3A_554] : memref<10112x128xf32, #tpu.memory_space<vmem_shared>> -> memref<10112x128xf32, #tpu.memory_space<vmem_shared>>
        tpu.wait_indirect_dma semaphore(%run_scoped3A_543 : memref<!tpu.dma_semaphore, #tpu.memory_space<semaphore_mem>>) src(%arg16 : memref<32x128xf32, #tpu.memory_space<vmem>>) dst(%dma_wait3A_555 : memref<10112x128xf32, #tpu.memory_space<vmem_shared>>)
        tpu.yield
      }) : () -> ()
      %dma_wait3A_481 = arith.constant 0 : i32
      %dma_wait3A_482 = arith.constant 0 : i32
      %dma_wait3A_483 = tpu.memref_slice %arg3[%add3A_472, %dma_wait3A_481, %dma_wait3A_482] : memref<10240x2x32xi32, #tpu.memory_space<hbm>> -> memref<1x2x32xi32, #tpu.memory_space<hbm>>
      %dma_wait3A_484 = tpu.memref_squeeze %dma_wait3A_483 : memref<1x2x32xi32, #tpu.memory_space<hbm>> -> memref<2x32xi32, #tpu.memory_space<hbm>>
      %dma_wait3A_485 = arith.constant 0 : i32
      %dma_wait3A_486 = arith.constant 0 : i32
      %dma_wait3A_487 = tpu.memref_slice %arg3[%add3A_472, %dma_wait3A_485, %dma_wait3A_486] : memref<10240x2x32xi32, #tpu.memory_space<hbm>> -> memref<1x2x32xi32, #tpu.memory_space<hbm>>
      %dma_wait3A_488 = tpu.memref_squeeze %dma_wait3A_487 : memref<1x2x32xi32, #tpu.memory_space<hbm>> -> memref<2x32xi32, #tpu.memory_space<hbm>>
      tpu.wait_dma2 semaphore(%arg21 : memref<!tpu.dma_semaphore, #tpu.memory_space<semaphore_mem>>) src(%dma_wait3A_488 : memref<2x32xi32, #tpu.memory_space<hbm>>) dst(%arg8 : memref<2x32xi32, #tpu.memory_space<vmem>>)
      %dma_start3A_489 = arith.constant 0 : i32
      %dma_start3A_490 = arith.constant 0 : i32
      %dma_start3A_491 = tpu.memref_slice %arg8[%dma_start3A_489, %dma_start3A_490] : memref<2x32xi32, #tpu.memory_space<vmem>> -> memref<1x32xi32, #tpu.memory_space<vmem>>
      %dma_start3A_492 = tpu.memref_squeeze %dma_start3A_491 : memref<1x32xi32, #tpu.memory_space<vmem>> -> memref<32xi32, #tpu.memory_space<vmem>>
      %dma_start3A_493 = arith.constant 0 : i32
      %dma_start3A_494 = arith.constant 0 : i32
      %dma_start3A_495 = tpu.memref_slice %arg2[%dma_start3A_493, %dma_start3A_494] : memref<10000x128xf32, #tpu.memory_space<hbm>> -> memref<10000x128xf32, #tpu.memory_space<hbm>>
      tpu.enqueue_indirect_dma source(%dma_start3A_495 : memref<10000x128xf32, #tpu.memory_space<hbm>>) target(%arg16 : memref<32x128xf32, #tpu.memory_space<vmem>>) offsets(%dma_start3A_492 : memref<32xi32, #tpu.memory_space<vmem>>) semaphore(%arg29 : memref<!tpu.dma_semaphore, #tpu.memory_space<semaphore_mem>>)
      %add3A_496 = arith.constant 8 : i32
      %add3A_497 = arith.addi %add3A_472, %add3A_496 : i32
      %min3A_498 = arith.minsi %add3A_497, %sub3A_10 : i32
      %dma_start3A_499 = arith.constant 0 : i32
      %dma_start3A_500 = arith.constant 0 : i32
      %dma_start3A_501 = tpu.memref_slice %arg3[%min3A_498, %dma_start3A_499, %dma_start3A_500] : memref<10240x2x32xi32, #tpu.memory_space<hbm>> -> memref<1x2x32xi32, #tpu.memory_space<hbm>>
      %dma_start3A_502 = tpu.memref_squeeze %dma_start3A_501 : memref<1x2x32xi32, #tpu.memory_space<hbm>> -> memref<2x32xi32, #tpu.memory_space<hbm>>
      %dma_start3A_503 = arith.constant 0 : i32
      %dma_start3A_504 = arith.constant 0 : i32
      %dma_start3A_505 = tpu.memref_slice %arg3[%min3A_498, %dma_start3A_503, %dma_start3A_504] : memref<10240x2x32xi32, #tpu.memory_space<hbm>> -> memref<1x2x32xi32, #tpu.memory_space<hbm>>
      %dma_start3A_506 = tpu.memref_squeeze %dma_start3A_505 : memref<1x2x32xi32, #tpu.memory_space<hbm>> -> memref<2x32xi32, #tpu.memory_space<hbm>>
      tpu.enqueue_dma source(%dma_start3A_506 : memref<2x32xi32, #tpu.memory_space<hbm>>) target(%arg12 : memref<2x32xi32, #tpu.memory_space<vmem>>) target_semaphore(%arg25 : memref<!tpu.dma_semaphore, #tpu.memory_space<semaphore_mem>>)
      %add3A_507 = arith.constant 7 : i32
      %add3A_508 = arith.addi %add3A_256, %add3A_507 : i32
      %dma_wait3A_509 = arith.constant 0 : i32
      %dma_wait3A_510 = arith.constant 0 : i32
      %dma_wait3A_511 = tpu.memref_slice %arg13[%dma_wait3A_509, %dma_wait3A_510] : memref<2x32xi32, #tpu.memory_space<vmem>> -> memref<1x32xi32, #tpu.memory_space<vmem>>
      %dma_wait3A_512 = tpu.memref_squeeze %dma_wait3A_511 : memref<1x32xi32, #tpu.memory_space<vmem>> -> memref<32xi32, #tpu.memory_space<vmem>>
      %dma_wait3A_513 = arith.constant 0 : i32
      %dma_wait3A_514 = arith.constant 0 : i32
      %dma_wait3A_515 = tpu.memref_slice %arg2[%dma_wait3A_513, %dma_wait3A_514] : memref<10000x128xf32, #tpu.memory_space<hbm>> -> memref<10000x128xf32, #tpu.memory_space<hbm>>
      tpu.wait_indirect_dma semaphore(%arg30 : memref<!tpu.dma_semaphore, #tpu.memory_space<semaphore_mem>>) src(%dma_wait3A_515 : memref<10000x128xf32, #tpu.memory_space<hbm>>) dst(%arg17 : memref<32x128xf32, #tpu.memory_space<vmem>>)
      %run_scoped3A_516 = arith.constant 1 : i32
      "tpu.region"() ({
        %run_scoped3A_543 = tpu.sem_alloc : memref<!tpu.dma_semaphore, #tpu.memory_space<semaphore_mem>>
        %dma_start3A_544 = arith.constant 0 : i32
        %dma_start3A_545 = tpu.memref_slice %arg13[%run_scoped3A_516, %dma_start3A_544] : memref<2x32xi32, #tpu.memory_space<vmem>> -> memref<1x32xi32, #tpu.memory_space<vmem>>
        %dma_start3A_546 = tpu.memref_squeeze %dma_start3A_545 : memref<1x32xi32, #tpu.memory_space<vmem>> -> memref<32xi32, #tpu.memory_space<vmem>>
        %dma_start3A_547 = arith.constant 0 : i32
        %dma_start3A_548 = arith.constant 0 : i32
        %dma_start3A_549 = tpu.memref_slice %arg18[%dma_start3A_547, %dma_start3A_548] : memref<10112x128xf32, #tpu.memory_space<vmem_shared>> -> memref<10112x128xf32, #tpu.memory_space<vmem_shared>>
        tpu.enqueue_indirect_dma source(%arg17 : memref<32x128xf32, #tpu.memory_space<vmem>>) target(%dma_start3A_549 : memref<10112x128xf32, #tpu.memory_space<vmem_shared>>) offsets(%dma_start3A_546 : memref<32xi32, #tpu.memory_space<vmem>>) semaphore(%run_scoped3A_543 : memref<!tpu.dma_semaphore, #tpu.memory_space<semaphore_mem>>) {add = true}
        %dma_wait3A_550 = arith.constant 0 : i32
        %dma_wait3A_551 = tpu.memref_slice %arg13[%run_scoped3A_516, %dma_wait3A_550] : memref<2x32xi32, #tpu.memory_space<vmem>> -> memref<1x32xi32, #tpu.memory_space<vmem>>
        %dma_wait3A_552 = tpu.memref_squeeze %dma_wait3A_551 : memref<1x32xi32, #tpu.memory_space<vmem>> -> memref<32xi32, #tpu.memory_space<vmem>>
        %dma_wait3A_553 = arith.constant 0 : i32
        %dma_wait3A_554 = arith.constant 0 : i32
        %dma_wait3A_555 = tpu.memref_slice %arg18[%dma_wait3A_553, %dma_wait3A_554] : memref<10112x128xf32, #tpu.memory_space<vmem_shared>> -> memref<10112x128xf32, #tpu.memory_space<vmem_shared>>
        tpu.wait_indirect_dma semaphore(%run_scoped3A_543 : memref<!tpu.dma_semaphore, #tpu.memory_space<semaphore_mem>>) src(%arg17 : memref<32x128xf32, #tpu.memory_space<vmem>>) dst(%dma_wait3A_555 : memref<10112x128xf32, #tpu.memory_space<vmem_shared>>)
        tpu.yield
      }) : () -> ()
      %dma_wait3A_517 = arith.constant 0 : i32
      %dma_wait3A_518 = arith.constant 0 : i32
      %dma_wait3A_519 = tpu.memref_slice %arg3[%add3A_508, %dma_wait3A_517, %dma_wait3A_518] : memref<10240x2x32xi32, #tpu.memory_space<hbm>> -> memref<1x2x32xi32, #tpu.memory_space<hbm>>
      %dma_wait3A_520 = tpu.memref_squeeze %dma_wait3A_519 : memref<1x2x32xi32, #tpu.memory_space<hbm>> -> memref<2x32xi32, #tpu.memory_space<hbm>>
      %dma_wait3A_521 = arith.constant 0 : i32
      %dma_wait3A_522 = arith.constant 0 : i32
      %dma_wait3A_523 = tpu.memref_slice %arg3[%add3A_508, %dma_wait3A_521, %dma_wait3A_522] : memref<10240x2x32xi32, #tpu.memory_space<hbm>> -> memref<1x2x32xi32, #tpu.memory_space<hbm>>
      %dma_wait3A_524 = tpu.memref_squeeze %dma_wait3A_523 : memref<1x2x32xi32, #tpu.memory_space<hbm>> -> memref<2x32xi32, #tpu.memory_space<hbm>>
      tpu.wait_dma2 semaphore(%arg22 : memref<!tpu.dma_semaphore, #tpu.memory_space<semaphore_mem>>) src(%dma_wait3A_524 : memref<2x32xi32, #tpu.memory_space<hbm>>) dst(%arg9 : memref<2x32xi32, #tpu.memory_space<vmem>>)
      %dma_start3A_525 = arith.constant 0 : i32
      %dma_start3A_526 = arith.constant 0 : i32
      %dma_start3A_527 = tpu.memref_slice %arg9[%dma_start3A_525, %dma_start3A_526] : memref<2x32xi32, #tpu.memory_space<vmem>> -> memref<1x32xi32, #tpu.memory_space<vmem>>
      %dma_start3A_528 = tpu.memref_squeeze %dma_start3A_527 : memref<1x32xi32, #tpu.memory_space<vmem>> -> memref<32xi32, #tpu.memory_space<vmem>>
      %dma_start3A_529 = arith.constant 0 : i32
      %dma_start3A_530 = arith.constant 0 : i32
      %dma_start3A_531 = tpu.memref_slice %arg2[%dma_start3A_529, %dma_start3A_530] : memref<10000x128xf32, #tpu.memory_space<hbm>> -> memref<10000x128xf32, #tpu.memory_space<hbm>>
      tpu.enqueue_indirect_dma source(%dma_start3A_531 : memref<10000x128xf32, #tpu.memory_space<hbm>>) target(%arg17 : memref<32x128xf32, #tpu.memory_space<vmem>>) offsets(%dma_start3A_528 : memref<32xi32, #tpu.memory_space<vmem>>) semaphore(%arg30 : memref<!tpu.dma_semaphore, #tpu.memory_space<semaphore_mem>>)
      %add3A_532 = arith.constant 8 : i32
      %add3A_533 = arith.addi %add3A_508, %add3A_532 : i32
      %min3A_534 = arith.minsi %add3A_533, %sub3A_10 : i32
      %dma_start3A_535 = arith.constant 0 : i32
      %dma_start3A_536 = arith.constant 0 : i32
      %dma_start3A_537 = tpu.memref_slice %arg3[%min3A_534, %dma_start3A_535, %dma_start3A_536] : memref<10240x2x32xi32, #tpu.memory_space<hbm>> -> memref<1x2x32xi32, #tpu.memory_space<hbm>>
      %dma_start3A_538 = tpu.memref_squeeze %dma_start3A_537 : memref<1x2x32xi32, #tpu.memory_space<hbm>> -> memref<2x32xi32, #tpu.memory_space<hbm>>
      %dma_start3A_539 = arith.constant 0 : i32
      %dma_start3A_540 = arith.constant 0 : i32
      %dma_start3A_541 = tpu.memref_slice %arg3[%min3A_534, %dma_start3A_539, %dma_start3A_540] : memref<10240x2x32xi32, #tpu.memory_space<hbm>> -> memref<1x2x32xi32, #tpu.memory_space<hbm>>
      %dma_start3A_542 = tpu.memref_squeeze %dma_start3A_541 : memref<1x2x32xi32, #tpu.memory_space<hbm>> -> memref<2x32xi32, #tpu.memory_space<hbm>>
      tpu.enqueue_dma source(%dma_start3A_542 : memref<2x32xi32, #tpu.memory_space<hbm>>) target(%arg13 : memref<2x32xi32, #tpu.memory_space<vmem>>) target_semaphore(%arg26 : memref<!tpu.dma_semaphore, #tpu.memory_space<semaphore_mem>>)
    }
    %dma_wait3A_187 = arith.constant 0 : i32
    %dma_wait3A_188 = arith.constant 0 : i32
    %dma_wait3A_189 = tpu.memref_slice %arg6[%dma_wait3A_187, %dma_wait3A_188] : memref<2x32xi32, #tpu.memory_space<vmem>> -> memref<1x32xi32, #tpu.memory_space<vmem>>
    %dma_wait3A_190 = tpu.memref_squeeze %dma_wait3A_189 : memref<1x32xi32, #tpu.memory_space<vmem>> -> memref<32xi32, #tpu.memory_space<vmem>>
    %dma_wait3A_191 = arith.constant 0 : i32
    %dma_wait3A_192 = arith.constant 0 : i32
    %dma_wait3A_193 = tpu.memref_slice %arg2[%dma_wait3A_191, %dma_wait3A_192] : memref<10000x128xf32, #tpu.memory_space<hbm>> -> memref<10000x128xf32, #tpu.memory_space<hbm>>
    tpu.wait_indirect_dma semaphore(%arg27 : memref<!tpu.dma_semaphore, #tpu.memory_space<semaphore_mem>>) src(%dma_wait3A_193 : memref<10000x128xf32, #tpu.memory_space<hbm>>) dst(%arg14 : memref<32x128xf32, #tpu.memory_space<vmem>>)
    %dma_wait3A_194 = arith.constant 0 : i32
    %dma_wait3A_195 = arith.constant 0 : i32
    %dma_wait3A_196 = tpu.memref_slice %arg7[%dma_wait3A_194, %dma_wait3A_195] : memref<2x32xi32, #tpu.memory_space<vmem>> -> memref<1x32xi32, #tpu.memory_space<vmem>>
    %dma_wait3A_197 = tpu.memref_squeeze %dma_wait3A_196 : memref<1x32xi32, #tpu.memory_space<vmem>> -> memref<32xi32, #tpu.memory_space<vmem>>
    %dma_wait3A_198 = arith.constant 0 : i32
    %dma_wait3A_199 = arith.constant 0 : i32
    %dma_wait3A_200 = tpu.memref_slice %arg2[%dma_wait3A_198, %dma_wait3A_199] : memref<10000x128xf32, #tpu.memory_space<hbm>> -> memref<10000x128xf32, #tpu.memory_space<hbm>>
    tpu.wait_indirect_dma semaphore(%arg28 : memref<!tpu.dma_semaphore, #tpu.memory_space<semaphore_mem>>) src(%dma_wait3A_200 : memref<10000x128xf32, #tpu.memory_space<hbm>>) dst(%arg15 : memref<32x128xf32, #tpu.memory_space<vmem>>)
    %dma_wait3A_201 = arith.constant 0 : i32
    %dma_wait3A_202 = arith.constant 0 : i32
    %dma_wait3A_203 = tpu.memref_slice %arg8[%dma_wait3A_201, %dma_wait3A_202] : memref<2x32xi32, #tpu.memory_space<vmem>> -> memref<1x32xi32, #tpu.memory_space<vmem>>
    %dma_wait3A_204 = tpu.memref_squeeze %dma_wait3A_203 : memref<1x32xi32, #tpu.memory_space<vmem>> -> memref<32xi32, #tpu.memory_space<vmem>>
    %dma_wait3A_205 = arith.constant 0 : i32
    %dma_wait3A_206 = arith.constant 0 : i32
    %dma_wait3A_207 = tpu.memref_slice %arg2[%dma_wait3A_205, %dma_wait3A_206] : memref<10000x128xf32, #tpu.memory_space<hbm>> -> memref<10000x128xf32, #tpu.memory_space<hbm>>
    tpu.wait_indirect_dma semaphore(%arg29 : memref<!tpu.dma_semaphore, #tpu.memory_space<semaphore_mem>>) src(%dma_wait3A_207 : memref<10000x128xf32, #tpu.memory_space<hbm>>) dst(%arg16 : memref<32x128xf32, #tpu.memory_space<vmem>>)
    %dma_wait3A_208 = arith.constant 0 : i32
    %dma_wait3A_209 = arith.constant 0 : i32
    %dma_wait3A_210 = tpu.memref_slice %arg9[%dma_wait3A_208, %dma_wait3A_209] : memref<2x32xi32, #tpu.memory_space<vmem>> -> memref<1x32xi32, #tpu.memory_space<vmem>>
    %dma_wait3A_211 = tpu.memref_squeeze %dma_wait3A_210 : memref<1x32xi32, #tpu.memory_space<vmem>> -> memref<32xi32, #tpu.memory_space<vmem>>
    %dma_wait3A_212 = arith.constant 0 : i32
    %dma_wait3A_213 = arith.constant 0 : i32
    %dma_wait3A_214 = tpu.memref_slice %arg2[%dma_wait3A_212, %dma_wait3A_213] : memref<10000x128xf32, #tpu.memory_space<hbm>> -> memref<10000x128xf32, #tpu.memory_space<hbm>>
    tpu.wait_indirect_dma semaphore(%arg30 : memref<!tpu.dma_semaphore, #tpu.memory_space<semaphore_mem>>) src(%dma_wait3A_214 : memref<10000x128xf32, #tpu.memory_space<hbm>>) dst(%arg17 : memref<32x128xf32, #tpu.memory_space<vmem>>)
    %dma_wait3A_215 = arith.constant 0 : i32
    %dma_wait3A_216 = arith.constant 0 : i32
    %dma_wait3A_217 = tpu.memref_slice %arg3[%sub3A_10, %dma_wait3A_215, %dma_wait3A_216] : memref<10240x2x32xi32, #tpu.memory_space<hbm>> -> memref<1x2x32xi32, #tpu.memory_space<hbm>>
    %dma_wait3A_218 = tpu.memref_squeeze %dma_wait3A_217 : memref<1x2x32xi32, #tpu.memory_space<hbm>> -> memref<2x32xi32, #tpu.memory_space<hbm>>
    %dma_wait3A_219 = arith.constant 0 : i32
    %dma_wait3A_220 = arith.constant 0 : i32
    %dma_wait3A_221 = tpu.memref_slice %arg3[%sub3A_10, %dma_wait3A_219, %dma_wait3A_220] : memref<10240x2x32xi32, #tpu.memory_space<hbm>> -> memref<1x2x32xi32, #tpu.memory_space<hbm>>
    %dma_wait3A_222 = tpu.memref_squeeze %dma_wait3A_221 : memref<1x2x32xi32, #tpu.memory_space<hbm>> -> memref<2x32xi32, #tpu.memory_space<hbm>>
    tpu.wait_dma2 semaphore(%arg23 : memref<!tpu.dma_semaphore, #tpu.memory_space<semaphore_mem>>) src(%dma_wait3A_222 : memref<2x32xi32, #tpu.memory_space<hbm>>) dst(%arg10 : memref<2x32xi32, #tpu.memory_space<vmem>>)
    %dma_wait3A_223 = arith.constant 0 : i32
    %dma_wait3A_224 = arith.constant 0 : i32
    %dma_wait3A_225 = tpu.memref_slice %arg3[%sub3A_10, %dma_wait3A_223, %dma_wait3A_224] : memref<10240x2x32xi32, #tpu.memory_space<hbm>> -> memref<1x2x32xi32, #tpu.memory_space<hbm>>
    %dma_wait3A_226 = tpu.memref_squeeze %dma_wait3A_225 : memref<1x2x32xi32, #tpu.memory_space<hbm>> -> memref<2x32xi32, #tpu.memory_space<hbm>>
    %dma_wait3A_227 = arith.constant 0 : i32
    %dma_wait3A_228 = arith.constant 0 : i32
    %dma_wait3A_229 = tpu.memref_slice %arg3[%sub3A_10, %dma_wait3A_227, %dma_wait3A_228] : memref<10240x2x32xi32, #tpu.memory_space<hbm>> -> memref<1x2x32xi32, #tpu.memory_space<hbm>>
    %dma_wait3A_230 = tpu.memref_squeeze %dma_wait3A_229 : memref<1x2x32xi32, #tpu.memory_space<hbm>> -> memref<2x32xi32, #tpu.memory_space<hbm>>
    tpu.wait_dma2 semaphore(%arg24 : memref<!tpu.dma_semaphore, #tpu.memory_space<semaphore_mem>>) src(%dma_wait3A_230 : memref<2x32xi32, #tpu.memory_space<hbm>>) dst(%arg11 : memref<2x32xi32, #tpu.memory_space<vmem>>)
    %dma_wait3A_231 = arith.constant 0 : i32
    %dma_wait3A_232 = arith.constant 0 : i32
    %dma_wait3A_233 = tpu.memref_slice %arg3[%sub3A_10, %dma_wait3A_231, %dma_wait3A_232] : memref<10240x2x32xi32, #tpu.memory_space<hbm>> -> memref<1x2x32xi32, #tpu.memory_space<hbm>>
    %dma_wait3A_234 = tpu.memref_squeeze %dma_wait3A_233 : memref<1x2x32xi32, #tpu.memory_space<hbm>> -> memref<2x32xi32, #tpu.memory_space<hbm>>
    %dma_wait3A_235 = arith.constant 0 : i32
    %dma_wait3A_236 = arith.constant 0 : i32
    %dma_wait3A_237 = tpu.memref_slice %arg3[%sub3A_10, %dma_wait3A_235, %dma_wait3A_236] : memref<10240x2x32xi32, #tpu.memory_space<hbm>> -> memref<1x2x32xi32, #tpu.memory_space<hbm>>
    %dma_wait3A_238 = tpu.memref_squeeze %dma_wait3A_237 : memref<1x2x32xi32, #tpu.memory_space<hbm>> -> memref<2x32xi32, #tpu.memory_space<hbm>>
    tpu.wait_dma2 semaphore(%arg25 : memref<!tpu.dma_semaphore, #tpu.memory_space<semaphore_mem>>) src(%dma_wait3A_238 : memref<2x32xi32, #tpu.memory_space<hbm>>) dst(%arg12 : memref<2x32xi32, #tpu.memory_space<vmem>>)
    %dma_wait3A_239 = arith.constant 0 : i32
    %dma_wait3A_240 = arith.constant 0 : i32
    %dma_wait3A_241 = tpu.memref_slice %arg3[%sub3A_10, %dma_wait3A_239, %dma_wait3A_240] : memref<10240x2x32xi32, #tpu.memory_space<hbm>> -> memref<1x2x32xi32, #tpu.memory_space<hbm>>
    %dma_wait3A_242 = tpu.memref_squeeze %dma_wait3A_241 : memref<1x2x32xi32, #tpu.memory_space<hbm>> -> memref<2x32xi32, #tpu.memory_space<hbm>>
    %dma_wait3A_243 = arith.constant 0 : i32
    %dma_wait3A_244 = arith.constant 0 : i32
    %dma_wait3A_245 = tpu.memref_slice %arg3[%sub3A_10, %dma_wait3A_243, %dma_wait3A_244] : memref<10240x2x32xi32, #tpu.memory_space<hbm>> -> memref<1x2x32xi32, #tpu.memory_space<hbm>>
    %dma_wait3A_246 = tpu.memref_squeeze %dma_wait3A_245 : memref<1x2x32xi32, #tpu.memory_space<hbm>> -> memref<2x32xi32, #tpu.memory_space<hbm>>
    tpu.wait_dma2 semaphore(%arg26 : memref<!tpu.dma_semaphore, #tpu.memory_space<semaphore_mem>>) src(%dma_wait3A_246 : memref<2x32xi32, #tpu.memory_space<hbm>>) dst(%arg13 : memref<2x32xi32, #tpu.memory_space<vmem>>)
    %barrier3A_247 = arith.constant 0 : index
    tpu.barrier barrier_id(%barrier3A_247)
    %lt3A_248 = arith.constant 16 : i32
    %lt3A_249 = arith.cmpi slt, %arg1, %lt3A_248 : i32
    %convert_element_type3A_250 = arith.extui %lt3A_249 : i1 to i32
    %cond3A_251 = arith.constant 0 : i32
    %cond3A_252 = arith.cmpi ne, %convert_element_type3A_250, %cond3A_251 : i32
    scf.if %cond3A_252 {
      %mul3A_253 = arith.constant 632 : i32
      %mul3A_254 = arith.muli %arg1, %mul3A_253 : i32
      %mul3A_255 = arith.constant 10112 : i32
      %mul3A_256 = arith.muli %arg0, %mul3A_255 : i32
      %mul3A_257 = arith.constant 632 : i32
      %mul3A_258 = arith.muli %arg1, %mul3A_257 : i32
      %add3A_259 = arith.addi %mul3A_256, %mul3A_258 : i32
      "tpu.region"() ({
        %run_scoped3A = tpu.sem_alloc : memref<!tpu.dma_semaphore, #tpu.memory_space<semaphore_mem>>
        %dma_start3A_260 = arith.constant 0 : i32
        %dma_start3A_261 = tpu.memref_slice %arg5[%add3A_259, %dma_start3A_260] : memref<20224x128xf32, #tpu.memory_space<hbm>> -> memref<632x128xf32, #tpu.memory_space<hbm>>
        %dma_start3A_262 = arith.constant 0 : i32
        %dma_start3A_263 = tpu.memref_slice %arg18[%mul3A_254, %dma_start3A_262] : memref<10112x128xf32, #tpu.memory_space<vmem_shared>> -> memref<632x128xf32, #tpu.memory_space<vmem_shared>>
        tpu.enqueue_dma source(%dma_start3A_263 : memref<632x128xf32, #tpu.memory_space<vmem_shared>>) target(%dma_start3A_261 : memref<632x128xf32, #tpu.memory_space<hbm>>) target_semaphore(%run_scoped3A : memref<!tpu.dma_semaphore, #tpu.memory_space<semaphore_mem>>)
        %dma_wait3A_264 = arith.constant 0 : i32
        %dma_wait3A_265 = tpu.memref_slice %arg5[%add3A_259, %dma_wait3A_264] : memref<20224x128xf32, #tpu.memory_space<hbm>> -> memref<632x128xf32, #tpu.memory_space<hbm>>
        %dma_wait3A_266 = arith.constant 0 : i32
        %dma_wait3A_267 = tpu.memref_slice %arg18[%mul3A_254, %dma_wait3A_266] : memref<10112x128xf32, #tpu.memory_space<vmem_shared>> -> memref<632x128xf32, #tpu.memory_space<vmem_shared>>
        tpu.wait_dma2 semaphore(%run_scoped3A : memref<!tpu.dma_semaphore, #tpu.memory_space<semaphore_mem>>) src(%dma_wait3A_267 : memref<632x128xf32, #tpu.memory_space<vmem_shared>>) dst(%dma_wait3A_265 : memref<632x128xf32, #tpu.memory_space<hbm>>)
        tpu.yield
      }) : () -> ()
    } else {
    }
    return
  }
}

#map = affine_map<(d0, d1) -> (0, 0)>
#map1 = affine_map<(d0, d1) -> (0, 0, 0)>
module attributes {stable_mosaic.version = 14 : i64} {
  func.func @_agg_kernel(%arg0: i32, %arg1: i32, %arg2: memref<10000x32xf32, #tpu.memory_space<hbm>>, %arg3: memref<10240x2x32xi32, #tpu.memory_space<hbm>>, %arg4: memref<632x32xf32, #tpu.memory_space<hbm>>, %arg5: memref<20224x32xf32, #tpu.memory_space<hbm>>, %arg6: memref<2x32xi32, #tpu.memory_space<vmem>>, %arg7: memref<2x32xi32, #tpu.memory_space<vmem>>, %arg8: memref<2x32xi32, #tpu.memory_space<vmem>>, %arg9: memref<2x32xi32, #tpu.memory_space<vmem>>, %arg10: memref<2x32xi32, #tpu.memory_space<vmem>>, %arg11: memref<2x32xi32, #tpu.memory_space<vmem>>, %arg12: memref<2x32xi32, #tpu.memory_space<vmem>>, %arg13: memref<2x32xi32, #tpu.memory_space<vmem>>, %arg14: memref<32x32xf32, #tpu.memory_space<vmem>>, %arg15: memref<32x32xf32, #tpu.memory_space<vmem>>, %arg16: memref<32x32xf32, #tpu.memory_space<vmem>>, %arg17: memref<32x32xf32, #tpu.memory_space<vmem>>, %arg18: memref<10112x32xf32, #tpu.memory_space<vmem_shared>>, %arg19: memref<!tpu.dma_semaphore, #tpu.memory_space<semaphore_mem>>, %arg20: memref<!tpu.dma_semaphore, #tpu.memory_space<semaphore_mem>>, %arg21: memref<!tpu.dma_semaphore, #tpu.memory_space<semaphore_mem>>, %arg22: memref<!tpu.dma_semaphore, #tpu.memory_space<semaphore_mem>>, %arg23: memref<!tpu.dma_semaphore, #tpu.memory_space<semaphore_mem>>, %arg24: memref<!tpu.dma_semaphore, #tpu.memory_space<semaphore_mem>>, %arg25: memref<!tpu.dma_semaphore, #tpu.memory_space<semaphore_mem>>, %arg26: memref<!tpu.dma_semaphore, #tpu.memory_space<semaphore_mem>>, %arg27: memref<!tpu.dma_semaphore, #tpu.memory_space<semaphore_mem>>, %arg28: memref<!tpu.dma_semaphore, #tpu.memory_space<semaphore_mem>>, %arg29: memref<!tpu.dma_semaphore, #tpu.memory_space<semaphore_mem>>, %arg30: memref<!tpu.dma_semaphore, #tpu.memory_space<semaphore_mem>>) attributes {dimension_semantics = [#tpu.dimension_semantics<core_parallel>, #tpu.dimension_semantics<subcore_parallel>], iteration_bounds = array<i64: 2, 16>, scalar_prefetch = 0 : i64, scratch_operands = 25 : i64, tpu.core_type = #tpu.core_type<sc_vector_subcore>, window_params = [{transform_indices = #map}, {transform_indices = #map1}, {transform_indices = #map}, {transform_indices = #map}]} {
    %eq3A = arith.constant 0 : i32
    %eq3A_0 = arith.cmpi eq, %arg0, %eq3A : i32
    %mul3A = arith.constant 440 : i32
    %mul3A_1 = arith.muli %arg1, %mul3A : i32
    %mul3A_2 = arith.constant 200 : i32
    %mul3A_3 = arith.muli %arg1, %mul3A_2 : i32
    %add3A = arith.constant 7040 : i32
    %add3A_4 = arith.addi %add3A, %mul3A_3 : i32
    %select_n3A = arith.select %eq3A_0, %mul3A_1, %add3A_4 : i32
    %eq3A_5 = arith.constant 0 : i32
    %eq3A_6 = arith.cmpi eq, %arg0, %eq3A_5 : i32
    %jit3A = arith.constant 440 : i32
    %jit3A_7 = arith.constant 200 : i32
    %select_n3A_8 = arith.select %eq3A_6, %jit3A, %jit3A_7 : i32
    %add3A_9 = arith.addi %select_n3A, %select_n3A_8 : i32
    %sub3A = arith.constant 1 : i32
    %sub3A_10 = arith.subi %add3A_9, %sub3A : i32
    %lt3A = arith.constant 16 : i32
    %lt3A_11 = arith.cmpi slt, %arg1, %lt3A : i32
    %convert_element_type3A = arith.extui %lt3A_11 : i1 to i32
    %cond3A = arith.constant 0 : i32
    %cond3A_12 = arith.cmpi ne, %convert_element_type3A, %cond3A : i32
    scf.if %cond3A_12 {
      %mul3A_253 = arith.constant 632 : i32
      %mul3A_254 = arith.muli %arg1, %mul3A_253 : i32
      "tpu.region"() ({
        %run_scoped3A = tpu.sem_alloc : memref<!tpu.dma_semaphore, #tpu.memory_space<semaphore_mem>>
        %dma_start3A_255 = arith.constant 0 : i32
        %dma_start3A_256 = tpu.memref_slice %arg18[%mul3A_254, %dma_start3A_255] : memref<10112x32xf32, #tpu.memory_space<vmem_shared>> -> memref<632x32xf32, #tpu.memory_space<vmem_shared>>
        tpu.enqueue_dma source(%arg4 : memref<632x32xf32, #tpu.memory_space<hbm>>) target(%dma_start3A_256 : memref<632x32xf32, #tpu.memory_space<vmem_shared>>) target_semaphore(%run_scoped3A : memref<!tpu.dma_semaphore, #tpu.memory_space<semaphore_mem>>)
        %dma_wait3A_257 = arith.constant 0 : i32
        %dma_wait3A_258 = tpu.memref_slice %arg18[%mul3A_254, %dma_wait3A_257] : memref<10112x32xf32, #tpu.memory_space<vmem_shared>> -> memref<632x32xf32, #tpu.memory_space<vmem_shared>>
        tpu.wait_dma2 semaphore(%run_scoped3A : memref<!tpu.dma_semaphore, #tpu.memory_space<semaphore_mem>>) src(%arg4 : memref<632x32xf32, #tpu.memory_space<hbm>>) dst(%dma_wait3A_258 : memref<632x32xf32, #tpu.memory_space<vmem_shared>>)
        tpu.yield
      }) : () -> ()
    } else {
    }
    %barrier3A = arith.constant 0 : index
    tpu.barrier barrier_id(%barrier3A)
    %add3A_13 = arith.constant 0 : i32
    %add3A_14 = arith.addi %select_n3A, %add3A_13 : i32
    %dma_start3A = arith.constant 0 : i32
    %dma_start3A_15 = arith.constant 0 : i32
    %dma_start3A_16 = tpu.memref_slice %arg3[%add3A_14, %dma_start3A, %dma_start3A_15] : memref<10240x2x32xi32, #tpu.memory_space<hbm>> -> memref<1x2x32xi32, #tpu.memory_space<hbm>>
    %dma_start3A_17 = tpu.memref_squeeze %dma_start3A_16 : memref<1x2x32xi32, #tpu.memory_space<hbm>> -> memref<2x32xi32, #tpu.memory_space<hbm>>
    %dma_start3A_18 = arith.constant 0 : i32
    %dma_start3A_19 = arith.constant 0 : i32
    %dma_start3A_20 = tpu.memref_slice %arg3[%add3A_14, %dma_start3A_18, %dma_start3A_19] : memref<10240x2x32xi32, #tpu.memory_space<hbm>> -> memref<1x2x32xi32, #tpu.memory_space<hbm>>
    %dma_start3A_21 = tpu.memref_squeeze %dma_start3A_20 : memref<1x2x32xi32, #tpu.memory_space<hbm>> -> memref<2x32xi32, #tpu.memory_space<hbm>>
    tpu.enqueue_dma source(%dma_start3A_21 : memref<2x32xi32, #tpu.memory_space<hbm>>) target(%arg6 : memref<2x32xi32, #tpu.memory_space<vmem>>) target_semaphore(%arg19 : memref<!tpu.dma_semaphore, #tpu.memory_space<semaphore_mem>>)
    %add3A_22 = arith.constant 1 : i32
    %add3A_23 = arith.addi %select_n3A, %add3A_22 : i32
    %dma_start3A_24 = arith.constant 0 : i32
    %dma_start3A_25 = arith.constant 0 : i32
    %dma_start3A_26 = tpu.memref_slice %arg3[%add3A_23, %dma_start3A_24, %dma_start3A_25] : memref<10240x2x32xi32, #tpu.memory_space<hbm>> -> memref<1x2x32xi32, #tpu.memory_space<hbm>>
    %dma_start3A_27 = tpu.memref_squeeze %dma_start3A_26 : memref<1x2x32xi32, #tpu.memory_space<hbm>> -> memref<2x32xi32, #tpu.memory_space<hbm>>
    %dma_start3A_28 = arith.constant 0 : i32
    %dma_start3A_29 = arith.constant 0 : i32
    %dma_start3A_30 = tpu.memref_slice %arg3[%add3A_23, %dma_start3A_28, %dma_start3A_29] : memref<10240x2x32xi32, #tpu.memory_space<hbm>> -> memref<1x2x32xi32, #tpu.memory_space<hbm>>
    %dma_start3A_31 = tpu.memref_squeeze %dma_start3A_30 : memref<1x2x32xi32, #tpu.memory_space<hbm>> -> memref<2x32xi32, #tpu.memory_space<hbm>>
    tpu.enqueue_dma source(%dma_start3A_31 : memref<2x32xi32, #tpu.memory_space<hbm>>) target(%arg7 : memref<2x32xi32, #tpu.memory_space<vmem>>) target_semaphore(%arg20 : memref<!tpu.dma_semaphore, #tpu.memory_space<semaphore_mem>>)
    %add3A_32 = arith.constant 2 : i32
    %add3A_33 = arith.addi %select_n3A, %add3A_32 : i32
    %dma_start3A_34 = arith.constant 0 : i32
    %dma_start3A_35 = arith.constant 0 : i32
    %dma_start3A_36 = tpu.memref_slice %arg3[%add3A_33, %dma_start3A_34, %dma_start3A_35] : memref<10240x2x32xi32, #tpu.memory_space<hbm>> -> memref<1x2x32xi32, #tpu.memory_space<hbm>>
    %dma_start3A_37 = tpu.memref_squeeze %dma_start3A_36 : memref<1x2x32xi32, #tpu.memory_space<hbm>> -> memref<2x32xi32, #tpu.memory_space<hbm>>
    %dma_start3A_38 = arith.constant 0 : i32
    %dma_start3A_39 = arith.constant 0 : i32
    %dma_start3A_40 = tpu.memref_slice %arg3[%add3A_33, %dma_start3A_38, %dma_start3A_39] : memref<10240x2x32xi32, #tpu.memory_space<hbm>> -> memref<1x2x32xi32, #tpu.memory_space<hbm>>
    %dma_start3A_41 = tpu.memref_squeeze %dma_start3A_40 : memref<1x2x32xi32, #tpu.memory_space<hbm>> -> memref<2x32xi32, #tpu.memory_space<hbm>>
    tpu.enqueue_dma source(%dma_start3A_41 : memref<2x32xi32, #tpu.memory_space<hbm>>) target(%arg8 : memref<2x32xi32, #tpu.memory_space<vmem>>) target_semaphore(%arg21 : memref<!tpu.dma_semaphore, #tpu.memory_space<semaphore_mem>>)
    %add3A_42 = arith.constant 3 : i32
    %add3A_43 = arith.addi %select_n3A, %add3A_42 : i32
    %dma_start3A_44 = arith.constant 0 : i32
    %dma_start3A_45 = arith.constant 0 : i32
    %dma_start3A_46 = tpu.memref_slice %arg3[%add3A_43, %dma_start3A_44, %dma_start3A_45] : memref<10240x2x32xi32, #tpu.memory_space<hbm>> -> memref<1x2x32xi32, #tpu.memory_space<hbm>>
    %dma_start3A_47 = tpu.memref_squeeze %dma_start3A_46 : memref<1x2x32xi32, #tpu.memory_space<hbm>> -> memref<2x32xi32, #tpu.memory_space<hbm>>
    %dma_start3A_48 = arith.constant 0 : i32
    %dma_start3A_49 = arith.constant 0 : i32
    %dma_start3A_50 = tpu.memref_slice %arg3[%add3A_43, %dma_start3A_48, %dma_start3A_49] : memref<10240x2x32xi32, #tpu.memory_space<hbm>> -> memref<1x2x32xi32, #tpu.memory_space<hbm>>
    %dma_start3A_51 = tpu.memref_squeeze %dma_start3A_50 : memref<1x2x32xi32, #tpu.memory_space<hbm>> -> memref<2x32xi32, #tpu.memory_space<hbm>>
    tpu.enqueue_dma source(%dma_start3A_51 : memref<2x32xi32, #tpu.memory_space<hbm>>) target(%arg9 : memref<2x32xi32, #tpu.memory_space<vmem>>) target_semaphore(%arg22 : memref<!tpu.dma_semaphore, #tpu.memory_space<semaphore_mem>>)
    %add3A_52 = arith.constant 4 : i32
    %add3A_53 = arith.addi %select_n3A, %add3A_52 : i32
    %dma_start3A_54 = arith.constant 0 : i32
    %dma_start3A_55 = arith.constant 0 : i32
    %dma_start3A_56 = tpu.memref_slice %arg3[%add3A_53, %dma_start3A_54, %dma_start3A_55] : memref<10240x2x32xi32, #tpu.memory_space<hbm>> -> memref<1x2x32xi32, #tpu.memory_space<hbm>>
    %dma_start3A_57 = tpu.memref_squeeze %dma_start3A_56 : memref<1x2x32xi32, #tpu.memory_space<hbm>> -> memref<2x32xi32, #tpu.memory_space<hbm>>
    %dma_start3A_58 = arith.constant 0 : i32
    %dma_start3A_59 = arith.constant 0 : i32
    %dma_start3A_60 = tpu.memref_slice %arg3[%add3A_53, %dma_start3A_58, %dma_start3A_59] : memref<10240x2x32xi32, #tpu.memory_space<hbm>> -> memref<1x2x32xi32, #tpu.memory_space<hbm>>
    %dma_start3A_61 = tpu.memref_squeeze %dma_start3A_60 : memref<1x2x32xi32, #tpu.memory_space<hbm>> -> memref<2x32xi32, #tpu.memory_space<hbm>>
    tpu.enqueue_dma source(%dma_start3A_61 : memref<2x32xi32, #tpu.memory_space<hbm>>) target(%arg10 : memref<2x32xi32, #tpu.memory_space<vmem>>) target_semaphore(%arg23 : memref<!tpu.dma_semaphore, #tpu.memory_space<semaphore_mem>>)
    %add3A_62 = arith.constant 5 : i32
    %add3A_63 = arith.addi %select_n3A, %add3A_62 : i32
    %dma_start3A_64 = arith.constant 0 : i32
    %dma_start3A_65 = arith.constant 0 : i32
    %dma_start3A_66 = tpu.memref_slice %arg3[%add3A_63, %dma_start3A_64, %dma_start3A_65] : memref<10240x2x32xi32, #tpu.memory_space<hbm>> -> memref<1x2x32xi32, #tpu.memory_space<hbm>>
    %dma_start3A_67 = tpu.memref_squeeze %dma_start3A_66 : memref<1x2x32xi32, #tpu.memory_space<hbm>> -> memref<2x32xi32, #tpu.memory_space<hbm>>
    %dma_start3A_68 = arith.constant 0 : i32
    %dma_start3A_69 = arith.constant 0 : i32
    %dma_start3A_70 = tpu.memref_slice %arg3[%add3A_63, %dma_start3A_68, %dma_start3A_69] : memref<10240x2x32xi32, #tpu.memory_space<hbm>> -> memref<1x2x32xi32, #tpu.memory_space<hbm>>
    %dma_start3A_71 = tpu.memref_squeeze %dma_start3A_70 : memref<1x2x32xi32, #tpu.memory_space<hbm>> -> memref<2x32xi32, #tpu.memory_space<hbm>>
    tpu.enqueue_dma source(%dma_start3A_71 : memref<2x32xi32, #tpu.memory_space<hbm>>) target(%arg11 : memref<2x32xi32, #tpu.memory_space<vmem>>) target_semaphore(%arg24 : memref<!tpu.dma_semaphore, #tpu.memory_space<semaphore_mem>>)
    %add3A_72 = arith.constant 6 : i32
    %add3A_73 = arith.addi %select_n3A, %add3A_72 : i32
    %dma_start3A_74 = arith.constant 0 : i32
    %dma_start3A_75 = arith.constant 0 : i32
    %dma_start3A_76 = tpu.memref_slice %arg3[%add3A_73, %dma_start3A_74, %dma_start3A_75] : memref<10240x2x32xi32, #tpu.memory_space<hbm>> -> memref<1x2x32xi32, #tpu.memory_space<hbm>>
    %dma_start3A_77 = tpu.memref_squeeze %dma_start3A_76 : memref<1x2x32xi32, #tpu.memory_space<hbm>> -> memref<2x32xi32, #tpu.memory_space<hbm>>
    %dma_start3A_78 = arith.constant 0 : i32
    %dma_start3A_79 = arith.constant 0 : i32
    %dma_start3A_80 = tpu.memref_slice %arg3[%add3A_73, %dma_start3A_78, %dma_start3A_79] : memref<10240x2x32xi32, #tpu.memory_space<hbm>> -> memref<1x2x32xi32, #tpu.memory_space<hbm>>
    %dma_start3A_81 = tpu.memref_squeeze %dma_start3A_80 : memref<1x2x32xi32, #tpu.memory_space<hbm>> -> memref<2x32xi32, #tpu.memory_space<hbm>>
    tpu.enqueue_dma source(%dma_start3A_81 : memref<2x32xi32, #tpu.memory_space<hbm>>) target(%arg12 : memref<2x32xi32, #tpu.memory_space<vmem>>) target_semaphore(%arg25 : memref<!tpu.dma_semaphore, #tpu.memory_space<semaphore_mem>>)
    %add3A_82 = arith.constant 7 : i32
    %add3A_83 = arith.addi %select_n3A, %add3A_82 : i32
    %dma_start3A_84 = arith.constant 0 : i32
    %dma_start3A_85 = arith.constant 0 : i32
    %dma_start3A_86 = tpu.memref_slice %arg3[%add3A_83, %dma_start3A_84, %dma_start3A_85] : memref<10240x2x32xi32, #tpu.memory_space<hbm>> -> memref<1x2x32xi32, #tpu.memory_space<hbm>>
    %dma_start3A_87 = tpu.memref_squeeze %dma_start3A_86 : memref<1x2x32xi32, #tpu.memory_space<hbm>> -> memref<2x32xi32, #tpu.memory_space<hbm>>
    %dma_start3A_88 = arith.constant 0 : i32
    %dma_start3A_89 = arith.constant 0 : i32
    %dma_start3A_90 = tpu.memref_slice %arg3[%add3A_83, %dma_start3A_88, %dma_start3A_89] : memref<10240x2x32xi32, #tpu.memory_space<hbm>> -> memref<1x2x32xi32, #tpu.memory_space<hbm>>
    %dma_start3A_91 = tpu.memref_squeeze %dma_start3A_90 : memref<1x2x32xi32, #tpu.memory_space<hbm>> -> memref<2x32xi32, #tpu.memory_space<hbm>>
    tpu.enqueue_dma source(%dma_start3A_91 : memref<2x32xi32, #tpu.memory_space<hbm>>) target(%arg13 : memref<2x32xi32, #tpu.memory_space<vmem>>) target_semaphore(%arg26 : memref<!tpu.dma_semaphore, #tpu.memory_space<semaphore_mem>>)
    %add3A_92 = arith.constant 0 : i32
    %add3A_93 = arith.addi %select_n3A, %add3A_92 : i32
    %dma_wait3A = arith.constant 0 : i32
    %dma_wait3A_94 = arith.constant 0 : i32
    %dma_wait3A_95 = tpu.memref_slice %arg3[%add3A_93, %dma_wait3A, %dma_wait3A_94] : memref<10240x2x32xi32, #tpu.memory_space<hbm>> -> memref<1x2x32xi32, #tpu.memory_space<hbm>>
    %dma_wait3A_96 = tpu.memref_squeeze %dma_wait3A_95 : memref<1x2x32xi32, #tpu.memory_space<hbm>> -> memref<2x32xi32, #tpu.memory_space<hbm>>
    %dma_wait3A_97 = arith.constant 0 : i32
    %dma_wait3A_98 = arith.constant 0 : i32
    %dma_wait3A_99 = tpu.memref_slice %arg3[%add3A_93, %dma_wait3A_97, %dma_wait3A_98] : memref<10240x2x32xi32, #tpu.memory_space<hbm>> -> memref<1x2x32xi32, #tpu.memory_space<hbm>>
    %dma_wait3A_100 = tpu.memref_squeeze %dma_wait3A_99 : memref<1x2x32xi32, #tpu.memory_space<hbm>> -> memref<2x32xi32, #tpu.memory_space<hbm>>
    tpu.wait_dma2 semaphore(%arg19 : memref<!tpu.dma_semaphore, #tpu.memory_space<semaphore_mem>>) src(%dma_wait3A_100 : memref<2x32xi32, #tpu.memory_space<hbm>>) dst(%arg6 : memref<2x32xi32, #tpu.memory_space<vmem>>)
    %dma_start3A_101 = arith.constant 0 : i32
    %dma_start3A_102 = arith.constant 0 : i32
    %dma_start3A_103 = tpu.memref_slice %arg6[%dma_start3A_101, %dma_start3A_102] : memref<2x32xi32, #tpu.memory_space<vmem>> -> memref<1x32xi32, #tpu.memory_space<vmem>>
    %dma_start3A_104 = tpu.memref_squeeze %dma_start3A_103 : memref<1x32xi32, #tpu.memory_space<vmem>> -> memref<32xi32, #tpu.memory_space<vmem>>
    %dma_start3A_105 = arith.constant 0 : i32
    %dma_start3A_106 = arith.constant 0 : i32
    %dma_start3A_107 = tpu.memref_slice %arg2[%dma_start3A_105, %dma_start3A_106] : memref<10000x32xf32, #tpu.memory_space<hbm>> -> memref<10000x32xf32, #tpu.memory_space<hbm>>
    tpu.enqueue_indirect_dma source(%dma_start3A_107 : memref<10000x32xf32, #tpu.memory_space<hbm>>) target(%arg14 : memref<32x32xf32, #tpu.memory_space<vmem>>) offsets(%dma_start3A_104 : memref<32xi32, #tpu.memory_space<vmem>>) semaphore(%arg27 : memref<!tpu.dma_semaphore, #tpu.memory_space<semaphore_mem>>)
    %add3A_108 = arith.constant 1 : i32
    %add3A_109 = arith.addi %select_n3A, %add3A_108 : i32
    %dma_wait3A_110 = arith.constant 0 : i32
    %dma_wait3A_111 = arith.constant 0 : i32
    %dma_wait3A_112 = tpu.memref_slice %arg3[%add3A_109, %dma_wait3A_110, %dma_wait3A_111] : memref<10240x2x32xi32, #tpu.memory_space<hbm>> -> memref<1x2x32xi32, #tpu.memory_space<hbm>>
    %dma_wait3A_113 = tpu.memref_squeeze %dma_wait3A_112 : memref<1x2x32xi32, #tpu.memory_space<hbm>> -> memref<2x32xi32, #tpu.memory_space<hbm>>
    %dma_wait3A_114 = arith.constant 0 : i32
    %dma_wait3A_115 = arith.constant 0 : i32
    %dma_wait3A_116 = tpu.memref_slice %arg3[%add3A_109, %dma_wait3A_114, %dma_wait3A_115] : memref<10240x2x32xi32, #tpu.memory_space<hbm>> -> memref<1x2x32xi32, #tpu.memory_space<hbm>>
    %dma_wait3A_117 = tpu.memref_squeeze %dma_wait3A_116 : memref<1x2x32xi32, #tpu.memory_space<hbm>> -> memref<2x32xi32, #tpu.memory_space<hbm>>
    tpu.wait_dma2 semaphore(%arg20 : memref<!tpu.dma_semaphore, #tpu.memory_space<semaphore_mem>>) src(%dma_wait3A_117 : memref<2x32xi32, #tpu.memory_space<hbm>>) dst(%arg7 : memref<2x32xi32, #tpu.memory_space<vmem>>)
    %dma_start3A_118 = arith.constant 0 : i32
    %dma_start3A_119 = arith.constant 0 : i32
    %dma_start3A_120 = tpu.memref_slice %arg7[%dma_start3A_118, %dma_start3A_119] : memref<2x32xi32, #tpu.memory_space<vmem>> -> memref<1x32xi32, #tpu.memory_space<vmem>>
    %dma_start3A_121 = tpu.memref_squeeze %dma_start3A_120 : memref<1x32xi32, #tpu.memory_space<vmem>> -> memref<32xi32, #tpu.memory_space<vmem>>
    %dma_start3A_122 = arith.constant 0 : i32
    %dma_start3A_123 = arith.constant 0 : i32
    %dma_start3A_124 = tpu.memref_slice %arg2[%dma_start3A_122, %dma_start3A_123] : memref<10000x32xf32, #tpu.memory_space<hbm>> -> memref<10000x32xf32, #tpu.memory_space<hbm>>
    tpu.enqueue_indirect_dma source(%dma_start3A_124 : memref<10000x32xf32, #tpu.memory_space<hbm>>) target(%arg15 : memref<32x32xf32, #tpu.memory_space<vmem>>) offsets(%dma_start3A_121 : memref<32xi32, #tpu.memory_space<vmem>>) semaphore(%arg28 : memref<!tpu.dma_semaphore, #tpu.memory_space<semaphore_mem>>)
    %add3A_125 = arith.constant 2 : i32
    %add3A_126 = arith.addi %select_n3A, %add3A_125 : i32
    %dma_wait3A_127 = arith.constant 0 : i32
    %dma_wait3A_128 = arith.constant 0 : i32
    %dma_wait3A_129 = tpu.memref_slice %arg3[%add3A_126, %dma_wait3A_127, %dma_wait3A_128] : memref<10240x2x32xi32, #tpu.memory_space<hbm>> -> memref<1x2x32xi32, #tpu.memory_space<hbm>>
    %dma_wait3A_130 = tpu.memref_squeeze %dma_wait3A_129 : memref<1x2x32xi32, #tpu.memory_space<hbm>> -> memref<2x32xi32, #tpu.memory_space<hbm>>
    %dma_wait3A_131 = arith.constant 0 : i32
    %dma_wait3A_132 = arith.constant 0 : i32
    %dma_wait3A_133 = tpu.memref_slice %arg3[%add3A_126, %dma_wait3A_131, %dma_wait3A_132] : memref<10240x2x32xi32, #tpu.memory_space<hbm>> -> memref<1x2x32xi32, #tpu.memory_space<hbm>>
    %dma_wait3A_134 = tpu.memref_squeeze %dma_wait3A_133 : memref<1x2x32xi32, #tpu.memory_space<hbm>> -> memref<2x32xi32, #tpu.memory_space<hbm>>
    tpu.wait_dma2 semaphore(%arg21 : memref<!tpu.dma_semaphore, #tpu.memory_space<semaphore_mem>>) src(%dma_wait3A_134 : memref<2x32xi32, #tpu.memory_space<hbm>>) dst(%arg8 : memref<2x32xi32, #tpu.memory_space<vmem>>)
    %dma_start3A_135 = arith.constant 0 : i32
    %dma_start3A_136 = arith.constant 0 : i32
    %dma_start3A_137 = tpu.memref_slice %arg8[%dma_start3A_135, %dma_start3A_136] : memref<2x32xi32, #tpu.memory_space<vmem>> -> memref<1x32xi32, #tpu.memory_space<vmem>>
    %dma_start3A_138 = tpu.memref_squeeze %dma_start3A_137 : memref<1x32xi32, #tpu.memory_space<vmem>> -> memref<32xi32, #tpu.memory_space<vmem>>
    %dma_start3A_139 = arith.constant 0 : i32
    %dma_start3A_140 = arith.constant 0 : i32
    %dma_start3A_141 = tpu.memref_slice %arg2[%dma_start3A_139, %dma_start3A_140] : memref<10000x32xf32, #tpu.memory_space<hbm>> -> memref<10000x32xf32, #tpu.memory_space<hbm>>
    tpu.enqueue_indirect_dma source(%dma_start3A_141 : memref<10000x32xf32, #tpu.memory_space<hbm>>) target(%arg16 : memref<32x32xf32, #tpu.memory_space<vmem>>) offsets(%dma_start3A_138 : memref<32xi32, #tpu.memory_space<vmem>>) semaphore(%arg29 : memref<!tpu.dma_semaphore, #tpu.memory_space<semaphore_mem>>)
    %add3A_142 = arith.constant 3 : i32
    %add3A_143 = arith.addi %select_n3A, %add3A_142 : i32
    %dma_wait3A_144 = arith.constant 0 : i32
    %dma_wait3A_145 = arith.constant 0 : i32
    %dma_wait3A_146 = tpu.memref_slice %arg3[%add3A_143, %dma_wait3A_144, %dma_wait3A_145] : memref<10240x2x32xi32, #tpu.memory_space<hbm>> -> memref<1x2x32xi32, #tpu.memory_space<hbm>>
    %dma_wait3A_147 = tpu.memref_squeeze %dma_wait3A_146 : memref<1x2x32xi32, #tpu.memory_space<hbm>> -> memref<2x32xi32, #tpu.memory_space<hbm>>
    %dma_wait3A_148 = arith.constant 0 : i32
    %dma_wait3A_149 = arith.constant 0 : i32
    %dma_wait3A_150 = tpu.memref_slice %arg3[%add3A_143, %dma_wait3A_148, %dma_wait3A_149] : memref<10240x2x32xi32, #tpu.memory_space<hbm>> -> memref<1x2x32xi32, #tpu.memory_space<hbm>>
    %dma_wait3A_151 = tpu.memref_squeeze %dma_wait3A_150 : memref<1x2x32xi32, #tpu.memory_space<hbm>> -> memref<2x32xi32, #tpu.memory_space<hbm>>
    tpu.wait_dma2 semaphore(%arg22 : memref<!tpu.dma_semaphore, #tpu.memory_space<semaphore_mem>>) src(%dma_wait3A_151 : memref<2x32xi32, #tpu.memory_space<hbm>>) dst(%arg9 : memref<2x32xi32, #tpu.memory_space<vmem>>)
    %dma_start3A_152 = arith.constant 0 : i32
    %dma_start3A_153 = arith.constant 0 : i32
    %dma_start3A_154 = tpu.memref_slice %arg9[%dma_start3A_152, %dma_start3A_153] : memref<2x32xi32, #tpu.memory_space<vmem>> -> memref<1x32xi32, #tpu.memory_space<vmem>>
    %dma_start3A_155 = tpu.memref_squeeze %dma_start3A_154 : memref<1x32xi32, #tpu.memory_space<vmem>> -> memref<32xi32, #tpu.memory_space<vmem>>
    %dma_start3A_156 = arith.constant 0 : i32
    %dma_start3A_157 = arith.constant 0 : i32
    %dma_start3A_158 = tpu.memref_slice %arg2[%dma_start3A_156, %dma_start3A_157] : memref<10000x32xf32, #tpu.memory_space<hbm>> -> memref<10000x32xf32, #tpu.memory_space<hbm>>
    tpu.enqueue_indirect_dma source(%dma_start3A_158 : memref<10000x32xf32, #tpu.memory_space<hbm>>) target(%arg17 : memref<32x32xf32, #tpu.memory_space<vmem>>) offsets(%dma_start3A_155 : memref<32xi32, #tpu.memory_space<vmem>>) semaphore(%arg30 : memref<!tpu.dma_semaphore, #tpu.memory_space<semaphore_mem>>)
    %jit3A_159 = arith.constant 8 : i32
    %div3A = arith.divsi %select_n3A_8, %jit3A_159 : i32
    %sign3A = arith.constant 0 : i32
    %sign3A_160 = arith.cmpi sgt, %select_n3A_8, %sign3A : i32
    %sign3A_161 = arith.extui %sign3A_160 : i1 to i32
    %sign3A_162 = arith.constant 0 : i32
    %sign3A_163 = arith.cmpi slt, %select_n3A_8, %sign3A_162 : i32
    %sign3A_164 = arith.extui %sign3A_163 : i1 to i32
    %sign3A_165 = arith.subi %sign3A_161, %sign3A_164 : i32
    %sign3A_166 = arith.constant 0 : i32
    %sign3A_167 = arith.cmpi sgt, %jit3A_159, %sign3A_166 : i32
    %sign3A_168 = arith.extui %sign3A_167 : i1 to i32
    %sign3A_169 = arith.constant 0 : i32
    %sign3A_170 = arith.cmpi slt, %jit3A_159, %sign3A_169 : i32
    %sign3A_171 = arith.extui %sign3A_170 : i1 to i32
    %sign3A_172 = arith.subi %sign3A_168, %sign3A_171 : i32
    %ne3A = arith.cmpi ne, %sign3A_165, %sign3A_172 : i32
    %rem3A = arith.remsi %select_n3A_8, %jit3A_159 : i32
    %ne3A_173 = arith.constant 0 : i32
    %ne3A_174 = arith.cmpi ne, %rem3A, %ne3A_173 : i32
    %and3A = arith.andi %ne3A, %ne3A_174 : i1
    %sub3A_175 = arith.constant 1 : i32
    %sub3A_176 = arith.subi %div3A, %sub3A_175 : i32
    %select_n3A_177 = arith.select %and3A, %sub3A_176, %div3A : i32
    %while3A = arith.constant 0 : i32
    %while3A_178 = arith.constant 0 : i32
    %while3A_179 = arith.subi %select_n3A_177, %while3A_178 : i32
    %while3A_180 = arith.addi %while3A_178, %while3A_179 : i32
    %while3A_181 = arith.constant 1 : i32
    %while3A_182 = arith.divsi %while3A_179, %while3A_181 : i32
    %while3A_183 = arith.muli %while3A_182, %while3A_181 : i32
    %while3A_184 = arith.addi %while3A_178, %while3A_183 : i32
    %while3A_185 = arith.constant 1 : i32
    scf.for %while3A_253 = %while3A_178 to %while3A_184 step %while3A_185  : i32 {
      %mul3A_254 = arith.constant 8 : i32
      %mul3A_255 = arith.muli %mul3A_254, %while3A_253 : i32
      %add3A_256 = arith.addi %select_n3A, %mul3A_255 : i32
      %add3A_257 = arith.constant 0 : i32
      %add3A_258 = arith.addi %add3A_256, %add3A_257 : i32
      %dma_wait3A_259 = arith.constant 0 : i32
      %dma_wait3A_260 = arith.constant 0 : i32
      %dma_wait3A_261 = tpu.memref_slice %arg6[%dma_wait3A_259, %dma_wait3A_260] : memref<2x32xi32, #tpu.memory_space<vmem>> -> memref<1x32xi32, #tpu.memory_space<vmem>>
      %dma_wait3A_262 = tpu.memref_squeeze %dma_wait3A_261 : memref<1x32xi32, #tpu.memory_space<vmem>> -> memref<32xi32, #tpu.memory_space<vmem>>
      %dma_wait3A_263 = arith.constant 0 : i32
      %dma_wait3A_264 = arith.constant 0 : i32
      %dma_wait3A_265 = tpu.memref_slice %arg2[%dma_wait3A_263, %dma_wait3A_264] : memref<10000x32xf32, #tpu.memory_space<hbm>> -> memref<10000x32xf32, #tpu.memory_space<hbm>>
      tpu.wait_indirect_dma semaphore(%arg27 : memref<!tpu.dma_semaphore, #tpu.memory_space<semaphore_mem>>) src(%dma_wait3A_265 : memref<10000x32xf32, #tpu.memory_space<hbm>>) dst(%arg14 : memref<32x32xf32, #tpu.memory_space<vmem>>)
      %run_scoped3A = arith.constant 1 : i32
      "tpu.region"() ({
        %run_scoped3A_543 = tpu.sem_alloc : memref<!tpu.dma_semaphore, #tpu.memory_space<semaphore_mem>>
        %dma_start3A_544 = arith.constant 0 : i32
        %dma_start3A_545 = tpu.memref_slice %arg6[%run_scoped3A, %dma_start3A_544] : memref<2x32xi32, #tpu.memory_space<vmem>> -> memref<1x32xi32, #tpu.memory_space<vmem>>
        %dma_start3A_546 = tpu.memref_squeeze %dma_start3A_545 : memref<1x32xi32, #tpu.memory_space<vmem>> -> memref<32xi32, #tpu.memory_space<vmem>>
        %dma_start3A_547 = arith.constant 0 : i32
        %dma_start3A_548 = arith.constant 0 : i32
        %dma_start3A_549 = tpu.memref_slice %arg18[%dma_start3A_547, %dma_start3A_548] : memref<10112x32xf32, #tpu.memory_space<vmem_shared>> -> memref<10112x32xf32, #tpu.memory_space<vmem_shared>>
        tpu.enqueue_indirect_dma source(%arg14 : memref<32x32xf32, #tpu.memory_space<vmem>>) target(%dma_start3A_549 : memref<10112x32xf32, #tpu.memory_space<vmem_shared>>) offsets(%dma_start3A_546 : memref<32xi32, #tpu.memory_space<vmem>>) semaphore(%run_scoped3A_543 : memref<!tpu.dma_semaphore, #tpu.memory_space<semaphore_mem>>) {add = true}
        %dma_wait3A_550 = arith.constant 0 : i32
        %dma_wait3A_551 = tpu.memref_slice %arg6[%run_scoped3A, %dma_wait3A_550] : memref<2x32xi32, #tpu.memory_space<vmem>> -> memref<1x32xi32, #tpu.memory_space<vmem>>
        %dma_wait3A_552 = tpu.memref_squeeze %dma_wait3A_551 : memref<1x32xi32, #tpu.memory_space<vmem>> -> memref<32xi32, #tpu.memory_space<vmem>>
        %dma_wait3A_553 = arith.constant 0 : i32
        %dma_wait3A_554 = arith.constant 0 : i32
        %dma_wait3A_555 = tpu.memref_slice %arg18[%dma_wait3A_553, %dma_wait3A_554] : memref<10112x32xf32, #tpu.memory_space<vmem_shared>> -> memref<10112x32xf32, #tpu.memory_space<vmem_shared>>
        tpu.wait_indirect_dma semaphore(%run_scoped3A_543 : memref<!tpu.dma_semaphore, #tpu.memory_space<semaphore_mem>>) src(%arg14 : memref<32x32xf32, #tpu.memory_space<vmem>>) dst(%dma_wait3A_555 : memref<10112x32xf32, #tpu.memory_space<vmem_shared>>)
        tpu.yield
      }) : () -> ()
      %dma_wait3A_266 = arith.constant 0 : i32
      %dma_wait3A_267 = arith.constant 0 : i32
      %dma_wait3A_268 = tpu.memref_slice %arg3[%add3A_258, %dma_wait3A_266, %dma_wait3A_267] : memref<10240x2x32xi32, #tpu.memory_space<hbm>> -> memref<1x2x32xi32, #tpu.memory_space<hbm>>
      %dma_wait3A_269 = tpu.memref_squeeze %dma_wait3A_268 : memref<1x2x32xi32, #tpu.memory_space<hbm>> -> memref<2x32xi32, #tpu.memory_space<hbm>>
      %dma_wait3A_270 = arith.constant 0 : i32
      %dma_wait3A_271 = arith.constant 0 : i32
      %dma_wait3A_272 = tpu.memref_slice %arg3[%add3A_258, %dma_wait3A_270, %dma_wait3A_271] : memref<10240x2x32xi32, #tpu.memory_space<hbm>> -> memref<1x2x32xi32, #tpu.memory_space<hbm>>
      %dma_wait3A_273 = tpu.memref_squeeze %dma_wait3A_272 : memref<1x2x32xi32, #tpu.memory_space<hbm>> -> memref<2x32xi32, #tpu.memory_space<hbm>>
      tpu.wait_dma2 semaphore(%arg23 : memref<!tpu.dma_semaphore, #tpu.memory_space<semaphore_mem>>) src(%dma_wait3A_273 : memref<2x32xi32, #tpu.memory_space<hbm>>) dst(%arg10 : memref<2x32xi32, #tpu.memory_space<vmem>>)
      %dma_start3A_274 = arith.constant 0 : i32
      %dma_start3A_275 = arith.constant 0 : i32
      %dma_start3A_276 = tpu.memref_slice %arg10[%dma_start3A_274, %dma_start3A_275] : memref<2x32xi32, #tpu.memory_space<vmem>> -> memref<1x32xi32, #tpu.memory_space<vmem>>
      %dma_start3A_277 = tpu.memref_squeeze %dma_start3A_276 : memref<1x32xi32, #tpu.memory_space<vmem>> -> memref<32xi32, #tpu.memory_space<vmem>>
      %dma_start3A_278 = arith.constant 0 : i32
      %dma_start3A_279 = arith.constant 0 : i32
      %dma_start3A_280 = tpu.memref_slice %arg2[%dma_start3A_278, %dma_start3A_279] : memref<10000x32xf32, #tpu.memory_space<hbm>> -> memref<10000x32xf32, #tpu.memory_space<hbm>>
      tpu.enqueue_indirect_dma source(%dma_start3A_280 : memref<10000x32xf32, #tpu.memory_space<hbm>>) target(%arg14 : memref<32x32xf32, #tpu.memory_space<vmem>>) offsets(%dma_start3A_277 : memref<32xi32, #tpu.memory_space<vmem>>) semaphore(%arg27 : memref<!tpu.dma_semaphore, #tpu.memory_space<semaphore_mem>>)
      %add3A_281 = arith.constant 8 : i32
      %add3A_282 = arith.addi %add3A_258, %add3A_281 : i32
      %min3A = arith.minsi %add3A_282, %sub3A_10 : i32
      %dma_start3A_283 = arith.constant 0 : i32
      %dma_start3A_284 = arith.constant 0 : i32
      %dma_start3A_285 = tpu.memref_slice %arg3[%min3A, %dma_start3A_283, %dma_start3A_284] : memref<10240x2x32xi32, #tpu.memory_space<hbm>> -> memref<1x2x32xi32, #tpu.memory_space<hbm>>
      %dma_start3A_286 = tpu.memref_squeeze %dma_start3A_285 : memref<1x2x32xi32, #tpu.memory_space<hbm>> -> memref<2x32xi32, #tpu.memory_space<hbm>>
      %dma_start3A_287 = arith.constant 0 : i32
      %dma_start3A_288 = arith.constant 0 : i32
      %dma_start3A_289 = tpu.memref_slice %arg3[%min3A, %dma_start3A_287, %dma_start3A_288] : memref<10240x2x32xi32, #tpu.memory_space<hbm>> -> memref<1x2x32xi32, #tpu.memory_space<hbm>>
      %dma_start3A_290 = tpu.memref_squeeze %dma_start3A_289 : memref<1x2x32xi32, #tpu.memory_space<hbm>> -> memref<2x32xi32, #tpu.memory_space<hbm>>
      tpu.enqueue_dma source(%dma_start3A_290 : memref<2x32xi32, #tpu.memory_space<hbm>>) target(%arg6 : memref<2x32xi32, #tpu.memory_space<vmem>>) target_semaphore(%arg19 : memref<!tpu.dma_semaphore, #tpu.memory_space<semaphore_mem>>)
      %add3A_291 = arith.constant 1 : i32
      %add3A_292 = arith.addi %add3A_256, %add3A_291 : i32
      %dma_wait3A_293 = arith.constant 0 : i32
      %dma_wait3A_294 = arith.constant 0 : i32
      %dma_wait3A_295 = tpu.memref_slice %arg7[%dma_wait3A_293, %dma_wait3A_294] : memref<2x32xi32, #tpu.memory_space<vmem>> -> memref<1x32xi32, #tpu.memory_space<vmem>>
      %dma_wait3A_296 = tpu.memref_squeeze %dma_wait3A_295 : memref<1x32xi32, #tpu.memory_space<vmem>> -> memref<32xi32, #tpu.memory_space<vmem>>
      %dma_wait3A_297 = arith.constant 0 : i32
      %dma_wait3A_298 = arith.constant 0 : i32
      %dma_wait3A_299 = tpu.memref_slice %arg2[%dma_wait3A_297, %dma_wait3A_298] : memref<10000x32xf32, #tpu.memory_space<hbm>> -> memref<10000x32xf32, #tpu.memory_space<hbm>>
      tpu.wait_indirect_dma semaphore(%arg28 : memref<!tpu.dma_semaphore, #tpu.memory_space<semaphore_mem>>) src(%dma_wait3A_299 : memref<10000x32xf32, #tpu.memory_space<hbm>>) dst(%arg15 : memref<32x32xf32, #tpu.memory_space<vmem>>)
      %run_scoped3A_300 = arith.constant 1 : i32
      "tpu.region"() ({
        %run_scoped3A_543 = tpu.sem_alloc : memref<!tpu.dma_semaphore, #tpu.memory_space<semaphore_mem>>
        %dma_start3A_544 = arith.constant 0 : i32
        %dma_start3A_545 = tpu.memref_slice %arg7[%run_scoped3A_300, %dma_start3A_544] : memref<2x32xi32, #tpu.memory_space<vmem>> -> memref<1x32xi32, #tpu.memory_space<vmem>>
        %dma_start3A_546 = tpu.memref_squeeze %dma_start3A_545 : memref<1x32xi32, #tpu.memory_space<vmem>> -> memref<32xi32, #tpu.memory_space<vmem>>
        %dma_start3A_547 = arith.constant 0 : i32
        %dma_start3A_548 = arith.constant 0 : i32
        %dma_start3A_549 = tpu.memref_slice %arg18[%dma_start3A_547, %dma_start3A_548] : memref<10112x32xf32, #tpu.memory_space<vmem_shared>> -> memref<10112x32xf32, #tpu.memory_space<vmem_shared>>
        tpu.enqueue_indirect_dma source(%arg15 : memref<32x32xf32, #tpu.memory_space<vmem>>) target(%dma_start3A_549 : memref<10112x32xf32, #tpu.memory_space<vmem_shared>>) offsets(%dma_start3A_546 : memref<32xi32, #tpu.memory_space<vmem>>) semaphore(%run_scoped3A_543 : memref<!tpu.dma_semaphore, #tpu.memory_space<semaphore_mem>>) {add = true}
        %dma_wait3A_550 = arith.constant 0 : i32
        %dma_wait3A_551 = tpu.memref_slice %arg7[%run_scoped3A_300, %dma_wait3A_550] : memref<2x32xi32, #tpu.memory_space<vmem>> -> memref<1x32xi32, #tpu.memory_space<vmem>>
        %dma_wait3A_552 = tpu.memref_squeeze %dma_wait3A_551 : memref<1x32xi32, #tpu.memory_space<vmem>> -> memref<32xi32, #tpu.memory_space<vmem>>
        %dma_wait3A_553 = arith.constant 0 : i32
        %dma_wait3A_554 = arith.constant 0 : i32
        %dma_wait3A_555 = tpu.memref_slice %arg18[%dma_wait3A_553, %dma_wait3A_554] : memref<10112x32xf32, #tpu.memory_space<vmem_shared>> -> memref<10112x32xf32, #tpu.memory_space<vmem_shared>>
        tpu.wait_indirect_dma semaphore(%run_scoped3A_543 : memref<!tpu.dma_semaphore, #tpu.memory_space<semaphore_mem>>) src(%arg15 : memref<32x32xf32, #tpu.memory_space<vmem>>) dst(%dma_wait3A_555 : memref<10112x32xf32, #tpu.memory_space<vmem_shared>>)
        tpu.yield
      }) : () -> ()
      %dma_wait3A_301 = arith.constant 0 : i32
      %dma_wait3A_302 = arith.constant 0 : i32
      %dma_wait3A_303 = tpu.memref_slice %arg3[%add3A_292, %dma_wait3A_301, %dma_wait3A_302] : memref<10240x2x32xi32, #tpu.memory_space<hbm>> -> memref<1x2x32xi32, #tpu.memory_space<hbm>>
      %dma_wait3A_304 = tpu.memref_squeeze %dma_wait3A_303 : memref<1x2x32xi32, #tpu.memory_space<hbm>> -> memref<2x32xi32, #tpu.memory_space<hbm>>
      %dma_wait3A_305 = arith.constant 0 : i32
      %dma_wait3A_306 = arith.constant 0 : i32
      %dma_wait3A_307 = tpu.memref_slice %arg3[%add3A_292, %dma_wait3A_305, %dma_wait3A_306] : memref<10240x2x32xi32, #tpu.memory_space<hbm>> -> memref<1x2x32xi32, #tpu.memory_space<hbm>>
      %dma_wait3A_308 = tpu.memref_squeeze %dma_wait3A_307 : memref<1x2x32xi32, #tpu.memory_space<hbm>> -> memref<2x32xi32, #tpu.memory_space<hbm>>
      tpu.wait_dma2 semaphore(%arg24 : memref<!tpu.dma_semaphore, #tpu.memory_space<semaphore_mem>>) src(%dma_wait3A_308 : memref<2x32xi32, #tpu.memory_space<hbm>>) dst(%arg11 : memref<2x32xi32, #tpu.memory_space<vmem>>)
      %dma_start3A_309 = arith.constant 0 : i32
      %dma_start3A_310 = arith.constant 0 : i32
      %dma_start3A_311 = tpu.memref_slice %arg11[%dma_start3A_309, %dma_start3A_310] : memref<2x32xi32, #tpu.memory_space<vmem>> -> memref<1x32xi32, #tpu.memory_space<vmem>>
      %dma_start3A_312 = tpu.memref_squeeze %dma_start3A_311 : memref<1x32xi32, #tpu.memory_space<vmem>> -> memref<32xi32, #tpu.memory_space<vmem>>
      %dma_start3A_313 = arith.constant 0 : i32
      %dma_start3A_314 = arith.constant 0 : i32
      %dma_start3A_315 = tpu.memref_slice %arg2[%dma_start3A_313, %dma_start3A_314] : memref<10000x32xf32, #tpu.memory_space<hbm>> -> memref<10000x32xf32, #tpu.memory_space<hbm>>
      tpu.enqueue_indirect_dma source(%dma_start3A_315 : memref<10000x32xf32, #tpu.memory_space<hbm>>) target(%arg15 : memref<32x32xf32, #tpu.memory_space<vmem>>) offsets(%dma_start3A_312 : memref<32xi32, #tpu.memory_space<vmem>>) semaphore(%arg28 : memref<!tpu.dma_semaphore, #tpu.memory_space<semaphore_mem>>)
      %add3A_316 = arith.constant 8 : i32
      %add3A_317 = arith.addi %add3A_292, %add3A_316 : i32
      %min3A_318 = arith.minsi %add3A_317, %sub3A_10 : i32
      %dma_start3A_319 = arith.constant 0 : i32
      %dma_start3A_320 = arith.constant 0 : i32
      %dma_start3A_321 = tpu.memref_slice %arg3[%min3A_318, %dma_start3A_319, %dma_start3A_320] : memref<10240x2x32xi32, #tpu.memory_space<hbm>> -> memref<1x2x32xi32, #tpu.memory_space<hbm>>
      %dma_start3A_322 = tpu.memref_squeeze %dma_start3A_321 : memref<1x2x32xi32, #tpu.memory_space<hbm>> -> memref<2x32xi32, #tpu.memory_space<hbm>>
      %dma_start3A_323 = arith.constant 0 : i32
      %dma_start3A_324 = arith.constant 0 : i32
      %dma_start3A_325 = tpu.memref_slice %arg3[%min3A_318, %dma_start3A_323, %dma_start3A_324] : memref<10240x2x32xi32, #tpu.memory_space<hbm>> -> memref<1x2x32xi32, #tpu.memory_space<hbm>>
      %dma_start3A_326 = tpu.memref_squeeze %dma_start3A_325 : memref<1x2x32xi32, #tpu.memory_space<hbm>> -> memref<2x32xi32, #tpu.memory_space<hbm>>
      tpu.enqueue_dma source(%dma_start3A_326 : memref<2x32xi32, #tpu.memory_space<hbm>>) target(%arg7 : memref<2x32xi32, #tpu.memory_space<vmem>>) target_semaphore(%arg20 : memref<!tpu.dma_semaphore, #tpu.memory_space<semaphore_mem>>)
      %add3A_327 = arith.constant 2 : i32
      %add3A_328 = arith.addi %add3A_256, %add3A_327 : i32
      %dma_wait3A_329 = arith.constant 0 : i32
      %dma_wait3A_330 = arith.constant 0 : i32
      %dma_wait3A_331 = tpu.memref_slice %arg8[%dma_wait3A_329, %dma_wait3A_330] : memref<2x32xi32, #tpu.memory_space<vmem>> -> memref<1x32xi32, #tpu.memory_space<vmem>>
      %dma_wait3A_332 = tpu.memref_squeeze %dma_wait3A_331 : memref<1x32xi32, #tpu.memory_space<vmem>> -> memref<32xi32, #tpu.memory_space<vmem>>
      %dma_wait3A_333 = arith.constant 0 : i32
      %dma_wait3A_334 = arith.constant 0 : i32
      %dma_wait3A_335 = tpu.memref_slice %arg2[%dma_wait3A_333, %dma_wait3A_334] : memref<10000x32xf32, #tpu.memory_space<hbm>> -> memref<10000x32xf32, #tpu.memory_space<hbm>>
      tpu.wait_indirect_dma semaphore(%arg29 : memref<!tpu.dma_semaphore, #tpu.memory_space<semaphore_mem>>) src(%dma_wait3A_335 : memref<10000x32xf32, #tpu.memory_space<hbm>>) dst(%arg16 : memref<32x32xf32, #tpu.memory_space<vmem>>)
      %run_scoped3A_336 = arith.constant 1 : i32
      "tpu.region"() ({
        %run_scoped3A_543 = tpu.sem_alloc : memref<!tpu.dma_semaphore, #tpu.memory_space<semaphore_mem>>
        %dma_start3A_544 = arith.constant 0 : i32
        %dma_start3A_545 = tpu.memref_slice %arg8[%run_scoped3A_336, %dma_start3A_544] : memref<2x32xi32, #tpu.memory_space<vmem>> -> memref<1x32xi32, #tpu.memory_space<vmem>>
        %dma_start3A_546 = tpu.memref_squeeze %dma_start3A_545 : memref<1x32xi32, #tpu.memory_space<vmem>> -> memref<32xi32, #tpu.memory_space<vmem>>
        %dma_start3A_547 = arith.constant 0 : i32
        %dma_start3A_548 = arith.constant 0 : i32
        %dma_start3A_549 = tpu.memref_slice %arg18[%dma_start3A_547, %dma_start3A_548] : memref<10112x32xf32, #tpu.memory_space<vmem_shared>> -> memref<10112x32xf32, #tpu.memory_space<vmem_shared>>
        tpu.enqueue_indirect_dma source(%arg16 : memref<32x32xf32, #tpu.memory_space<vmem>>) target(%dma_start3A_549 : memref<10112x32xf32, #tpu.memory_space<vmem_shared>>) offsets(%dma_start3A_546 : memref<32xi32, #tpu.memory_space<vmem>>) semaphore(%run_scoped3A_543 : memref<!tpu.dma_semaphore, #tpu.memory_space<semaphore_mem>>) {add = true}
        %dma_wait3A_550 = arith.constant 0 : i32
        %dma_wait3A_551 = tpu.memref_slice %arg8[%run_scoped3A_336, %dma_wait3A_550] : memref<2x32xi32, #tpu.memory_space<vmem>> -> memref<1x32xi32, #tpu.memory_space<vmem>>
        %dma_wait3A_552 = tpu.memref_squeeze %dma_wait3A_551 : memref<1x32xi32, #tpu.memory_space<vmem>> -> memref<32xi32, #tpu.memory_space<vmem>>
        %dma_wait3A_553 = arith.constant 0 : i32
        %dma_wait3A_554 = arith.constant 0 : i32
        %dma_wait3A_555 = tpu.memref_slice %arg18[%dma_wait3A_553, %dma_wait3A_554] : memref<10112x32xf32, #tpu.memory_space<vmem_shared>> -> memref<10112x32xf32, #tpu.memory_space<vmem_shared>>
        tpu.wait_indirect_dma semaphore(%run_scoped3A_543 : memref<!tpu.dma_semaphore, #tpu.memory_space<semaphore_mem>>) src(%arg16 : memref<32x32xf32, #tpu.memory_space<vmem>>) dst(%dma_wait3A_555 : memref<10112x32xf32, #tpu.memory_space<vmem_shared>>)
        tpu.yield
      }) : () -> ()
      %dma_wait3A_337 = arith.constant 0 : i32
      %dma_wait3A_338 = arith.constant 0 : i32
      %dma_wait3A_339 = tpu.memref_slice %arg3[%add3A_328, %dma_wait3A_337, %dma_wait3A_338] : memref<10240x2x32xi32, #tpu.memory_space<hbm>> -> memref<1x2x32xi32, #tpu.memory_space<hbm>>
      %dma_wait3A_340 = tpu.memref_squeeze %dma_wait3A_339 : memref<1x2x32xi32, #tpu.memory_space<hbm>> -> memref<2x32xi32, #tpu.memory_space<hbm>>
      %dma_wait3A_341 = arith.constant 0 : i32
      %dma_wait3A_342 = arith.constant 0 : i32
      %dma_wait3A_343 = tpu.memref_slice %arg3[%add3A_328, %dma_wait3A_341, %dma_wait3A_342] : memref<10240x2x32xi32, #tpu.memory_space<hbm>> -> memref<1x2x32xi32, #tpu.memory_space<hbm>>
      %dma_wait3A_344 = tpu.memref_squeeze %dma_wait3A_343 : memref<1x2x32xi32, #tpu.memory_space<hbm>> -> memref<2x32xi32, #tpu.memory_space<hbm>>
      tpu.wait_dma2 semaphore(%arg25 : memref<!tpu.dma_semaphore, #tpu.memory_space<semaphore_mem>>) src(%dma_wait3A_344 : memref<2x32xi32, #tpu.memory_space<hbm>>) dst(%arg12 : memref<2x32xi32, #tpu.memory_space<vmem>>)
      %dma_start3A_345 = arith.constant 0 : i32
      %dma_start3A_346 = arith.constant 0 : i32
      %dma_start3A_347 = tpu.memref_slice %arg12[%dma_start3A_345, %dma_start3A_346] : memref<2x32xi32, #tpu.memory_space<vmem>> -> memref<1x32xi32, #tpu.memory_space<vmem>>
      %dma_start3A_348 = tpu.memref_squeeze %dma_start3A_347 : memref<1x32xi32, #tpu.memory_space<vmem>> -> memref<32xi32, #tpu.memory_space<vmem>>
      %dma_start3A_349 = arith.constant 0 : i32
      %dma_start3A_350 = arith.constant 0 : i32
      %dma_start3A_351 = tpu.memref_slice %arg2[%dma_start3A_349, %dma_start3A_350] : memref<10000x32xf32, #tpu.memory_space<hbm>> -> memref<10000x32xf32, #tpu.memory_space<hbm>>
      tpu.enqueue_indirect_dma source(%dma_start3A_351 : memref<10000x32xf32, #tpu.memory_space<hbm>>) target(%arg16 : memref<32x32xf32, #tpu.memory_space<vmem>>) offsets(%dma_start3A_348 : memref<32xi32, #tpu.memory_space<vmem>>) semaphore(%arg29 : memref<!tpu.dma_semaphore, #tpu.memory_space<semaphore_mem>>)
      %add3A_352 = arith.constant 8 : i32
      %add3A_353 = arith.addi %add3A_328, %add3A_352 : i32
      %min3A_354 = arith.minsi %add3A_353, %sub3A_10 : i32
      %dma_start3A_355 = arith.constant 0 : i32
      %dma_start3A_356 = arith.constant 0 : i32
      %dma_start3A_357 = tpu.memref_slice %arg3[%min3A_354, %dma_start3A_355, %dma_start3A_356] : memref<10240x2x32xi32, #tpu.memory_space<hbm>> -> memref<1x2x32xi32, #tpu.memory_space<hbm>>
      %dma_start3A_358 = tpu.memref_squeeze %dma_start3A_357 : memref<1x2x32xi32, #tpu.memory_space<hbm>> -> memref<2x32xi32, #tpu.memory_space<hbm>>
      %dma_start3A_359 = arith.constant 0 : i32
      %dma_start3A_360 = arith.constant 0 : i32
      %dma_start3A_361 = tpu.memref_slice %arg3[%min3A_354, %dma_start3A_359, %dma_start3A_360] : memref<10240x2x32xi32, #tpu.memory_space<hbm>> -> memref<1x2x32xi32, #tpu.memory_space<hbm>>
      %dma_start3A_362 = tpu.memref_squeeze %dma_start3A_361 : memref<1x2x32xi32, #tpu.memory_space<hbm>> -> memref<2x32xi32, #tpu.memory_space<hbm>>
      tpu.enqueue_dma source(%dma_start3A_362 : memref<2x32xi32, #tpu.memory_space<hbm>>) target(%arg8 : memref<2x32xi32, #tpu.memory_space<vmem>>) target_semaphore(%arg21 : memref<!tpu.dma_semaphore, #tpu.memory_space<semaphore_mem>>)
      %add3A_363 = arith.constant 3 : i32
      %add3A_364 = arith.addi %add3A_256, %add3A_363 : i32
      %dma_wait3A_365 = arith.constant 0 : i32
      %dma_wait3A_366 = arith.constant 0 : i32
      %dma_wait3A_367 = tpu.memref_slice %arg9[%dma_wait3A_365, %dma_wait3A_366] : memref<2x32xi32, #tpu.memory_space<vmem>> -> memref<1x32xi32, #tpu.memory_space<vmem>>
      %dma_wait3A_368 = tpu.memref_squeeze %dma_wait3A_367 : memref<1x32xi32, #tpu.memory_space<vmem>> -> memref<32xi32, #tpu.memory_space<vmem>>
      %dma_wait3A_369 = arith.constant 0 : i32
      %dma_wait3A_370 = arith.constant 0 : i32
      %dma_wait3A_371 = tpu.memref_slice %arg2[%dma_wait3A_369, %dma_wait3A_370] : memref<10000x32xf32, #tpu.memory_space<hbm>> -> memref<10000x32xf32, #tpu.memory_space<hbm>>
      tpu.wait_indirect_dma semaphore(%arg30 : memref<!tpu.dma_semaphore, #tpu.memory_space<semaphore_mem>>) src(%dma_wait3A_371 : memref<10000x32xf32, #tpu.memory_space<hbm>>) dst(%arg17 : memref<32x32xf32, #tpu.memory_space<vmem>>)
      %run_scoped3A_372 = arith.constant 1 : i32
      "tpu.region"() ({
        %run_scoped3A_543 = tpu.sem_alloc : memref<!tpu.dma_semaphore, #tpu.memory_space<semaphore_mem>>
        %dma_start3A_544 = arith.constant 0 : i32
        %dma_start3A_545 = tpu.memref_slice %arg9[%run_scoped3A_372, %dma_start3A_544] : memref<2x32xi32, #tpu.memory_space<vmem>> -> memref<1x32xi32, #tpu.memory_space<vmem>>
        %dma_start3A_546 = tpu.memref_squeeze %dma_start3A_545 : memref<1x32xi32, #tpu.memory_space<vmem>> -> memref<32xi32, #tpu.memory_space<vmem>>
        %dma_start3A_547 = arith.constant 0 : i32
        %dma_start3A_548 = arith.constant 0 : i32
        %dma_start3A_549 = tpu.memref_slice %arg18[%dma_start3A_547, %dma_start3A_548] : memref<10112x32xf32, #tpu.memory_space<vmem_shared>> -> memref<10112x32xf32, #tpu.memory_space<vmem_shared>>
        tpu.enqueue_indirect_dma source(%arg17 : memref<32x32xf32, #tpu.memory_space<vmem>>) target(%dma_start3A_549 : memref<10112x32xf32, #tpu.memory_space<vmem_shared>>) offsets(%dma_start3A_546 : memref<32xi32, #tpu.memory_space<vmem>>) semaphore(%run_scoped3A_543 : memref<!tpu.dma_semaphore, #tpu.memory_space<semaphore_mem>>) {add = true}
        %dma_wait3A_550 = arith.constant 0 : i32
        %dma_wait3A_551 = tpu.memref_slice %arg9[%run_scoped3A_372, %dma_wait3A_550] : memref<2x32xi32, #tpu.memory_space<vmem>> -> memref<1x32xi32, #tpu.memory_space<vmem>>
        %dma_wait3A_552 = tpu.memref_squeeze %dma_wait3A_551 : memref<1x32xi32, #tpu.memory_space<vmem>> -> memref<32xi32, #tpu.memory_space<vmem>>
        %dma_wait3A_553 = arith.constant 0 : i32
        %dma_wait3A_554 = arith.constant 0 : i32
        %dma_wait3A_555 = tpu.memref_slice %arg18[%dma_wait3A_553, %dma_wait3A_554] : memref<10112x32xf32, #tpu.memory_space<vmem_shared>> -> memref<10112x32xf32, #tpu.memory_space<vmem_shared>>
        tpu.wait_indirect_dma semaphore(%run_scoped3A_543 : memref<!tpu.dma_semaphore, #tpu.memory_space<semaphore_mem>>) src(%arg17 : memref<32x32xf32, #tpu.memory_space<vmem>>) dst(%dma_wait3A_555 : memref<10112x32xf32, #tpu.memory_space<vmem_shared>>)
        tpu.yield
      }) : () -> ()
      %dma_wait3A_373 = arith.constant 0 : i32
      %dma_wait3A_374 = arith.constant 0 : i32
      %dma_wait3A_375 = tpu.memref_slice %arg3[%add3A_364, %dma_wait3A_373, %dma_wait3A_374] : memref<10240x2x32xi32, #tpu.memory_space<hbm>> -> memref<1x2x32xi32, #tpu.memory_space<hbm>>
      %dma_wait3A_376 = tpu.memref_squeeze %dma_wait3A_375 : memref<1x2x32xi32, #tpu.memory_space<hbm>> -> memref<2x32xi32, #tpu.memory_space<hbm>>
      %dma_wait3A_377 = arith.constant 0 : i32
      %dma_wait3A_378 = arith.constant 0 : i32
      %dma_wait3A_379 = tpu.memref_slice %arg3[%add3A_364, %dma_wait3A_377, %dma_wait3A_378] : memref<10240x2x32xi32, #tpu.memory_space<hbm>> -> memref<1x2x32xi32, #tpu.memory_space<hbm>>
      %dma_wait3A_380 = tpu.memref_squeeze %dma_wait3A_379 : memref<1x2x32xi32, #tpu.memory_space<hbm>> -> memref<2x32xi32, #tpu.memory_space<hbm>>
      tpu.wait_dma2 semaphore(%arg26 : memref<!tpu.dma_semaphore, #tpu.memory_space<semaphore_mem>>) src(%dma_wait3A_380 : memref<2x32xi32, #tpu.memory_space<hbm>>) dst(%arg13 : memref<2x32xi32, #tpu.memory_space<vmem>>)
      %dma_start3A_381 = arith.constant 0 : i32
      %dma_start3A_382 = arith.constant 0 : i32
      %dma_start3A_383 = tpu.memref_slice %arg13[%dma_start3A_381, %dma_start3A_382] : memref<2x32xi32, #tpu.memory_space<vmem>> -> memref<1x32xi32, #tpu.memory_space<vmem>>
      %dma_start3A_384 = tpu.memref_squeeze %dma_start3A_383 : memref<1x32xi32, #tpu.memory_space<vmem>> -> memref<32xi32, #tpu.memory_space<vmem>>
      %dma_start3A_385 = arith.constant 0 : i32
      %dma_start3A_386 = arith.constant 0 : i32
      %dma_start3A_387 = tpu.memref_slice %arg2[%dma_start3A_385, %dma_start3A_386] : memref<10000x32xf32, #tpu.memory_space<hbm>> -> memref<10000x32xf32, #tpu.memory_space<hbm>>
      tpu.enqueue_indirect_dma source(%dma_start3A_387 : memref<10000x32xf32, #tpu.memory_space<hbm>>) target(%arg17 : memref<32x32xf32, #tpu.memory_space<vmem>>) offsets(%dma_start3A_384 : memref<32xi32, #tpu.memory_space<vmem>>) semaphore(%arg30 : memref<!tpu.dma_semaphore, #tpu.memory_space<semaphore_mem>>)
      %add3A_388 = arith.constant 8 : i32
      %add3A_389 = arith.addi %add3A_364, %add3A_388 : i32
      %min3A_390 = arith.minsi %add3A_389, %sub3A_10 : i32
      %dma_start3A_391 = arith.constant 0 : i32
      %dma_start3A_392 = arith.constant 0 : i32
      %dma_start3A_393 = tpu.memref_slice %arg3[%min3A_390, %dma_start3A_391, %dma_start3A_392] : memref<10240x2x32xi32, #tpu.memory_space<hbm>> -> memref<1x2x32xi32, #tpu.memory_space<hbm>>
      %dma_start3A_394 = tpu.memref_squeeze %dma_start3A_393 : memref<1x2x32xi32, #tpu.memory_space<hbm>> -> memref<2x32xi32, #tpu.memory_space<hbm>>
      %dma_start3A_395 = arith.constant 0 : i32
      %dma_start3A_396 = arith.constant 0 : i32
      %dma_start3A_397 = tpu.memref_slice %arg3[%min3A_390, %dma_start3A_395, %dma_start3A_396] : memref<10240x2x32xi32, #tpu.memory_space<hbm>> -> memref<1x2x32xi32, #tpu.memory_space<hbm>>
      %dma_start3A_398 = tpu.memref_squeeze %dma_start3A_397 : memref<1x2x32xi32, #tpu.memory_space<hbm>> -> memref<2x32xi32, #tpu.memory_space<hbm>>
      tpu.enqueue_dma source(%dma_start3A_398 : memref<2x32xi32, #tpu.memory_space<hbm>>) target(%arg9 : memref<2x32xi32, #tpu.memory_space<vmem>>) target_semaphore(%arg22 : memref<!tpu.dma_semaphore, #tpu.memory_space<semaphore_mem>>)
      %add3A_399 = arith.constant 4 : i32
      %add3A_400 = arith.addi %add3A_256, %add3A_399 : i32
      %dma_wait3A_401 = arith.constant 0 : i32
      %dma_wait3A_402 = arith.constant 0 : i32
      %dma_wait3A_403 = tpu.memref_slice %arg10[%dma_wait3A_401, %dma_wait3A_402] : memref<2x32xi32, #tpu.memory_space<vmem>> -> memref<1x32xi32, #tpu.memory_space<vmem>>
      %dma_wait3A_404 = tpu.memref_squeeze %dma_wait3A_403 : memref<1x32xi32, #tpu.memory_space<vmem>> -> memref<32xi32, #tpu.memory_space<vmem>>
      %dma_wait3A_405 = arith.constant 0 : i32
      %dma_wait3A_406 = arith.constant 0 : i32
      %dma_wait3A_407 = tpu.memref_slice %arg2[%dma_wait3A_405, %dma_wait3A_406] : memref<10000x32xf32, #tpu.memory_space<hbm>> -> memref<10000x32xf32, #tpu.memory_space<hbm>>
      tpu.wait_indirect_dma semaphore(%arg27 : memref<!tpu.dma_semaphore, #tpu.memory_space<semaphore_mem>>) src(%dma_wait3A_407 : memref<10000x32xf32, #tpu.memory_space<hbm>>) dst(%arg14 : memref<32x32xf32, #tpu.memory_space<vmem>>)
      %run_scoped3A_408 = arith.constant 1 : i32
      "tpu.region"() ({
        %run_scoped3A_543 = tpu.sem_alloc : memref<!tpu.dma_semaphore, #tpu.memory_space<semaphore_mem>>
        %dma_start3A_544 = arith.constant 0 : i32
        %dma_start3A_545 = tpu.memref_slice %arg10[%run_scoped3A_408, %dma_start3A_544] : memref<2x32xi32, #tpu.memory_space<vmem>> -> memref<1x32xi32, #tpu.memory_space<vmem>>
        %dma_start3A_546 = tpu.memref_squeeze %dma_start3A_545 : memref<1x32xi32, #tpu.memory_space<vmem>> -> memref<32xi32, #tpu.memory_space<vmem>>
        %dma_start3A_547 = arith.constant 0 : i32
        %dma_start3A_548 = arith.constant 0 : i32
        %dma_start3A_549 = tpu.memref_slice %arg18[%dma_start3A_547, %dma_start3A_548] : memref<10112x32xf32, #tpu.memory_space<vmem_shared>> -> memref<10112x32xf32, #tpu.memory_space<vmem_shared>>
        tpu.enqueue_indirect_dma source(%arg14 : memref<32x32xf32, #tpu.memory_space<vmem>>) target(%dma_start3A_549 : memref<10112x32xf32, #tpu.memory_space<vmem_shared>>) offsets(%dma_start3A_546 : memref<32xi32, #tpu.memory_space<vmem>>) semaphore(%run_scoped3A_543 : memref<!tpu.dma_semaphore, #tpu.memory_space<semaphore_mem>>) {add = true}
        %dma_wait3A_550 = arith.constant 0 : i32
        %dma_wait3A_551 = tpu.memref_slice %arg10[%run_scoped3A_408, %dma_wait3A_550] : memref<2x32xi32, #tpu.memory_space<vmem>> -> memref<1x32xi32, #tpu.memory_space<vmem>>
        %dma_wait3A_552 = tpu.memref_squeeze %dma_wait3A_551 : memref<1x32xi32, #tpu.memory_space<vmem>> -> memref<32xi32, #tpu.memory_space<vmem>>
        %dma_wait3A_553 = arith.constant 0 : i32
        %dma_wait3A_554 = arith.constant 0 : i32
        %dma_wait3A_555 = tpu.memref_slice %arg18[%dma_wait3A_553, %dma_wait3A_554] : memref<10112x32xf32, #tpu.memory_space<vmem_shared>> -> memref<10112x32xf32, #tpu.memory_space<vmem_shared>>
        tpu.wait_indirect_dma semaphore(%run_scoped3A_543 : memref<!tpu.dma_semaphore, #tpu.memory_space<semaphore_mem>>) src(%arg14 : memref<32x32xf32, #tpu.memory_space<vmem>>) dst(%dma_wait3A_555 : memref<10112x32xf32, #tpu.memory_space<vmem_shared>>)
        tpu.yield
      }) : () -> ()
      %dma_wait3A_409 = arith.constant 0 : i32
      %dma_wait3A_410 = arith.constant 0 : i32
      %dma_wait3A_411 = tpu.memref_slice %arg3[%add3A_400, %dma_wait3A_409, %dma_wait3A_410] : memref<10240x2x32xi32, #tpu.memory_space<hbm>> -> memref<1x2x32xi32, #tpu.memory_space<hbm>>
      %dma_wait3A_412 = tpu.memref_squeeze %dma_wait3A_411 : memref<1x2x32xi32, #tpu.memory_space<hbm>> -> memref<2x32xi32, #tpu.memory_space<hbm>>
      %dma_wait3A_413 = arith.constant 0 : i32
      %dma_wait3A_414 = arith.constant 0 : i32
      %dma_wait3A_415 = tpu.memref_slice %arg3[%add3A_400, %dma_wait3A_413, %dma_wait3A_414] : memref<10240x2x32xi32, #tpu.memory_space<hbm>> -> memref<1x2x32xi32, #tpu.memory_space<hbm>>
      %dma_wait3A_416 = tpu.memref_squeeze %dma_wait3A_415 : memref<1x2x32xi32, #tpu.memory_space<hbm>> -> memref<2x32xi32, #tpu.memory_space<hbm>>
      tpu.wait_dma2 semaphore(%arg19 : memref<!tpu.dma_semaphore, #tpu.memory_space<semaphore_mem>>) src(%dma_wait3A_416 : memref<2x32xi32, #tpu.memory_space<hbm>>) dst(%arg6 : memref<2x32xi32, #tpu.memory_space<vmem>>)
      %dma_start3A_417 = arith.constant 0 : i32
      %dma_start3A_418 = arith.constant 0 : i32
      %dma_start3A_419 = tpu.memref_slice %arg6[%dma_start3A_417, %dma_start3A_418] : memref<2x32xi32, #tpu.memory_space<vmem>> -> memref<1x32xi32, #tpu.memory_space<vmem>>
      %dma_start3A_420 = tpu.memref_squeeze %dma_start3A_419 : memref<1x32xi32, #tpu.memory_space<vmem>> -> memref<32xi32, #tpu.memory_space<vmem>>
      %dma_start3A_421 = arith.constant 0 : i32
      %dma_start3A_422 = arith.constant 0 : i32
      %dma_start3A_423 = tpu.memref_slice %arg2[%dma_start3A_421, %dma_start3A_422] : memref<10000x32xf32, #tpu.memory_space<hbm>> -> memref<10000x32xf32, #tpu.memory_space<hbm>>
      tpu.enqueue_indirect_dma source(%dma_start3A_423 : memref<10000x32xf32, #tpu.memory_space<hbm>>) target(%arg14 : memref<32x32xf32, #tpu.memory_space<vmem>>) offsets(%dma_start3A_420 : memref<32xi32, #tpu.memory_space<vmem>>) semaphore(%arg27 : memref<!tpu.dma_semaphore, #tpu.memory_space<semaphore_mem>>)
      %add3A_424 = arith.constant 8 : i32
      %add3A_425 = arith.addi %add3A_400, %add3A_424 : i32
      %min3A_426 = arith.minsi %add3A_425, %sub3A_10 : i32
      %dma_start3A_427 = arith.constant 0 : i32
      %dma_start3A_428 = arith.constant 0 : i32
      %dma_start3A_429 = tpu.memref_slice %arg3[%min3A_426, %dma_start3A_427, %dma_start3A_428] : memref<10240x2x32xi32, #tpu.memory_space<hbm>> -> memref<1x2x32xi32, #tpu.memory_space<hbm>>
      %dma_start3A_430 = tpu.memref_squeeze %dma_start3A_429 : memref<1x2x32xi32, #tpu.memory_space<hbm>> -> memref<2x32xi32, #tpu.memory_space<hbm>>
      %dma_start3A_431 = arith.constant 0 : i32
      %dma_start3A_432 = arith.constant 0 : i32
      %dma_start3A_433 = tpu.memref_slice %arg3[%min3A_426, %dma_start3A_431, %dma_start3A_432] : memref<10240x2x32xi32, #tpu.memory_space<hbm>> -> memref<1x2x32xi32, #tpu.memory_space<hbm>>
      %dma_start3A_434 = tpu.memref_squeeze %dma_start3A_433 : memref<1x2x32xi32, #tpu.memory_space<hbm>> -> memref<2x32xi32, #tpu.memory_space<hbm>>
      tpu.enqueue_dma source(%dma_start3A_434 : memref<2x32xi32, #tpu.memory_space<hbm>>) target(%arg10 : memref<2x32xi32, #tpu.memory_space<vmem>>) target_semaphore(%arg23 : memref<!tpu.dma_semaphore, #tpu.memory_space<semaphore_mem>>)
      %add3A_435 = arith.constant 5 : i32
      %add3A_436 = arith.addi %add3A_256, %add3A_435 : i32
      %dma_wait3A_437 = arith.constant 0 : i32
      %dma_wait3A_438 = arith.constant 0 : i32
      %dma_wait3A_439 = tpu.memref_slice %arg11[%dma_wait3A_437, %dma_wait3A_438] : memref<2x32xi32, #tpu.memory_space<vmem>> -> memref<1x32xi32, #tpu.memory_space<vmem>>
      %dma_wait3A_440 = tpu.memref_squeeze %dma_wait3A_439 : memref<1x32xi32, #tpu.memory_space<vmem>> -> memref<32xi32, #tpu.memory_space<vmem>>
      %dma_wait3A_441 = arith.constant 0 : i32
      %dma_wait3A_442 = arith.constant 0 : i32
      %dma_wait3A_443 = tpu.memref_slice %arg2[%dma_wait3A_441, %dma_wait3A_442] : memref<10000x32xf32, #tpu.memory_space<hbm>> -> memref<10000x32xf32, #tpu.memory_space<hbm>>
      tpu.wait_indirect_dma semaphore(%arg28 : memref<!tpu.dma_semaphore, #tpu.memory_space<semaphore_mem>>) src(%dma_wait3A_443 : memref<10000x32xf32, #tpu.memory_space<hbm>>) dst(%arg15 : memref<32x32xf32, #tpu.memory_space<vmem>>)
      %run_scoped3A_444 = arith.constant 1 : i32
      "tpu.region"() ({
        %run_scoped3A_543 = tpu.sem_alloc : memref<!tpu.dma_semaphore, #tpu.memory_space<semaphore_mem>>
        %dma_start3A_544 = arith.constant 0 : i32
        %dma_start3A_545 = tpu.memref_slice %arg11[%run_scoped3A_444, %dma_start3A_544] : memref<2x32xi32, #tpu.memory_space<vmem>> -> memref<1x32xi32, #tpu.memory_space<vmem>>
        %dma_start3A_546 = tpu.memref_squeeze %dma_start3A_545 : memref<1x32xi32, #tpu.memory_space<vmem>> -> memref<32xi32, #tpu.memory_space<vmem>>
        %dma_start3A_547 = arith.constant 0 : i32
        %dma_start3A_548 = arith.constant 0 : i32
        %dma_start3A_549 = tpu.memref_slice %arg18[%dma_start3A_547, %dma_start3A_548] : memref<10112x32xf32, #tpu.memory_space<vmem_shared>> -> memref<10112x32xf32, #tpu.memory_space<vmem_shared>>
        tpu.enqueue_indirect_dma source(%arg15 : memref<32x32xf32, #tpu.memory_space<vmem>>) target(%dma_start3A_549 : memref<10112x32xf32, #tpu.memory_space<vmem_shared>>) offsets(%dma_start3A_546 : memref<32xi32, #tpu.memory_space<vmem>>) semaphore(%run_scoped3A_543 : memref<!tpu.dma_semaphore, #tpu.memory_space<semaphore_mem>>) {add = true}
        %dma_wait3A_550 = arith.constant 0 : i32
        %dma_wait3A_551 = tpu.memref_slice %arg11[%run_scoped3A_444, %dma_wait3A_550] : memref<2x32xi32, #tpu.memory_space<vmem>> -> memref<1x32xi32, #tpu.memory_space<vmem>>
        %dma_wait3A_552 = tpu.memref_squeeze %dma_wait3A_551 : memref<1x32xi32, #tpu.memory_space<vmem>> -> memref<32xi32, #tpu.memory_space<vmem>>
        %dma_wait3A_553 = arith.constant 0 : i32
        %dma_wait3A_554 = arith.constant 0 : i32
        %dma_wait3A_555 = tpu.memref_slice %arg18[%dma_wait3A_553, %dma_wait3A_554] : memref<10112x32xf32, #tpu.memory_space<vmem_shared>> -> memref<10112x32xf32, #tpu.memory_space<vmem_shared>>
        tpu.wait_indirect_dma semaphore(%run_scoped3A_543 : memref<!tpu.dma_semaphore, #tpu.memory_space<semaphore_mem>>) src(%arg15 : memref<32x32xf32, #tpu.memory_space<vmem>>) dst(%dma_wait3A_555 : memref<10112x32xf32, #tpu.memory_space<vmem_shared>>)
        tpu.yield
      }) : () -> ()
      %dma_wait3A_445 = arith.constant 0 : i32
      %dma_wait3A_446 = arith.constant 0 : i32
      %dma_wait3A_447 = tpu.memref_slice %arg3[%add3A_436, %dma_wait3A_445, %dma_wait3A_446] : memref<10240x2x32xi32, #tpu.memory_space<hbm>> -> memref<1x2x32xi32, #tpu.memory_space<hbm>>
      %dma_wait3A_448 = tpu.memref_squeeze %dma_wait3A_447 : memref<1x2x32xi32, #tpu.memory_space<hbm>> -> memref<2x32xi32, #tpu.memory_space<hbm>>
      %dma_wait3A_449 = arith.constant 0 : i32
      %dma_wait3A_450 = arith.constant 0 : i32
      %dma_wait3A_451 = tpu.memref_slice %arg3[%add3A_436, %dma_wait3A_449, %dma_wait3A_450] : memref<10240x2x32xi32, #tpu.memory_space<hbm>> -> memref<1x2x32xi32, #tpu.memory_space<hbm>>
      %dma_wait3A_452 = tpu.memref_squeeze %dma_wait3A_451 : memref<1x2x32xi32, #tpu.memory_space<hbm>> -> memref<2x32xi32, #tpu.memory_space<hbm>>
      tpu.wait_dma2 semaphore(%arg20 : memref<!tpu.dma_semaphore, #tpu.memory_space<semaphore_mem>>) src(%dma_wait3A_452 : memref<2x32xi32, #tpu.memory_space<hbm>>) dst(%arg7 : memref<2x32xi32, #tpu.memory_space<vmem>>)
      %dma_start3A_453 = arith.constant 0 : i32
      %dma_start3A_454 = arith.constant 0 : i32
      %dma_start3A_455 = tpu.memref_slice %arg7[%dma_start3A_453, %dma_start3A_454] : memref<2x32xi32, #tpu.memory_space<vmem>> -> memref<1x32xi32, #tpu.memory_space<vmem>>
      %dma_start3A_456 = tpu.memref_squeeze %dma_start3A_455 : memref<1x32xi32, #tpu.memory_space<vmem>> -> memref<32xi32, #tpu.memory_space<vmem>>
      %dma_start3A_457 = arith.constant 0 : i32
      %dma_start3A_458 = arith.constant 0 : i32
      %dma_start3A_459 = tpu.memref_slice %arg2[%dma_start3A_457, %dma_start3A_458] : memref<10000x32xf32, #tpu.memory_space<hbm>> -> memref<10000x32xf32, #tpu.memory_space<hbm>>
      tpu.enqueue_indirect_dma source(%dma_start3A_459 : memref<10000x32xf32, #tpu.memory_space<hbm>>) target(%arg15 : memref<32x32xf32, #tpu.memory_space<vmem>>) offsets(%dma_start3A_456 : memref<32xi32, #tpu.memory_space<vmem>>) semaphore(%arg28 : memref<!tpu.dma_semaphore, #tpu.memory_space<semaphore_mem>>)
      %add3A_460 = arith.constant 8 : i32
      %add3A_461 = arith.addi %add3A_436, %add3A_460 : i32
      %min3A_462 = arith.minsi %add3A_461, %sub3A_10 : i32
      %dma_start3A_463 = arith.constant 0 : i32
      %dma_start3A_464 = arith.constant 0 : i32
      %dma_start3A_465 = tpu.memref_slice %arg3[%min3A_462, %dma_start3A_463, %dma_start3A_464] : memref<10240x2x32xi32, #tpu.memory_space<hbm>> -> memref<1x2x32xi32, #tpu.memory_space<hbm>>
      %dma_start3A_466 = tpu.memref_squeeze %dma_start3A_465 : memref<1x2x32xi32, #tpu.memory_space<hbm>> -> memref<2x32xi32, #tpu.memory_space<hbm>>
      %dma_start3A_467 = arith.constant 0 : i32
      %dma_start3A_468 = arith.constant 0 : i32
      %dma_start3A_469 = tpu.memref_slice %arg3[%min3A_462, %dma_start3A_467, %dma_start3A_468] : memref<10240x2x32xi32, #tpu.memory_space<hbm>> -> memref<1x2x32xi32, #tpu.memory_space<hbm>>
      %dma_start3A_470 = tpu.memref_squeeze %dma_start3A_469 : memref<1x2x32xi32, #tpu.memory_space<hbm>> -> memref<2x32xi32, #tpu.memory_space<hbm>>
      tpu.enqueue_dma source(%dma_start3A_470 : memref<2x32xi32, #tpu.memory_space<hbm>>) target(%arg11 : memref<2x32xi32, #tpu.memory_space<vmem>>) target_semaphore(%arg24 : memref<!tpu.dma_semaphore, #tpu.memory_space<semaphore_mem>>)
      %add3A_471 = arith.constant 6 : i32
      %add3A_472 = arith.addi %add3A_256, %add3A_471 : i32
      %dma_wait3A_473 = arith.constant 0 : i32
      %dma_wait3A_474 = arith.constant 0 : i32
      %dma_wait3A_475 = tpu.memref_slice %arg12[%dma_wait3A_473, %dma_wait3A_474] : memref<2x32xi32, #tpu.memory_space<vmem>> -> memref<1x32xi32, #tpu.memory_space<vmem>>
      %dma_wait3A_476 = tpu.memref_squeeze %dma_wait3A_475 : memref<1x32xi32, #tpu.memory_space<vmem>> -> memref<32xi32, #tpu.memory_space<vmem>>
      %dma_wait3A_477 = arith.constant 0 : i32
      %dma_wait3A_478 = arith.constant 0 : i32
      %dma_wait3A_479 = tpu.memref_slice %arg2[%dma_wait3A_477, %dma_wait3A_478] : memref<10000x32xf32, #tpu.memory_space<hbm>> -> memref<10000x32xf32, #tpu.memory_space<hbm>>
      tpu.wait_indirect_dma semaphore(%arg29 : memref<!tpu.dma_semaphore, #tpu.memory_space<semaphore_mem>>) src(%dma_wait3A_479 : memref<10000x32xf32, #tpu.memory_space<hbm>>) dst(%arg16 : memref<32x32xf32, #tpu.memory_space<vmem>>)
      %run_scoped3A_480 = arith.constant 1 : i32
      "tpu.region"() ({
        %run_scoped3A_543 = tpu.sem_alloc : memref<!tpu.dma_semaphore, #tpu.memory_space<semaphore_mem>>
        %dma_start3A_544 = arith.constant 0 : i32
        %dma_start3A_545 = tpu.memref_slice %arg12[%run_scoped3A_480, %dma_start3A_544] : memref<2x32xi32, #tpu.memory_space<vmem>> -> memref<1x32xi32, #tpu.memory_space<vmem>>
        %dma_start3A_546 = tpu.memref_squeeze %dma_start3A_545 : memref<1x32xi32, #tpu.memory_space<vmem>> -> memref<32xi32, #tpu.memory_space<vmem>>
        %dma_start3A_547 = arith.constant 0 : i32
        %dma_start3A_548 = arith.constant 0 : i32
        %dma_start3A_549 = tpu.memref_slice %arg18[%dma_start3A_547, %dma_start3A_548] : memref<10112x32xf32, #tpu.memory_space<vmem_shared>> -> memref<10112x32xf32, #tpu.memory_space<vmem_shared>>
        tpu.enqueue_indirect_dma source(%arg16 : memref<32x32xf32, #tpu.memory_space<vmem>>) target(%dma_start3A_549 : memref<10112x32xf32, #tpu.memory_space<vmem_shared>>) offsets(%dma_start3A_546 : memref<32xi32, #tpu.memory_space<vmem>>) semaphore(%run_scoped3A_543 : memref<!tpu.dma_semaphore, #tpu.memory_space<semaphore_mem>>) {add = true}
        %dma_wait3A_550 = arith.constant 0 : i32
        %dma_wait3A_551 = tpu.memref_slice %arg12[%run_scoped3A_480, %dma_wait3A_550] : memref<2x32xi32, #tpu.memory_space<vmem>> -> memref<1x32xi32, #tpu.memory_space<vmem>>
        %dma_wait3A_552 = tpu.memref_squeeze %dma_wait3A_551 : memref<1x32xi32, #tpu.memory_space<vmem>> -> memref<32xi32, #tpu.memory_space<vmem>>
        %dma_wait3A_553 = arith.constant 0 : i32
        %dma_wait3A_554 = arith.constant 0 : i32
        %dma_wait3A_555 = tpu.memref_slice %arg18[%dma_wait3A_553, %dma_wait3A_554] : memref<10112x32xf32, #tpu.memory_space<vmem_shared>> -> memref<10112x32xf32, #tpu.memory_space<vmem_shared>>
        tpu.wait_indirect_dma semaphore(%run_scoped3A_543 : memref<!tpu.dma_semaphore, #tpu.memory_space<semaphore_mem>>) src(%arg16 : memref<32x32xf32, #tpu.memory_space<vmem>>) dst(%dma_wait3A_555 : memref<10112x32xf32, #tpu.memory_space<vmem_shared>>)
        tpu.yield
      }) : () -> ()
      %dma_wait3A_481 = arith.constant 0 : i32
      %dma_wait3A_482 = arith.constant 0 : i32
      %dma_wait3A_483 = tpu.memref_slice %arg3[%add3A_472, %dma_wait3A_481, %dma_wait3A_482] : memref<10240x2x32xi32, #tpu.memory_space<hbm>> -> memref<1x2x32xi32, #tpu.memory_space<hbm>>
      %dma_wait3A_484 = tpu.memref_squeeze %dma_wait3A_483 : memref<1x2x32xi32, #tpu.memory_space<hbm>> -> memref<2x32xi32, #tpu.memory_space<hbm>>
      %dma_wait3A_485 = arith.constant 0 : i32
      %dma_wait3A_486 = arith.constant 0 : i32
      %dma_wait3A_487 = tpu.memref_slice %arg3[%add3A_472, %dma_wait3A_485, %dma_wait3A_486] : memref<10240x2x32xi32, #tpu.memory_space<hbm>> -> memref<1x2x32xi32, #tpu.memory_space<hbm>>
      %dma_wait3A_488 = tpu.memref_squeeze %dma_wait3A_487 : memref<1x2x32xi32, #tpu.memory_space<hbm>> -> memref<2x32xi32, #tpu.memory_space<hbm>>
      tpu.wait_dma2 semaphore(%arg21 : memref<!tpu.dma_semaphore, #tpu.memory_space<semaphore_mem>>) src(%dma_wait3A_488 : memref<2x32xi32, #tpu.memory_space<hbm>>) dst(%arg8 : memref<2x32xi32, #tpu.memory_space<vmem>>)
      %dma_start3A_489 = arith.constant 0 : i32
      %dma_start3A_490 = arith.constant 0 : i32
      %dma_start3A_491 = tpu.memref_slice %arg8[%dma_start3A_489, %dma_start3A_490] : memref<2x32xi32, #tpu.memory_space<vmem>> -> memref<1x32xi32, #tpu.memory_space<vmem>>
      %dma_start3A_492 = tpu.memref_squeeze %dma_start3A_491 : memref<1x32xi32, #tpu.memory_space<vmem>> -> memref<32xi32, #tpu.memory_space<vmem>>
      %dma_start3A_493 = arith.constant 0 : i32
      %dma_start3A_494 = arith.constant 0 : i32
      %dma_start3A_495 = tpu.memref_slice %arg2[%dma_start3A_493, %dma_start3A_494] : memref<10000x32xf32, #tpu.memory_space<hbm>> -> memref<10000x32xf32, #tpu.memory_space<hbm>>
      tpu.enqueue_indirect_dma source(%dma_start3A_495 : memref<10000x32xf32, #tpu.memory_space<hbm>>) target(%arg16 : memref<32x32xf32, #tpu.memory_space<vmem>>) offsets(%dma_start3A_492 : memref<32xi32, #tpu.memory_space<vmem>>) semaphore(%arg29 : memref<!tpu.dma_semaphore, #tpu.memory_space<semaphore_mem>>)
      %add3A_496 = arith.constant 8 : i32
      %add3A_497 = arith.addi %add3A_472, %add3A_496 : i32
      %min3A_498 = arith.minsi %add3A_497, %sub3A_10 : i32
      %dma_start3A_499 = arith.constant 0 : i32
      %dma_start3A_500 = arith.constant 0 : i32
      %dma_start3A_501 = tpu.memref_slice %arg3[%min3A_498, %dma_start3A_499, %dma_start3A_500] : memref<10240x2x32xi32, #tpu.memory_space<hbm>> -> memref<1x2x32xi32, #tpu.memory_space<hbm>>
      %dma_start3A_502 = tpu.memref_squeeze %dma_start3A_501 : memref<1x2x32xi32, #tpu.memory_space<hbm>> -> memref<2x32xi32, #tpu.memory_space<hbm>>
      %dma_start3A_503 = arith.constant 0 : i32
      %dma_start3A_504 = arith.constant 0 : i32
      %dma_start3A_505 = tpu.memref_slice %arg3[%min3A_498, %dma_start3A_503, %dma_start3A_504] : memref<10240x2x32xi32, #tpu.memory_space<hbm>> -> memref<1x2x32xi32, #tpu.memory_space<hbm>>
      %dma_start3A_506 = tpu.memref_squeeze %dma_start3A_505 : memref<1x2x32xi32, #tpu.memory_space<hbm>> -> memref<2x32xi32, #tpu.memory_space<hbm>>
      tpu.enqueue_dma source(%dma_start3A_506 : memref<2x32xi32, #tpu.memory_space<hbm>>) target(%arg12 : memref<2x32xi32, #tpu.memory_space<vmem>>) target_semaphore(%arg25 : memref<!tpu.dma_semaphore, #tpu.memory_space<semaphore_mem>>)
      %add3A_507 = arith.constant 7 : i32
      %add3A_508 = arith.addi %add3A_256, %add3A_507 : i32
      %dma_wait3A_509 = arith.constant 0 : i32
      %dma_wait3A_510 = arith.constant 0 : i32
      %dma_wait3A_511 = tpu.memref_slice %arg13[%dma_wait3A_509, %dma_wait3A_510] : memref<2x32xi32, #tpu.memory_space<vmem>> -> memref<1x32xi32, #tpu.memory_space<vmem>>
      %dma_wait3A_512 = tpu.memref_squeeze %dma_wait3A_511 : memref<1x32xi32, #tpu.memory_space<vmem>> -> memref<32xi32, #tpu.memory_space<vmem>>
      %dma_wait3A_513 = arith.constant 0 : i32
      %dma_wait3A_514 = arith.constant 0 : i32
      %dma_wait3A_515 = tpu.memref_slice %arg2[%dma_wait3A_513, %dma_wait3A_514] : memref<10000x32xf32, #tpu.memory_space<hbm>> -> memref<10000x32xf32, #tpu.memory_space<hbm>>
      tpu.wait_indirect_dma semaphore(%arg30 : memref<!tpu.dma_semaphore, #tpu.memory_space<semaphore_mem>>) src(%dma_wait3A_515 : memref<10000x32xf32, #tpu.memory_space<hbm>>) dst(%arg17 : memref<32x32xf32, #tpu.memory_space<vmem>>)
      %run_scoped3A_516 = arith.constant 1 : i32
      "tpu.region"() ({
        %run_scoped3A_543 = tpu.sem_alloc : memref<!tpu.dma_semaphore, #tpu.memory_space<semaphore_mem>>
        %dma_start3A_544 = arith.constant 0 : i32
        %dma_start3A_545 = tpu.memref_slice %arg13[%run_scoped3A_516, %dma_start3A_544] : memref<2x32xi32, #tpu.memory_space<vmem>> -> memref<1x32xi32, #tpu.memory_space<vmem>>
        %dma_start3A_546 = tpu.memref_squeeze %dma_start3A_545 : memref<1x32xi32, #tpu.memory_space<vmem>> -> memref<32xi32, #tpu.memory_space<vmem>>
        %dma_start3A_547 = arith.constant 0 : i32
        %dma_start3A_548 = arith.constant 0 : i32
        %dma_start3A_549 = tpu.memref_slice %arg18[%dma_start3A_547, %dma_start3A_548] : memref<10112x32xf32, #tpu.memory_space<vmem_shared>> -> memref<10112x32xf32, #tpu.memory_space<vmem_shared>>
        tpu.enqueue_indirect_dma source(%arg17 : memref<32x32xf32, #tpu.memory_space<vmem>>) target(%dma_start3A_549 : memref<10112x32xf32, #tpu.memory_space<vmem_shared>>) offsets(%dma_start3A_546 : memref<32xi32, #tpu.memory_space<vmem>>) semaphore(%run_scoped3A_543 : memref<!tpu.dma_semaphore, #tpu.memory_space<semaphore_mem>>) {add = true}
        %dma_wait3A_550 = arith.constant 0 : i32
        %dma_wait3A_551 = tpu.memref_slice %arg13[%run_scoped3A_516, %dma_wait3A_550] : memref<2x32xi32, #tpu.memory_space<vmem>> -> memref<1x32xi32, #tpu.memory_space<vmem>>
        %dma_wait3A_552 = tpu.memref_squeeze %dma_wait3A_551 : memref<1x32xi32, #tpu.memory_space<vmem>> -> memref<32xi32, #tpu.memory_space<vmem>>
        %dma_wait3A_553 = arith.constant 0 : i32
        %dma_wait3A_554 = arith.constant 0 : i32
        %dma_wait3A_555 = tpu.memref_slice %arg18[%dma_wait3A_553, %dma_wait3A_554] : memref<10112x32xf32, #tpu.memory_space<vmem_shared>> -> memref<10112x32xf32, #tpu.memory_space<vmem_shared>>
        tpu.wait_indirect_dma semaphore(%run_scoped3A_543 : memref<!tpu.dma_semaphore, #tpu.memory_space<semaphore_mem>>) src(%arg17 : memref<32x32xf32, #tpu.memory_space<vmem>>) dst(%dma_wait3A_555 : memref<10112x32xf32, #tpu.memory_space<vmem_shared>>)
        tpu.yield
      }) : () -> ()
      %dma_wait3A_517 = arith.constant 0 : i32
      %dma_wait3A_518 = arith.constant 0 : i32
      %dma_wait3A_519 = tpu.memref_slice %arg3[%add3A_508, %dma_wait3A_517, %dma_wait3A_518] : memref<10240x2x32xi32, #tpu.memory_space<hbm>> -> memref<1x2x32xi32, #tpu.memory_space<hbm>>
      %dma_wait3A_520 = tpu.memref_squeeze %dma_wait3A_519 : memref<1x2x32xi32, #tpu.memory_space<hbm>> -> memref<2x32xi32, #tpu.memory_space<hbm>>
      %dma_wait3A_521 = arith.constant 0 : i32
      %dma_wait3A_522 = arith.constant 0 : i32
      %dma_wait3A_523 = tpu.memref_slice %arg3[%add3A_508, %dma_wait3A_521, %dma_wait3A_522] : memref<10240x2x32xi32, #tpu.memory_space<hbm>> -> memref<1x2x32xi32, #tpu.memory_space<hbm>>
      %dma_wait3A_524 = tpu.memref_squeeze %dma_wait3A_523 : memref<1x2x32xi32, #tpu.memory_space<hbm>> -> memref<2x32xi32, #tpu.memory_space<hbm>>
      tpu.wait_dma2 semaphore(%arg22 : memref<!tpu.dma_semaphore, #tpu.memory_space<semaphore_mem>>) src(%dma_wait3A_524 : memref<2x32xi32, #tpu.memory_space<hbm>>) dst(%arg9 : memref<2x32xi32, #tpu.memory_space<vmem>>)
      %dma_start3A_525 = arith.constant 0 : i32
      %dma_start3A_526 = arith.constant 0 : i32
      %dma_start3A_527 = tpu.memref_slice %arg9[%dma_start3A_525, %dma_start3A_526] : memref<2x32xi32, #tpu.memory_space<vmem>> -> memref<1x32xi32, #tpu.memory_space<vmem>>
      %dma_start3A_528 = tpu.memref_squeeze %dma_start3A_527 : memref<1x32xi32, #tpu.memory_space<vmem>> -> memref<32xi32, #tpu.memory_space<vmem>>
      %dma_start3A_529 = arith.constant 0 : i32
      %dma_start3A_530 = arith.constant 0 : i32
      %dma_start3A_531 = tpu.memref_slice %arg2[%dma_start3A_529, %dma_start3A_530] : memref<10000x32xf32, #tpu.memory_space<hbm>> -> memref<10000x32xf32, #tpu.memory_space<hbm>>
      tpu.enqueue_indirect_dma source(%dma_start3A_531 : memref<10000x32xf32, #tpu.memory_space<hbm>>) target(%arg17 : memref<32x32xf32, #tpu.memory_space<vmem>>) offsets(%dma_start3A_528 : memref<32xi32, #tpu.memory_space<vmem>>) semaphore(%arg30 : memref<!tpu.dma_semaphore, #tpu.memory_space<semaphore_mem>>)
      %add3A_532 = arith.constant 8 : i32
      %add3A_533 = arith.addi %add3A_508, %add3A_532 : i32
      %min3A_534 = arith.minsi %add3A_533, %sub3A_10 : i32
      %dma_start3A_535 = arith.constant 0 : i32
      %dma_start3A_536 = arith.constant 0 : i32
      %dma_start3A_537 = tpu.memref_slice %arg3[%min3A_534, %dma_start3A_535, %dma_start3A_536] : memref<10240x2x32xi32, #tpu.memory_space<hbm>> -> memref<1x2x32xi32, #tpu.memory_space<hbm>>
      %dma_start3A_538 = tpu.memref_squeeze %dma_start3A_537 : memref<1x2x32xi32, #tpu.memory_space<hbm>> -> memref<2x32xi32, #tpu.memory_space<hbm>>
      %dma_start3A_539 = arith.constant 0 : i32
      %dma_start3A_540 = arith.constant 0 : i32
      %dma_start3A_541 = tpu.memref_slice %arg3[%min3A_534, %dma_start3A_539, %dma_start3A_540] : memref<10240x2x32xi32, #tpu.memory_space<hbm>> -> memref<1x2x32xi32, #tpu.memory_space<hbm>>
      %dma_start3A_542 = tpu.memref_squeeze %dma_start3A_541 : memref<1x2x32xi32, #tpu.memory_space<hbm>> -> memref<2x32xi32, #tpu.memory_space<hbm>>
      tpu.enqueue_dma source(%dma_start3A_542 : memref<2x32xi32, #tpu.memory_space<hbm>>) target(%arg13 : memref<2x32xi32, #tpu.memory_space<vmem>>) target_semaphore(%arg26 : memref<!tpu.dma_semaphore, #tpu.memory_space<semaphore_mem>>)
    }
    %while3A_186 = arith.constant 1 : i32
    scf.for %while3A_253 = %while3A_184 to %while3A_180 step %while3A_186  : i32 {
      %mul3A_254 = arith.constant 8 : i32
      %mul3A_255 = arith.muli %mul3A_254, %while3A_253 : i32
      %add3A_256 = arith.addi %select_n3A, %mul3A_255 : i32
      %add3A_257 = arith.constant 0 : i32
      %add3A_258 = arith.addi %add3A_256, %add3A_257 : i32
      %dma_wait3A_259 = arith.constant 0 : i32
      %dma_wait3A_260 = arith.constant 0 : i32
      %dma_wait3A_261 = tpu.memref_slice %arg6[%dma_wait3A_259, %dma_wait3A_260] : memref<2x32xi32, #tpu.memory_space<vmem>> -> memref<1x32xi32, #tpu.memory_space<vmem>>
      %dma_wait3A_262 = tpu.memref_squeeze %dma_wait3A_261 : memref<1x32xi32, #tpu.memory_space<vmem>> -> memref<32xi32, #tpu.memory_space<vmem>>
      %dma_wait3A_263 = arith.constant 0 : i32
      %dma_wait3A_264 = arith.constant 0 : i32
      %dma_wait3A_265 = tpu.memref_slice %arg2[%dma_wait3A_263, %dma_wait3A_264] : memref<10000x32xf32, #tpu.memory_space<hbm>> -> memref<10000x32xf32, #tpu.memory_space<hbm>>
      tpu.wait_indirect_dma semaphore(%arg27 : memref<!tpu.dma_semaphore, #tpu.memory_space<semaphore_mem>>) src(%dma_wait3A_265 : memref<10000x32xf32, #tpu.memory_space<hbm>>) dst(%arg14 : memref<32x32xf32, #tpu.memory_space<vmem>>)
      %run_scoped3A = arith.constant 1 : i32
      "tpu.region"() ({
        %run_scoped3A_543 = tpu.sem_alloc : memref<!tpu.dma_semaphore, #tpu.memory_space<semaphore_mem>>
        %dma_start3A_544 = arith.constant 0 : i32
        %dma_start3A_545 = tpu.memref_slice %arg6[%run_scoped3A, %dma_start3A_544] : memref<2x32xi32, #tpu.memory_space<vmem>> -> memref<1x32xi32, #tpu.memory_space<vmem>>
        %dma_start3A_546 = tpu.memref_squeeze %dma_start3A_545 : memref<1x32xi32, #tpu.memory_space<vmem>> -> memref<32xi32, #tpu.memory_space<vmem>>
        %dma_start3A_547 = arith.constant 0 : i32
        %dma_start3A_548 = arith.constant 0 : i32
        %dma_start3A_549 = tpu.memref_slice %arg18[%dma_start3A_547, %dma_start3A_548] : memref<10112x32xf32, #tpu.memory_space<vmem_shared>> -> memref<10112x32xf32, #tpu.memory_space<vmem_shared>>
        tpu.enqueue_indirect_dma source(%arg14 : memref<32x32xf32, #tpu.memory_space<vmem>>) target(%dma_start3A_549 : memref<10112x32xf32, #tpu.memory_space<vmem_shared>>) offsets(%dma_start3A_546 : memref<32xi32, #tpu.memory_space<vmem>>) semaphore(%run_scoped3A_543 : memref<!tpu.dma_semaphore, #tpu.memory_space<semaphore_mem>>) {add = true}
        %dma_wait3A_550 = arith.constant 0 : i32
        %dma_wait3A_551 = tpu.memref_slice %arg6[%run_scoped3A, %dma_wait3A_550] : memref<2x32xi32, #tpu.memory_space<vmem>> -> memref<1x32xi32, #tpu.memory_space<vmem>>
        %dma_wait3A_552 = tpu.memref_squeeze %dma_wait3A_551 : memref<1x32xi32, #tpu.memory_space<vmem>> -> memref<32xi32, #tpu.memory_space<vmem>>
        %dma_wait3A_553 = arith.constant 0 : i32
        %dma_wait3A_554 = arith.constant 0 : i32
        %dma_wait3A_555 = tpu.memref_slice %arg18[%dma_wait3A_553, %dma_wait3A_554] : memref<10112x32xf32, #tpu.memory_space<vmem_shared>> -> memref<10112x32xf32, #tpu.memory_space<vmem_shared>>
        tpu.wait_indirect_dma semaphore(%run_scoped3A_543 : memref<!tpu.dma_semaphore, #tpu.memory_space<semaphore_mem>>) src(%arg14 : memref<32x32xf32, #tpu.memory_space<vmem>>) dst(%dma_wait3A_555 : memref<10112x32xf32, #tpu.memory_space<vmem_shared>>)
        tpu.yield
      }) : () -> ()
      %dma_wait3A_266 = arith.constant 0 : i32
      %dma_wait3A_267 = arith.constant 0 : i32
      %dma_wait3A_268 = tpu.memref_slice %arg3[%add3A_258, %dma_wait3A_266, %dma_wait3A_267] : memref<10240x2x32xi32, #tpu.memory_space<hbm>> -> memref<1x2x32xi32, #tpu.memory_space<hbm>>
      %dma_wait3A_269 = tpu.memref_squeeze %dma_wait3A_268 : memref<1x2x32xi32, #tpu.memory_space<hbm>> -> memref<2x32xi32, #tpu.memory_space<hbm>>
      %dma_wait3A_270 = arith.constant 0 : i32
      %dma_wait3A_271 = arith.constant 0 : i32
      %dma_wait3A_272 = tpu.memref_slice %arg3[%add3A_258, %dma_wait3A_270, %dma_wait3A_271] : memref<10240x2x32xi32, #tpu.memory_space<hbm>> -> memref<1x2x32xi32, #tpu.memory_space<hbm>>
      %dma_wait3A_273 = tpu.memref_squeeze %dma_wait3A_272 : memref<1x2x32xi32, #tpu.memory_space<hbm>> -> memref<2x32xi32, #tpu.memory_space<hbm>>
      tpu.wait_dma2 semaphore(%arg23 : memref<!tpu.dma_semaphore, #tpu.memory_space<semaphore_mem>>) src(%dma_wait3A_273 : memref<2x32xi32, #tpu.memory_space<hbm>>) dst(%arg10 : memref<2x32xi32, #tpu.memory_space<vmem>>)
      %dma_start3A_274 = arith.constant 0 : i32
      %dma_start3A_275 = arith.constant 0 : i32
      %dma_start3A_276 = tpu.memref_slice %arg10[%dma_start3A_274, %dma_start3A_275] : memref<2x32xi32, #tpu.memory_space<vmem>> -> memref<1x32xi32, #tpu.memory_space<vmem>>
      %dma_start3A_277 = tpu.memref_squeeze %dma_start3A_276 : memref<1x32xi32, #tpu.memory_space<vmem>> -> memref<32xi32, #tpu.memory_space<vmem>>
      %dma_start3A_278 = arith.constant 0 : i32
      %dma_start3A_279 = arith.constant 0 : i32
      %dma_start3A_280 = tpu.memref_slice %arg2[%dma_start3A_278, %dma_start3A_279] : memref<10000x32xf32, #tpu.memory_space<hbm>> -> memref<10000x32xf32, #tpu.memory_space<hbm>>
      tpu.enqueue_indirect_dma source(%dma_start3A_280 : memref<10000x32xf32, #tpu.memory_space<hbm>>) target(%arg14 : memref<32x32xf32, #tpu.memory_space<vmem>>) offsets(%dma_start3A_277 : memref<32xi32, #tpu.memory_space<vmem>>) semaphore(%arg27 : memref<!tpu.dma_semaphore, #tpu.memory_space<semaphore_mem>>)
      %add3A_281 = arith.constant 8 : i32
      %add3A_282 = arith.addi %add3A_258, %add3A_281 : i32
      %min3A = arith.minsi %add3A_282, %sub3A_10 : i32
      %dma_start3A_283 = arith.constant 0 : i32
      %dma_start3A_284 = arith.constant 0 : i32
      %dma_start3A_285 = tpu.memref_slice %arg3[%min3A, %dma_start3A_283, %dma_start3A_284] : memref<10240x2x32xi32, #tpu.memory_space<hbm>> -> memref<1x2x32xi32, #tpu.memory_space<hbm>>
      %dma_start3A_286 = tpu.memref_squeeze %dma_start3A_285 : memref<1x2x32xi32, #tpu.memory_space<hbm>> -> memref<2x32xi32, #tpu.memory_space<hbm>>
      %dma_start3A_287 = arith.constant 0 : i32
      %dma_start3A_288 = arith.constant 0 : i32
      %dma_start3A_289 = tpu.memref_slice %arg3[%min3A, %dma_start3A_287, %dma_start3A_288] : memref<10240x2x32xi32, #tpu.memory_space<hbm>> -> memref<1x2x32xi32, #tpu.memory_space<hbm>>
      %dma_start3A_290 = tpu.memref_squeeze %dma_start3A_289 : memref<1x2x32xi32, #tpu.memory_space<hbm>> -> memref<2x32xi32, #tpu.memory_space<hbm>>
      tpu.enqueue_dma source(%dma_start3A_290 : memref<2x32xi32, #tpu.memory_space<hbm>>) target(%arg6 : memref<2x32xi32, #tpu.memory_space<vmem>>) target_semaphore(%arg19 : memref<!tpu.dma_semaphore, #tpu.memory_space<semaphore_mem>>)
      %add3A_291 = arith.constant 1 : i32
      %add3A_292 = arith.addi %add3A_256, %add3A_291 : i32
      %dma_wait3A_293 = arith.constant 0 : i32
      %dma_wait3A_294 = arith.constant 0 : i32
      %dma_wait3A_295 = tpu.memref_slice %arg7[%dma_wait3A_293, %dma_wait3A_294] : memref<2x32xi32, #tpu.memory_space<vmem>> -> memref<1x32xi32, #tpu.memory_space<vmem>>
      %dma_wait3A_296 = tpu.memref_squeeze %dma_wait3A_295 : memref<1x32xi32, #tpu.memory_space<vmem>> -> memref<32xi32, #tpu.memory_space<vmem>>
      %dma_wait3A_297 = arith.constant 0 : i32
      %dma_wait3A_298 = arith.constant 0 : i32
      %dma_wait3A_299 = tpu.memref_slice %arg2[%dma_wait3A_297, %dma_wait3A_298] : memref<10000x32xf32, #tpu.memory_space<hbm>> -> memref<10000x32xf32, #tpu.memory_space<hbm>>
      tpu.wait_indirect_dma semaphore(%arg28 : memref<!tpu.dma_semaphore, #tpu.memory_space<semaphore_mem>>) src(%dma_wait3A_299 : memref<10000x32xf32, #tpu.memory_space<hbm>>) dst(%arg15 : memref<32x32xf32, #tpu.memory_space<vmem>>)
      %run_scoped3A_300 = arith.constant 1 : i32
      "tpu.region"() ({
        %run_scoped3A_543 = tpu.sem_alloc : memref<!tpu.dma_semaphore, #tpu.memory_space<semaphore_mem>>
        %dma_start3A_544 = arith.constant 0 : i32
        %dma_start3A_545 = tpu.memref_slice %arg7[%run_scoped3A_300, %dma_start3A_544] : memref<2x32xi32, #tpu.memory_space<vmem>> -> memref<1x32xi32, #tpu.memory_space<vmem>>
        %dma_start3A_546 = tpu.memref_squeeze %dma_start3A_545 : memref<1x32xi32, #tpu.memory_space<vmem>> -> memref<32xi32, #tpu.memory_space<vmem>>
        %dma_start3A_547 = arith.constant 0 : i32
        %dma_start3A_548 = arith.constant 0 : i32
        %dma_start3A_549 = tpu.memref_slice %arg18[%dma_start3A_547, %dma_start3A_548] : memref<10112x32xf32, #tpu.memory_space<vmem_shared>> -> memref<10112x32xf32, #tpu.memory_space<vmem_shared>>
        tpu.enqueue_indirect_dma source(%arg15 : memref<32x32xf32, #tpu.memory_space<vmem>>) target(%dma_start3A_549 : memref<10112x32xf32, #tpu.memory_space<vmem_shared>>) offsets(%dma_start3A_546 : memref<32xi32, #tpu.memory_space<vmem>>) semaphore(%run_scoped3A_543 : memref<!tpu.dma_semaphore, #tpu.memory_space<semaphore_mem>>) {add = true}
        %dma_wait3A_550 = arith.constant 0 : i32
        %dma_wait3A_551 = tpu.memref_slice %arg7[%run_scoped3A_300, %dma_wait3A_550] : memref<2x32xi32, #tpu.memory_space<vmem>> -> memref<1x32xi32, #tpu.memory_space<vmem>>
        %dma_wait3A_552 = tpu.memref_squeeze %dma_wait3A_551 : memref<1x32xi32, #tpu.memory_space<vmem>> -> memref<32xi32, #tpu.memory_space<vmem>>
        %dma_wait3A_553 = arith.constant 0 : i32
        %dma_wait3A_554 = arith.constant 0 : i32
        %dma_wait3A_555 = tpu.memref_slice %arg18[%dma_wait3A_553, %dma_wait3A_554] : memref<10112x32xf32, #tpu.memory_space<vmem_shared>> -> memref<10112x32xf32, #tpu.memory_space<vmem_shared>>
        tpu.wait_indirect_dma semaphore(%run_scoped3A_543 : memref<!tpu.dma_semaphore, #tpu.memory_space<semaphore_mem>>) src(%arg15 : memref<32x32xf32, #tpu.memory_space<vmem>>) dst(%dma_wait3A_555 : memref<10112x32xf32, #tpu.memory_space<vmem_shared>>)
        tpu.yield
      }) : () -> ()
      %dma_wait3A_301 = arith.constant 0 : i32
      %dma_wait3A_302 = arith.constant 0 : i32
      %dma_wait3A_303 = tpu.memref_slice %arg3[%add3A_292, %dma_wait3A_301, %dma_wait3A_302] : memref<10240x2x32xi32, #tpu.memory_space<hbm>> -> memref<1x2x32xi32, #tpu.memory_space<hbm>>
      %dma_wait3A_304 = tpu.memref_squeeze %dma_wait3A_303 : memref<1x2x32xi32, #tpu.memory_space<hbm>> -> memref<2x32xi32, #tpu.memory_space<hbm>>
      %dma_wait3A_305 = arith.constant 0 : i32
      %dma_wait3A_306 = arith.constant 0 : i32
      %dma_wait3A_307 = tpu.memref_slice %arg3[%add3A_292, %dma_wait3A_305, %dma_wait3A_306] : memref<10240x2x32xi32, #tpu.memory_space<hbm>> -> memref<1x2x32xi32, #tpu.memory_space<hbm>>
      %dma_wait3A_308 = tpu.memref_squeeze %dma_wait3A_307 : memref<1x2x32xi32, #tpu.memory_space<hbm>> -> memref<2x32xi32, #tpu.memory_space<hbm>>
      tpu.wait_dma2 semaphore(%arg24 : memref<!tpu.dma_semaphore, #tpu.memory_space<semaphore_mem>>) src(%dma_wait3A_308 : memref<2x32xi32, #tpu.memory_space<hbm>>) dst(%arg11 : memref<2x32xi32, #tpu.memory_space<vmem>>)
      %dma_start3A_309 = arith.constant 0 : i32
      %dma_start3A_310 = arith.constant 0 : i32
      %dma_start3A_311 = tpu.memref_slice %arg11[%dma_start3A_309, %dma_start3A_310] : memref<2x32xi32, #tpu.memory_space<vmem>> -> memref<1x32xi32, #tpu.memory_space<vmem>>
      %dma_start3A_312 = tpu.memref_squeeze %dma_start3A_311 : memref<1x32xi32, #tpu.memory_space<vmem>> -> memref<32xi32, #tpu.memory_space<vmem>>
      %dma_start3A_313 = arith.constant 0 : i32
      %dma_start3A_314 = arith.constant 0 : i32
      %dma_start3A_315 = tpu.memref_slice %arg2[%dma_start3A_313, %dma_start3A_314] : memref<10000x32xf32, #tpu.memory_space<hbm>> -> memref<10000x32xf32, #tpu.memory_space<hbm>>
      tpu.enqueue_indirect_dma source(%dma_start3A_315 : memref<10000x32xf32, #tpu.memory_space<hbm>>) target(%arg15 : memref<32x32xf32, #tpu.memory_space<vmem>>) offsets(%dma_start3A_312 : memref<32xi32, #tpu.memory_space<vmem>>) semaphore(%arg28 : memref<!tpu.dma_semaphore, #tpu.memory_space<semaphore_mem>>)
      %add3A_316 = arith.constant 8 : i32
      %add3A_317 = arith.addi %add3A_292, %add3A_316 : i32
      %min3A_318 = arith.minsi %add3A_317, %sub3A_10 : i32
      %dma_start3A_319 = arith.constant 0 : i32
      %dma_start3A_320 = arith.constant 0 : i32
      %dma_start3A_321 = tpu.memref_slice %arg3[%min3A_318, %dma_start3A_319, %dma_start3A_320] : memref<10240x2x32xi32, #tpu.memory_space<hbm>> -> memref<1x2x32xi32, #tpu.memory_space<hbm>>
      %dma_start3A_322 = tpu.memref_squeeze %dma_start3A_321 : memref<1x2x32xi32, #tpu.memory_space<hbm>> -> memref<2x32xi32, #tpu.memory_space<hbm>>
      %dma_start3A_323 = arith.constant 0 : i32
      %dma_start3A_324 = arith.constant 0 : i32
      %dma_start3A_325 = tpu.memref_slice %arg3[%min3A_318, %dma_start3A_323, %dma_start3A_324] : memref<10240x2x32xi32, #tpu.memory_space<hbm>> -> memref<1x2x32xi32, #tpu.memory_space<hbm>>
      %dma_start3A_326 = tpu.memref_squeeze %dma_start3A_325 : memref<1x2x32xi32, #tpu.memory_space<hbm>> -> memref<2x32xi32, #tpu.memory_space<hbm>>
      tpu.enqueue_dma source(%dma_start3A_326 : memref<2x32xi32, #tpu.memory_space<hbm>>) target(%arg7 : memref<2x32xi32, #tpu.memory_space<vmem>>) target_semaphore(%arg20 : memref<!tpu.dma_semaphore, #tpu.memory_space<semaphore_mem>>)
      %add3A_327 = arith.constant 2 : i32
      %add3A_328 = arith.addi %add3A_256, %add3A_327 : i32
      %dma_wait3A_329 = arith.constant 0 : i32
      %dma_wait3A_330 = arith.constant 0 : i32
      %dma_wait3A_331 = tpu.memref_slice %arg8[%dma_wait3A_329, %dma_wait3A_330] : memref<2x32xi32, #tpu.memory_space<vmem>> -> memref<1x32xi32, #tpu.memory_space<vmem>>
      %dma_wait3A_332 = tpu.memref_squeeze %dma_wait3A_331 : memref<1x32xi32, #tpu.memory_space<vmem>> -> memref<32xi32, #tpu.memory_space<vmem>>
      %dma_wait3A_333 = arith.constant 0 : i32
      %dma_wait3A_334 = arith.constant 0 : i32
      %dma_wait3A_335 = tpu.memref_slice %arg2[%dma_wait3A_333, %dma_wait3A_334] : memref<10000x32xf32, #tpu.memory_space<hbm>> -> memref<10000x32xf32, #tpu.memory_space<hbm>>
      tpu.wait_indirect_dma semaphore(%arg29 : memref<!tpu.dma_semaphore, #tpu.memory_space<semaphore_mem>>) src(%dma_wait3A_335 : memref<10000x32xf32, #tpu.memory_space<hbm>>) dst(%arg16 : memref<32x32xf32, #tpu.memory_space<vmem>>)
      %run_scoped3A_336 = arith.constant 1 : i32
      "tpu.region"() ({
        %run_scoped3A_543 = tpu.sem_alloc : memref<!tpu.dma_semaphore, #tpu.memory_space<semaphore_mem>>
        %dma_start3A_544 = arith.constant 0 : i32
        %dma_start3A_545 = tpu.memref_slice %arg8[%run_scoped3A_336, %dma_start3A_544] : memref<2x32xi32, #tpu.memory_space<vmem>> -> memref<1x32xi32, #tpu.memory_space<vmem>>
        %dma_start3A_546 = tpu.memref_squeeze %dma_start3A_545 : memref<1x32xi32, #tpu.memory_space<vmem>> -> memref<32xi32, #tpu.memory_space<vmem>>
        %dma_start3A_547 = arith.constant 0 : i32
        %dma_start3A_548 = arith.constant 0 : i32
        %dma_start3A_549 = tpu.memref_slice %arg18[%dma_start3A_547, %dma_start3A_548] : memref<10112x32xf32, #tpu.memory_space<vmem_shared>> -> memref<10112x32xf32, #tpu.memory_space<vmem_shared>>
        tpu.enqueue_indirect_dma source(%arg16 : memref<32x32xf32, #tpu.memory_space<vmem>>) target(%dma_start3A_549 : memref<10112x32xf32, #tpu.memory_space<vmem_shared>>) offsets(%dma_start3A_546 : memref<32xi32, #tpu.memory_space<vmem>>) semaphore(%run_scoped3A_543 : memref<!tpu.dma_semaphore, #tpu.memory_space<semaphore_mem>>) {add = true}
        %dma_wait3A_550 = arith.constant 0 : i32
        %dma_wait3A_551 = tpu.memref_slice %arg8[%run_scoped3A_336, %dma_wait3A_550] : memref<2x32xi32, #tpu.memory_space<vmem>> -> memref<1x32xi32, #tpu.memory_space<vmem>>
        %dma_wait3A_552 = tpu.memref_squeeze %dma_wait3A_551 : memref<1x32xi32, #tpu.memory_space<vmem>> -> memref<32xi32, #tpu.memory_space<vmem>>
        %dma_wait3A_553 = arith.constant 0 : i32
        %dma_wait3A_554 = arith.constant 0 : i32
        %dma_wait3A_555 = tpu.memref_slice %arg18[%dma_wait3A_553, %dma_wait3A_554] : memref<10112x32xf32, #tpu.memory_space<vmem_shared>> -> memref<10112x32xf32, #tpu.memory_space<vmem_shared>>
        tpu.wait_indirect_dma semaphore(%run_scoped3A_543 : memref<!tpu.dma_semaphore, #tpu.memory_space<semaphore_mem>>) src(%arg16 : memref<32x32xf32, #tpu.memory_space<vmem>>) dst(%dma_wait3A_555 : memref<10112x32xf32, #tpu.memory_space<vmem_shared>>)
        tpu.yield
      }) : () -> ()
      %dma_wait3A_337 = arith.constant 0 : i32
      %dma_wait3A_338 = arith.constant 0 : i32
      %dma_wait3A_339 = tpu.memref_slice %arg3[%add3A_328, %dma_wait3A_337, %dma_wait3A_338] : memref<10240x2x32xi32, #tpu.memory_space<hbm>> -> memref<1x2x32xi32, #tpu.memory_space<hbm>>
      %dma_wait3A_340 = tpu.memref_squeeze %dma_wait3A_339 : memref<1x2x32xi32, #tpu.memory_space<hbm>> -> memref<2x32xi32, #tpu.memory_space<hbm>>
      %dma_wait3A_341 = arith.constant 0 : i32
      %dma_wait3A_342 = arith.constant 0 : i32
      %dma_wait3A_343 = tpu.memref_slice %arg3[%add3A_328, %dma_wait3A_341, %dma_wait3A_342] : memref<10240x2x32xi32, #tpu.memory_space<hbm>> -> memref<1x2x32xi32, #tpu.memory_space<hbm>>
      %dma_wait3A_344 = tpu.memref_squeeze %dma_wait3A_343 : memref<1x2x32xi32, #tpu.memory_space<hbm>> -> memref<2x32xi32, #tpu.memory_space<hbm>>
      tpu.wait_dma2 semaphore(%arg25 : memref<!tpu.dma_semaphore, #tpu.memory_space<semaphore_mem>>) src(%dma_wait3A_344 : memref<2x32xi32, #tpu.memory_space<hbm>>) dst(%arg12 : memref<2x32xi32, #tpu.memory_space<vmem>>)
      %dma_start3A_345 = arith.constant 0 : i32
      %dma_start3A_346 = arith.constant 0 : i32
      %dma_start3A_347 = tpu.memref_slice %arg12[%dma_start3A_345, %dma_start3A_346] : memref<2x32xi32, #tpu.memory_space<vmem>> -> memref<1x32xi32, #tpu.memory_space<vmem>>
      %dma_start3A_348 = tpu.memref_squeeze %dma_start3A_347 : memref<1x32xi32, #tpu.memory_space<vmem>> -> memref<32xi32, #tpu.memory_space<vmem>>
      %dma_start3A_349 = arith.constant 0 : i32
      %dma_start3A_350 = arith.constant 0 : i32
      %dma_start3A_351 = tpu.memref_slice %arg2[%dma_start3A_349, %dma_start3A_350] : memref<10000x32xf32, #tpu.memory_space<hbm>> -> memref<10000x32xf32, #tpu.memory_space<hbm>>
      tpu.enqueue_indirect_dma source(%dma_start3A_351 : memref<10000x32xf32, #tpu.memory_space<hbm>>) target(%arg16 : memref<32x32xf32, #tpu.memory_space<vmem>>) offsets(%dma_start3A_348 : memref<32xi32, #tpu.memory_space<vmem>>) semaphore(%arg29 : memref<!tpu.dma_semaphore, #tpu.memory_space<semaphore_mem>>)
      %add3A_352 = arith.constant 8 : i32
      %add3A_353 = arith.addi %add3A_328, %add3A_352 : i32
      %min3A_354 = arith.minsi %add3A_353, %sub3A_10 : i32
      %dma_start3A_355 = arith.constant 0 : i32
      %dma_start3A_356 = arith.constant 0 : i32
      %dma_start3A_357 = tpu.memref_slice %arg3[%min3A_354, %dma_start3A_355, %dma_start3A_356] : memref<10240x2x32xi32, #tpu.memory_space<hbm>> -> memref<1x2x32xi32, #tpu.memory_space<hbm>>
      %dma_start3A_358 = tpu.memref_squeeze %dma_start3A_357 : memref<1x2x32xi32, #tpu.memory_space<hbm>> -> memref<2x32xi32, #tpu.memory_space<hbm>>
      %dma_start3A_359 = arith.constant 0 : i32
      %dma_start3A_360 = arith.constant 0 : i32
      %dma_start3A_361 = tpu.memref_slice %arg3[%min3A_354, %dma_start3A_359, %dma_start3A_360] : memref<10240x2x32xi32, #tpu.memory_space<hbm>> -> memref<1x2x32xi32, #tpu.memory_space<hbm>>
      %dma_start3A_362 = tpu.memref_squeeze %dma_start3A_361 : memref<1x2x32xi32, #tpu.memory_space<hbm>> -> memref<2x32xi32, #tpu.memory_space<hbm>>
      tpu.enqueue_dma source(%dma_start3A_362 : memref<2x32xi32, #tpu.memory_space<hbm>>) target(%arg8 : memref<2x32xi32, #tpu.memory_space<vmem>>) target_semaphore(%arg21 : memref<!tpu.dma_semaphore, #tpu.memory_space<semaphore_mem>>)
      %add3A_363 = arith.constant 3 : i32
      %add3A_364 = arith.addi %add3A_256, %add3A_363 : i32
      %dma_wait3A_365 = arith.constant 0 : i32
      %dma_wait3A_366 = arith.constant 0 : i32
      %dma_wait3A_367 = tpu.memref_slice %arg9[%dma_wait3A_365, %dma_wait3A_366] : memref<2x32xi32, #tpu.memory_space<vmem>> -> memref<1x32xi32, #tpu.memory_space<vmem>>
      %dma_wait3A_368 = tpu.memref_squeeze %dma_wait3A_367 : memref<1x32xi32, #tpu.memory_space<vmem>> -> memref<32xi32, #tpu.memory_space<vmem>>
      %dma_wait3A_369 = arith.constant 0 : i32
      %dma_wait3A_370 = arith.constant 0 : i32
      %dma_wait3A_371 = tpu.memref_slice %arg2[%dma_wait3A_369, %dma_wait3A_370] : memref<10000x32xf32, #tpu.memory_space<hbm>> -> memref<10000x32xf32, #tpu.memory_space<hbm>>
      tpu.wait_indirect_dma semaphore(%arg30 : memref<!tpu.dma_semaphore, #tpu.memory_space<semaphore_mem>>) src(%dma_wait3A_371 : memref<10000x32xf32, #tpu.memory_space<hbm>>) dst(%arg17 : memref<32x32xf32, #tpu.memory_space<vmem>>)
      %run_scoped3A_372 = arith.constant 1 : i32
      "tpu.region"() ({
        %run_scoped3A_543 = tpu.sem_alloc : memref<!tpu.dma_semaphore, #tpu.memory_space<semaphore_mem>>
        %dma_start3A_544 = arith.constant 0 : i32
        %dma_start3A_545 = tpu.memref_slice %arg9[%run_scoped3A_372, %dma_start3A_544] : memref<2x32xi32, #tpu.memory_space<vmem>> -> memref<1x32xi32, #tpu.memory_space<vmem>>
        %dma_start3A_546 = tpu.memref_squeeze %dma_start3A_545 : memref<1x32xi32, #tpu.memory_space<vmem>> -> memref<32xi32, #tpu.memory_space<vmem>>
        %dma_start3A_547 = arith.constant 0 : i32
        %dma_start3A_548 = arith.constant 0 : i32
        %dma_start3A_549 = tpu.memref_slice %arg18[%dma_start3A_547, %dma_start3A_548] : memref<10112x32xf32, #tpu.memory_space<vmem_shared>> -> memref<10112x32xf32, #tpu.memory_space<vmem_shared>>
        tpu.enqueue_indirect_dma source(%arg17 : memref<32x32xf32, #tpu.memory_space<vmem>>) target(%dma_start3A_549 : memref<10112x32xf32, #tpu.memory_space<vmem_shared>>) offsets(%dma_start3A_546 : memref<32xi32, #tpu.memory_space<vmem>>) semaphore(%run_scoped3A_543 : memref<!tpu.dma_semaphore, #tpu.memory_space<semaphore_mem>>) {add = true}
        %dma_wait3A_550 = arith.constant 0 : i32
        %dma_wait3A_551 = tpu.memref_slice %arg9[%run_scoped3A_372, %dma_wait3A_550] : memref<2x32xi32, #tpu.memory_space<vmem>> -> memref<1x32xi32, #tpu.memory_space<vmem>>
        %dma_wait3A_552 = tpu.memref_squeeze %dma_wait3A_551 : memref<1x32xi32, #tpu.memory_space<vmem>> -> memref<32xi32, #tpu.memory_space<vmem>>
        %dma_wait3A_553 = arith.constant 0 : i32
        %dma_wait3A_554 = arith.constant 0 : i32
        %dma_wait3A_555 = tpu.memref_slice %arg18[%dma_wait3A_553, %dma_wait3A_554] : memref<10112x32xf32, #tpu.memory_space<vmem_shared>> -> memref<10112x32xf32, #tpu.memory_space<vmem_shared>>
        tpu.wait_indirect_dma semaphore(%run_scoped3A_543 : memref<!tpu.dma_semaphore, #tpu.memory_space<semaphore_mem>>) src(%arg17 : memref<32x32xf32, #tpu.memory_space<vmem>>) dst(%dma_wait3A_555 : memref<10112x32xf32, #tpu.memory_space<vmem_shared>>)
        tpu.yield
      }) : () -> ()
      %dma_wait3A_373 = arith.constant 0 : i32
      %dma_wait3A_374 = arith.constant 0 : i32
      %dma_wait3A_375 = tpu.memref_slice %arg3[%add3A_364, %dma_wait3A_373, %dma_wait3A_374] : memref<10240x2x32xi32, #tpu.memory_space<hbm>> -> memref<1x2x32xi32, #tpu.memory_space<hbm>>
      %dma_wait3A_376 = tpu.memref_squeeze %dma_wait3A_375 : memref<1x2x32xi32, #tpu.memory_space<hbm>> -> memref<2x32xi32, #tpu.memory_space<hbm>>
      %dma_wait3A_377 = arith.constant 0 : i32
      %dma_wait3A_378 = arith.constant 0 : i32
      %dma_wait3A_379 = tpu.memref_slice %arg3[%add3A_364, %dma_wait3A_377, %dma_wait3A_378] : memref<10240x2x32xi32, #tpu.memory_space<hbm>> -> memref<1x2x32xi32, #tpu.memory_space<hbm>>
      %dma_wait3A_380 = tpu.memref_squeeze %dma_wait3A_379 : memref<1x2x32xi32, #tpu.memory_space<hbm>> -> memref<2x32xi32, #tpu.memory_space<hbm>>
      tpu.wait_dma2 semaphore(%arg26 : memref<!tpu.dma_semaphore, #tpu.memory_space<semaphore_mem>>) src(%dma_wait3A_380 : memref<2x32xi32, #tpu.memory_space<hbm>>) dst(%arg13 : memref<2x32xi32, #tpu.memory_space<vmem>>)
      %dma_start3A_381 = arith.constant 0 : i32
      %dma_start3A_382 = arith.constant 0 : i32
      %dma_start3A_383 = tpu.memref_slice %arg13[%dma_start3A_381, %dma_start3A_382] : memref<2x32xi32, #tpu.memory_space<vmem>> -> memref<1x32xi32, #tpu.memory_space<vmem>>
      %dma_start3A_384 = tpu.memref_squeeze %dma_start3A_383 : memref<1x32xi32, #tpu.memory_space<vmem>> -> memref<32xi32, #tpu.memory_space<vmem>>
      %dma_start3A_385 = arith.constant 0 : i32
      %dma_start3A_386 = arith.constant 0 : i32
      %dma_start3A_387 = tpu.memref_slice %arg2[%dma_start3A_385, %dma_start3A_386] : memref<10000x32xf32, #tpu.memory_space<hbm>> -> memref<10000x32xf32, #tpu.memory_space<hbm>>
      tpu.enqueue_indirect_dma source(%dma_start3A_387 : memref<10000x32xf32, #tpu.memory_space<hbm>>) target(%arg17 : memref<32x32xf32, #tpu.memory_space<vmem>>) offsets(%dma_start3A_384 : memref<32xi32, #tpu.memory_space<vmem>>) semaphore(%arg30 : memref<!tpu.dma_semaphore, #tpu.memory_space<semaphore_mem>>)
      %add3A_388 = arith.constant 8 : i32
      %add3A_389 = arith.addi %add3A_364, %add3A_388 : i32
      %min3A_390 = arith.minsi %add3A_389, %sub3A_10 : i32
      %dma_start3A_391 = arith.constant 0 : i32
      %dma_start3A_392 = arith.constant 0 : i32
      %dma_start3A_393 = tpu.memref_slice %arg3[%min3A_390, %dma_start3A_391, %dma_start3A_392] : memref<10240x2x32xi32, #tpu.memory_space<hbm>> -> memref<1x2x32xi32, #tpu.memory_space<hbm>>
      %dma_start3A_394 = tpu.memref_squeeze %dma_start3A_393 : memref<1x2x32xi32, #tpu.memory_space<hbm>> -> memref<2x32xi32, #tpu.memory_space<hbm>>
      %dma_start3A_395 = arith.constant 0 : i32
      %dma_start3A_396 = arith.constant 0 : i32
      %dma_start3A_397 = tpu.memref_slice %arg3[%min3A_390, %dma_start3A_395, %dma_start3A_396] : memref<10240x2x32xi32, #tpu.memory_space<hbm>> -> memref<1x2x32xi32, #tpu.memory_space<hbm>>
      %dma_start3A_398 = tpu.memref_squeeze %dma_start3A_397 : memref<1x2x32xi32, #tpu.memory_space<hbm>> -> memref<2x32xi32, #tpu.memory_space<hbm>>
      tpu.enqueue_dma source(%dma_start3A_398 : memref<2x32xi32, #tpu.memory_space<hbm>>) target(%arg9 : memref<2x32xi32, #tpu.memory_space<vmem>>) target_semaphore(%arg22 : memref<!tpu.dma_semaphore, #tpu.memory_space<semaphore_mem>>)
      %add3A_399 = arith.constant 4 : i32
      %add3A_400 = arith.addi %add3A_256, %add3A_399 : i32
      %dma_wait3A_401 = arith.constant 0 : i32
      %dma_wait3A_402 = arith.constant 0 : i32
      %dma_wait3A_403 = tpu.memref_slice %arg10[%dma_wait3A_401, %dma_wait3A_402] : memref<2x32xi32, #tpu.memory_space<vmem>> -> memref<1x32xi32, #tpu.memory_space<vmem>>
      %dma_wait3A_404 = tpu.memref_squeeze %dma_wait3A_403 : memref<1x32xi32, #tpu.memory_space<vmem>> -> memref<32xi32, #tpu.memory_space<vmem>>
      %dma_wait3A_405 = arith.constant 0 : i32
      %dma_wait3A_406 = arith.constant 0 : i32
      %dma_wait3A_407 = tpu.memref_slice %arg2[%dma_wait3A_405, %dma_wait3A_406] : memref<10000x32xf32, #tpu.memory_space<hbm>> -> memref<10000x32xf32, #tpu.memory_space<hbm>>
      tpu.wait_indirect_dma semaphore(%arg27 : memref<!tpu.dma_semaphore, #tpu.memory_space<semaphore_mem>>) src(%dma_wait3A_407 : memref<10000x32xf32, #tpu.memory_space<hbm>>) dst(%arg14 : memref<32x32xf32, #tpu.memory_space<vmem>>)
      %run_scoped3A_408 = arith.constant 1 : i32
      "tpu.region"() ({
        %run_scoped3A_543 = tpu.sem_alloc : memref<!tpu.dma_semaphore, #tpu.memory_space<semaphore_mem>>
        %dma_start3A_544 = arith.constant 0 : i32
        %dma_start3A_545 = tpu.memref_slice %arg10[%run_scoped3A_408, %dma_start3A_544] : memref<2x32xi32, #tpu.memory_space<vmem>> -> memref<1x32xi32, #tpu.memory_space<vmem>>
        %dma_start3A_546 = tpu.memref_squeeze %dma_start3A_545 : memref<1x32xi32, #tpu.memory_space<vmem>> -> memref<32xi32, #tpu.memory_space<vmem>>
        %dma_start3A_547 = arith.constant 0 : i32
        %dma_start3A_548 = arith.constant 0 : i32
        %dma_start3A_549 = tpu.memref_slice %arg18[%dma_start3A_547, %dma_start3A_548] : memref<10112x32xf32, #tpu.memory_space<vmem_shared>> -> memref<10112x32xf32, #tpu.memory_space<vmem_shared>>
        tpu.enqueue_indirect_dma source(%arg14 : memref<32x32xf32, #tpu.memory_space<vmem>>) target(%dma_start3A_549 : memref<10112x32xf32, #tpu.memory_space<vmem_shared>>) offsets(%dma_start3A_546 : memref<32xi32, #tpu.memory_space<vmem>>) semaphore(%run_scoped3A_543 : memref<!tpu.dma_semaphore, #tpu.memory_space<semaphore_mem>>) {add = true}
        %dma_wait3A_550 = arith.constant 0 : i32
        %dma_wait3A_551 = tpu.memref_slice %arg10[%run_scoped3A_408, %dma_wait3A_550] : memref<2x32xi32, #tpu.memory_space<vmem>> -> memref<1x32xi32, #tpu.memory_space<vmem>>
        %dma_wait3A_552 = tpu.memref_squeeze %dma_wait3A_551 : memref<1x32xi32, #tpu.memory_space<vmem>> -> memref<32xi32, #tpu.memory_space<vmem>>
        %dma_wait3A_553 = arith.constant 0 : i32
        %dma_wait3A_554 = arith.constant 0 : i32
        %dma_wait3A_555 = tpu.memref_slice %arg18[%dma_wait3A_553, %dma_wait3A_554] : memref<10112x32xf32, #tpu.memory_space<vmem_shared>> -> memref<10112x32xf32, #tpu.memory_space<vmem_shared>>
        tpu.wait_indirect_dma semaphore(%run_scoped3A_543 : memref<!tpu.dma_semaphore, #tpu.memory_space<semaphore_mem>>) src(%arg14 : memref<32x32xf32, #tpu.memory_space<vmem>>) dst(%dma_wait3A_555 : memref<10112x32xf32, #tpu.memory_space<vmem_shared>>)
        tpu.yield
      }) : () -> ()
      %dma_wait3A_409 = arith.constant 0 : i32
      %dma_wait3A_410 = arith.constant 0 : i32
      %dma_wait3A_411 = tpu.memref_slice %arg3[%add3A_400, %dma_wait3A_409, %dma_wait3A_410] : memref<10240x2x32xi32, #tpu.memory_space<hbm>> -> memref<1x2x32xi32, #tpu.memory_space<hbm>>
      %dma_wait3A_412 = tpu.memref_squeeze %dma_wait3A_411 : memref<1x2x32xi32, #tpu.memory_space<hbm>> -> memref<2x32xi32, #tpu.memory_space<hbm>>
      %dma_wait3A_413 = arith.constant 0 : i32
      %dma_wait3A_414 = arith.constant 0 : i32
      %dma_wait3A_415 = tpu.memref_slice %arg3[%add3A_400, %dma_wait3A_413, %dma_wait3A_414] : memref<10240x2x32xi32, #tpu.memory_space<hbm>> -> memref<1x2x32xi32, #tpu.memory_space<hbm>>
      %dma_wait3A_416 = tpu.memref_squeeze %dma_wait3A_415 : memref<1x2x32xi32, #tpu.memory_space<hbm>> -> memref<2x32xi32, #tpu.memory_space<hbm>>
      tpu.wait_dma2 semaphore(%arg19 : memref<!tpu.dma_semaphore, #tpu.memory_space<semaphore_mem>>) src(%dma_wait3A_416 : memref<2x32xi32, #tpu.memory_space<hbm>>) dst(%arg6 : memref<2x32xi32, #tpu.memory_space<vmem>>)
      %dma_start3A_417 = arith.constant 0 : i32
      %dma_start3A_418 = arith.constant 0 : i32
      %dma_start3A_419 = tpu.memref_slice %arg6[%dma_start3A_417, %dma_start3A_418] : memref<2x32xi32, #tpu.memory_space<vmem>> -> memref<1x32xi32, #tpu.memory_space<vmem>>
      %dma_start3A_420 = tpu.memref_squeeze %dma_start3A_419 : memref<1x32xi32, #tpu.memory_space<vmem>> -> memref<32xi32, #tpu.memory_space<vmem>>
      %dma_start3A_421 = arith.constant 0 : i32
      %dma_start3A_422 = arith.constant 0 : i32
      %dma_start3A_423 = tpu.memref_slice %arg2[%dma_start3A_421, %dma_start3A_422] : memref<10000x32xf32, #tpu.memory_space<hbm>> -> memref<10000x32xf32, #tpu.memory_space<hbm>>
      tpu.enqueue_indirect_dma source(%dma_start3A_423 : memref<10000x32xf32, #tpu.memory_space<hbm>>) target(%arg14 : memref<32x32xf32, #tpu.memory_space<vmem>>) offsets(%dma_start3A_420 : memref<32xi32, #tpu.memory_space<vmem>>) semaphore(%arg27 : memref<!tpu.dma_semaphore, #tpu.memory_space<semaphore_mem>>)
      %add3A_424 = arith.constant 8 : i32
      %add3A_425 = arith.addi %add3A_400, %add3A_424 : i32
      %min3A_426 = arith.minsi %add3A_425, %sub3A_10 : i32
      %dma_start3A_427 = arith.constant 0 : i32
      %dma_start3A_428 = arith.constant 0 : i32
      %dma_start3A_429 = tpu.memref_slice %arg3[%min3A_426, %dma_start3A_427, %dma_start3A_428] : memref<10240x2x32xi32, #tpu.memory_space<hbm>> -> memref<1x2x32xi32, #tpu.memory_space<hbm>>
      %dma_start3A_430 = tpu.memref_squeeze %dma_start3A_429 : memref<1x2x32xi32, #tpu.memory_space<hbm>> -> memref<2x32xi32, #tpu.memory_space<hbm>>
      %dma_start3A_431 = arith.constant 0 : i32
      %dma_start3A_432 = arith.constant 0 : i32
      %dma_start3A_433 = tpu.memref_slice %arg3[%min3A_426, %dma_start3A_431, %dma_start3A_432] : memref<10240x2x32xi32, #tpu.memory_space<hbm>> -> memref<1x2x32xi32, #tpu.memory_space<hbm>>
      %dma_start3A_434 = tpu.memref_squeeze %dma_start3A_433 : memref<1x2x32xi32, #tpu.memory_space<hbm>> -> memref<2x32xi32, #tpu.memory_space<hbm>>
      tpu.enqueue_dma source(%dma_start3A_434 : memref<2x32xi32, #tpu.memory_space<hbm>>) target(%arg10 : memref<2x32xi32, #tpu.memory_space<vmem>>) target_semaphore(%arg23 : memref<!tpu.dma_semaphore, #tpu.memory_space<semaphore_mem>>)
      %add3A_435 = arith.constant 5 : i32
      %add3A_436 = arith.addi %add3A_256, %add3A_435 : i32
      %dma_wait3A_437 = arith.constant 0 : i32
      %dma_wait3A_438 = arith.constant 0 : i32
      %dma_wait3A_439 = tpu.memref_slice %arg11[%dma_wait3A_437, %dma_wait3A_438] : memref<2x32xi32, #tpu.memory_space<vmem>> -> memref<1x32xi32, #tpu.memory_space<vmem>>
      %dma_wait3A_440 = tpu.memref_squeeze %dma_wait3A_439 : memref<1x32xi32, #tpu.memory_space<vmem>> -> memref<32xi32, #tpu.memory_space<vmem>>
      %dma_wait3A_441 = arith.constant 0 : i32
      %dma_wait3A_442 = arith.constant 0 : i32
      %dma_wait3A_443 = tpu.memref_slice %arg2[%dma_wait3A_441, %dma_wait3A_442] : memref<10000x32xf32, #tpu.memory_space<hbm>> -> memref<10000x32xf32, #tpu.memory_space<hbm>>
      tpu.wait_indirect_dma semaphore(%arg28 : memref<!tpu.dma_semaphore, #tpu.memory_space<semaphore_mem>>) src(%dma_wait3A_443 : memref<10000x32xf32, #tpu.memory_space<hbm>>) dst(%arg15 : memref<32x32xf32, #tpu.memory_space<vmem>>)
      %run_scoped3A_444 = arith.constant 1 : i32
      "tpu.region"() ({
        %run_scoped3A_543 = tpu.sem_alloc : memref<!tpu.dma_semaphore, #tpu.memory_space<semaphore_mem>>
        %dma_start3A_544 = arith.constant 0 : i32
        %dma_start3A_545 = tpu.memref_slice %arg11[%run_scoped3A_444, %dma_start3A_544] : memref<2x32xi32, #tpu.memory_space<vmem>> -> memref<1x32xi32, #tpu.memory_space<vmem>>
        %dma_start3A_546 = tpu.memref_squeeze %dma_start3A_545 : memref<1x32xi32, #tpu.memory_space<vmem>> -> memref<32xi32, #tpu.memory_space<vmem>>
        %dma_start3A_547 = arith.constant 0 : i32
        %dma_start3A_548 = arith.constant 0 : i32
        %dma_start3A_549 = tpu.memref_slice %arg18[%dma_start3A_547, %dma_start3A_548] : memref<10112x32xf32, #tpu.memory_space<vmem_shared>> -> memref<10112x32xf32, #tpu.memory_space<vmem_shared>>
        tpu.enqueue_indirect_dma source(%arg15 : memref<32x32xf32, #tpu.memory_space<vmem>>) target(%dma_start3A_549 : memref<10112x32xf32, #tpu.memory_space<vmem_shared>>) offsets(%dma_start3A_546 : memref<32xi32, #tpu.memory_space<vmem>>) semaphore(%run_scoped3A_543 : memref<!tpu.dma_semaphore, #tpu.memory_space<semaphore_mem>>) {add = true}
        %dma_wait3A_550 = arith.constant 0 : i32
        %dma_wait3A_551 = tpu.memref_slice %arg11[%run_scoped3A_444, %dma_wait3A_550] : memref<2x32xi32, #tpu.memory_space<vmem>> -> memref<1x32xi32, #tpu.memory_space<vmem>>
        %dma_wait3A_552 = tpu.memref_squeeze %dma_wait3A_551 : memref<1x32xi32, #tpu.memory_space<vmem>> -> memref<32xi32, #tpu.memory_space<vmem>>
        %dma_wait3A_553 = arith.constant 0 : i32
        %dma_wait3A_554 = arith.constant 0 : i32
        %dma_wait3A_555 = tpu.memref_slice %arg18[%dma_wait3A_553, %dma_wait3A_554] : memref<10112x32xf32, #tpu.memory_space<vmem_shared>> -> memref<10112x32xf32, #tpu.memory_space<vmem_shared>>
        tpu.wait_indirect_dma semaphore(%run_scoped3A_543 : memref<!tpu.dma_semaphore, #tpu.memory_space<semaphore_mem>>) src(%arg15 : memref<32x32xf32, #tpu.memory_space<vmem>>) dst(%dma_wait3A_555 : memref<10112x32xf32, #tpu.memory_space<vmem_shared>>)
        tpu.yield
      }) : () -> ()
      %dma_wait3A_445 = arith.constant 0 : i32
      %dma_wait3A_446 = arith.constant 0 : i32
      %dma_wait3A_447 = tpu.memref_slice %arg3[%add3A_436, %dma_wait3A_445, %dma_wait3A_446] : memref<10240x2x32xi32, #tpu.memory_space<hbm>> -> memref<1x2x32xi32, #tpu.memory_space<hbm>>
      %dma_wait3A_448 = tpu.memref_squeeze %dma_wait3A_447 : memref<1x2x32xi32, #tpu.memory_space<hbm>> -> memref<2x32xi32, #tpu.memory_space<hbm>>
      %dma_wait3A_449 = arith.constant 0 : i32
      %dma_wait3A_450 = arith.constant 0 : i32
      %dma_wait3A_451 = tpu.memref_slice %arg3[%add3A_436, %dma_wait3A_449, %dma_wait3A_450] : memref<10240x2x32xi32, #tpu.memory_space<hbm>> -> memref<1x2x32xi32, #tpu.memory_space<hbm>>
      %dma_wait3A_452 = tpu.memref_squeeze %dma_wait3A_451 : memref<1x2x32xi32, #tpu.memory_space<hbm>> -> memref<2x32xi32, #tpu.memory_space<hbm>>
      tpu.wait_dma2 semaphore(%arg20 : memref<!tpu.dma_semaphore, #tpu.memory_space<semaphore_mem>>) src(%dma_wait3A_452 : memref<2x32xi32, #tpu.memory_space<hbm>>) dst(%arg7 : memref<2x32xi32, #tpu.memory_space<vmem>>)
      %dma_start3A_453 = arith.constant 0 : i32
      %dma_start3A_454 = arith.constant 0 : i32
      %dma_start3A_455 = tpu.memref_slice %arg7[%dma_start3A_453, %dma_start3A_454] : memref<2x32xi32, #tpu.memory_space<vmem>> -> memref<1x32xi32, #tpu.memory_space<vmem>>
      %dma_start3A_456 = tpu.memref_squeeze %dma_start3A_455 : memref<1x32xi32, #tpu.memory_space<vmem>> -> memref<32xi32, #tpu.memory_space<vmem>>
      %dma_start3A_457 = arith.constant 0 : i32
      %dma_start3A_458 = arith.constant 0 : i32
      %dma_start3A_459 = tpu.memref_slice %arg2[%dma_start3A_457, %dma_start3A_458] : memref<10000x32xf32, #tpu.memory_space<hbm>> -> memref<10000x32xf32, #tpu.memory_space<hbm>>
      tpu.enqueue_indirect_dma source(%dma_start3A_459 : memref<10000x32xf32, #tpu.memory_space<hbm>>) target(%arg15 : memref<32x32xf32, #tpu.memory_space<vmem>>) offsets(%dma_start3A_456 : memref<32xi32, #tpu.memory_space<vmem>>) semaphore(%arg28 : memref<!tpu.dma_semaphore, #tpu.memory_space<semaphore_mem>>)
      %add3A_460 = arith.constant 8 : i32
      %add3A_461 = arith.addi %add3A_436, %add3A_460 : i32
      %min3A_462 = arith.minsi %add3A_461, %sub3A_10 : i32
      %dma_start3A_463 = arith.constant 0 : i32
      %dma_start3A_464 = arith.constant 0 : i32
      %dma_start3A_465 = tpu.memref_slice %arg3[%min3A_462, %dma_start3A_463, %dma_start3A_464] : memref<10240x2x32xi32, #tpu.memory_space<hbm>> -> memref<1x2x32xi32, #tpu.memory_space<hbm>>
      %dma_start3A_466 = tpu.memref_squeeze %dma_start3A_465 : memref<1x2x32xi32, #tpu.memory_space<hbm>> -> memref<2x32xi32, #tpu.memory_space<hbm>>
      %dma_start3A_467 = arith.constant 0 : i32
      %dma_start3A_468 = arith.constant 0 : i32
      %dma_start3A_469 = tpu.memref_slice %arg3[%min3A_462, %dma_start3A_467, %dma_start3A_468] : memref<10240x2x32xi32, #tpu.memory_space<hbm>> -> memref<1x2x32xi32, #tpu.memory_space<hbm>>
      %dma_start3A_470 = tpu.memref_squeeze %dma_start3A_469 : memref<1x2x32xi32, #tpu.memory_space<hbm>> -> memref<2x32xi32, #tpu.memory_space<hbm>>
      tpu.enqueue_dma source(%dma_start3A_470 : memref<2x32xi32, #tpu.memory_space<hbm>>) target(%arg11 : memref<2x32xi32, #tpu.memory_space<vmem>>) target_semaphore(%arg24 : memref<!tpu.dma_semaphore, #tpu.memory_space<semaphore_mem>>)
      %add3A_471 = arith.constant 6 : i32
      %add3A_472 = arith.addi %add3A_256, %add3A_471 : i32
      %dma_wait3A_473 = arith.constant 0 : i32
      %dma_wait3A_474 = arith.constant 0 : i32
      %dma_wait3A_475 = tpu.memref_slice %arg12[%dma_wait3A_473, %dma_wait3A_474] : memref<2x32xi32, #tpu.memory_space<vmem>> -> memref<1x32xi32, #tpu.memory_space<vmem>>
      %dma_wait3A_476 = tpu.memref_squeeze %dma_wait3A_475 : memref<1x32xi32, #tpu.memory_space<vmem>> -> memref<32xi32, #tpu.memory_space<vmem>>
      %dma_wait3A_477 = arith.constant 0 : i32
      %dma_wait3A_478 = arith.constant 0 : i32
      %dma_wait3A_479 = tpu.memref_slice %arg2[%dma_wait3A_477, %dma_wait3A_478] : memref<10000x32xf32, #tpu.memory_space<hbm>> -> memref<10000x32xf32, #tpu.memory_space<hbm>>
      tpu.wait_indirect_dma semaphore(%arg29 : memref<!tpu.dma_semaphore, #tpu.memory_space<semaphore_mem>>) src(%dma_wait3A_479 : memref<10000x32xf32, #tpu.memory_space<hbm>>) dst(%arg16 : memref<32x32xf32, #tpu.memory_space<vmem>>)
      %run_scoped3A_480 = arith.constant 1 : i32
      "tpu.region"() ({
        %run_scoped3A_543 = tpu.sem_alloc : memref<!tpu.dma_semaphore, #tpu.memory_space<semaphore_mem>>
        %dma_start3A_544 = arith.constant 0 : i32
        %dma_start3A_545 = tpu.memref_slice %arg12[%run_scoped3A_480, %dma_start3A_544] : memref<2x32xi32, #tpu.memory_space<vmem>> -> memref<1x32xi32, #tpu.memory_space<vmem>>
        %dma_start3A_546 = tpu.memref_squeeze %dma_start3A_545 : memref<1x32xi32, #tpu.memory_space<vmem>> -> memref<32xi32, #tpu.memory_space<vmem>>
        %dma_start3A_547 = arith.constant 0 : i32
        %dma_start3A_548 = arith.constant 0 : i32
        %dma_start3A_549 = tpu.memref_slice %arg18[%dma_start3A_547, %dma_start3A_548] : memref<10112x32xf32, #tpu.memory_space<vmem_shared>> -> memref<10112x32xf32, #tpu.memory_space<vmem_shared>>
        tpu.enqueue_indirect_dma source(%arg16 : memref<32x32xf32, #tpu.memory_space<vmem>>) target(%dma_start3A_549 : memref<10112x32xf32, #tpu.memory_space<vmem_shared>>) offsets(%dma_start3A_546 : memref<32xi32, #tpu.memory_space<vmem>>) semaphore(%run_scoped3A_543 : memref<!tpu.dma_semaphore, #tpu.memory_space<semaphore_mem>>) {add = true}
        %dma_wait3A_550 = arith.constant 0 : i32
        %dma_wait3A_551 = tpu.memref_slice %arg12[%run_scoped3A_480, %dma_wait3A_550] : memref<2x32xi32, #tpu.memory_space<vmem>> -> memref<1x32xi32, #tpu.memory_space<vmem>>
        %dma_wait3A_552 = tpu.memref_squeeze %dma_wait3A_551 : memref<1x32xi32, #tpu.memory_space<vmem>> -> memref<32xi32, #tpu.memory_space<vmem>>
        %dma_wait3A_553 = arith.constant 0 : i32
        %dma_wait3A_554 = arith.constant 0 : i32
        %dma_wait3A_555 = tpu.memref_slice %arg18[%dma_wait3A_553, %dma_wait3A_554] : memref<10112x32xf32, #tpu.memory_space<vmem_shared>> -> memref<10112x32xf32, #tpu.memory_space<vmem_shared>>
        tpu.wait_indirect_dma semaphore(%run_scoped3A_543 : memref<!tpu.dma_semaphore, #tpu.memory_space<semaphore_mem>>) src(%arg16 : memref<32x32xf32, #tpu.memory_space<vmem>>) dst(%dma_wait3A_555 : memref<10112x32xf32, #tpu.memory_space<vmem_shared>>)
        tpu.yield
      }) : () -> ()
      %dma_wait3A_481 = arith.constant 0 : i32
      %dma_wait3A_482 = arith.constant 0 : i32
      %dma_wait3A_483 = tpu.memref_slice %arg3[%add3A_472, %dma_wait3A_481, %dma_wait3A_482] : memref<10240x2x32xi32, #tpu.memory_space<hbm>> -> memref<1x2x32xi32, #tpu.memory_space<hbm>>
      %dma_wait3A_484 = tpu.memref_squeeze %dma_wait3A_483 : memref<1x2x32xi32, #tpu.memory_space<hbm>> -> memref<2x32xi32, #tpu.memory_space<hbm>>
      %dma_wait3A_485 = arith.constant 0 : i32
      %dma_wait3A_486 = arith.constant 0 : i32
      %dma_wait3A_487 = tpu.memref_slice %arg3[%add3A_472, %dma_wait3A_485, %dma_wait3A_486] : memref<10240x2x32xi32, #tpu.memory_space<hbm>> -> memref<1x2x32xi32, #tpu.memory_space<hbm>>
      %dma_wait3A_488 = tpu.memref_squeeze %dma_wait3A_487 : memref<1x2x32xi32, #tpu.memory_space<hbm>> -> memref<2x32xi32, #tpu.memory_space<hbm>>
      tpu.wait_dma2 semaphore(%arg21 : memref<!tpu.dma_semaphore, #tpu.memory_space<semaphore_mem>>) src(%dma_wait3A_488 : memref<2x32xi32, #tpu.memory_space<hbm>>) dst(%arg8 : memref<2x32xi32, #tpu.memory_space<vmem>>)
      %dma_start3A_489 = arith.constant 0 : i32
      %dma_start3A_490 = arith.constant 0 : i32
      %dma_start3A_491 = tpu.memref_slice %arg8[%dma_start3A_489, %dma_start3A_490] : memref<2x32xi32, #tpu.memory_space<vmem>> -> memref<1x32xi32, #tpu.memory_space<vmem>>
      %dma_start3A_492 = tpu.memref_squeeze %dma_start3A_491 : memref<1x32xi32, #tpu.memory_space<vmem>> -> memref<32xi32, #tpu.memory_space<vmem>>
      %dma_start3A_493 = arith.constant 0 : i32
      %dma_start3A_494 = arith.constant 0 : i32
      %dma_start3A_495 = tpu.memref_slice %arg2[%dma_start3A_493, %dma_start3A_494] : memref<10000x32xf32, #tpu.memory_space<hbm>> -> memref<10000x32xf32, #tpu.memory_space<hbm>>
      tpu.enqueue_indirect_dma source(%dma_start3A_495 : memref<10000x32xf32, #tpu.memory_space<hbm>>) target(%arg16 : memref<32x32xf32, #tpu.memory_space<vmem>>) offsets(%dma_start3A_492 : memref<32xi32, #tpu.memory_space<vmem>>) semaphore(%arg29 : memref<!tpu.dma_semaphore, #tpu.memory_space<semaphore_mem>>)
      %add3A_496 = arith.constant 8 : i32
      %add3A_497 = arith.addi %add3A_472, %add3A_496 : i32
      %min3A_498 = arith.minsi %add3A_497, %sub3A_10 : i32
      %dma_start3A_499 = arith.constant 0 : i32
      %dma_start3A_500 = arith.constant 0 : i32
      %dma_start3A_501 = tpu.memref_slice %arg3[%min3A_498, %dma_start3A_499, %dma_start3A_500] : memref<10240x2x32xi32, #tpu.memory_space<hbm>> -> memref<1x2x32xi32, #tpu.memory_space<hbm>>
      %dma_start3A_502 = tpu.memref_squeeze %dma_start3A_501 : memref<1x2x32xi32, #tpu.memory_space<hbm>> -> memref<2x32xi32, #tpu.memory_space<hbm>>
      %dma_start3A_503 = arith.constant 0 : i32
      %dma_start3A_504 = arith.constant 0 : i32
      %dma_start3A_505 = tpu.memref_slice %arg3[%min3A_498, %dma_start3A_503, %dma_start3A_504] : memref<10240x2x32xi32, #tpu.memory_space<hbm>> -> memref<1x2x32xi32, #tpu.memory_space<hbm>>
      %dma_start3A_506 = tpu.memref_squeeze %dma_start3A_505 : memref<1x2x32xi32, #tpu.memory_space<hbm>> -> memref<2x32xi32, #tpu.memory_space<hbm>>
      tpu.enqueue_dma source(%dma_start3A_506 : memref<2x32xi32, #tpu.memory_space<hbm>>) target(%arg12 : memref<2x32xi32, #tpu.memory_space<vmem>>) target_semaphore(%arg25 : memref<!tpu.dma_semaphore, #tpu.memory_space<semaphore_mem>>)
      %add3A_507 = arith.constant 7 : i32
      %add3A_508 = arith.addi %add3A_256, %add3A_507 : i32
      %dma_wait3A_509 = arith.constant 0 : i32
      %dma_wait3A_510 = arith.constant 0 : i32
      %dma_wait3A_511 = tpu.memref_slice %arg13[%dma_wait3A_509, %dma_wait3A_510] : memref<2x32xi32, #tpu.memory_space<vmem>> -> memref<1x32xi32, #tpu.memory_space<vmem>>
      %dma_wait3A_512 = tpu.memref_squeeze %dma_wait3A_511 : memref<1x32xi32, #tpu.memory_space<vmem>> -> memref<32xi32, #tpu.memory_space<vmem>>
      %dma_wait3A_513 = arith.constant 0 : i32
      %dma_wait3A_514 = arith.constant 0 : i32
      %dma_wait3A_515 = tpu.memref_slice %arg2[%dma_wait3A_513, %dma_wait3A_514] : memref<10000x32xf32, #tpu.memory_space<hbm>> -> memref<10000x32xf32, #tpu.memory_space<hbm>>
      tpu.wait_indirect_dma semaphore(%arg30 : memref<!tpu.dma_semaphore, #tpu.memory_space<semaphore_mem>>) src(%dma_wait3A_515 : memref<10000x32xf32, #tpu.memory_space<hbm>>) dst(%arg17 : memref<32x32xf32, #tpu.memory_space<vmem>>)
      %run_scoped3A_516 = arith.constant 1 : i32
      "tpu.region"() ({
        %run_scoped3A_543 = tpu.sem_alloc : memref<!tpu.dma_semaphore, #tpu.memory_space<semaphore_mem>>
        %dma_start3A_544 = arith.constant 0 : i32
        %dma_start3A_545 = tpu.memref_slice %arg13[%run_scoped3A_516, %dma_start3A_544] : memref<2x32xi32, #tpu.memory_space<vmem>> -> memref<1x32xi32, #tpu.memory_space<vmem>>
        %dma_start3A_546 = tpu.memref_squeeze %dma_start3A_545 : memref<1x32xi32, #tpu.memory_space<vmem>> -> memref<32xi32, #tpu.memory_space<vmem>>
        %dma_start3A_547 = arith.constant 0 : i32
        %dma_start3A_548 = arith.constant 0 : i32
        %dma_start3A_549 = tpu.memref_slice %arg18[%dma_start3A_547, %dma_start3A_548] : memref<10112x32xf32, #tpu.memory_space<vmem_shared>> -> memref<10112x32xf32, #tpu.memory_space<vmem_shared>>
        tpu.enqueue_indirect_dma source(%arg17 : memref<32x32xf32, #tpu.memory_space<vmem>>) target(%dma_start3A_549 : memref<10112x32xf32, #tpu.memory_space<vmem_shared>>) offsets(%dma_start3A_546 : memref<32xi32, #tpu.memory_space<vmem>>) semaphore(%run_scoped3A_543 : memref<!tpu.dma_semaphore, #tpu.memory_space<semaphore_mem>>) {add = true}
        %dma_wait3A_550 = arith.constant 0 : i32
        %dma_wait3A_551 = tpu.memref_slice %arg13[%run_scoped3A_516, %dma_wait3A_550] : memref<2x32xi32, #tpu.memory_space<vmem>> -> memref<1x32xi32, #tpu.memory_space<vmem>>
        %dma_wait3A_552 = tpu.memref_squeeze %dma_wait3A_551 : memref<1x32xi32, #tpu.memory_space<vmem>> -> memref<32xi32, #tpu.memory_space<vmem>>
        %dma_wait3A_553 = arith.constant 0 : i32
        %dma_wait3A_554 = arith.constant 0 : i32
        %dma_wait3A_555 = tpu.memref_slice %arg18[%dma_wait3A_553, %dma_wait3A_554] : memref<10112x32xf32, #tpu.memory_space<vmem_shared>> -> memref<10112x32xf32, #tpu.memory_space<vmem_shared>>
        tpu.wait_indirect_dma semaphore(%run_scoped3A_543 : memref<!tpu.dma_semaphore, #tpu.memory_space<semaphore_mem>>) src(%arg17 : memref<32x32xf32, #tpu.memory_space<vmem>>) dst(%dma_wait3A_555 : memref<10112x32xf32, #tpu.memory_space<vmem_shared>>)
        tpu.yield
      }) : () -> ()
      %dma_wait3A_517 = arith.constant 0 : i32
      %dma_wait3A_518 = arith.constant 0 : i32
      %dma_wait3A_519 = tpu.memref_slice %arg3[%add3A_508, %dma_wait3A_517, %dma_wait3A_518] : memref<10240x2x32xi32, #tpu.memory_space<hbm>> -> memref<1x2x32xi32, #tpu.memory_space<hbm>>
      %dma_wait3A_520 = tpu.memref_squeeze %dma_wait3A_519 : memref<1x2x32xi32, #tpu.memory_space<hbm>> -> memref<2x32xi32, #tpu.memory_space<hbm>>
      %dma_wait3A_521 = arith.constant 0 : i32
      %dma_wait3A_522 = arith.constant 0 : i32
      %dma_wait3A_523 = tpu.memref_slice %arg3[%add3A_508, %dma_wait3A_521, %dma_wait3A_522] : memref<10240x2x32xi32, #tpu.memory_space<hbm>> -> memref<1x2x32xi32, #tpu.memory_space<hbm>>
      %dma_wait3A_524 = tpu.memref_squeeze %dma_wait3A_523 : memref<1x2x32xi32, #tpu.memory_space<hbm>> -> memref<2x32xi32, #tpu.memory_space<hbm>>
      tpu.wait_dma2 semaphore(%arg22 : memref<!tpu.dma_semaphore, #tpu.memory_space<semaphore_mem>>) src(%dma_wait3A_524 : memref<2x32xi32, #tpu.memory_space<hbm>>) dst(%arg9 : memref<2x32xi32, #tpu.memory_space<vmem>>)
      %dma_start3A_525 = arith.constant 0 : i32
      %dma_start3A_526 = arith.constant 0 : i32
      %dma_start3A_527 = tpu.memref_slice %arg9[%dma_start3A_525, %dma_start3A_526] : memref<2x32xi32, #tpu.memory_space<vmem>> -> memref<1x32xi32, #tpu.memory_space<vmem>>
      %dma_start3A_528 = tpu.memref_squeeze %dma_start3A_527 : memref<1x32xi32, #tpu.memory_space<vmem>> -> memref<32xi32, #tpu.memory_space<vmem>>
      %dma_start3A_529 = arith.constant 0 : i32
      %dma_start3A_530 = arith.constant 0 : i32
      %dma_start3A_531 = tpu.memref_slice %arg2[%dma_start3A_529, %dma_start3A_530] : memref<10000x32xf32, #tpu.memory_space<hbm>> -> memref<10000x32xf32, #tpu.memory_space<hbm>>
      tpu.enqueue_indirect_dma source(%dma_start3A_531 : memref<10000x32xf32, #tpu.memory_space<hbm>>) target(%arg17 : memref<32x32xf32, #tpu.memory_space<vmem>>) offsets(%dma_start3A_528 : memref<32xi32, #tpu.memory_space<vmem>>) semaphore(%arg30 : memref<!tpu.dma_semaphore, #tpu.memory_space<semaphore_mem>>)
      %add3A_532 = arith.constant 8 : i32
      %add3A_533 = arith.addi %add3A_508, %add3A_532 : i32
      %min3A_534 = arith.minsi %add3A_533, %sub3A_10 : i32
      %dma_start3A_535 = arith.constant 0 : i32
      %dma_start3A_536 = arith.constant 0 : i32
      %dma_start3A_537 = tpu.memref_slice %arg3[%min3A_534, %dma_start3A_535, %dma_start3A_536] : memref<10240x2x32xi32, #tpu.memory_space<hbm>> -> memref<1x2x32xi32, #tpu.memory_space<hbm>>
      %dma_start3A_538 = tpu.memref_squeeze %dma_start3A_537 : memref<1x2x32xi32, #tpu.memory_space<hbm>> -> memref<2x32xi32, #tpu.memory_space<hbm>>
      %dma_start3A_539 = arith.constant 0 : i32
      %dma_start3A_540 = arith.constant 0 : i32
      %dma_start3A_541 = tpu.memref_slice %arg3[%min3A_534, %dma_start3A_539, %dma_start3A_540] : memref<10240x2x32xi32, #tpu.memory_space<hbm>> -> memref<1x2x32xi32, #tpu.memory_space<hbm>>
      %dma_start3A_542 = tpu.memref_squeeze %dma_start3A_541 : memref<1x2x32xi32, #tpu.memory_space<hbm>> -> memref<2x32xi32, #tpu.memory_space<hbm>>
      tpu.enqueue_dma source(%dma_start3A_542 : memref<2x32xi32, #tpu.memory_space<hbm>>) target(%arg13 : memref<2x32xi32, #tpu.memory_space<vmem>>) target_semaphore(%arg26 : memref<!tpu.dma_semaphore, #tpu.memory_space<semaphore_mem>>)
    }
    %dma_wait3A_187 = arith.constant 0 : i32
    %dma_wait3A_188 = arith.constant 0 : i32
    %dma_wait3A_189 = tpu.memref_slice %arg6[%dma_wait3A_187, %dma_wait3A_188] : memref<2x32xi32, #tpu.memory_space<vmem>> -> memref<1x32xi32, #tpu.memory_space<vmem>>
    %dma_wait3A_190 = tpu.memref_squeeze %dma_wait3A_189 : memref<1x32xi32, #tpu.memory_space<vmem>> -> memref<32xi32, #tpu.memory_space<vmem>>
    %dma_wait3A_191 = arith.constant 0 : i32
    %dma_wait3A_192 = arith.constant 0 : i32
    %dma_wait3A_193 = tpu.memref_slice %arg2[%dma_wait3A_191, %dma_wait3A_192] : memref<10000x32xf32, #tpu.memory_space<hbm>> -> memref<10000x32xf32, #tpu.memory_space<hbm>>
    tpu.wait_indirect_dma semaphore(%arg27 : memref<!tpu.dma_semaphore, #tpu.memory_space<semaphore_mem>>) src(%dma_wait3A_193 : memref<10000x32xf32, #tpu.memory_space<hbm>>) dst(%arg14 : memref<32x32xf32, #tpu.memory_space<vmem>>)
    %dma_wait3A_194 = arith.constant 0 : i32
    %dma_wait3A_195 = arith.constant 0 : i32
    %dma_wait3A_196 = tpu.memref_slice %arg7[%dma_wait3A_194, %dma_wait3A_195] : memref<2x32xi32, #tpu.memory_space<vmem>> -> memref<1x32xi32, #tpu.memory_space<vmem>>
    %dma_wait3A_197 = tpu.memref_squeeze %dma_wait3A_196 : memref<1x32xi32, #tpu.memory_space<vmem>> -> memref<32xi32, #tpu.memory_space<vmem>>
    %dma_wait3A_198 = arith.constant 0 : i32
    %dma_wait3A_199 = arith.constant 0 : i32
    %dma_wait3A_200 = tpu.memref_slice %arg2[%dma_wait3A_198, %dma_wait3A_199] : memref<10000x32xf32, #tpu.memory_space<hbm>> -> memref<10000x32xf32, #tpu.memory_space<hbm>>
    tpu.wait_indirect_dma semaphore(%arg28 : memref<!tpu.dma_semaphore, #tpu.memory_space<semaphore_mem>>) src(%dma_wait3A_200 : memref<10000x32xf32, #tpu.memory_space<hbm>>) dst(%arg15 : memref<32x32xf32, #tpu.memory_space<vmem>>)
    %dma_wait3A_201 = arith.constant 0 : i32
    %dma_wait3A_202 = arith.constant 0 : i32
    %dma_wait3A_203 = tpu.memref_slice %arg8[%dma_wait3A_201, %dma_wait3A_202] : memref<2x32xi32, #tpu.memory_space<vmem>> -> memref<1x32xi32, #tpu.memory_space<vmem>>
    %dma_wait3A_204 = tpu.memref_squeeze %dma_wait3A_203 : memref<1x32xi32, #tpu.memory_space<vmem>> -> memref<32xi32, #tpu.memory_space<vmem>>
    %dma_wait3A_205 = arith.constant 0 : i32
    %dma_wait3A_206 = arith.constant 0 : i32
    %dma_wait3A_207 = tpu.memref_slice %arg2[%dma_wait3A_205, %dma_wait3A_206] : memref<10000x32xf32, #tpu.memory_space<hbm>> -> memref<10000x32xf32, #tpu.memory_space<hbm>>
    tpu.wait_indirect_dma semaphore(%arg29 : memref<!tpu.dma_semaphore, #tpu.memory_space<semaphore_mem>>) src(%dma_wait3A_207 : memref<10000x32xf32, #tpu.memory_space<hbm>>) dst(%arg16 : memref<32x32xf32, #tpu.memory_space<vmem>>)
    %dma_wait3A_208 = arith.constant 0 : i32
    %dma_wait3A_209 = arith.constant 0 : i32
    %dma_wait3A_210 = tpu.memref_slice %arg9[%dma_wait3A_208, %dma_wait3A_209] : memref<2x32xi32, #tpu.memory_space<vmem>> -> memref<1x32xi32, #tpu.memory_space<vmem>>
    %dma_wait3A_211 = tpu.memref_squeeze %dma_wait3A_210 : memref<1x32xi32, #tpu.memory_space<vmem>> -> memref<32xi32, #tpu.memory_space<vmem>>
    %dma_wait3A_212 = arith.constant 0 : i32
    %dma_wait3A_213 = arith.constant 0 : i32
    %dma_wait3A_214 = tpu.memref_slice %arg2[%dma_wait3A_212, %dma_wait3A_213] : memref<10000x32xf32, #tpu.memory_space<hbm>> -> memref<10000x32xf32, #tpu.memory_space<hbm>>
    tpu.wait_indirect_dma semaphore(%arg30 : memref<!tpu.dma_semaphore, #tpu.memory_space<semaphore_mem>>) src(%dma_wait3A_214 : memref<10000x32xf32, #tpu.memory_space<hbm>>) dst(%arg17 : memref<32x32xf32, #tpu.memory_space<vmem>>)
    %dma_wait3A_215 = arith.constant 0 : i32
    %dma_wait3A_216 = arith.constant 0 : i32
    %dma_wait3A_217 = tpu.memref_slice %arg3[%sub3A_10, %dma_wait3A_215, %dma_wait3A_216] : memref<10240x2x32xi32, #tpu.memory_space<hbm>> -> memref<1x2x32xi32, #tpu.memory_space<hbm>>
    %dma_wait3A_218 = tpu.memref_squeeze %dma_wait3A_217 : memref<1x2x32xi32, #tpu.memory_space<hbm>> -> memref<2x32xi32, #tpu.memory_space<hbm>>
    %dma_wait3A_219 = arith.constant 0 : i32
    %dma_wait3A_220 = arith.constant 0 : i32
    %dma_wait3A_221 = tpu.memref_slice %arg3[%sub3A_10, %dma_wait3A_219, %dma_wait3A_220] : memref<10240x2x32xi32, #tpu.memory_space<hbm>> -> memref<1x2x32xi32, #tpu.memory_space<hbm>>
    %dma_wait3A_222 = tpu.memref_squeeze %dma_wait3A_221 : memref<1x2x32xi32, #tpu.memory_space<hbm>> -> memref<2x32xi32, #tpu.memory_space<hbm>>
    tpu.wait_dma2 semaphore(%arg23 : memref<!tpu.dma_semaphore, #tpu.memory_space<semaphore_mem>>) src(%dma_wait3A_222 : memref<2x32xi32, #tpu.memory_space<hbm>>) dst(%arg10 : memref<2x32xi32, #tpu.memory_space<vmem>>)
    %dma_wait3A_223 = arith.constant 0 : i32
    %dma_wait3A_224 = arith.constant 0 : i32
    %dma_wait3A_225 = tpu.memref_slice %arg3[%sub3A_10, %dma_wait3A_223, %dma_wait3A_224] : memref<10240x2x32xi32, #tpu.memory_space<hbm>> -> memref<1x2x32xi32, #tpu.memory_space<hbm>>
    %dma_wait3A_226 = tpu.memref_squeeze %dma_wait3A_225 : memref<1x2x32xi32, #tpu.memory_space<hbm>> -> memref<2x32xi32, #tpu.memory_space<hbm>>
    %dma_wait3A_227 = arith.constant 0 : i32
    %dma_wait3A_228 = arith.constant 0 : i32
    %dma_wait3A_229 = tpu.memref_slice %arg3[%sub3A_10, %dma_wait3A_227, %dma_wait3A_228] : memref<10240x2x32xi32, #tpu.memory_space<hbm>> -> memref<1x2x32xi32, #tpu.memory_space<hbm>>
    %dma_wait3A_230 = tpu.memref_squeeze %dma_wait3A_229 : memref<1x2x32xi32, #tpu.memory_space<hbm>> -> memref<2x32xi32, #tpu.memory_space<hbm>>
    tpu.wait_dma2 semaphore(%arg24 : memref<!tpu.dma_semaphore, #tpu.memory_space<semaphore_mem>>) src(%dma_wait3A_230 : memref<2x32xi32, #tpu.memory_space<hbm>>) dst(%arg11 : memref<2x32xi32, #tpu.memory_space<vmem>>)
    %dma_wait3A_231 = arith.constant 0 : i32
    %dma_wait3A_232 = arith.constant 0 : i32
    %dma_wait3A_233 = tpu.memref_slice %arg3[%sub3A_10, %dma_wait3A_231, %dma_wait3A_232] : memref<10240x2x32xi32, #tpu.memory_space<hbm>> -> memref<1x2x32xi32, #tpu.memory_space<hbm>>
    %dma_wait3A_234 = tpu.memref_squeeze %dma_wait3A_233 : memref<1x2x32xi32, #tpu.memory_space<hbm>> -> memref<2x32xi32, #tpu.memory_space<hbm>>
    %dma_wait3A_235 = arith.constant 0 : i32
    %dma_wait3A_236 = arith.constant 0 : i32
    %dma_wait3A_237 = tpu.memref_slice %arg3[%sub3A_10, %dma_wait3A_235, %dma_wait3A_236] : memref<10240x2x32xi32, #tpu.memory_space<hbm>> -> memref<1x2x32xi32, #tpu.memory_space<hbm>>
    %dma_wait3A_238 = tpu.memref_squeeze %dma_wait3A_237 : memref<1x2x32xi32, #tpu.memory_space<hbm>> -> memref<2x32xi32, #tpu.memory_space<hbm>>
    tpu.wait_dma2 semaphore(%arg25 : memref<!tpu.dma_semaphore, #tpu.memory_space<semaphore_mem>>) src(%dma_wait3A_238 : memref<2x32xi32, #tpu.memory_space<hbm>>) dst(%arg12 : memref<2x32xi32, #tpu.memory_space<vmem>>)
    %dma_wait3A_239 = arith.constant 0 : i32
    %dma_wait3A_240 = arith.constant 0 : i32
    %dma_wait3A_241 = tpu.memref_slice %arg3[%sub3A_10, %dma_wait3A_239, %dma_wait3A_240] : memref<10240x2x32xi32, #tpu.memory_space<hbm>> -> memref<1x2x32xi32, #tpu.memory_space<hbm>>
    %dma_wait3A_242 = tpu.memref_squeeze %dma_wait3A_241 : memref<1x2x32xi32, #tpu.memory_space<hbm>> -> memref<2x32xi32, #tpu.memory_space<hbm>>
    %dma_wait3A_243 = arith.constant 0 : i32
    %dma_wait3A_244 = arith.constant 0 : i32
    %dma_wait3A_245 = tpu.memref_slice %arg3[%sub3A_10, %dma_wait3A_243, %dma_wait3A_244] : memref<10240x2x32xi32, #tpu.memory_space<hbm>> -> memref<1x2x32xi32, #tpu.memory_space<hbm>>
    %dma_wait3A_246 = tpu.memref_squeeze %dma_wait3A_245 : memref<1x2x32xi32, #tpu.memory_space<hbm>> -> memref<2x32xi32, #tpu.memory_space<hbm>>
    tpu.wait_dma2 semaphore(%arg26 : memref<!tpu.dma_semaphore, #tpu.memory_space<semaphore_mem>>) src(%dma_wait3A_246 : memref<2x32xi32, #tpu.memory_space<hbm>>) dst(%arg13 : memref<2x32xi32, #tpu.memory_space<vmem>>)
    %barrier3A_247 = arith.constant 0 : index
    tpu.barrier barrier_id(%barrier3A_247)
    %lt3A_248 = arith.constant 16 : i32
    %lt3A_249 = arith.cmpi slt, %arg1, %lt3A_248 : i32
    %convert_element_type3A_250 = arith.extui %lt3A_249 : i1 to i32
    %cond3A_251 = arith.constant 0 : i32
    %cond3A_252 = arith.cmpi ne, %convert_element_type3A_250, %cond3A_251 : i32
    scf.if %cond3A_252 {
      %mul3A_253 = arith.constant 632 : i32
      %mul3A_254 = arith.muli %arg1, %mul3A_253 : i32
      %mul3A_255 = arith.constant 10112 : i32
      %mul3A_256 = arith.muli %arg0, %mul3A_255 : i32
      %mul3A_257 = arith.constant 632 : i32
      %mul3A_258 = arith.muli %arg1, %mul3A_257 : i32
      %add3A_259 = arith.addi %mul3A_256, %mul3A_258 : i32
      "tpu.region"() ({
        %run_scoped3A = tpu.sem_alloc : memref<!tpu.dma_semaphore, #tpu.memory_space<semaphore_mem>>
        %dma_start3A_260 = arith.constant 0 : i32
        %dma_start3A_261 = tpu.memref_slice %arg5[%add3A_259, %dma_start3A_260] : memref<20224x32xf32, #tpu.memory_space<hbm>> -> memref<632x32xf32, #tpu.memory_space<hbm>>
        %dma_start3A_262 = arith.constant 0 : i32
        %dma_start3A_263 = tpu.memref_slice %arg18[%mul3A_254, %dma_start3A_262] : memref<10112x32xf32, #tpu.memory_space<vmem_shared>> -> memref<632x32xf32, #tpu.memory_space<vmem_shared>>
        tpu.enqueue_dma source(%dma_start3A_263 : memref<632x32xf32, #tpu.memory_space<vmem_shared>>) target(%dma_start3A_261 : memref<632x32xf32, #tpu.memory_space<hbm>>) target_semaphore(%run_scoped3A : memref<!tpu.dma_semaphore, #tpu.memory_space<semaphore_mem>>)
        %dma_wait3A_264 = arith.constant 0 : i32
        %dma_wait3A_265 = tpu.memref_slice %arg5[%add3A_259, %dma_wait3A_264] : memref<20224x32xf32, #tpu.memory_space<hbm>> -> memref<632x32xf32, #tpu.memory_space<hbm>>
        %dma_wait3A_266 = arith.constant 0 : i32
        %dma_wait3A_267 = tpu.memref_slice %arg18[%mul3A_254, %dma_wait3A_266] : memref<10112x32xf32, #tpu.memory_space<vmem_shared>> -> memref<632x32xf32, #tpu.memory_space<vmem_shared>>
        tpu.wait_dma2 semaphore(%run_scoped3A : memref<!tpu.dma_semaphore, #tpu.memory_space<semaphore_mem>>) src(%dma_wait3A_267 : memref<632x32xf32, #tpu.memory_space<vmem_shared>>) dst(%dma_wait3A_265 : memref<632x32xf32, #tpu.memory_space<hbm>>)
        tpu.yield
      }) : () -> ()
    } else {
    }
    return
  }
}

module attributes {stable_mosaic.version = 14 : i64} {
  func.func @body(%arg0: i32, %arg1: memref<2x1000x8xf32, #tpu.memory_space<vmem>>, %arg2: memref<1000x128xf32, #tpu.memory_space<vmem>>, %arg3: memref<1000x128xf32, #tpu.memory_space<vmem>>, %arg4: memref<1000x8xf32, #tpu.memory_space<vmem>>) attributes {dimension_semantics = [#tpu.dimension_semantics<arbitrary>], iteration_bounds = array<i64: 10>, scalar_prefetch = 0 : i64, scratch_operands = 0 : i64, tpu.core_type = #tpu.core_type<tc>, window_params = [{transform_indices = @transform_0, window_bounds = array<i64: 2, 1000, 8>}, {transform_indices = @transform_1, window_bounds = array<i64: 1000, 128>}, {transform_indices = @transform_2, window_bounds = array<i64: 1000, 128>}, {transform_indices = @transform_3, window_bounds = array<i64: 1000, 8>}]} {
    %get3A = arith.constant 0 : index
    %get3A_0 = arith.constant 0 : index
    %get3A_1 = arith.constant 0 : index
    %get3A_2 = vector.load %arg1[%get3A, %get3A_0, %get3A_1] : memref<2x1000x8xf32, #tpu.memory_space<vmem>>, vector<1x1000x8xf32>
    %get3A_3 = vector.shape_cast %get3A_2 : vector<1x1000x8xf32> to vector<1000x8xf32>
    %get3A_4 = arith.constant 1 : index
    %get3A_5 = arith.constant 0 : index
    %get3A_6 = arith.constant 0 : index
    %get3A_7 = vector.load %arg1[%get3A_4, %get3A_5, %get3A_6] : memref<2x1000x8xf32, #tpu.memory_space<vmem>>, vector<1x1000x8xf32>
    %get3A_8 = vector.shape_cast %get3A_7 : vector<1x1000x8xf32> to vector<1000x8xf32>
    %add3A = arith.addf %get3A_3, %get3A_8 : vector<1000x8xf32>
    %add3A_9 = arith.constant 1.000000e+00 : f32
    %add3A_10 = vector.broadcast %add3A_9 : f32 to vector<1000x8xf32>
    %add3A_11 = arith.addf %add3A, %add3A_10 : vector<1000x8xf32>
    %rsqrt3A = math.rsqrt %add3A_11 : vector<1000x8xf32>
    %swap3A = arith.constant 0 : index
    %swap3A_12 = arith.constant 0 : index
    %swap3A_13 = vector.load %arg4[%swap3A, %swap3A_12] : memref<1000x8xf32, #tpu.memory_space<vmem>>, vector<1000x8xf32>
    tpu.vector_store %arg4[%swap3A, %swap3A_12], %rsqrt3A {strides = array<i32>} : memref<1000x8xf32, #tpu.memory_space<vmem>>, vector<1000x8xf32>,
    %get3A_14 = arith.constant 0 : index
    %get3A_15 = arith.constant 0 : index
    %get3A_16 = vector.load %arg2[%get3A_14, %get3A_15] : memref<1000x128xf32, #tpu.memory_space<vmem>>, vector<1000x128xf32>
    %slice3A = vector.extract_strided_slice %rsqrt3A {offsets = [0, 0], sizes = [1000, 1], strides = [1, 1]} : vector<1000x8xf32> to vector<1000x1xf32>
    %mul3A = vector.broadcast %slice3A : vector<1000x1xf32> to vector<1000x128xf32>
    %mul3A_17 = arith.mulf %get3A_16, %mul3A : vector<1000x128xf32>
    %swap3A_18 = arith.constant 0 : index
    %swap3A_19 = arith.constant 0 : index
    %swap3A_20 = vector.load %arg3[%swap3A_18, %swap3A_19] : memref<1000x128xf32, #tpu.memory_space<vmem>>, vector<1000x128xf32>
    tpu.vector_store %arg3[%swap3A_18, %swap3A_19], %mul3A_17 {strides = array<i32>} : memref<1000x128xf32, #tpu.memory_space<vmem>>, vector<1000x128xf32>,
    return
  }
  func.func @transform_0(%arg0: i32) -> (i32, i32, i32) {
    %c0_i32 = arith.constant 0 : i32
    %c0_i32_0 = arith.constant 0 : i32
    %c0_i32_1 = arith.constant 0 : i32
    return %c0_i32, %arg0, %c0_i32_0 : i32, i32, i32
  }
  func.func @transform_1(%arg0: i32) -> (i32, i32) {
    %c0_i32 = arith.constant 0 : i32
    %c0_i32_0 = arith.constant 0 : i32
    return %arg0, %c0_i32 : i32, i32
  }
  func.func @transform_2(%arg0: i32) -> (i32, i32) {
    %c0_i32 = arith.constant 0 : i32
    %c0_i32_0 = arith.constant 0 : i32
    return %arg0, %c0_i32 : i32, i32
  }
  func.func @transform_3(%arg0: i32) -> (i32, i32) {
    %c0_i32 = arith.constant 0 : i32
    %c0_i32_0 = arith.constant 0 : i32
    return %arg0, %c0_i32 : i32, i32
  }
}

module attributes {stable_mosaic.version = 14 : i64} {
  func.func @body(%arg0: i32, %arg1: memref<2x1000x128xf32, #tpu.memory_space<vmem>>, %arg2: memref<1000x128xf32, #tpu.memory_space<vmem>>, %arg3: memref<1000x8xf32, #tpu.memory_space<vmem>>, %arg4: memref<128x256xf32, #tpu.memory_space<vmem>>, %arg5: memref<1x256xf32, #tpu.memory_space<vmem>>, %arg6: memref<256x32xf32, #tpu.memory_space<vmem>>, %arg7: memref<1000x32xf32, #tpu.memory_space<vmem>>) attributes {dimension_semantics = [#tpu.dimension_semantics<arbitrary>], iteration_bounds = array<i64: 10>, scalar_prefetch = 0 : i64, scratch_operands = 0 : i64, tpu.core_type = #tpu.core_type<tc>, window_params = [{transform_indices = @transform_0, window_bounds = array<i64: 2, 1000, 128>}, {transform_indices = @transform_1, window_bounds = array<i64: 1000, 128>}, {transform_indices = @transform_2, window_bounds = array<i64: 1000, 8>}, {pipeline_mode = #tpu.pipeline_mode<synchronous>, transform_indices = @transform_3, window_bounds = array<i64: 128, 256>}, {pipeline_mode = #tpu.pipeline_mode<synchronous>, transform_indices = @transform_4, window_bounds = array<i64: 1, 256>}, {pipeline_mode = #tpu.pipeline_mode<synchronous>, transform_indices = @transform_5, window_bounds = array<i64: 256, 32>}, {transform_indices = @transform_6, window_bounds = array<i64: 1000, 32>}]} {
    %get3A = arith.constant 0 : index
    %get3A_0 = arith.constant 0 : index
    %get3A_1 = vector.load %arg3[%get3A, %get3A_0] : memref<1000x8xf32, #tpu.memory_space<vmem>>, vector<1000x1xf32>
    %get3A_2 = arith.constant 0 : index
    %get3A_3 = arith.constant 0 : index
    %get3A_4 = arith.constant 0 : index
    %get3A_5 = vector.load %arg1[%get3A_2, %get3A_3, %get3A_4] : memref<2x1000x128xf32, #tpu.memory_space<vmem>>, vector<1x1000x128xf32>
    %get3A_6 = vector.shape_cast %get3A_5 : vector<1x1000x128xf32> to vector<1000x128xf32>
    %get3A_7 = arith.constant 1 : index
    %get3A_8 = arith.constant 0 : index
    %get3A_9 = arith.constant 0 : index
    %get3A_10 = vector.load %arg1[%get3A_7, %get3A_8, %get3A_9] : memref<2x1000x128xf32, #tpu.memory_space<vmem>>, vector<1x1000x128xf32>
    %get3A_11 = vector.shape_cast %get3A_10 : vector<1x1000x128xf32> to vector<1000x128xf32>
    %add3A = arith.addf %get3A_6, %get3A_11 : vector<1000x128xf32>
    %get3A_12 = arith.constant 0 : index
    %get3A_13 = arith.constant 0 : index
    %get3A_14 = vector.load %arg2[%get3A_12, %get3A_13] : memref<1000x128xf32, #tpu.memory_space<vmem>>, vector<1000x128xf32>
    %add3A_15 = arith.addf %add3A, %get3A_14 : vector<1000x128xf32>
    %mul3A = vector.broadcast %get3A_1 : vector<1000x1xf32> to vector<1000x128xf32>
    %mul3A_16 = arith.mulf %add3A_15, %mul3A : vector<1000x128xf32>
    %get3A_17 = arith.constant 0 : index
    %get3A_18 = arith.constant 0 : index
    %get3A_19 = vector.load %arg4[%get3A_17, %get3A_18] : memref<128x256xf32, #tpu.memory_space<vmem>>, vector<128x256xf32>
    %dot_general3A = arith.constant dense<0.000000e+00> : vector<1000x256xf32>
    %dot_general3A_20 = tpu.matmul %mul3A_16, %get3A_19, %dot_general3A {dimension_numbers = #tpu.dot_dimension_numbers<[1], [0], [0], [1], [0, 0, 1, 1], [], []>, transpose_lhs_hint = false} : vector<1000x128xf32>, vector<128x256xf32>, vector<1000x256xf32> -> vector<1000x256xf32>
    %get3A_21 = arith.constant 0 : index
    %get3A_22 = arith.constant 0 : index
    %get3A_23 = vector.load %arg5[%get3A_21, %get3A_22] : memref<1x256xf32, #tpu.memory_space<vmem>>, vector<1x256xf32>
    %add3A_24 = vector.broadcast %get3A_23 : vector<1x256xf32> to vector<1000x256xf32>
    %add3A_25 = arith.addf %dot_general3A_20, %add3A_24 : vector<1000x256xf32>
    %max3A = arith.constant 0.000000e+00 : f32
    %max3A_26 = vector.broadcast %max3A : f32 to vector<1000x256xf32>
    %max3A_27 = arith.maximumf %add3A_25, %max3A_26 : vector<1000x256xf32>
    %get3A_28 = arith.constant 0 : index
    %get3A_29 = arith.constant 0 : index
    %get3A_30 = vector.load %arg6[%get3A_28, %get3A_29] : memref<256x32xf32, #tpu.memory_space<vmem>>, vector<256x32xf32>
    %dot_general3A_31 = arith.constant dense<0.000000e+00> : vector<1000x32xf32>
    %dot_general3A_32 = tpu.matmul %max3A_27, %get3A_30, %dot_general3A_31 {dimension_numbers = #tpu.dot_dimension_numbers<[1], [0], [0], [1], [0, 0, 1, 1], [], []>, transpose_lhs_hint = false} : vector<1000x256xf32>, vector<256x32xf32>, vector<1000x32xf32> -> vector<1000x32xf32>
    %mul3A_33 = vector.broadcast %get3A_1 : vector<1000x1xf32> to vector<1000x32xf32>
    %mul3A_34 = arith.mulf %dot_general3A_32, %mul3A_33 : vector<1000x32xf32>
    %swap3A = arith.constant 0 : index
    %swap3A_35 = arith.constant 0 : index
    %swap3A_36 = vector.load %arg7[%swap3A, %swap3A_35] : memref<1000x32xf32, #tpu.memory_space<vmem>>, vector<1000x32xf32>
    tpu.vector_store %arg7[%swap3A, %swap3A_35], %mul3A_34 {strides = array<i32>} : memref<1000x32xf32, #tpu.memory_space<vmem>>, vector<1000x32xf32>,
    return
  }
  func.func @transform_0(%arg0: i32) -> (i32, i32, i32) {
    %c0_i32 = arith.constant 0 : i32
    %c0_i32_0 = arith.constant 0 : i32
    %c0_i32_1 = arith.constant 0 : i32
    return %c0_i32, %arg0, %c0_i32_0 : i32, i32, i32
  }
  func.func @transform_1(%arg0: i32) -> (i32, i32) {
    %c0_i32 = arith.constant 0 : i32
    %c0_i32_0 = arith.constant 0 : i32
    return %arg0, %c0_i32 : i32, i32
  }
  func.func @transform_2(%arg0: i32) -> (i32, i32) {
    %c0_i32 = arith.constant 0 : i32
    %c0_i32_0 = arith.constant 0 : i32
    return %arg0, %c0_i32 : i32, i32
  }
  func.func @transform_3(%arg0: i32) -> (i32, i32) {
    %c0_i32 = arith.constant 0 : i32
    %c0_i32_0 = arith.constant 0 : i32
    %c0_i32_1 = arith.constant 0 : i32
    return %c0_i32, %c0_i32_0 : i32, i32
  }
  func.func @transform_4(%arg0: i32) -> (i32, i32) {
    %c0_i32 = arith.constant 0 : i32
    %c0_i32_0 = arith.constant 0 : i32
    %c0_i32_1 = arith.constant 0 : i32
    return %c0_i32, %c0_i32_0 : i32, i32
  }
  func.func @transform_5(%arg0: i32) -> (i32, i32) {
    %c0_i32 = arith.constant 0 : i32
    %c0_i32_0 = arith.constant 0 : i32
    %c0_i32_1 = arith.constant 0 : i32
    return %c0_i32, %c0_i32_0 : i32, i32
  }
  func.func @transform_6(%arg0: i32) -> (i32, i32) {
    %c0_i32 = arith.constant 0 : i32
    %c0_i32_0 = arith.constant 0 : i32
    return %arg0, %c0_i32 : i32, i32
  }
}

module attributes {stable_mosaic.version = 14 : i64} {
  func.func @body(%arg0: i32, %arg1: memref<2x1000x32xf32, #tpu.memory_space<vmem>>, %arg2: memref<1000x32xf32, #tpu.memory_space<vmem>>, %arg3: memref<1000x8xf32, #tpu.memory_space<vmem>>, %arg4: memref<1x32xf32, #tpu.memory_space<vmem>>, %arg5: memref<1000x32xf32, #tpu.memory_space<vmem>>) attributes {dimension_semantics = [#tpu.dimension_semantics<arbitrary>], iteration_bounds = array<i64: 10>, scalar_prefetch = 0 : i64, scratch_operands = 0 : i64, tpu.core_type = #tpu.core_type<tc>, window_params = [{transform_indices = @transform_0, window_bounds = array<i64: 2, 1000, 32>}, {transform_indices = @transform_1, window_bounds = array<i64: 1000, 32>}, {transform_indices = @transform_2, window_bounds = array<i64: 1000, 8>}, {pipeline_mode = #tpu.pipeline_mode<synchronous>, transform_indices = @transform_3, window_bounds = array<i64: 1, 32>}, {transform_indices = @transform_4, window_bounds = array<i64: 1000, 32>}]} {
    %get3A = arith.constant 0 : index
    %get3A_0 = arith.constant 0 : index
    %get3A_1 = vector.load %arg3[%get3A, %get3A_0] : memref<1000x8xf32, #tpu.memory_space<vmem>>, vector<1000x1xf32>
    %get3A_2 = arith.constant 0 : index
    %get3A_3 = arith.constant 0 : index
    %get3A_4 = arith.constant 0 : index
    %get3A_5 = vector.load %arg1[%get3A_2, %get3A_3, %get3A_4] : memref<2x1000x32xf32, #tpu.memory_space<vmem>>, vector<1x1000x32xf32>
    %get3A_6 = vector.shape_cast %get3A_5 : vector<1x1000x32xf32> to vector<1000x32xf32>
    %get3A_7 = arith.constant 1 : index
    %get3A_8 = arith.constant 0 : index
    %get3A_9 = arith.constant 0 : index
    %get3A_10 = vector.load %arg1[%get3A_7, %get3A_8, %get3A_9] : memref<2x1000x32xf32, #tpu.memory_space<vmem>>, vector<1x1000x32xf32>
    %get3A_11 = vector.shape_cast %get3A_10 : vector<1x1000x32xf32> to vector<1000x32xf32>
    %add3A = arith.addf %get3A_6, %get3A_11 : vector<1000x32xf32>
    %get3A_12 = arith.constant 0 : index
    %get3A_13 = arith.constant 0 : index
    %get3A_14 = vector.load %arg2[%get3A_12, %get3A_13] : memref<1000x32xf32, #tpu.memory_space<vmem>>, vector<1000x32xf32>
    %add3A_15 = arith.addf %add3A, %get3A_14 : vector<1000x32xf32>
    %mul3A = vector.broadcast %get3A_1 : vector<1000x1xf32> to vector<1000x32xf32>
    %mul3A_16 = arith.mulf %add3A_15, %mul3A : vector<1000x32xf32>
    %get3A_17 = arith.constant 0 : index
    %get3A_18 = arith.constant 0 : index
    %get3A_19 = vector.load %arg4[%get3A_17, %get3A_18] : memref<1x32xf32, #tpu.memory_space<vmem>>, vector<1x32xf32>
    %add3A_20 = vector.broadcast %get3A_19 : vector<1x32xf32> to vector<1000x32xf32>
    %add3A_21 = arith.addf %mul3A_16, %add3A_20 : vector<1000x32xf32>
    %swap3A = arith.constant 0 : index
    %swap3A_22 = arith.constant 0 : index
    %swap3A_23 = vector.load %arg5[%swap3A, %swap3A_22] : memref<1000x32xf32, #tpu.memory_space<vmem>>, vector<1000x32xf32>
    tpu.vector_store %arg5[%swap3A, %swap3A_22], %add3A_21 {strides = array<i32>} : memref<1000x32xf32, #tpu.memory_space<vmem>>, vector<1000x32xf32>,
    return
  }
  func.func @transform_0(%arg0: i32) -> (i32, i32, i32) {
    %c0_i32 = arith.constant 0 : i32
    %c0_i32_0 = arith.constant 0 : i32
    %c0_i32_1 = arith.constant 0 : i32
    return %c0_i32, %arg0, %c0_i32_0 : i32, i32, i32
  }
  func.func @transform_1(%arg0: i32) -> (i32, i32) {
    %c0_i32 = arith.constant 0 : i32
    %c0_i32_0 = arith.constant 0 : i32
    return %arg0, %c0_i32 : i32, i32
  }
  func.func @transform_2(%arg0: i32) -> (i32, i32) {
    %c0_i32 = arith.constant 0 : i32
    %c0_i32_0 = arith.constant 0 : i32
    return %arg0, %c0_i32 : i32, i32
  }
  func.func @transform_3(%arg0: i32) -> (i32, i32) {
    %c0_i32 = arith.constant 0 : i32
    %c0_i32_0 = arith.constant 0 : i32
    %c0_i32_1 = arith.constant 0 : i32
    return %c0_i32, %c0_i32_0 : i32, i32
  }
  func.func @transform_4(%arg0: i32) -> (i32, i32) {
    %c0_i32 = arith.constant 0 : i32
    %c0_i32_0 = arith.constant 0 : i32
    return %arg0, %c0_i32 : i32, i32
  }
}

</mosaic_0001>

<sc_bundles>
// kernel: kernel.11.cloned.1.call-start
scs
__scs_entry_jumppad:
0x0: {  	(pc) =	sbr.rel $0x88, $3  }
0x1: {  	(tag) =	ssettag $0x0;
	lr =	simm.s32 $0x1  }
0x2: {  	[smem:$0x3F9B] =	sst lr;
	_ =	strace $0xD0000000  }
0x3: {  	_ = 	snop  }
0x4: {  	_ = 	snop  }
0x5: {  	_ = 	snop  }
0x6: {  	_ = 	snop  }
0x7: {  	_ = 	snop  }
__scs_overlays_trampoline_lowered:
0x8: {  	[smem:$0x3FAA] =	sst s0  }
0x9: {  	[smem:$0x3FAB] =	sst s1  }
0xa: {  	[smem:$0x3FAC] =	sst s2  }
0xb: {  	[smem:$0x3FAD] =	sst s3  }
0xc: {  	[smem:$0x3FAE] =	sst s4  }
0xd: {  	[smem:$0x3FAF] =	sst s5  }
0xe: {  	[smem:$0x3FB0] =	sst s6  }
0xf: {  	[smem:$0x3FB1] =	sst s7  }
0x10: {  	[smem:$0x3FB2] =	sst s8  }
0x11: {  	[smem:$0x3FB3] =	sst s9;
	s0 =	simm.s32 @!p0 $0x0  }
0x12: {  	s1 =	sld [smem:$0x3F99];
	s0 =	simm.s32 @p0 $0x1  }
0x13: {  	[smem:$0x3FB4] =	sst s0;
	s0 =	simm.s32 @!p1 $0x0  }
0x14: {  	s2 =	sld [smem:$0x3F98];
	s0 =	simm.s32 @p1 $0x1  }
0x15: {  	[smem:$0x3FB5] =	sst s0;
	s0 =	simm.s32 @!p2 $0x0  }
0x16: {  	s3 =	sld [smem:$0x3FDB];
	s0 =	simm.s32 @p2 $0x1  }
0x17: {  	s4 =	simm.s32 $0x1BF5;
	[smem:$0x3FB7] =	sst s0  }
0x18: {  	s0 =	sld [smem:$0x3F9A];
	_ =	swait.ge [sflag:s4], $0x0  }
0x19: {  	s7 =	sld [smem:$0x3F9B]  }
0x1a: {  	s8 =	sadd.s32 $0xFFFFE003, lr  }
0x1b: {  	s9 =	sadd.s32 $0xFFFFFEF7, lr;
	s5 =	simm.s32 $0xFFFFFFFF;
	p2 =	slt.u32 s8, $0xFFFFF086  }
0x1c: {  	p1 =	slt.u32 s9, $0xF7A;
	s5 =	simm.s32 @!p2 $0x0  }
0x1d: {  	s5 =	simm.s32 @p1 $0x1;
	p0 =	seq.s32 s7, s2  }
0x1e: {  	s7 =	smul.u32 @!p0 $0xF7A, s2;
	p2 =	seq.s32 @!p0 s5, $0x0  }
0x1f: {  	s9 =	smul.u32 $0xF7A, s1;
	s8 =	simm.s32 @!p0 $0x1BF5;
	p2 =	por !p2, p0  }
0x20: {  	[sflag:s8] =	ssyncset.s32 @!p0 $0xFFFFF086;
	s6 =	sadd.s32 @!p0 s3, s7;
	s7 =	simm.s32 @!p0 $0x108  }
0x21: {  	s3 =	sadd.s32 s3, s9;
	s6 =	sadd.s32 @!p0 $0x88, s6;
	s7 =	simm.s32 @p2 $0x1082  }
0x22: {  	[simem:s7], [sflag:s8] =	dma.local @!p0 [hbm:s6], $0xF7A  }
0x23: {  	s9 =	sor.u32 $0xD0000000, s2;
	s6 =	simm.s32 $0x108;
	_ =	swait.ge @!p0 [sflag:s8], $0x0  }
0x24: {  	s3 =	sadd.s32 $0x88, s3;
	s6 =	simm.s32 @!p1 $0x1082;
	[sflag:s4] =	ssyncset.s32 $0xFFFFF086  }
0x25: {  	[simem:s6], [sflag:s4] =	dma.local [hbm:s3], $0xF7A  }
0x26: {  	[smem:$0x3F9B] =	sst s1;
	(tag) =	ssettag s2;
	_ =	strace s9  }
0x27: {  	s1 =	sld [smem:$0x3FAB]  }
0x28: {  	s2 =	sld [smem:$0x3FAC]  }
0x29: {  	s4 =	sld [smem:$0x3FAE]  }
0x2a: {  	p0 =	seq.s32 s5, $0x0;
	s5 =	sld [smem:$0x3FAF]  }
0x2b: {  	s6 =	sld [smem:$0x3FB0]  }
0x2c: {  	s7 =	sld [smem:$0x3FB1]  }
0x2d: {  	s3 =	simm.s32 $0x108;
	s8 =	sld [smem:$0x3FB2]  }
0x2e: {  	s3 =	simm.s32 @!p0 $0x1082;
	s9 =	sld [smem:$0x3FB3]  }
0x2f: {  	lr =	sadd.s32 s0, s3;
	s0 =	sld [smem:$0x3FAA]  }
0x30: {  	s3 =	sld [smem:$0x3FAD]  }
0x31: {  	[smem:$0x3FB6] =	sst s10  }
0x32: {  	s10 =	sld [smem:$0x3FB4];
	_ =	sdelay $0x3  }
0x33: {  	p0 =	seq.s32 s10, $0x1;
	s10 =	sld [smem:$0x3FB6];
	_ =	sdelay $0x3  }
0x34: {  	[smem:$0x3FB6] =	sst s10  }
0x35: {  	s10 =	sld [smem:$0x3FB5];
	_ =	sdelay $0x3  }
0x36: {  	p1 =	seq.s32 s10, $0x1;
	s10 =	sld [smem:$0x3FB6];
	_ =	sdelay $0x3  }
0x37: {  	[smem:$0x3FB6] =	sst s10  }
0x38: {  	s10 =	sld [smem:$0x3FB7]  }
0x39: {  	_ = 	snop;
	(pc) =	sbr.ind lr, $3  }
0x3a: {  	_ = 	snop  }
0x3b: {  	_ = 	snop  }
0x3c: {  	p2 =	seq.s32 s10, $0x1;
	s10 =	sld [smem:$0x3FB6]  }
0x3d: {  	_ =	shalt  }
0x3e: {  	_ =	shalt  }
0x3f: {  	_ =	shalt  }
0x40: {  	_ =	shalt  }
0x41: {  	_ =	shalt  }
0x42: {  	_ =	shalt  }
0x43: {  	_ =	shalt  }
0x44: {  	_ =	shalt  }
0x45: {  	_ =	shalt  }
0x46: {  	_ =	shalt  }
0x47: {  	_ =	shalt  }
0x48: {  	_ =	shalt  }
0x49: {  	_ =	shalt  }
0x4a: {  	_ =	shalt  }
0x4b: {  	_ =	shalt  }
0x4c: {  	_ =	shalt  }
0x4d: {  	_ =	shalt  }
0x4e: {  	_ =	shalt  }
0x4f: {  	_ =	shalt  }
0x50: {  	_ =	shalt  }
0x51: {  	_ =	shalt  }
0x52: {  	_ =	shalt  }
0x53: {  	_ =	shalt  }
0x54: {  	_ =	shalt  }
0x55: {  	_ =	shalt  }
0x56: {  	_ =	shalt  }
0x57: {  	_ =	shalt  }
0x58: {  	_ =	shalt  }
0x59: {  	_ =	shalt  }
0x5a: {  	_ =	shalt  }
0x5b: {  	_ =	shalt  }
0x5c: {  	_ =	shalt  }
0x5d: {  	_ =	shalt  }
0x5e: {  	_ =	shalt  }
0x5f: {  	_ =	shalt  }
0x60: {  	_ =	shalt  }
0x61: {  	_ =	shalt  }
0x62: {  	_ =	shalt  }
0x63: {  	_ =	shalt  }
0x64: {  	_ =	shalt  }
0x65: {  	_ =	shalt  }
0x66: {  	_ =	shalt  }
0x67: {  	_ =	shalt  }
0x68: {  	_ =	shalt  }
0x69: {  	_ =	shalt  }
0x6a: {  	_ =	shalt  }
0x6b: {  	_ =	shalt  }
0x6c: {  	_ =	shalt  }
0x6d: {  	_ =	shalt  }
0x6e: {  	_ =	shalt  }
0x6f: {  	_ =	shalt  }
0x70: {  	_ =	shalt  }
0x71: {  	_ =	shalt  }
0x72: {  	_ =	shalt  }
0x73: {  	_ =	shalt  }
0x74: {  	_ =	shalt  }
0x75: {  	_ =	shalt  }
0x76: {  	_ =	shalt  }
0x77: {  	_ =	shalt  }
0x78: {  	_ =	shalt  }
0x79: {  	_ =	shalt  }
0x7a: {  	_ =	shalt  }
0x7b: {  	_ =	shalt  }
0x7c: {  	_ =	shalt  }
0x7d: {  	_ =	shalt  }
0x7e: {  	_ =	shalt  }
0x7f: {  	_ =	shalt  }
0x80: {  	_ =	shalt  }
0x81: {  	_ =	shalt  }
0x82: {  	_ =	shalt  }
0x83: {  	_ =	shalt  }
0x84: {  	_ =	shalt  }
0x85: {  	_ =	shalt  }
0x86: {  	_ =	shalt  }
0x87: {  	_ =	shalt  }
.Lfunc_end0:
.L_simem_size_0:
called_computation.1_lowered:
.L_overlay_start_0:
0x88: {  	s2 =	sld [smem:$0x3FD9]  }
0x89: {  	s3 =	sld [smem:$0x3FFE];
	_ =	sdelay $0x1  }
0x8a: {  	s1 =	srdreg.scid  }
0x8b: {  	s0 =	sand.u32 $0x1, s1  }
0x8c: {  	s17 =	sshll.u32 s0, $0xA;
	s2 =	sadd.s32 s3, s2  }
0x8d: {  	s2 =	sadd.s32 s2, s17  }
0x8e: {  	[smem:$0x3FC2] =	sst s2  }
0x8f: {  	_ = 	snop  }
0x90: {  	s2 =	sld [smem:$0x3FD0];
	(tm) =	ssettm $0x1  }
0x91: {  	s18 =	sld [smem:$0x3FFB];
	_ =	sdelay $0x3  }
0x92: {  	_ =	strace s18  }
0x93: {  	s3 =	sld [smem:$0x3FFC];
	_ =	sdelay $0x3  }
0x94: {  	_ =	strace s3  }
0x95: {  	s3 =	sld [smem:$0x3FFD];
	_ =	sdelay $0x3  }
0x96: {  	_ =	strace s3  }
0x97: {  	_ =	strace $0x8FFFFFFF  }
0x98: {  	s19 =	sld [smem:$0x3FDB];
	_ =	sdelay $0x1  }
0x99: {  	s4 =	simm.s32 $_scs_section_size  }
0x9a: {  	s5 =	simm.s32 $_size__tile_overlayer_lowered;
	s6 =	simm.s32 $_tile_overlayer_lowered  }
0x9b: {  	s22 =	simm.s32 $0x1BFF;
	s21 =	sshll.u32 s6, $0x1;
	s3 =	sadd.s32 s4, s19  }
0x9c: {  	s7 =	simm.s32 $0x0;
	s20 =	sshll.u32 s5, $0x1;
	s5 =	sadd.s32 s21, s3  }
0x9d: {  	[timem:s7], [sflag:s22] =	dma.local [hbm:s5], s20  }
0x9e: {  	_ =	swait.ge [sflag:s22], s20  }
0x9f: {  	s4 =	ssub.s32 $0x0, s20;
	[sflag:s22] =	ssyncset.done $0x0  }
0xa0: {  	[sflag:s22] =	ssyncadd.s32 s4;
	_ =	sdelay $0x1  }
0xa1: {  	s23 =	simm.s32 $0x1B8B  }
0xa2: {  	_ =	swait.ge [sflag:s23], $0x1  }
0xa3: {  	[sflag:s23] =	ssyncset.done $0x0  }
0xa4: {  	s25 =	simm.s32 $0x1B8E;
	s24 =	sld [smem:$0x3FFE];
	[sflag:s23] =	ssyncadd.s32 $0xFFFFFFFF  }
0xa5: {  	s26 =	simm.s32 $execute0_lowered;
	[smem:$0x3FD2] =	sst s25  }
0xa6: {  	s5 =	sshll.u32 s26, $0x1;
	_ =	strace $0x80000049;
	[dreg:$0x1] =	wrdreg $0xFFFFFFFF  }
0xa7: {  	s28 =	simm.s32 $_size_execute0_lowered;
	s3 =	sadd.s32 s3, s5;
	[dreg:$0x0] =	wrdreg $0x0  }
0xa8: {  	s5 =	sshll.u32 s28, $0x1;
	[dreg:$0x2] =	wrdreg s3  }
0xa9: {  	[dreg:$0x3] =	wrdreg s5  }
0xaa: {  	[dreg:$0x4] =	wrdreg $0xC0  }
0xab: {  	_ =	task [dreg:s7], $0x5FFFF  }
0xac: {  	[dreg:$0x1] =	wrdreg $0xFFFFFFFF  }
0xad: {  	[dreg:$0x0] =	wrdreg $0x60  }
0xae: {  	[dreg:$0x2] =	wrdreg s24  }
0xaf: {  	[dreg:$0x3] =	wrdreg s2  }
0xb0: {  	[dreg:$0x4] =	wrdreg $0x42000  }
0xb1: {  	[dreg:$0x5] =	wrdreg $0x9  }
0xb2: {  	_ =	task.clear_ibuf [dreg:s7], $0x6FFFF;
	_ =	strace $0x90000049  }
0xb3: {  	s29 =	simm.s32 $0x9;
	_ =	strace $0x8000004B  }
0xb4: {  	_ =	swait.ge [sflag:s29], $0x1  }
0xb5: {  	[sflag:s29] =	ssyncadd.s32 $0xFFFFFFFF  }
0xb6: {  	_ =	strace $0x9000004B  }
0xb7: {  	_ =	sfence  }
0xb8: {  	s30 =	sld [smem:$0x0];
	_ =	sdelay $0x2  }
0xb9: {  	s31 =	sshll.u32 s1, $0xD;
	s1 =	sshrl.u32 s1, $0x2  }
0xba: {  	s3 =	sand.u32 $0x4000, s31;
	s1 =	sadd.s32 s1, s30  }
0xbb: {  	s0 =	sor.u32 s3, s0;
	s1 =	sshll.u32 s1, $0x11  }
0xbc: {  	s0 =	sor.u32 s1, s0  }
0xbd: {  	s0 =	sadd.s32 $0x8F2B, s0  }
0xbe: {  	[sflag:s0] =	ssyncadd.remote.s32 $0x1  }
0xbf: {  	_ =	sfence.sel $0xFFFF  }
0xc0: {  	[dreg:$0x0] =	wrdreg $0xFFFFFFFF;
	(pc) =	sbr.abs _section_cstart, $3  }
0xc1: {  	[dreg:$0x1] =	wrdreg $0xFFFFFFFF  }
0xc2: {  	_ =	task.clear_ibuf [dreg:s7], $0x2FFFF;
	_ =	strace $0x9FFFFFFF  }
0xc3: {  	(tm) =	ssettm $0x7FFFFFFF  }
tec
execute0_lowered:
.L_overlay_start_1:
0x0: {  	(tag) =	ssettag $0x1  }
0x1: {  	s0 =	rddreg [dreg:$0x0]  }
0x2: {  	s2 =	rddreg [dreg:$0x2];
	s1 =	srdreg.scid  }
0x3: {  	s4 =	simm.s32 $0x0;
	s11 =	stileid.u32;
	s13 =	simm.s32 $0x60  }
0x4: {  	s14 =	simm.s32 $0xA0;
	s15 =	simm.s32 $0xE0;
	s16 =	simm.s32 $0x120  }
0x5: {  	s17 =	simm.s32 $0x160;
	s28 =	simm.s32 $0xC0;
	s29 =	simm.s32 $0x100  }
0x6: {  	s31 =	simm.s32 $0x20;
	s30 =	simm.s32 $0x4;
	s1 =	sand.u32 $0x1, s1  }
0x7: {  	[smem:$0x7FF] =	sst s4;
	s7 =	smul.u32 $0x2780, s11;
	s5 =	sadd.s32 $0x2A000, s0  }
0x8: {  	s18 =	smul.u32 $0x90, s11;
	_ =	strace $0x8000004A;
	[dreg:$0x5] =	wrdreg s13  }
0x9: {  	s6 =	sadd.s32 $0x16000, s0;
	s8 =	smul.u32 $0x1F0, s11;
	[dreg:$0x6] =	wrdreg s14  }
0xa: {  	s10 =	smul.u32 $0x4F000, s11;
	s22 =	sshll.u32 s11, $0x6;
	[dreg:$0x7] =	wrdreg s15  }
0xb: {  	s3 =	smul.u32 $0x27800, s1;
	s19 =	ssub.s32 $0x2, s1;
	[dreg:$0x8] =	wrdreg s16  }
0xc: {  	p0 =	seq.s32 s1, $0x0;
	s22 =	sor.u32 $0x1C0D, s22;
	[dreg:$0x9] =	wrdreg s17  }
0xd: {  	s13 =	simm.s32 $0x3;
	s14 =	simm.s32 $0x3200;
	s15 =	simm.s32 $0x9  }
0xe: {  	s9 =	sshrl.u32 s19, $0x1;
	s26 =	sadd.s32 $0x1F00, s18;
	s1 =	sadd.s32 $0x1F0, s8  }
0xf: {  	s20 =	sshrl.u32 s10, $0x2;
	[dreg:$0xd] =	wrdreg s22;
	s3 =	sadd.s32 s7, s3  }
0x10: {  	s7 =	sadd.s32 $0x1F90, s18;
	s26 =	smov.u32 @p0 s8;
	s18 =	simm.s32 $0x1A0  }
0x11: {  	s0 =	sadd.s32 s3, s0;
	s3 =	ssub.s32 s19, s9;
	s7 =	smov.u32 @p0 s1  }
0x12: {  	s21 =	sshll.u32 s26, $0x3;
	[dreg:$0xa] =	wrdreg s18;
	s19 =	simm.s32 $0x1E0  }
0x13: {  	s1 =	sadd.s32 s20, s2;
	s20 =	simm.s32 $0x0;
	[dreg:$0xb] =	wrdreg s19  }
0x14: {  	s16 =	simm.s32 $0x5;
	s23 =	sadd.s32 s6, s21;
	[dreg:$0x18] =	wrdreg s20  }
0x15: {  	s17 =	simm.s32 $0xA;
	s0 =	sadd.s32 $0x51200, s0;
	[dreg:$0xc] =	wrdreg s23  }
0x16: {  	s18 =	simm.s32 $0x6;
	s3 =	smax.u32 s3, $0x1;
	[dreg:$0x15] =	wrdreg s0  }
0x17: {  	s25 =	sadd.s32 $0xFFFFFFFF, s7;
	s7 =	sadd.s32 $0x8, s23;
	[dreg:$0x16] =	wrdreg s3  }
0x18: {  	s21 =	simm.s32 $0xD;
	s24 =	sadd.s32 $0x10, s23;
	[dreg:$0xe] =	wrdreg s7  }
0x19: {  	s19 =	simm.s32 $0xB;
	s9 =	sadd.s32 $0x18, s23;
	[dreg:$0xf] =	wrdreg s24  }
0x1a: {  	s20 =	simm.s32 $0x7;
	s10 =	sadd.s32 $0x20, s23;
	[dreg:$0x10] =	wrdreg s9  }
0x1b: {  	s11 =	sadd.s32 $0x28, s23;
	s12 =	sadd.s32 $0x30, s23;
	[dreg:$0x11] =	wrdreg s10  }
0x1c: {  	s8 =	sadd.s32 $0x38, s23;
	s23 =	simm.s32 $0x40;
	[dreg:$0x12] =	wrdreg s11  }
0x1d: {  	s3 =	simm.s32 $0x1;
	s0 =	simm.s32 $0x200;
	[dreg:$0x13] =	wrdreg s12  }
0x1e: {  	s7 =	simm.s32 $0x1F0;
	[dreg:$0x14] =	wrdreg s8;
	s8 =	sshrl.u32 s1, $0x3  }
0x1f: {  	s24 =	simm.s32 $0x80;
	s11 =	simm.s32 $0x2;
	s1 =	simm.s32 $0x1200  }
0x20: {  	s12 =	simm.s32 $0x2200;
	s7 =	simm.s32 @!p0 $0x90;
	[dreg:$0x17] =	wrdreg s8  }
0x21: {  	s10 =	simm.s32 $0xC;
	s9 =	simm.s32 $0x40;
	[dreg:$0x4] =	wrdreg s7  }
.LBB2_1:
0x22: {  	s7 =	rddreg [dreg:$0x1]  }
0x23: {  	[spmem:s8], [sflag:s22] =	dma.local [hbm:s7], $0x2780  }
0x24: {  	_ =	swait.ge [sflag:s21], $0x2780  }
0x25: {  	[sflag:s21] =	ssyncset.done $0x0  }
0x26: {  	[sflag:s21] =	ssyncadd.s32 $0xFFFFD880  }
0x27: {  	[bflag:$0x0] =	sbarrier.arrive $0xFFFF  }
0x28: {  	s8 =	rddreg [dreg:$0xc]  }
0x29: {  	[tilespmem:s4], [sflag:$0x1] =	stream.linear.gather [hbm4b:s8+s4], $0x40, $0x38;
	[tilespmem:$0x17E00] =	vst v63  }
0x2a: {  	s22 =	rddreg [dreg:$0xe]  }
0x2b: {  	[tilespmem:s23], [sflag:$0x2] =	stream.linear.gather [hbm4b:s22+s4], $0x40, $0x38;
	[tilespmem:$0x17E00] =	vst v63  }
0x2c: {  	s8 =	rddreg [dreg:$0xf]  }
0x2d: {  	[tilespmem:s24], [sflag:$0x3] =	stream.linear.gather [hbm4b:s8+s4], $0x40, $0x38;
	[tilespmem:$0x17E00] =	vst v63  }
0x2e: {  	s22 =	rddreg [dreg:$0x10]  }
0x2f: {  	[tilespmem:s28], [sflag:$0x4] =	stream.linear.gather [hbm4b:s22+s4], $0x40, $0x38;
	[tilespmem:$0x17E00] =	vst v63  }
0x30: {  	s8 =	rddreg [dreg:$0x11]  }
0x31: {  	[tilespmem:s29], [sflag:$0x5] =	stream.linear.gather [hbm4b:s8+s4], $0x40, $0x38;
	[tilespmem:$0x17E00] =	vst v63  }
0x32: {  	s22 =	rddreg [dreg:$0x12];
	s29 =	simm.s32 $0x140  }
0x33: {  	[tilespmem:s29], [sflag:$0x6] =	stream.linear.gather [hbm4b:s22+s4], $0x40, $0x38;
	[tilespmem:$0x17E00] =	vst v63  }
0x34: {  	s22 =	rddreg [dreg:$0x13];
	s29 =	simm.s32 $0x180  }
0x35: {  	[tilespmem:s29], [sflag:$0x7] =	stream.linear.gather [hbm4b:s22+s4], $0x40, $0x38;
	[tilespmem:$0x17E00] =	vst v63  }
0x36: {  	s22 =	rddreg [dreg:$0x14];
	s29 =	simm.s32 $0x1C0  }
0x37: {  	[tilespmem:s29], [sflag:$0x8] =	stream.linear.gather [hbm4b:s22+s4], $0x40, $0x38;
	[tilespmem:$0x17E00] =	vst v63  }
0x38: {  	_ =	swait.ge [sflag:s3], $0x40  }
0x39: {  	[sflag:s3] =	ssyncset.done $0x0  }
0x3a: {  	[sflag:s3] =	ssyncadd.s32 $0xFFFFFFC0  }
0x3b: {  	[tilespmem:s0], [sflag:$0x9] =	stream.indirect.gather [hbm4b:s5+s31], $0x80, s4, s31, $0xb8;
	[tilespmem:$0x17E00] =	vst v63  }
0x3c: {  	_ =	swait.ge [sflag:s11], $0x40  }
0x3d: {  	[sflag:s11] =	ssyncset.done $0x0  }
0x3e: {  	[sflag:s11] =	ssyncadd.s32 $0xFFFFFFC0  }
0x3f: {  	[tilespmem:s1], [sflag:$0xA] =	stream.indirect.gather [hbm4b:s5+s31], $0x80, s23, s31, $0xb8;
	[tilespmem:$0x17E00] =	vst v63  }
0x40: {  	_ =	swait.ge [sflag:s13], $0x40  }
0x41: {  	[sflag:s13] =	ssyncset.done $0x0  }
0x42: {  	[sflag:s13] =	ssyncadd.s32 $0xFFFFFFC0  }
0x43: {  	[tilespmem:s12], [sflag:$0xB] =	stream.indirect.gather [hbm4b:s5+s31], $0x80, s24, s31, $0xb8;
	[tilespmem:$0x17E00] =	vst v63  }
0x44: {  	_ =	swait.ge [sflag:s30], $0x40  }
0x45: {  	s7 =	simm.s32 $0x0;
	s3 =	simm.s32 $0x1;
	[sflag:s30] =	ssyncset.done $0x0  }
0x46: {  	s11 =	simm.s32 $0x2;
	s13 =	simm.s32 $0x3;
	[sflag:s30] =	ssyncadd.s32 $0xFFFFFFC0  }
0x47: {  	[tilespmem:s14], [sflag:$0xC] =	stream.indirect.gather [hbm4b:s5+s31], $0x80, s28, s31, $0xb8;
	[tilespmem:$0x17E00] =	vst v63  }
.LBB2_2:
0x48: {  	_ =	swait.ge [sflag:s15], $0x1000  }
0x49: {  	[sflag:s15] =	ssyncset.done $0x0  }
0x4a: {  	[sflag:s15] =	ssyncadd.s32 $0xFFFFF000  }
0x4b: {  	[spmem:s2] =	stream.indirect.scatter.add.f32 [tilespmem:s0], [sflag:$0xD], $0x80, s31, s31, $0xb8;
	[tilespmem:$0x17E00] =	vst v63  }
0x4c: {  	s22 =	sadd.s32 s7, s26;
	_ =	swait.ge [sflag:s21], $0x1000  }
0x4d: {  	s23 =	sadd.s32 $0x8, s22;
	[sflag:s21] =	ssyncset.done $0x0  }
0x4e: {  	s8 =	smov.u32 s25;
	p0 =	slt.s32 s23, s25;
	[sflag:s21] =	ssyncadd.s32 $0xFFFFF000  }
0x4f: {  	s8 =	smov.u32 @p0 s23;
	_ =	swait.ge [sflag:s16], $0x40  }
0x50: {  	s8 =	sshll.u32 s8, $0x3;
	[sflag:s16] =	ssyncset.done $0x0  }
0x51: {  	s8 =	sand.u32 $0x1FFFFFF8, s8;
	[sflag:s16] =	ssyncadd.s32 $0xFFFFFFC0;
	s16 =	simm.s32 $0x100  }
0x52: {  	[tilespmem:s0], [sflag:$0x9] =	stream.indirect.gather [hbm4b:s5+s31], $0x80, s16, s31, $0xb8;
	[tilespmem:$0x17E00] =	vst v63  }
0x53: {  	s8 =	sadd.s32 s6, s8  }
0x54: {  	[tilespmem:s4], [sflag:$0x1] =	stream.linear.gather [hbm4b:s8+s4], $0x40, $0x38;
	[tilespmem:$0x17E00] =	vst v63  }
0x55: {  	_ =	swait.ge [sflag:s17], $0x1000  }
0x56: {  	[sflag:s17] =	ssyncset.done $0x0  }
0x57: {  	s24 =	rddreg [dreg:$0x5];
	[sflag:s17] =	ssyncadd.s32 $0xFFFFF000  }
0x58: {  	[spmem:s2] =	stream.indirect.scatter.add.f32 [tilespmem:s1], [sflag:$0xD], $0x80, s24, s31, $0xb8;
	[tilespmem:$0x17E00] =	vst v63  }
0x59: {  	_ =	swait.ge [sflag:s21], $0x1000  }
0x5a: {  	s8 =	sadd.s32 $0x9, s22;
	[sflag:s21] =	ssyncset.done $0x0  }
0x5b: {  	s23 =	smov.u32 s25;
	p0 =	slt.s32 s8, s25;
	[sflag:s21] =	ssyncadd.s32 $0xFFFFF000  }
0x5c: {  	s23 =	smov.u32 @p0 s8;
	_ =	swait.ge [sflag:s18], $0x40  }
0x5d: {  	s8 =	sshll.u32 s23, $0x3;
	[sflag:s18] =	ssyncset.done $0x0  }
0x5e: {  	s24 =	simm.s32 $0x140;
	s8 =	sand.u32 $0x1FFFFFF8, s8;
	[sflag:s18] =	ssyncadd.s32 $0xFFFFFFC0  }
0x5f: {  	[tilespmem:s1], [sflag:$0xA] =	stream.indirect.gather [hbm4b:s5+s31], $0x80, s24, s31, $0xb8;
	[tilespmem:$0x17E00] =	vst v63  }
0x60: {  	s8 =	sadd.s32 s6, s8  }
0x61: {  	[tilespmem:s9], [sflag:$0x2] =	stream.linear.gather [hbm4b:s8+s4], $0x40, $0x38;
	[tilespmem:$0x17E00] =	vst v63  }
0x62: {  	_ =	swait.ge [sflag:s19], $0x1000  }
0x63: {  	[sflag:s19] =	ssyncset.done $0x0  }
0x64: {  	s28 =	rddreg [dreg:$0x6];
	[sflag:s19] =	ssyncadd.s32 $0xFFFFF000  }
0x65: {  	[spmem:s2] =	stream.indirect.scatter.add.f32 [tilespmem:s12], [sflag:$0xD], $0x80, s28, s31, $0xb8;
	[tilespmem:$0x17E00] =	vst v63  }
0x66: {  	_ =	swait.ge [sflag:s21], $0x1000  }
0x67: {  	s8 =	sadd.s32 $0xA, s22;
	[sflag:s21] =	ssyncset.done $0x0  }
0x68: {  	s23 =	smov.u32 s25;
	p0 =	slt.s32 s8, s25;
	[sflag:s21] =	ssyncadd.s32 $0xFFFFF000  }
0x69: {  	s23 =	smov.u32 @p0 s8;
	_ =	swait.ge [sflag:s20], $0x40  }
0x6a: {  	s8 =	sshll.u32 s23, $0x3;
	[sflag:s20] =	ssyncset.done $0x0  }
0x6b: {  	s28 =	simm.s32 $0x180;
	s8 =	sand.u32 $0x1FFFFFF8, s8;
	[sflag:s20] =	ssyncadd.s32 $0xFFFFFFC0  }
0x6c: {  	[tilespmem:s12], [sflag:$0xB] =	stream.indirect.gather [hbm4b:s5+s31], $0x80, s28, s31, $0xb8;
	[tilespmem:$0x17E00] =	vst v63  }
0x6d: {  	s30 =	simm.s32 $0x80;
	s8 =	sadd.s32 s6, s8  }
0x6e: {  	[tilespmem:s30], [sflag:$0x3] =	stream.linear.gather [hbm4b:s8+s4], $0x40, $0x38;
	[tilespmem:$0x17E00] =	vst v63  }
0x6f: {  	_ =	swait.ge [sflag:s10], $0x1000  }
0x70: {  	[sflag:s10] =	ssyncset.done $0x0  }
0x71: {  	s29 =	rddreg [dreg:$0x7];
	[sflag:s10] =	ssyncadd.s32 $0xFFFFF000  }
0x72: {  	[spmem:s2] =	stream.indirect.scatter.add.f32 [tilespmem:s14], [sflag:$0xD], $0x80, s29, s31, $0xb8;
	[tilespmem:$0x17E00] =	vst v63  }
0x73: {  	_ =	swait.ge [sflag:s21], $0x1000  }
0x74: {  	s18 =	simm.s32 $0x8;
	s8 =	sadd.s32 $0xB, s22;
	[sflag:s21] =	ssyncset.done $0x0  }
0x75: {  	s23 =	smov.u32 s25;
	p0 =	slt.s32 s8, s25;
	[sflag:s21] =	ssyncadd.s32 $0xFFFFF000  }
0x76: {  	s23 =	smov.u32 @p0 s8;
	_ =	swait.ge [sflag:s18], $0x40  }
0x77: {  	s8 =	sshll.u32 s23, $0x3;
	[sflag:s18] =	ssyncset.done $0x0  }
0x78: {  	s29 =	simm.s32 $0x1C0;
	s8 =	sand.u32 $0x1FFFFFF8, s8;
	[sflag:s18] =	ssyncadd.s32 $0xFFFFFFC0  }
0x79: {  	[tilespmem:s14], [sflag:$0xC] =	stream.indirect.gather [hbm4b:s5+s31], $0x80, s29, s31, $0xb8;
	[tilespmem:$0x17E00] =	vst v63  }
0x7a: {  	s8 =	sadd.s32 s6, s8;
	s18 =	simm.s32 $0xC0  }
0x7b: {  	[tilespmem:s18], [sflag:$0x4] =	stream.linear.gather [hbm4b:s8+s4], $0x40, $0x38;
	[tilespmem:$0x17E00] =	vst v63  }
0x7c: {  	_ =	swait.ge [sflag:s15], $0x1000  }
0x7d: {  	[sflag:s15] =	ssyncset.done $0x0  }
0x7e: {  	s23 =	rddreg [dreg:$0x8];
	[sflag:s15] =	ssyncadd.s32 $0xFFFFF000  }
0x7f: {  	[spmem:s2] =	stream.indirect.scatter.add.f32 [tilespmem:s0], [sflag:$0xD], $0x80, s23, s31, $0xb8;
	[tilespmem:$0x17E00] =	vst v63  }
0x80: {  	_ =	swait.ge [sflag:s21], $0x1000  }
0x81: {  	s8 =	sadd.s32 $0xC, s22;
	[sflag:s21] =	ssyncset.done $0x0  }
0x82: {  	p0 =	slt.s32 s8, s25;
	s23 =	smov.u32 s25;
	[sflag:s21] =	ssyncadd.s32 $0xFFFFF000  }
0x83: {  	s23 =	smov.u32 @p0 s8;
	_ =	swait.ge [sflag:s3], $0x40  }
0x84: {  	s8 =	sshll.u32 s23, $0x3;
	[sflag:s3] =	ssyncset.done $0x0  }
0x85: {  	s8 =	sand.u32 $0x1FFFFFF8, s8;
	[sflag:s3] =	ssyncadd.s32 $0xFFFFFFC0  }
0x86: {  	[tilespmem:s0], [sflag:$0x9] =	stream.indirect.gather [hbm4b:s5+s31], $0x80, s4, s31, $0xb8;
	[tilespmem:$0x17E00] =	vst v63  }
0x87: {  	s8 =	sadd.s32 s6, s8  }
0x88: {  	[tilespmem:s16], [sflag:$0x5] =	stream.linear.gather [hbm4b:s8+s4], $0x40, $0x38;
	[tilespmem:$0x17E00] =	vst v63  }
0x89: {  	_ =	swait.ge [sflag:s17], $0x1000  }
0x8a: {  	[sflag:s17] =	ssyncset.done $0x0  }
0x8b: {  	s23 =	rddreg [dreg:$0x9];
	[sflag:s17] =	ssyncadd.s32 $0xFFFFF000  }
0x8c: {  	[spmem:s2] =	stream.indirect.scatter.add.f32 [tilespmem:s1], [sflag:$0xD], $0x80, s23, s31, $0xb8;
	[tilespmem:$0x17E00] =	vst v63  }
0x8d: {  	_ =	swait.ge [sflag:s21], $0x1000  }
0x8e: {  	s8 =	sadd.s32 $0xD, s22;
	[sflag:s21] =	ssyncset.done $0x0  }
0x8f: {  	p0 =	slt.s32 s8, s25;
	s23 =	smov.u32 s25;
	[sflag:s21] =	ssyncadd.s32 $0xFFFFF000  }
0x90: {  	s23 =	smov.u32 @p0 s8;
	_ =	swait.ge [sflag:s11], $0x40  }
0x91: {  	s8 =	sshll.u32 s23, $0x3;
	[sflag:s11] =	ssyncset.done $0x0  }
0x92: {  	s8 =	sand.u32 $0x1FFFFFF8, s8;
	[sflag:s11] =	ssyncadd.s32 $0xFFFFFFC0  }
0x93: {  	[tilespmem:s1], [sflag:$0xA] =	stream.indirect.gather [hbm4b:s5+s31], $0x80, s9, s31, $0xb8;
	[tilespmem:$0x17E00] =	vst v63  }
0x94: {  	s8 =	sadd.s32 s6, s8  }
0x95: {  	[tilespmem:s24], [sflag:$0x6] =	stream.linear.gather [hbm4b:s8+s4], $0x40, $0x38;
	[tilespmem:$0x17E00] =	vst v63  }
0x96: {  	_ =	swait.ge [sflag:s19], $0x1000  }
0x97: {  	[sflag:s19] =	ssyncset.done $0x0  }
0x98: {  	s23 =	rddreg [dreg:$0xa];
	[sflag:s19] =	ssyncadd.s32 $0xFFFFF000  }
0x99: {  	[spmem:s2] =	stream.indirect.scatter.add.f32 [tilespmem:s12], [sflag:$0xD], $0x80, s23, s31, $0xb8;
	[tilespmem:$0x17E00] =	vst v63  }
0x9a: {  	_ =	swait.ge [sflag:s21], $0x1000  }
0x9b: {  	s8 =	sadd.s32 $0xE, s22;
	[sflag:s21] =	ssyncset.done $0x0  }
0x9c: {  	p0 =	slt.s32 s8, s25;
	s23 =	smov.u32 s25;
	[sflag:s21] =	ssyncadd.s32 $0xFFFFF000  }
0x9d: {  	s23 =	smov.u32 @p0 s8;
	_ =	swait.ge [sflag:s13], $0x40  }
0x9e: {  	s8 =	sshll.u32 s23, $0x3;
	[sflag:s13] =	ssyncset.done $0x0  }
0x9f: {  	s8 =	sand.u32 $0x1FFFFFF8, s8;
	[sflag:s13] =	ssyncadd.s32 $0xFFFFFFC0  }
0xa0: {  	[tilespmem:s12], [sflag:$0xB] =	stream.indirect.gather [hbm4b:s5+s31], $0x80, s30, s31, $0xb8;
	[tilespmem:$0x17E00] =	vst v63  }
0xa1: {  	s8 =	sadd.s32 s6, s8  }
0xa2: {  	[tilespmem:s28], [sflag:$0x7] =	stream.linear.gather [hbm4b:s8+s4], $0x40, $0x38;
	[tilespmem:$0x17E00] =	vst v63  }
0xa3: {  	_ =	swait.ge [sflag:s10], $0x1000  }
0xa4: {  	[sflag:s10] =	ssyncset.done $0x0  }
0xa5: {  	s24 =	rddreg [dreg:$0xb];
	[sflag:s10] =	ssyncadd.s32 $0xFFFFF000  }
0xa6: {  	[spmem:s2] =	stream.indirect.scatter.add.f32 [tilespmem:s14], [sflag:$0xD], $0x80, s24, s31, $0xb8;
	[tilespmem:$0x17E00] =	vst v63  }
0xa7: {  	_ =	swait.ge [sflag:s21], $0x1000  }
0xa8: {  	[sflag:s21] =	ssyncset.done $0x0  }
0xa9: {  	s30 =	simm.s32 $0x4;
	[sflag:s21] =	ssyncadd.s32 $0xFFFFF000  }
0xaa: {  	s7 =	sadd.s32 $0x8, s7;
	s8 =	sadd.s32 $0xF, s22;
	_ =	swait.ge [sflag:s30], $0x40  }
0xab: {  	s22 =	smov.u32 s25;
	p0 =	slt.s32 s8, s25;
	s28 =	rddreg [dreg:$0x4]  }
0xac: {  	s22 =	smov.u32 @p0 s8;
	p0 =	sne.s32 s28, s7  }
.Ltmp0:
0xad: {  	s8 =	sshll.u32 s22, $0x3;
	[sflag:s30] =	ssyncset.done $0x0;
	(pc) =	sbr.rel @p0 .LBB2_2-.Ltmp0, $4  }
0xae: {  	s8 =	sand.u32 $0x1FFFFFF8, s8;
	[sflag:s30] =	ssyncadd.s32 $0xFFFFFFC0  }
0xaf: {  	[tilespmem:s14], [sflag:$0xC] =	stream.indirect.gather [hbm4b:s5+s31], $0x80, s18, s31, $0xb8;
	[tilespmem:$0x17E00] =	vst v63  }
0xb0: {  	s16 =	simm.s32 $0x5;
	s8 =	sadd.s32 s6, s8;
	s18 =	simm.s32 $0x6  }
0xb1: {  	[tilespmem:s29], [sflag:$0x8] =	stream.linear.gather [hbm4b:s8+s4], $0x40, $0x38;
	[tilespmem:$0x17E00] =	vst v63  }
0xb2: {  	_ =	swait.ge [sflag:s15], $0x1000  }
0xb3: {  	[sflag:s15] =	ssyncset.done $0x0  }
0xb4: {  	[sflag:s15] =	ssyncadd.s32 $0xFFFFF000  }
0xb5: {  	_ =	swait.ge [sflag:s17], $0x1000  }
0xb6: {  	[sflag:s17] =	ssyncset.done $0x0  }
0xb7: {  	[sflag:s17] =	ssyncadd.s32 $0xFFFFF000  }
0xb8: {  	_ =	swait.ge [sflag:s19], $0x1000  }
0xb9: {  	[sflag:s19] =	ssyncset.done $0x0  }
0xba: {  	[sflag:s19] =	ssyncadd.s32 $0xFFFFF000  }
0xbb: {  	_ =	swait.ge [sflag:s10], $0x1000  }
0xbc: {  	[sflag:s10] =	ssyncset.done $0x0  }
0xbd: {  	[sflag:s10] =	ssyncadd.s32 $0xFFFFF000  }
0xbe: {  	_ =	swait.ge [sflag:s16], $0x40  }
0xbf: {  	[sflag:s16] =	ssyncset.done $0x0  }
0xc0: {  	[sflag:s16] =	ssyncadd.s32 $0xFFFFFFC0  }
0xc1: {  	_ =	swait.ge [sflag:s18], $0x40  }
0xc2: {  	[sflag:s18] =	ssyncset.done $0x0  }
0xc3: {  	[sflag:s18] =	ssyncadd.s32 $0xFFFFFFC0  }
0xc4: {  	_ =	swait.ge [sflag:s20], $0x40  }
0xc5: {  	[sflag:s20] =	ssyncset.done $0x0  }
0xc6: {  	s3 =	simm.s32 $0x8;
	[sflag:s20] =	ssyncadd.s32 $0xFFFFFFC0  }
0xc7: {  	_ =	swait.ge [sflag:s3], $0x40  }
0xc8: {  	[sflag:s3] =	ssyncset.done $0x0  }
0xc9: {  	[sflag:s3] =	ssyncadd.s32 $0xFFFFFFC0  }
0xca: {  	[bflag:$0x0] =	sbarrier.arrive $0xFFFF  }
0xcb: {  	s22 =	rddreg [dreg:$0xd]  }
0xcc: {  	s7 =	rddreg [dreg:$0x15]  }
0xcd: {  	s8 =	rddreg [dreg:$0x17]  }
0xce: {  	[hbm:s7], [sflag:s22] =	dma.local [spmem:s8], $0x2780  }
0xcf: {  	_ =	swait.ge [sflag:s21], $0x2780  }
0xd0: {  	s23 =	rddreg [dreg:$0x18]  }
0xd1: {  	s24 =	rddreg [dreg:$0x16];
	s23 =	sadd.s32 $0x1, s23  }
0xd2: {  	p0 =	sne.s32 s23, s24  }
.Ltmp1:
0xd3: {  	_ = 	snop;
	(pc) =	sbr.rel @p0 .LBB2_1-.Ltmp1, $4  }
0xd4: {  	s28 =	simm.s32 $0xC0  }
0xd5: {  	s29 =	simm.s32 $0x100;
	s11 =	simm.s32 $0x2;
	[sflag:s21] =	ssyncset.done $0x0  }
0xd6: {  	s13 =	simm.s32 $0x3;
	s3 =	simm.s32 $0x1;
	[sflag:s21] =	ssyncadd.s32 $0xFFFFD880  }
0xd7: {  	[dreg:$0x18] =	wrdreg s23;
	s23 =	simm.s32 $0x40;
	s24 =	simm.s32 $0x80  }
0xd8: {  	_ =	sfence.sel $0x180000  }
0xd9: {  	[bflag:$0x0] =	sbarrier.arrive $0xFFFF  }
0xda: {  	_ =	strace $0x9000004A  }
0xdb: {  	s0 =	stileid.u32;
	[bflag:$0x2] =	sbarrier.arrive $0xFFFF  }
0xdc: {  	p0 =	sne.s32 s0, $0x0;
	s0 =	rddreg [dreg:$0x3]  }
0xdd: {  	s0 =	sadd.s32 @!p0 $0x100000, s0  }
0xde: {  	[sflag:s0] =	ssyncadd.tile.s32 @!p0 $0x1;
	_ =	shalt  }
.Lfunc_end2:
_tile_overlayer_lowered:
.L_overlay_start_2:
0xdf: {  	(tag) =	ssettag $0x2  }
0xe0: {  	s0 =	rddreg [dreg:$0x0];
	s2 =	stileid.u32  }
0xe1: {  	s1 =	rddreg [dreg:$0x1];
	p0 =	sne.s32 s2, $0x0  }
0xe2: {  	s3 =	rddreg [dreg:$0x2];
	[bflag:$0x3] =	sbarrier.arrive $0xFFFF;
	s2 =	simm.s32 @!p0 $0x1C0D  }
0xe3: {  	[timem:s3], [sflag:s2] =	dma.local @!p0 [hbm:s0], s1  }
0xe4: {  	s0 =	simm.s32 @!p0 $0xD  }
0xe5: {  	_ =	swait.ge @!p0 [sflag:s0], s1  }
0xe6: {  	s1 =	ssub.s32 @!p0 $0x0, s1;
	[sflag:s0] =	ssyncset.done @!p0 $0x0  }
0xe7: {  	[sflag:s0] =	ssyncadd.s32 @!p0 s1  }
0xe8: {  	[bflag:$0x3] =	sbarrier.arrive $0xFFFF  }
0xe9: {  	_ =	shalt  }

// kernel: kernel.14.cloned.1.call-start
scs
__scs_entry_jumppad:
0x0: {  	(pc) =	sbr.rel $0x88, $3  }
0x1: {  	(tag) =	ssettag $0x0;
	lr =	simm.s32 $0x1  }
0x2: {  	[smem:$0x3F9B] =	sst lr;
	_ =	strace $0xD0000000  }
0x3: {  	_ = 	snop  }
0x4: {  	_ = 	snop  }
0x5: {  	_ = 	snop  }
0x6: {  	_ = 	snop  }
0x7: {  	_ = 	snop  }
__scs_overlays_trampoline_lowered:
0x8: {  	[smem:$0x3FAA] =	sst s0  }
0x9: {  	[smem:$0x3FAB] =	sst s1  }
0xa: {  	[smem:$0x3FAC] =	sst s2  }
0xb: {  	[smem:$0x3FAD] =	sst s3  }
0xc: {  	[smem:$0x3FAE] =	sst s4  }
0xd: {  	[smem:$0x3FAF] =	sst s5  }
0xe: {  	[smem:$0x3FB0] =	sst s6  }
0xf: {  	[smem:$0x3FB1] =	sst s7  }
0x10: {  	[smem:$0x3FB2] =	sst s8  }
0x11: {  	[smem:$0x3FB3] =	sst s9;
	s0 =	simm.s32 @!p0 $0x0  }
0x12: {  	s1 =	sld [smem:$0x3F99];
	s0 =	simm.s32 @p0 $0x1  }
0x13: {  	[smem:$0x3FB4] =	sst s0;
	s0 =	simm.s32 @!p1 $0x0  }
0x14: {  	s2 =	sld [smem:$0x3F98];
	s0 =	simm.s32 @p1 $0x1  }
0x15: {  	[smem:$0x3FB5] =	sst s0;
	s0 =	simm.s32 @!p2 $0x0  }
0x16: {  	s3 =	sld [smem:$0x3FDB];
	s0 =	simm.s32 @p2 $0x1  }
0x17: {  	s4 =	simm.s32 $0x1BF5;
	[smem:$0x3FB7] =	sst s0  }
0x18: {  	s0 =	sld [smem:$0x3F9A];
	_ =	swait.ge [sflag:s4], $0x0  }
0x19: {  	s7 =	sld [smem:$0x3F9B]  }
0x1a: {  	s8 =	sadd.s32 $0xFFFFE003, lr  }
0x1b: {  	s9 =	sadd.s32 $0xFFFFFEF7, lr;
	s5 =	simm.s32 $0xFFFFFFFF;
	p2 =	slt.u32 s8, $0xFFFFF086  }
0x1c: {  	p1 =	slt.u32 s9, $0xF7A;
	s5 =	simm.s32 @!p2 $0x0  }
0x1d: {  	s5 =	simm.s32 @p1 $0x1;
	p0 =	seq.s32 s7, s2  }
0x1e: {  	s7 =	smul.u32 @!p0 $0xF7A, s2;
	p2 =	seq.s32 @!p0 s5, $0x0  }
0x1f: {  	s9 =	smul.u32 $0xF7A, s1;
	s8 =	simm.s32 @!p0 $0x1BF5;
	p2 =	por !p2, p0  }
0x20: {  	[sflag:s8] =	ssyncset.s32 @!p0 $0xFFFFF086;
	s6 =	sadd.s32 @!p0 s3, s7;
	s7 =	simm.s32 @!p0 $0x108  }
0x21: {  	s3 =	sadd.s32 s3, s9;
	s6 =	sadd.s32 @!p0 $0x88, s6;
	s7 =	simm.s32 @p2 $0x1082  }
0x22: {  	[simem:s7], [sflag:s8] =	dma.local @!p0 [hbm:s6], $0xF7A  }
0x23: {  	s9 =	sor.u32 $0xD0000000, s2;
	s6 =	simm.s32 $0x108;
	_ =	swait.ge @!p0 [sflag:s8], $0x0  }
0x24: {  	s3 =	sadd.s32 $0x88, s3;
	s6 =	simm.s32 @!p1 $0x1082;
	[sflag:s4] =	ssyncset.s32 $0xFFFFF086  }
0x25: {  	[simem:s6], [sflag:s4] =	dma.local [hbm:s3], $0xF7A  }
0x26: {  	[smem:$0x3F9B] =	sst s1;
	(tag) =	ssettag s2;
	_ =	strace s9  }
0x27: {  	s1 =	sld [smem:$0x3FAB]  }
0x28: {  	s2 =	sld [smem:$0x3FAC]  }
0x29: {  	s4 =	sld [smem:$0x3FAE]  }
0x2a: {  	p0 =	seq.s32 s5, $0x0;
	s5 =	sld [smem:$0x3FAF]  }
0x2b: {  	s6 =	sld [smem:$0x3FB0]  }
0x2c: {  	s7 =	sld [smem:$0x3FB1]  }
0x2d: {  	s3 =	simm.s32 $0x108;
	s8 =	sld [smem:$0x3FB2]  }
0x2e: {  	s3 =	simm.s32 @!p0 $0x1082;
	s9 =	sld [smem:$0x3FB3]  }
0x2f: {  	lr =	sadd.s32 s0, s3;
	s0 =	sld [smem:$0x3FAA]  }
0x30: {  	s3 =	sld [smem:$0x3FAD]  }
0x31: {  	[smem:$0x3FB6] =	sst s10  }
0x32: {  	s10 =	sld [smem:$0x3FB4];
	_ =	sdelay $0x3  }
0x33: {  	p0 =	seq.s32 s10, $0x1;
	s10 =	sld [smem:$0x3FB6];
	_ =	sdelay $0x3  }
0x34: {  	[smem:$0x3FB6] =	sst s10  }
0x35: {  	s10 =	sld [smem:$0x3FB5];
	_ =	sdelay $0x3  }
0x36: {  	p1 =	seq.s32 s10, $0x1;
	s10 =	sld [smem:$0x3FB6];
	_ =	sdelay $0x3  }
0x37: {  	[smem:$0x3FB6] =	sst s10  }
0x38: {  	s10 =	sld [smem:$0x3FB7]  }
0x39: {  	_ = 	snop;
	(pc) =	sbr.ind lr, $3  }
0x3a: {  	_ = 	snop  }
0x3b: {  	_ = 	snop  }
0x3c: {  	p2 =	seq.s32 s10, $0x1;
	s10 =	sld [smem:$0x3FB6]  }
0x3d: {  	_ =	shalt  }
0x3e: {  	_ =	shalt  }
0x3f: {  	_ =	shalt  }
0x40: {  	_ =	shalt  }
0x41: {  	_ =	shalt  }
0x42: {  	_ =	shalt  }
0x43: {  	_ =	shalt  }
0x44: {  	_ =	shalt  }
0x45: {  	_ =	shalt  }
0x46: {  	_ =	shalt  }
0x47: {  	_ =	shalt  }
0x48: {  	_ =	shalt  }
0x49: {  	_ =	shalt  }
0x4a: {  	_ =	shalt  }
0x4b: {  	_ =	shalt  }
0x4c: {  	_ =	shalt  }
0x4d: {  	_ =	shalt  }
0x4e: {  	_ =	shalt  }
0x4f: {  	_ =	shalt  }
0x50: {  	_ =	shalt  }
0x51: {  	_ =	shalt  }
0x52: {  	_ =	shalt  }
0x53: {  	_ =	shalt  }
0x54: {  	_ =	shalt  }
0x55: {  	_ =	shalt  }
0x56: {  	_ =	shalt  }
0x57: {  	_ =	shalt  }
0x58: {  	_ =	shalt  }
0x59: {  	_ =	shalt  }
0x5a: {  	_ =	shalt  }
0x5b: {  	_ =	shalt  }
0x5c: {  	_ =	shalt  }
0x5d: {  	_ =	shalt  }
0x5e: {  	_ =	shalt  }
0x5f: {  	_ =	shalt  }
0x60: {  	_ =	shalt  }
0x61: {  	_ =	shalt  }
0x62: {  	_ =	shalt  }
0x63: {  	_ =	shalt  }
0x64: {  	_ =	shalt  }
0x65: {  	_ =	shalt  }
0x66: {  	_ =	shalt  }
0x67: {  	_ =	shalt  }
0x68: {  	_ =	shalt  }
0x69: {  	_ =	shalt  }
0x6a: {  	_ =	shalt  }
0x6b: {  	_ =	shalt  }
0x6c: {  	_ =	shalt  }
0x6d: {  	_ =	shalt  }
0x6e: {  	_ =	shalt  }
0x6f: {  	_ =	shalt  }
0x70: {  	_ =	shalt  }
0x71: {  	_ =	shalt  }
0x72: {  	_ =	shalt  }
0x73: {  	_ =	shalt  }
0x74: {  	_ =	shalt  }
0x75: {  	_ =	shalt  }
0x76: {  	_ =	shalt  }
0x77: {  	_ =	shalt  }
0x78: {  	_ =	shalt  }
0x79: {  	_ =	shalt  }
0x7a: {  	_ =	shalt  }
0x7b: {  	_ =	shalt  }
0x7c: {  	_ =	shalt  }
0x7d: {  	_ =	shalt  }
0x7e: {  	_ =	shalt  }
0x7f: {  	_ =	shalt  }
0x80: {  	_ =	shalt  }
0x81: {  	_ =	shalt  }
0x82: {  	_ =	shalt  }
0x83: {  	_ =	shalt  }
0x84: {  	_ =	shalt  }
0x85: {  	_ =	shalt  }
0x86: {  	_ =	shalt  }
0x87: {  	_ =	shalt  }
.Lfunc_end0:
.L_simem_size_0:
called_computation.2_lowered:
.L_overlay_start_0:
0x88: {  	s2 =	sld [smem:$0x3FD9]  }
0x89: {  	s3 =	sld [smem:$0x3FFE];
	_ =	sdelay $0x1  }
0x8a: {  	s1 =	srdreg.scid  }
0x8b: {  	s0 =	sand.u32 $0x1, s1  }
0x8c: {  	s17 =	sshll.u32 s0, $0xA;
	s2 =	sadd.s32 s3, s2  }
0x8d: {  	s2 =	sadd.s32 s2, s17  }
0x8e: {  	[smem:$0x3FC2] =	sst s2  }
0x8f: {  	_ = 	snop  }
0x90: {  	s2 =	sld [smem:$0x3FD0];
	(tm) =	ssettm $0x1  }
0x91: {  	s18 =	sld [smem:$0x3FFB];
	_ =	sdelay $0x3  }
0x92: {  	_ =	strace s18  }
0x93: {  	s3 =	sld [smem:$0x3FFC];
	_ =	sdelay $0x3  }
0x94: {  	_ =	strace s3  }
0x95: {  	s3 =	sld [smem:$0x3FFD];
	_ =	sdelay $0x3  }
0x96: {  	_ =	strace s3  }
0x97: {  	_ =	strace $0x8FFFFFFF  }
0x98: {  	s19 =	sld [smem:$0x3FDB];
	_ =	sdelay $0x1  }
0x99: {  	s4 =	simm.s32 $_scs_section_size  }
0x9a: {  	s5 =	simm.s32 $_size__tile_overlayer_lowered;
	s6 =	simm.s32 $_tile_overlayer_lowered  }
0x9b: {  	s22 =	simm.s32 $0x1BFF;
	s21 =	sshll.u32 s6, $0x1;
	s3 =	sadd.s32 s4, s19  }
0x9c: {  	s7 =	simm.s32 $0x0;
	s20 =	sshll.u32 s5, $0x1;
	s5 =	sadd.s32 s21, s3  }
0x9d: {  	[timem:s7], [sflag:s22] =	dma.local [hbm:s5], s20  }
0x9e: {  	_ =	swait.ge [sflag:s22], s20  }
0x9f: {  	s4 =	ssub.s32 $0x0, s20;
	[sflag:s22] =	ssyncset.done $0x0  }
0xa0: {  	[sflag:s22] =	ssyncadd.s32 s4;
	_ =	sdelay $0x1  }
0xa1: {  	s23 =	simm.s32 $0x1B8B  }
0xa2: {  	_ =	swait.ge [sflag:s23], $0x1  }
0xa3: {  	[sflag:s23] =	ssyncset.done $0x0  }
0xa4: {  	s25 =	simm.s32 $0x1B8E;
	s24 =	sld [smem:$0x3FFE];
	[sflag:s23] =	ssyncadd.s32 $0xFFFFFFFF  }
0xa5: {  	s26 =	simm.s32 $execute0_lowered;
	[smem:$0x3FD2] =	sst s25  }
0xa6: {  	s5 =	sshll.u32 s26, $0x1;
	_ =	strace $0x8000004C;
	[dreg:$0x1] =	wrdreg $0xFFFFFFFF  }
0xa7: {  	s28 =	simm.s32 $_size_execute0_lowered;
	s3 =	sadd.s32 s3, s5;
	[dreg:$0x0] =	wrdreg $0x0  }
0xa8: {  	s5 =	sshll.u32 s28, $0x1;
	[dreg:$0x2] =	wrdreg s3  }
0xa9: {  	[dreg:$0x3] =	wrdreg s5  }
0xaa: {  	[dreg:$0x4] =	wrdreg $0xC0  }
0xab: {  	_ =	task [dreg:s7], $0x5FFFF  }
0xac: {  	[dreg:$0x1] =	wrdreg $0xFFFFFFFF  }
0xad: {  	[dreg:$0x0] =	wrdreg $0x60  }
0xae: {  	[dreg:$0x2] =	wrdreg s2  }
0xaf: {  	[dreg:$0x3] =	wrdreg s24  }
0xb0: {  	[dreg:$0x4] =	wrdreg $0x12000  }
0xb1: {  	[dreg:$0x5] =	wrdreg $0x9  }
0xb2: {  	_ =	task.clear_ibuf [dreg:s7], $0x6FFFF;
	_ =	strace $0x9000004C  }
0xb3: {  	s29 =	simm.s32 $0x9;
	_ =	strace $0x8000004E  }
0xb4: {  	_ =	swait.ge [sflag:s29], $0x1  }
0xb5: {  	[sflag:s29] =	ssyncadd.s32 $0xFFFFFFFF  }
0xb6: {  	_ =	strace $0x9000004E  }
0xb7: {  	_ =	sfence  }
0xb8: {  	s30 =	sld [smem:$0x0];
	_ =	sdelay $0x2  }
0xb9: {  	s31 =	sshll.u32 s1, $0xD;
	s1 =	sshrl.u32 s1, $0x2  }
0xba: {  	s3 =	sand.u32 $0x4000, s31;
	s1 =	sadd.s32 s1, s30  }
0xbb: {  	s0 =	sor.u32 s3, s0;
	s1 =	sshll.u32 s1, $0x11  }
0xbc: {  	s0 =	sor.u32 s1, s0  }
0xbd: {  	s0 =	sadd.s32 $0x8F2B, s0  }
0xbe: {  	[sflag:s0] =	ssyncadd.remote.s32 $0x1  }
0xbf: {  	_ =	sfence.sel $0xFFFF  }
0xc0: {  	[dreg:$0x0] =	wrdreg $0xFFFFFFFF;
	(pc) =	sbr.abs _section_cstart, $3  }
0xc1: {  	[dreg:$0x1] =	wrdreg $0xFFFFFFFF  }
0xc2: {  	_ =	task.clear_ibuf [dreg:s7], $0x2FFFF;
	_ =	strace $0x9FFFFFFF  }
0xc3: {  	(tm) =	ssettm $0x7FFFFFFF  }
tec
execute0_lowered:
.L_overlay_start_1:
0x0: {  	(tag) =	ssettag $0x1  }
0x1: {  	s1 =	rddreg [dreg:$0x0]  }
0x2: {  	s0 =	rddreg [dreg:$0x1]  }
0x3: {  	s2 =	rddreg [dreg:$0x2];
	s3 =	srdreg.scid;
	s4 =	simm.s32 $0x0  }
0x4: {  	s11 =	stileid.u32;
	s13 =	simm.s32 $0x60;
	s14 =	simm.s32 $0xA0  }
0x5: {  	s15 =	simm.s32 $0xE0;
	s16 =	simm.s32 $0x120;
	s17 =	simm.s32 $0x160  }
0x6: {  	s28 =	simm.s32 $0xC0;
	s29 =	simm.s32 $0x100;
	s31 =	simm.s32 $0x20  }
0x7: {  	s30 =	simm.s32 $0x4;
	[smem:$0x7FF] =	sst s4;
	s8 =	sadd.s32 $0x1A00, s0  }
0x8: {  	s7 =	smul.u32 $0x9E0, s11;
	_ =	strace $0x8000004D;
	[dreg:$0xc] =	wrdreg s8  }
0x9: {  	s3 =	sand.u32 $0x1, s3;
	s18 =	smul.u32 $0xC8, s11;
	[dreg:$0x5] =	wrdreg s13  }
0xa: {  	s5 =	sadd.s32 $0x16000, s0;
	s10 =	smul.u32 $0x13C00, s11;
	[dreg:$0x6] =	wrdreg s14  }
0xb: {  	s22 =	sshll.u32 s11, $0x6;
	s6 =	smul.u32 $0x9E00, s3;
	[dreg:$0x7] =	wrdreg s15  }
0xc: {  	s19 =	ssub.s32 $0x2, s3;
	s8 =	smul.u32 $0x1B8, s11;
	[dreg:$0x8] =	wrdreg s16  }
0xd: {  	p0 =	seq.s32 s3, $0x0;
	s22 =	sor.u32 $0x1C0D, s22;
	[dreg:$0x9] =	wrdreg s17  }
0xe: {  	s13 =	simm.s32 $0x3;
	s14 =	simm.s32 $0xE00;
	s15 =	simm.s32 $0x9  }
0xf: {  	s9 =	sshrl.u32 s19, $0x1;
	s26 =	sadd.s32 $0x1B80, s18;
	s20 =	sshrl.u32 s10, $0x2  }
0x10: {  	[dreg:$0xe] =	wrdreg s22;
	s6 =	sadd.s32 s7, s6;
	s3 =	sadd.s32 $0x1B8, s8  }
0x11: {  	s7 =	sadd.s32 $0x1C48, s18;
	s26 =	smov.u32 @p0 s8;
	s18 =	simm.s32 $0x1A0  }
0x12: {  	s0 =	sadd.s32 s6, s0;
	s6 =	ssub.s32 s19, s9;
	s7 =	smov.u32 @p0 s3  }
0x13: {  	s21 =	sshll.u32 s26, $0x3;
	[dreg:$0xa] =	wrdreg s18;
	s19 =	simm.s32 $0x1E0  }
0x14: {  	s3 =	sadd.s32 s20, s2;
	s20 =	simm.s32 $0x0;
	[dreg:$0xb] =	wrdreg s19  }
0x15: {  	s16 =	simm.s32 $0x5;
	s23 =	sadd.s32 s5, s21;
	[dreg:$0x19] =	wrdreg s20  }
0x16: {  	s17 =	simm.s32 $0xA;
	s0 =	sadd.s32 $0x2A000, s0;
	[dreg:$0xd] =	wrdreg s23  }
0x17: {  	s18 =	simm.s32 $0x6;
	s6 =	smax.u32 s6, $0x1;
	[dreg:$0x16] =	wrdreg s0  }
0x18: {  	s25 =	sadd.s32 $0xFFFFFFFF, s7;
	s7 =	sadd.s32 $0x8, s23;
	[dreg:$0x17] =	wrdreg s6  }
0x19: {  	s21 =	simm.s32 $0xD;
	s24 =	sadd.s32 $0x10, s23;
	[dreg:$0xf] =	wrdreg s7  }
0x1a: {  	s19 =	simm.s32 $0xB;
	s9 =	sadd.s32 $0x18, s23;
	[dreg:$0x10] =	wrdreg s24  }
0x1b: {  	s20 =	simm.s32 $0x7;
	s10 =	sadd.s32 $0x20, s23;
	[dreg:$0x11] =	wrdreg s9  }
0x1c: {  	s11 =	sadd.s32 $0x28, s23;
	s12 =	sadd.s32 $0x30, s23;
	[dreg:$0x12] =	wrdreg s10  }
0x1d: {  	s8 =	sadd.s32 $0x38, s23;
	s23 =	simm.s32 $0x40;
	[dreg:$0x13] =	wrdreg s11  }
0x1e: {  	s0 =	simm.s32 $0x200;
	s6 =	simm.s32 $0x600;
	[dreg:$0x14] =	wrdreg s12  }
0x1f: {  	s7 =	simm.s32 $0x1B8;
	[dreg:$0x15] =	wrdreg s8;
	s8 =	sshrl.u32 s3, $0x3  }
0x20: {  	s24 =	simm.s32 $0x80;
	s3 =	simm.s32 $0x1;
	s11 =	simm.s32 $0x2  }
0x21: {  	s12 =	simm.s32 $0xA00;
	s7 =	simm.s32 @!p0 $0xC8;
	[dreg:$0x18] =	wrdreg s8  }
0x22: {  	s10 =	simm.s32 $0xC;
	s9 =	simm.s32 $0x40;
	[dreg:$0x4] =	wrdreg s7  }
.LBB2_1:
0x23: {  	s7 =	rddreg [dreg:$0xc]  }
0x24: {  	[spmem:s8], [sflag:s22] =	dma.local [hbm:s7], $0x9E0  }
0x25: {  	_ =	swait.ge [sflag:s21], $0x9E0  }
0x26: {  	[sflag:s21] =	ssyncset.done $0x0  }
0x27: {  	[sflag:s21] =	ssyncadd.s32 $0xFFFFF620  }
0x28: {  	[bflag:$0x0] =	sbarrier.arrive $0xFFFF  }
0x29: {  	s8 =	rddreg [dreg:$0xd]  }
0x2a: {  	[tilespmem:s4], [sflag:$0x1] =	stream.linear.gather [hbm4b:s8+s4], $0x40, $0x38;
	[tilespmem:$0x6100] =	vst v63  }
0x2b: {  	s22 =	rddreg [dreg:$0xf]  }
0x2c: {  	[tilespmem:s23], [sflag:$0x2] =	stream.linear.gather [hbm4b:s22+s4], $0x40, $0x38;
	[tilespmem:$0x6100] =	vst v63  }
0x2d: {  	s8 =	rddreg [dreg:$0x10]  }
0x2e: {  	[tilespmem:s24], [sflag:$0x3] =	stream.linear.gather [hbm4b:s8+s4], $0x40, $0x38;
	[tilespmem:$0x6100] =	vst v63  }
0x2f: {  	s22 =	rddreg [dreg:$0x11]  }
0x30: {  	[tilespmem:s28], [sflag:$0x4] =	stream.linear.gather [hbm4b:s22+s4], $0x40, $0x38;
	[tilespmem:$0x6100] =	vst v63  }
0x31: {  	s8 =	rddreg [dreg:$0x12]  }
0x32: {  	[tilespmem:s29], [sflag:$0x5] =	stream.linear.gather [hbm4b:s8+s4], $0x40, $0x38;
	[tilespmem:$0x6100] =	vst v63  }
0x33: {  	s22 =	rddreg [dreg:$0x13];
	s29 =	simm.s32 $0x140  }
0x34: {  	[tilespmem:s29], [sflag:$0x6] =	stream.linear.gather [hbm4b:s22+s4], $0x40, $0x38;
	[tilespmem:$0x6100] =	vst v63  }
0x35: {  	s22 =	rddreg [dreg:$0x14];
	s29 =	simm.s32 $0x180  }
0x36: {  	[tilespmem:s29], [sflag:$0x7] =	stream.linear.gather [hbm4b:s22+s4], $0x40, $0x38;
	[tilespmem:$0x6100] =	vst v63  }
0x37: {  	s22 =	rddreg [dreg:$0x15];
	s29 =	simm.s32 $0x1C0  }
0x38: {  	[tilespmem:s29], [sflag:$0x8] =	stream.linear.gather [hbm4b:s22+s4], $0x40, $0x38;
	[tilespmem:$0x6100] =	vst v63  }
0x39: {  	_ =	swait.ge [sflag:s3], $0x40  }
0x3a: {  	[sflag:s3] =	ssyncset.done $0x0  }
0x3b: {  	[sflag:s3] =	ssyncadd.s32 $0xFFFFFFC0  }
0x3c: {  	[tilespmem:s0], [sflag:$0x9] =	stream.indirect.gather [hbm4b:s1+s31], $0x20, s4, s31, $0xb8;
	[tilespmem:$0x6100] =	vst v63  }
0x3d: {  	_ =	swait.ge [sflag:s11], $0x40  }
0x3e: {  	[sflag:s11] =	ssyncset.done $0x0  }
0x3f: {  	[sflag:s11] =	ssyncadd.s32 $0xFFFFFFC0  }
0x40: {  	[tilespmem:s6], [sflag:$0xA] =	stream.indirect.gather [hbm4b:s1+s31], $0x20, s23, s31, $0xb8;
	[tilespmem:$0x6100] =	vst v63  }
0x41: {  	_ =	swait.ge [sflag:s13], $0x40  }
0x42: {  	[sflag:s13] =	ssyncset.done $0x0  }
0x43: {  	[sflag:s13] =	ssyncadd.s32 $0xFFFFFFC0  }
0x44: {  	[tilespmem:s12], [sflag:$0xB] =	stream.indirect.gather [hbm4b:s1+s31], $0x20, s24, s31, $0xb8;
	[tilespmem:$0x6100] =	vst v63  }
0x45: {  	_ =	swait.ge [sflag:s30], $0x40  }
0x46: {  	s7 =	simm.s32 $0x0;
	s3 =	simm.s32 $0x1;
	[sflag:s30] =	ssyncset.done $0x0  }
0x47: {  	s11 =	simm.s32 $0x2;
	s13 =	simm.s32 $0x3;
	[sflag:s30] =	ssyncadd.s32 $0xFFFFFFC0  }
0x48: {  	[tilespmem:s14], [sflag:$0xC] =	stream.indirect.gather [hbm4b:s1+s31], $0x20, s28, s31, $0xb8;
	[tilespmem:$0x6100] =	vst v63  }
.LBB2_2:
0x49: {  	_ =	swait.ge [sflag:s15], $0x400  }
0x4a: {  	[sflag:s15] =	ssyncset.done $0x0  }
0x4b: {  	[sflag:s15] =	ssyncadd.s32 $0xFFFFFC00  }
0x4c: {  	[spmem:s2] =	stream.indirect.scatter.add.f32 [tilespmem:s0], [sflag:$0xD], $0x20, s31, s31, $0xb8;
	[tilespmem:$0x6100] =	vst v63  }
0x4d: {  	s22 =	sadd.s32 s7, s26;
	_ =	swait.ge [sflag:s21], $0x400  }
0x4e: {  	s23 =	sadd.s32 $0x8, s22;
	[sflag:s21] =	ssyncset.done $0x0  }
0x4f: {  	s8 =	smov.u32 s25;
	p0 =	slt.s32 s23, s25;
	[sflag:s21] =	ssyncadd.s32 $0xFFFFFC00  }
0x50: {  	s8 =	smov.u32 @p0 s23;
	_ =	swait.ge [sflag:s16], $0x40  }
0x51: {  	s8 =	sshll.u32 s8, $0x3;
	[sflag:s16] =	ssyncset.done $0x0  }
0x52: {  	s8 =	sand.u32 $0x1FFFFFF8, s8;
	[sflag:s16] =	ssyncadd.s32 $0xFFFFFFC0;
	s16 =	simm.s32 $0x100  }
0x53: {  	[tilespmem:s0], [sflag:$0x9] =	stream.indirect.gather [hbm4b:s1+s31], $0x20, s16, s31, $0xb8;
	[tilespmem:$0x6100] =	vst v63  }
0x54: {  	s8 =	sadd.s32 s5, s8  }
0x55: {  	[tilespmem:s4], [sflag:$0x1] =	stream.linear.gather [hbm4b:s8+s4], $0x40, $0x38;
	[tilespmem:$0x6100] =	vst v63  }
0x56: {  	_ =	swait.ge [sflag:s17], $0x400  }
0x57: {  	[sflag:s17] =	ssyncset.done $0x0  }
0x58: {  	s24 =	rddreg [dreg:$0x5];
	[sflag:s17] =	ssyncadd.s32 $0xFFFFFC00  }
0x59: {  	[spmem:s2] =	stream.indirect.scatter.add.f32 [tilespmem:s6], [sflag:$0xD], $0x20, s24, s31, $0xb8;
	[tilespmem:$0x6100] =	vst v63  }
0x5a: {  	_ =	swait.ge [sflag:s21], $0x400  }
0x5b: {  	s8 =	sadd.s32 $0x9, s22;
	[sflag:s21] =	ssyncset.done $0x0  }
0x5c: {  	s23 =	smov.u32 s25;
	p0 =	slt.s32 s8, s25;
	[sflag:s21] =	ssyncadd.s32 $0xFFFFFC00  }
0x5d: {  	s23 =	smov.u32 @p0 s8;
	_ =	swait.ge [sflag:s18], $0x40  }
0x5e: {  	s8 =	sshll.u32 s23, $0x3;
	[sflag:s18] =	ssyncset.done $0x0  }
0x5f: {  	s24 =	simm.s32 $0x140;
	s8 =	sand.u32 $0x1FFFFFF8, s8;
	[sflag:s18] =	ssyncadd.s32 $0xFFFFFFC0  }
0x60: {  	[tilespmem:s6], [sflag:$0xA] =	stream.indirect.gather [hbm4b:s1+s31], $0x20, s24, s31, $0xb8;
	[tilespmem:$0x6100] =	vst v63  }
0x61: {  	s8 =	sadd.s32 s5, s8  }
0x62: {  	[tilespmem:s9], [sflag:$0x2] =	stream.linear.gather [hbm4b:s8+s4], $0x40, $0x38;
	[tilespmem:$0x6100] =	vst v63  }
0x63: {  	_ =	swait.ge [sflag:s19], $0x400  }
0x64: {  	[sflag:s19] =	ssyncset.done $0x0  }
0x65: {  	s28 =	rddreg [dreg:$0x6];
	[sflag:s19] =	ssyncadd.s32 $0xFFFFFC00  }
0x66: {  	[spmem:s2] =	stream.indirect.scatter.add.f32 [tilespmem:s12], [sflag:$0xD], $0x20, s28, s31, $0xb8;
	[tilespmem:$0x6100] =	vst v63  }
0x67: {  	_ =	swait.ge [sflag:s21], $0x400  }
0x68: {  	s8 =	sadd.s32 $0xA, s22;
	[sflag:s21] =	ssyncset.done $0x0  }
0x69: {  	s23 =	smov.u32 s25;
	p0 =	slt.s32 s8, s25;
	[sflag:s21] =	ssyncadd.s32 $0xFFFFFC00  }
0x6a: {  	s23 =	smov.u32 @p0 s8;
	_ =	swait.ge [sflag:s20], $0x40  }
0x6b: {  	s8 =	sshll.u32 s23, $0x3;
	[sflag:s20] =	ssyncset.done $0x0  }
0x6c: {  	s28 =	simm.s32 $0x180;
	s8 =	sand.u32 $0x1FFFFFF8, s8;
	[sflag:s20] =	ssyncadd.s32 $0xFFFFFFC0  }
0x6d: {  	[tilespmem:s12], [sflag:$0xB] =	stream.indirect.gather [hbm4b:s1+s31], $0x20, s28, s31, $0xb8;
	[tilespmem:$0x6100] =	vst v63  }
0x6e: {  	s30 =	simm.s32 $0x80;
	s8 =	sadd.s32 s5, s8  }
0x6f: {  	[tilespmem:s30], [sflag:$0x3] =	stream.linear.gather [hbm4b:s8+s4], $0x40, $0x38;
	[tilespmem:$0x6100] =	vst v63  }
0x70: {  	_ =	swait.ge [sflag:s10], $0x400  }
0x71: {  	[sflag:s10] =	ssyncset.done $0x0  }
0x72: {  	s29 =	rddreg [dreg:$0x7];
	[sflag:s10] =	ssyncadd.s32 $0xFFFFFC00  }
0x73: {  	[spmem:s2] =	stream.indirect.scatter.add.f32 [tilespmem:s14], [sflag:$0xD], $0x20, s29, s31, $0xb8;
	[tilespmem:$0x6100] =	vst v63  }
0x74: {  	_ =	swait.ge [sflag:s21], $0x400  }
0x75: {  	s18 =	simm.s32 $0x8;
	s8 =	sadd.s32 $0xB, s22;
	[sflag:s21] =	ssyncset.done $0x0  }
0x76: {  	s23 =	smov.u32 s25;
	p0 =	slt.s32 s8, s25;
	[sflag:s21] =	ssyncadd.s32 $0xFFFFFC00  }
0x77: {  	s23 =	smov.u32 @p0 s8;
	_ =	swait.ge [sflag:s18], $0x40  }
0x78: {  	s8 =	sshll.u32 s23, $0x3;
	[sflag:s18] =	ssyncset.done $0x0  }
0x79: {  	s29 =	simm.s32 $0x1C0;
	s8 =	sand.u32 $0x1FFFFFF8, s8;
	[sflag:s18] =	ssyncadd.s32 $0xFFFFFFC0  }
0x7a: {  	[tilespmem:s14], [sflag:$0xC] =	stream.indirect.gather [hbm4b:s1+s31], $0x20, s29, s31, $0xb8;
	[tilespmem:$0x6100] =	vst v63  }
0x7b: {  	s8 =	sadd.s32 s5, s8;
	s18 =	simm.s32 $0xC0  }
0x7c: {  	[tilespmem:s18], [sflag:$0x4] =	stream.linear.gather [hbm4b:s8+s4], $0x40, $0x38;
	[tilespmem:$0x6100] =	vst v63  }
0x7d: {  	_ =	swait.ge [sflag:s15], $0x400  }
0x7e: {  	[sflag:s15] =	ssyncset.done $0x0  }
0x7f: {  	s23 =	rddreg [dreg:$0x8];
	[sflag:s15] =	ssyncadd.s32 $0xFFFFFC00  }
0x80: {  	[spmem:s2] =	stream.indirect.scatter.add.f32 [tilespmem:s0], [sflag:$0xD], $0x20, s23, s31, $0xb8;
	[tilespmem:$0x6100] =	vst v63  }
0x81: {  	_ =	swait.ge [sflag:s21], $0x400  }
0x82: {  	s8 =	sadd.s32 $0xC, s22;
	[sflag:s21] =	ssyncset.done $0x0  }
0x83: {  	p0 =	slt.s32 s8, s25;
	s23 =	smov.u32 s25;
	[sflag:s21] =	ssyncadd.s32 $0xFFFFFC00  }
0x84: {  	s23 =	smov.u32 @p0 s8;
	_ =	swait.ge [sflag:s3], $0x40  }
0x85: {  	s8 =	sshll.u32 s23, $0x3;
	[sflag:s3] =	ssyncset.done $0x0  }
0x86: {  	s8 =	sand.u32 $0x1FFFFFF8, s8;
	[sflag:s3] =	ssyncadd.s32 $0xFFFFFFC0  }
0x87: {  	[tilespmem:s0], [sflag:$0x9] =	stream.indirect.gather [hbm4b:s1+s31], $0x20, s4, s31, $0xb8;
	[tilespmem:$0x6100] =	vst v63  }
0x88: {  	s8 =	sadd.s32 s5, s8  }
0x89: {  	[tilespmem:s16], [sflag:$0x5] =	stream.linear.gather [hbm4b:s8+s4], $0x40, $0x38;
	[tilespmem:$0x6100] =	vst v63  }
0x8a: {  	_ =	swait.ge [sflag:s17], $0x400  }
0x8b: {  	[sflag:s17] =	ssyncset.done $0x0  }
0x8c: {  	s23 =	rddreg [dreg:$0x9];
	[sflag:s17] =	ssyncadd.s32 $0xFFFFFC00  }
0x8d: {  	[spmem:s2] =	stream.indirect.scatter.add.f32 [tilespmem:s6], [sflag:$0xD], $0x20, s23, s31, $0xb8;
	[tilespmem:$0x6100] =	vst v63  }
0x8e: {  	_ =	swait.ge [sflag:s21], $0x400  }
0x8f: {  	s8 =	sadd.s32 $0xD, s22;
	[sflag:s21] =	ssyncset.done $0x0  }
0x90: {  	p0 =	slt.s32 s8, s25;
	s23 =	smov.u32 s25;
	[sflag:s21] =	ssyncadd.s32 $0xFFFFFC00  }
0x91: {  	s23 =	smov.u32 @p0 s8;
	_ =	swait.ge [sflag:s11], $0x40  }
0x92: {  	s8 =	sshll.u32 s23, $0x3;
	[sflag:s11] =	ssyncset.done $0x0  }
0x93: {  	s8 =	sand.u32 $0x1FFFFFF8, s8;
	[sflag:s11] =	ssyncadd.s32 $0xFFFFFFC0  }
0x94: {  	[tilespmem:s6], [sflag:$0xA] =	stream.indirect.gather [hbm4b:s1+s31], $0x20, s9, s31, $0xb8;
	[tilespmem:$0x6100] =	vst v63  }
0x95: {  	s8 =	sadd.s32 s5, s8  }
0x96: {  	[tilespmem:s24], [sflag:$0x6] =	stream.linear.gather [hbm4b:s8+s4], $0x40, $0x38;
	[tilespmem:$0x6100] =	vst v63  }
0x97: {  	_ =	swait.ge [sflag:s19], $0x400  }
0x98: {  	[sflag:s19] =	ssyncset.done $0x0  }
0x99: {  	s23 =	rddreg [dreg:$0xa];
	[sflag:s19] =	ssyncadd.s32 $0xFFFFFC00  }
0x9a: {  	[spmem:s2] =	stream.indirect.scatter.add.f32 [tilespmem:s12], [sflag:$0xD], $0x20, s23, s31, $0xb8;
	[tilespmem:$0x6100] =	vst v63  }
0x9b: {  	_ =	swait.ge [sflag:s21], $0x400  }
0x9c: {  	s8 =	sadd.s32 $0xE, s22;
	[sflag:s21] =	ssyncset.done $0x0  }
0x9d: {  	p0 =	slt.s32 s8, s25;
	s23 =	smov.u32 s25;
	[sflag:s21] =	ssyncadd.s32 $0xFFFFFC00  }
0x9e: {  	s23 =	smov.u32 @p0 s8;
	_ =	swait.ge [sflag:s13], $0x40  }
0x9f: {  	s8 =	sshll.u32 s23, $0x3;
	[sflag:s13] =	ssyncset.done $0x0  }
0xa0: {  	s8 =	sand.u32 $0x1FFFFFF8, s8;
	[sflag:s13] =	ssyncadd.s32 $0xFFFFFFC0  }
0xa1: {  	[tilespmem:s12], [sflag:$0xB] =	stream.indirect.gather [hbm4b:s1+s31], $0x20, s30, s31, $0xb8;
	[tilespmem:$0x6100] =	vst v63  }
0xa2: {  	s8 =	sadd.s32 s5, s8  }
0xa3: {  	[tilespmem:s28], [sflag:$0x7] =	stream.linear.gather [hbm4b:s8+s4], $0x40, $0x38;
	[tilespmem:$0x6100] =	vst v63  }
0xa4: {  	_ =	swait.ge [sflag:s10], $0x400  }
0xa5: {  	[sflag:s10] =	ssyncset.done $0x0  }
0xa6: {  	s24 =	rddreg [dreg:$0xb];
	[sflag:s10] =	ssyncadd.s32 $0xFFFFFC00  }
0xa7: {  	[spmem:s2] =	stream.indirect.scatter.add.f32 [tilespmem:s14], [sflag:$0xD], $0x20, s24, s31, $0xb8;
	[tilespmem:$0x6100] =	vst v63  }
0xa8: {  	_ =	swait.ge [sflag:s21], $0x400  }
0xa9: {  	[sflag:s21] =	ssyncset.done $0x0  }
0xaa: {  	s30 =	simm.s32 $0x4;
	[sflag:s21] =	ssyncadd.s32 $0xFFFFFC00  }
0xab: {  	s7 =	sadd.s32 $0x8, s7;
	s8 =	sadd.s32 $0xF, s22;
	_ =	swait.ge [sflag:s30], $0x40  }
0xac: {  	s22 =	smov.u32 s25;
	p0 =	slt.s32 s8, s25;
	s28 =	rddreg [dreg:$0x4]  }
0xad: {  	s22 =	smov.u32 @p0 s8;
	p0 =	sne.s32 s28, s7  }
.Ltmp0:
0xae: {  	s8 =	sshll.u32 s22, $0x3;
	[sflag:s30] =	ssyncset.done $0x0;
	(pc) =	sbr.rel @p0 .LBB2_2-.Ltmp0, $4  }
0xaf: {  	s8 =	sand.u32 $0x1FFFFFF8, s8;
	[sflag:s30] =	ssyncadd.s32 $0xFFFFFFC0  }
0xb0: {  	[tilespmem:s14], [sflag:$0xC] =	stream.indirect.gather [hbm4b:s1+s31], $0x20, s18, s31, $0xb8;
	[tilespmem:$0x6100] =	vst v63  }
0xb1: {  	s16 =	simm.s32 $0x5;
	s8 =	sadd.s32 s5, s8;
	s18 =	simm.s32 $0x6  }
0xb2: {  	[tilespmem:s29], [sflag:$0x8] =	stream.linear.gather [hbm4b:s8+s4], $0x40, $0x38;
	[tilespmem:$0x6100] =	vst v63  }
0xb3: {  	_ =	swait.ge [sflag:s15], $0x400  }
0xb4: {  	[sflag:s15] =	ssyncset.done $0x0  }
0xb5: {  	[sflag:s15] =	ssyncadd.s32 $0xFFFFFC00  }
0xb6: {  	_ =	swait.ge [sflag:s17], $0x400  }
0xb7: {  	[sflag:s17] =	ssyncset.done $0x0  }
0xb8: {  	[sflag:s17] =	ssyncadd.s32 $0xFFFFFC00  }
0xb9: {  	_ =	swait.ge [sflag:s19], $0x400  }
0xba: {  	[sflag:s19] =	ssyncset.done $0x0  }
0xbb: {  	[sflag:s19] =	ssyncadd.s32 $0xFFFFFC00  }
0xbc: {  	_ =	swait.ge [sflag:s10], $0x400  }
0xbd: {  	[sflag:s10] =	ssyncset.done $0x0  }
0xbe: {  	[sflag:s10] =	ssyncadd.s32 $0xFFFFFC00  }
0xbf: {  	_ =	swait.ge [sflag:s16], $0x40  }
0xc0: {  	[sflag:s16] =	ssyncset.done $0x0  }
0xc1: {  	[sflag:s16] =	ssyncadd.s32 $0xFFFFFFC0  }
0xc2: {  	_ =	swait.ge [sflag:s18], $0x40  }
0xc3: {  	[sflag:s18] =	ssyncset.done $0x0  }
0xc4: {  	[sflag:s18] =	ssyncadd.s32 $0xFFFFFFC0  }
0xc5: {  	_ =	swait.ge [sflag:s20], $0x40  }
0xc6: {  	[sflag:s20] =	ssyncset.done $0x0  }
0xc7: {  	s3 =	simm.s32 $0x8;
	[sflag:s20] =	ssyncadd.s32 $0xFFFFFFC0  }
0xc8: {  	_ =	swait.ge [sflag:s3], $0x40  }
0xc9: {  	[sflag:s3] =	ssyncset.done $0x0  }
0xca: {  	[sflag:s3] =	ssyncadd.s32 $0xFFFFFFC0  }
0xcb: {  	[bflag:$0x0] =	sbarrier.arrive $0xFFFF  }
0xcc: {  	s22 =	rddreg [dreg:$0xe]  }
0xcd: {  	s7 =	rddreg [dreg:$0x16]  }
0xce: {  	s8 =	rddreg [dreg:$0x18]  }
0xcf: {  	[hbm:s7], [sflag:s22] =	dma.local [spmem:s8], $0x9E0  }
0xd0: {  	_ =	swait.ge [sflag:s21], $0x9E0  }
0xd1: {  	s23 =	rddreg [dreg:$0x19]  }
0xd2: {  	s24 =	rddreg [dreg:$0x17];
	s23 =	sadd.s32 $0x1, s23  }
0xd3: {  	p0 =	sne.s32 s23, s24  }
.Ltmp1:
0xd4: {  	_ = 	snop;
	(pc) =	sbr.rel @p0 .LBB2_1-.Ltmp1, $4  }
0xd5: {  	s28 =	simm.s32 $0xC0  }
0xd6: {  	s29 =	simm.s32 $0x100;
	s11 =	simm.s32 $0x2;
	[sflag:s21] =	ssyncset.done $0x0  }
0xd7: {  	s13 =	simm.s32 $0x3;
	s3 =	simm.s32 $0x1;
	[sflag:s21] =	ssyncadd.s32 $0xFFFFF620  }
0xd8: {  	[dreg:$0x19] =	wrdreg s23;
	s23 =	simm.s32 $0x40;
	s24 =	simm.s32 $0x80  }
0xd9: {  	_ =	sfence.sel $0x180000  }
0xda: {  	[bflag:$0x0] =	sbarrier.arrive $0xFFFF  }
0xdb: {  	_ =	strace $0x9000004D  }
0xdc: {  	s0 =	stileid.u32;
	[bflag:$0x2] =	sbarrier.arrive $0xFFFF  }
0xdd: {  	p0 =	sne.s32 s0, $0x0;
	s0 =	rddreg [dreg:$0x3]  }
0xde: {  	s0 =	sadd.s32 @!p0 $0x100000, s0  }
0xdf: {  	[sflag:s0] =	ssyncadd.tile.s32 @!p0 $0x1;
	_ =	shalt  }
.Lfunc_end2:
_tile_overlayer_lowered:
.L_overlay_start_2:
0xe0: {  	(tag) =	ssettag $0x2  }
0xe1: {  	s0 =	rddreg [dreg:$0x0];
	s2 =	stileid.u32  }
0xe2: {  	s1 =	rddreg [dreg:$0x1];
	p0 =	sne.s32 s2, $0x0  }
0xe3: {  	s3 =	rddreg [dreg:$0x2];
	[bflag:$0x3] =	sbarrier.arrive $0xFFFF;
	s2 =	simm.s32 @!p0 $0x1C0D  }
0xe4: {  	[timem:s3], [sflag:s2] =	dma.local @!p0 [hbm:s0], s1  }
0xe5: {  	s0 =	simm.s32 @!p0 $0xD  }
0xe6: {  	_ =	swait.ge @!p0 [sflag:s0], s1  }
0xe7: {  	s1 =	ssub.s32 @!p0 $0x0, s1;
	[sflag:s0] =	ssyncset.done @!p0 $0x0  }
0xe8: {  	[sflag:s0] =	ssyncadd.s32 @!p0 s1  }
0xe9: {  	[bflag:$0x3] =	sbarrier.arrive $0xFFFF  }
0xea: {  	_ =	shalt  }

// kernel: kernel.8.cloned.1.call-start
scs
__scs_entry_jumppad:
0x0: {  	(pc) =	sbr.rel $0x88, $3  }
0x1: {  	(tag) =	ssettag $0x0;
	lr =	simm.s32 $0x1  }
0x2: {  	[smem:$0x3F9B] =	sst lr;
	_ =	strace $0xD0000000  }
0x3: {  	_ = 	snop  }
0x4: {  	_ = 	snop  }
0x5: {  	_ = 	snop  }
0x6: {  	_ = 	snop  }
0x7: {  	_ = 	snop  }
__scs_overlays_trampoline_lowered:
0x8: {  	[smem:$0x3FAA] =	sst s0  }
0x9: {  	[smem:$0x3FAB] =	sst s1  }
0xa: {  	[smem:$0x3FAC] =	sst s2  }
0xb: {  	[smem:$0x3FAD] =	sst s3  }
0xc: {  	[smem:$0x3FAE] =	sst s4  }
0xd: {  	[smem:$0x3FAF] =	sst s5  }
0xe: {  	[smem:$0x3FB0] =	sst s6  }
0xf: {  	[smem:$0x3FB1] =	sst s7  }
0x10: {  	[smem:$0x3FB2] =	sst s8  }
0x11: {  	[smem:$0x3FB3] =	sst s9;
	s0 =	simm.s32 @!p0 $0x0  }
0x12: {  	s1 =	sld [smem:$0x3F99];
	s0 =	simm.s32 @p0 $0x1  }
0x13: {  	[smem:$0x3FB4] =	sst s0;
	s0 =	simm.s32 @!p1 $0x0  }
0x14: {  	s2 =	sld [smem:$0x3F98];
	s0 =	simm.s32 @p1 $0x1  }
0x15: {  	[smem:$0x3FB5] =	sst s0;
	s0 =	simm.s32 @!p2 $0x0  }
0x16: {  	s3 =	sld [smem:$0x3FDB];
	s0 =	simm.s32 @p2 $0x1  }
0x17: {  	s4 =	simm.s32 $0x1BF5;
	[smem:$0x3FB7] =	sst s0  }
0x18: {  	s0 =	sld [smem:$0x3F9A];
	_ =	swait.ge [sflag:s4], $0x0  }
0x19: {  	s7 =	sld [smem:$0x3F9B]  }
0x1a: {  	s8 =	sadd.s32 $0xFFFFE003, lr  }
0x1b: {  	s9 =	sadd.s32 $0xFFFFFEF7, lr;
	s5 =	simm.s32 $0xFFFFFFFF;
	p2 =	slt.u32 s8, $0xFFFFF086  }
0x1c: {  	p1 =	slt.u32 s9, $0xF7A;
	s5 =	simm.s32 @!p2 $0x0  }
0x1d: {  	s5 =	simm.s32 @p1 $0x1;
	p0 =	seq.s32 s7, s2  }
0x1e: {  	s7 =	smul.u32 @!p0 $0xF7A, s2;
	p2 =	seq.s32 @!p0 s5, $0x0  }
0x1f: {  	s9 =	smul.u32 $0xF7A, s1;
	s8 =	simm.s32 @!p0 $0x1BF5;
	p2 =	por !p2, p0  }
0x20: {  	[sflag:s8] =	ssyncset.s32 @!p0 $0xFFFFF086;
	s6 =	sadd.s32 @!p0 s3, s7;
	s7 =	simm.s32 @!p0 $0x108  }
0x21: {  	s3 =	sadd.s32 s3, s9;
	s6 =	sadd.s32 @!p0 $0x88, s6;
	s7 =	simm.s32 @p2 $0x1082  }
0x22: {  	[simem:s7], [sflag:s8] =	dma.local @!p0 [hbm:s6], $0xF7A  }
0x23: {  	s9 =	sor.u32 $0xD0000000, s2;
	s6 =	simm.s32 $0x108;
	_ =	swait.ge @!p0 [sflag:s8], $0x0  }
0x24: {  	s3 =	sadd.s32 $0x88, s3;
	s6 =	simm.s32 @!p1 $0x1082;
	[sflag:s4] =	ssyncset.s32 $0xFFFFF086  }
0x25: {  	[simem:s6], [sflag:s4] =	dma.local [hbm:s3], $0xF7A  }
0x26: {  	[smem:$0x3F9B] =	sst s1;
	(tag) =	ssettag s2;
	_ =	strace s9  }
0x27: {  	s1 =	sld [smem:$0x3FAB]  }
0x28: {  	s2 =	sld [smem:$0x3FAC]  }
0x29: {  	s4 =	sld [smem:$0x3FAE]  }
0x2a: {  	p0 =	seq.s32 s5, $0x0;
	s5 =	sld [smem:$0x3FAF]  }
0x2b: {  	s6 =	sld [smem:$0x3FB0]  }
0x2c: {  	s7 =	sld [smem:$0x3FB1]  }
0x2d: {  	s3 =	simm.s32 $0x108;
	s8 =	sld [smem:$0x3FB2]  }
0x2e: {  	s3 =	simm.s32 @!p0 $0x1082;
	s9 =	sld [smem:$0x3FB3]  }
0x2f: {  	lr =	sadd.s32 s0, s3;
	s0 =	sld [smem:$0x3FAA]  }
0x30: {  	s3 =	sld [smem:$0x3FAD]  }
0x31: {  	[smem:$0x3FB6] =	sst s10  }
0x32: {  	s10 =	sld [smem:$0x3FB4];
	_ =	sdelay $0x3  }
0x33: {  	p0 =	seq.s32 s10, $0x1;
	s10 =	sld [smem:$0x3FB6];
	_ =	sdelay $0x3  }
0x34: {  	[smem:$0x3FB6] =	sst s10  }
0x35: {  	s10 =	sld [smem:$0x3FB5];
	_ =	sdelay $0x3  }
0x36: {  	p1 =	seq.s32 s10, $0x1;
	s10 =	sld [smem:$0x3FB6];
	_ =	sdelay $0x3  }
0x37: {  	[smem:$0x3FB6] =	sst s10  }
0x38: {  	s10 =	sld [smem:$0x3FB7]  }
0x39: {  	_ = 	snop;
	(pc) =	sbr.ind lr, $3  }
0x3a: {  	_ = 	snop  }
0x3b: {  	_ = 	snop  }
0x3c: {  	p2 =	seq.s32 s10, $0x1;
	s10 =	sld [smem:$0x3FB6]  }
0x3d: {  	_ =	shalt  }
0x3e: {  	_ =	shalt  }
0x3f: {  	_ =	shalt  }
0x40: {  	_ =	shalt  }
0x41: {  	_ =	shalt  }
0x42: {  	_ =	shalt  }
0x43: {  	_ =	shalt  }
0x44: {  	_ =	shalt  }
0x45: {  	_ =	shalt  }
0x46: {  	_ =	shalt  }
0x47: {  	_ =	shalt  }
0x48: {  	_ =	shalt  }
0x49: {  	_ =	shalt  }
0x4a: {  	_ =	shalt  }
0x4b: {  	_ =	shalt  }
0x4c: {  	_ =	shalt  }
0x4d: {  	_ =	shalt  }
0x4e: {  	_ =	shalt  }
0x4f: {  	_ =	shalt  }
0x50: {  	_ =	shalt  }
0x51: {  	_ =	shalt  }
0x52: {  	_ =	shalt  }
0x53: {  	_ =	shalt  }
0x54: {  	_ =	shalt  }
0x55: {  	_ =	shalt  }
0x56: {  	_ =	shalt  }
0x57: {  	_ =	shalt  }
0x58: {  	_ =	shalt  }
0x59: {  	_ =	shalt  }
0x5a: {  	_ =	shalt  }
0x5b: {  	_ =	shalt  }
0x5c: {  	_ =	shalt  }
0x5d: {  	_ =	shalt  }
0x5e: {  	_ =	shalt  }
0x5f: {  	_ =	shalt  }
0x60: {  	_ =	shalt  }
0x61: {  	_ =	shalt  }
0x62: {  	_ =	shalt  }
0x63: {  	_ =	shalt  }
0x64: {  	_ =	shalt  }
0x65: {  	_ =	shalt  }
0x66: {  	_ =	shalt  }
0x67: {  	_ =	shalt  }
0x68: {  	_ =	shalt  }
0x69: {  	_ =	shalt  }
0x6a: {  	_ =	shalt  }
0x6b: {  	_ =	shalt  }
0x6c: {  	_ =	shalt  }
0x6d: {  	_ =	shalt  }
0x6e: {  	_ =	shalt  }
0x6f: {  	_ =	shalt  }
0x70: {  	_ =	shalt  }
0x71: {  	_ =	shalt  }
0x72: {  	_ =	shalt  }
0x73: {  	_ =	shalt  }
0x74: {  	_ =	shalt  }
0x75: {  	_ =	shalt  }
0x76: {  	_ =	shalt  }
0x77: {  	_ =	shalt  }
0x78: {  	_ =	shalt  }
0x79: {  	_ =	shalt  }
0x7a: {  	_ =	shalt  }
0x7b: {  	_ =	shalt  }
0x7c: {  	_ =	shalt  }
0x7d: {  	_ =	shalt  }
0x7e: {  	_ =	shalt  }
0x7f: {  	_ =	shalt  }
0x80: {  	_ =	shalt  }
0x81: {  	_ =	shalt  }
0x82: {  	_ =	shalt  }
0x83: {  	_ =	shalt  }
0x84: {  	_ =	shalt  }
0x85: {  	_ =	shalt  }
0x86: {  	_ =	shalt  }
0x87: {  	_ =	shalt  }
.Lfunc_end0:
.L_simem_size_0:
called_computation_lowered:
.L_overlay_start_0:
0x88: {  	s2 =	sld [smem:$0x3FD9]  }
0x89: {  	s3 =	sld [smem:$0x3FFE];
	_ =	sdelay $0x1  }
0x8a: {  	s1 =	srdreg.scid  }
0x8b: {  	s0 =	sand.u32 $0x1, s1  }
0x8c: {  	s17 =	sshll.u32 s0, $0xA;
	s2 =	sadd.s32 s3, s2  }
0x8d: {  	s2 =	sadd.s32 s2, s17  }
0x8e: {  	[smem:$0x3FC2] =	sst s2  }
0x8f: {  	_ = 	snop  }
0x90: {  	s2 =	sld [smem:$0x3FD0];
	(tm) =	ssettm $0x1  }
0x91: {  	s18 =	sld [smem:$0x3FFB];
	_ =	sdelay $0x3  }
0x92: {  	_ =	strace s18  }
0x93: {  	s3 =	sld [smem:$0x3FFC];
	_ =	sdelay $0x3  }
0x94: {  	_ =	strace s3  }
0x95: {  	s3 =	sld [smem:$0x3FFD];
	_ =	sdelay $0x3  }
0x96: {  	_ =	strace s3  }
0x97: {  	_ =	strace $0x8FFFFFFF  }
0x98: {  	s19 =	sld [smem:$0x3FDB];
	_ =	sdelay $0x1  }
0x99: {  	s4 =	simm.s32 $_scs_section_size  }
0x9a: {  	s5 =	simm.s32 $_size__tile_overlayer_lowered;
	s6 =	simm.s32 $_tile_overlayer_lowered  }
0x9b: {  	s22 =	simm.s32 $0x1BFF;
	s21 =	sshll.u32 s6, $0x1;
	s3 =	sadd.s32 s4, s19  }
0x9c: {  	s7 =	simm.s32 $0x0;
	s20 =	sshll.u32 s5, $0x1;
	s5 =	sadd.s32 s21, s3  }
0x9d: {  	[timem:s7], [sflag:s22] =	dma.local [hbm:s5], s20  }
0x9e: {  	_ =	swait.ge [sflag:s22], s20  }
0x9f: {  	s4 =	ssub.s32 $0x0, s20;
	[sflag:s22] =	ssyncset.done $0x0  }
0xa0: {  	[sflag:s22] =	ssyncadd.s32 s4;
	_ =	sdelay $0x1  }
0xa1: {  	s23 =	simm.s32 $0x1B8B  }
0xa2: {  	_ =	swait.ge [sflag:s23], $0x1  }
0xa3: {  	[sflag:s23] =	ssyncset.done $0x0  }
0xa4: {  	s25 =	simm.s32 $0x1B8E;
	s24 =	sld [smem:$0x3FFE];
	[sflag:s23] =	ssyncadd.s32 $0xFFFFFFFF  }
0xa5: {  	s26 =	simm.s32 $execute0_lowered;
	[smem:$0x3FD2] =	sst s25  }
0xa6: {  	s5 =	sshll.u32 s26, $0x1;
	_ =	strace $0x80000046;
	[dreg:$0x1] =	wrdreg $0xFFFFFFFF  }
0xa7: {  	s28 =	simm.s32 $_size_execute0_lowered;
	s3 =	sadd.s32 s3, s5;
	[dreg:$0x0] =	wrdreg $0x0  }
0xa8: {  	s5 =	sshll.u32 s28, $0x1;
	[dreg:$0x2] =	wrdreg s3  }
0xa9: {  	[dreg:$0x3] =	wrdreg s5  }
0xaa: {  	[dreg:$0x4] =	wrdreg $0xC0  }
0xab: {  	_ =	task [dreg:s7], $0x5FFFF  }
0xac: {  	[dreg:$0x1] =	wrdreg $0xFFFFFFFF  }
0xad: {  	[dreg:$0x0] =	wrdreg $0x60  }
0xae: {  	[dreg:$0x2] =	wrdreg s24  }
0xaf: {  	[dreg:$0x3] =	wrdreg s2  }
0xb0: {  	[dreg:$0x4] =	wrdreg $0x3000  }
0xb1: {  	[dreg:$0x5] =	wrdreg $0x9  }
0xb2: {  	_ =	task.clear_ibuf [dreg:s7], $0x6FFFF;
	_ =	strace $0x90000046  }
0xb3: {  	s29 =	simm.s32 $0x9;
	_ =	strace $0x80000048  }
0xb4: {  	_ =	swait.ge [sflag:s29], $0x1  }
0xb5: {  	[sflag:s29] =	ssyncadd.s32 $0xFFFFFFFF  }
0xb6: {  	_ =	strace $0x90000048  }
0xb7: {  	_ =	sfence  }
0xb8: {  	s30 =	sld [smem:$0x0];
	_ =	sdelay $0x2  }
0xb9: {  	s31 =	sshll.u32 s1, $0xD;
	s1 =	sshrl.u32 s1, $0x2  }
0xba: {  	s3 =	sand.u32 $0x4000, s31;
	s1 =	sadd.s32 s1, s30  }
0xbb: {  	s0 =	sor.u32 s3, s0;
	s1 =	sshll.u32 s1, $0x11  }
0xbc: {  	s0 =	sor.u32 s1, s0  }
0xbd: {  	s0 =	sadd.s32 $0x8F2B, s0  }
0xbe: {  	[sflag:s0] =	ssyncadd.remote.s32 $0x1  }
0xbf: {  	_ =	sfence.sel $0xFFFF  }
0xc0: {  	[dreg:$0x0] =	wrdreg $0xFFFFFFFF;
	(pc) =	sbr.abs _section_cstart, $3  }
0xc1: {  	[dreg:$0x1] =	wrdreg $0xFFFFFFFF  }
0xc2: {  	_ =	task.clear_ibuf [dreg:s7], $0x2FFFF;
	_ =	strace $0x9FFFFFFF  }
0xc3: {  	(tm) =	ssettm $0x7FFFFFFF  }
tec
execute0_lowered:
.L_overlay_start_1:
0x0: {  	(tag) =	ssettag $0x1  }
0x1: {  	s5 =	rddreg [dreg:$0x0]  }
0x2: {  	s8 =	rddreg [dreg:$0x1]  }
0x3: {  	s1 =	rddreg [dreg:$0x2];
	s2 =	srdreg.scid  }
0x4: {  	s0 =	rddreg [dreg:$0x3];
	s3 =	simm.s32 $0x0;
	s15 =	simm.s32 $0x3  }
0x5: {  	s18 =	simm.s32 $0x80;
	s7 =	sand.u32 $0x1, s2;
	s2 =	stileid.u32  }
0x6: {  	s19 =	simm.s32 $0x1;
	s20 =	simm.s32 $0x40;
	s6 =	smul.u32 $0x4F00, s2  }
0x7: {  	s21 =	simm.s32 $0x2;
	s22 =	simm.s32 $0xC0;
	s12 =	smul.u32 $0x278, s2  }
0x8: {  	s23 =	simm.s32 $0x0;
	[smem:$0x7FF] =	sst s3;
	s29 =	smul.u32 $0x50000, s7  }
0x9: {  	s13 =	sadd.s32 $0x1A00, s5;
	s4 =	sshll.u32 s7, $0x4;
	s14 =	smul.u32 $0x5000, s2  }
0xa: {  	_ =	strace $0x80000047;
	s9 =	ssub.s32 $0x2, s7;
	s30 =	smul.u32 $0x2780, s7  }
0xb: {  	s16 =	sshll.u32 s2, $0x6;
	s4 =	sor.u32 s2, s4;
	s11 =	sshrl.u32 s9, $0x1  }
0xc: {  	s16 =	sor.u32 $0x1C03, s16;
	s10 =	smul.u32 $0x5000, s4;
	s4 =	sadd.s32 $0x15E00, s5  }
0xd: {  	s5 =	sadd.s32 $0x15A00, s5;
	s9 =	ssub.s32 s9, s11;
	s6 =	sshrl.u32 s6, $0x2  }
0xe: {  	s8 =	sadd.s32 s8, s12;
	s11 =	sadd.s32 s14, s29;
	s17 =	sadd.s32 s6, s1  }
0xf: {  	s8 =	sadd.s32 s30, s8;
	s9 =	smax.u32 s9, $0x1;
	s31 =	sor.u32 $0x100, s11  }
0x10: {  	s14 =	sor.u32 $0x180, s11;
	s10 =	sshrl.u32 s10, $0x3;
	s12 =	sshrl.u32 s31, $0x3  }
0x11: {  	s14 =	sshrl.u32 s14, $0x3;
	s17 =	sshrl.u32 s17, $0x3;
	s6 =	sadd.s32 s13, s10  }
0x12: {  	s12 =	sadd.s32 s12, s13;
	s13 =	sadd.s32 s14, s13;
	s14 =	simm.s32 $0x100  }
0x13: {  	s7 =	sadd.s32 $0x10, s6;
	s10 =	sadd.s32 $0x9F0, s6;
	s11 =	sadd.s32 $0x9E0, s6  }
.LBB2_1:
0x14: {  	[tilespmem:s14], [sflag:$0x3] =	stream.linear.gather [hbm4b:s4+s3], $0x200, $0x38;
	[tilespmem:$0x16C0] =	vst v63  }
0x15: {  	_ =	swait.ge [sflag:s15], $0x200  }
0x16: {  	[sflag:s15] =	ssyncset.done $0x0  }
0x17: {  	[sflag:s15] =	ssyncadd.s32 $0xFFFFFE00  }
0x18: {  	[spmem:s17], [sflag:s16] =	dma.local [hbm:s5], $0x278  }
0x19: {  	_ =	swait.ge [sflag:s15], $0x278  }
0x1a: {  	[sflag:s15] =	ssyncset.done $0x0  }
0x1b: {  	[sflag:s15] =	ssyncadd.s32 $0xFFFFFD88  }
0x1c: {  	[bflag:$0x0] =	sbarrier.arrive $0xFFFF  }
0x1d: {  	[tilespmem:s3], [sflag:$0x1] =	stream.linear.gather [hbm4b:s6+s3], $0x80, $0x38;
	[tilespmem:$0x16C0] =	vst v63  }
0x1e: {  	_ = 	snop  }
0x1f: {  	[tilespmem:s18], [sflag:$0x2] =	stream.linear.gather [hbm4b:s7+s3], $0x80, $0x38;
	[tilespmem:$0x16C0] =	vst v63  }
0x20: {  	_ =	swait.ge [sflag:s19], $0x80  }
0x21: {  	[sflag:s19] =	ssyncset.done $0x0  }
0x22: {  	[sflag:s19] =	ssyncadd.s32 $0xFFFFFF80  }
0x23: {  	[spmem:s1] =	stream.indirect.scatter.add.f32 [tilespmem:s14], [sflag:$0x3], $0x8, s20, s20, $0xb8;
	[tilespmem:$0x16C0] =	vst v63  }
0x24: {  	_ =	swait.ge [sflag:s15], $0x200  }
0x25: {  	[sflag:s15] =	ssyncset.done $0x0  }
0x26: {  	s24 =	sadd.s32 $0x0, s12;
	[sflag:s15] =	ssyncadd.s32 $0xFFFFFE00  }
0x27: {  	[tilespmem:s3], [sflag:$0x1] =	stream.linear.gather [hbm4b:s24+s3], $0x80, $0x38;
	[tilespmem:$0x16C0] =	vst v63  }
0x28: {  	_ =	swait.ge [sflag:s21], $0x80  }
0x29: {  	[sflag:s21] =	ssyncset.done $0x0  }
0x2a: {  	[sflag:s21] =	ssyncadd.s32 $0xFFFFFF80  }
0x2b: {  	[spmem:s1] =	stream.indirect.scatter.add.f32 [tilespmem:s14], [sflag:$0x3], $0x8, s22, s20, $0xb8;
	[tilespmem:$0x16C0] =	vst v63  }
0x2c: {  	_ =	swait.ge [sflag:s15], $0x200  }
0x2d: {  	[sflag:s15] =	ssyncset.done $0x0  }
0x2e: {  	s25 =	sadd.s32 $0x0, s13;
	s24 =	simm.s32 $0x20;
	[sflag:s15] =	ssyncadd.s32 $0xFFFFFE00  }
.LBB2_2:
0x2f: {  	[tilespmem:s18], [sflag:$0x2] =	stream.linear.gather [hbm4b:s25+s3], $0x80, $0x38;
	[tilespmem:$0x16C0] =	vst v63  }
0x30: {  	s25 =	smov.u32 s24  }
0x31: {  	p0 =	sne.s32 s24, $0x9A0;
	s24 =	sadd.s32 $0x20, s24;
	_ =	swait.ge [sflag:s19], $0x80  }
0x32: {  	[sflag:s19] =	ssyncset.done $0x0  }
0x33: {  	[sflag:s19] =	ssyncadd.s32 $0xFFFFFF80  }
0x34: {  	[spmem:s1] =	stream.indirect.scatter.add.f32 [tilespmem:s14], [sflag:$0x3], $0x8, s20, s20, $0xb8;
	[tilespmem:$0x16C0] =	vst v63  }
0x35: {  	_ =	swait.ge [sflag:s15], $0x200  }
0x36: {  	[sflag:s15] =	ssyncset.done $0x0  }
0x37: {  	s26 =	sadd.s32 s25, s12;
	[sflag:s15] =	ssyncadd.s32 $0xFFFFFE00  }
0x38: {  	[tilespmem:s3], [sflag:$0x1] =	stream.linear.gather [hbm4b:s26+s3], $0x80, $0x38;
	[tilespmem:$0x16C0] =	vst v63  }
0x39: {  	_ =	swait.ge [sflag:s21], $0x80  }
0x3a: {  	[sflag:s21] =	ssyncset.done $0x0  }
.Ltmp0:
0x3b: {  	[sflag:s21] =	ssyncadd.s32 $0xFFFFFF80;
	(pc) =	sbr.rel @p0 .LBB2_2-.Ltmp0, $4  }
0x3c: {  	[spmem:s1] =	stream.indirect.scatter.add.f32 [tilespmem:s14], [sflag:$0x3], $0x8, s22, s20, $0xb8;
	[tilespmem:$0x16C0] =	vst v63  }
0x3d: {  	_ =	swait.ge [sflag:s15], $0x200  }
0x3e: {  	[sflag:s15] =	ssyncset.done $0x0  }
0x3f: {  	s25 =	sadd.s32 s25, s13;
	[sflag:s15] =	ssyncadd.s32 $0xFFFFFE00  }
0x40: {  	[tilespmem:s18], [sflag:$0x2] =	stream.linear.gather [hbm4b:s25+s3], $0x80, $0x38;
	[tilespmem:$0x16C0] =	vst v63  }
0x41: {  	_ =	swait.ge [sflag:s19], $0x80  }
0x42: {  	[sflag:s19] =	ssyncset.done $0x0  }
0x43: {  	[sflag:s19] =	ssyncadd.s32 $0xFFFFFF80  }
0x44: {  	[spmem:s1] =	stream.indirect.scatter.add.f32 [tilespmem:s14], [sflag:$0x3], $0x8, s20, s20, $0xb8;
	[tilespmem:$0x16C0] =	vst v63  }
0x45: {  	_ =	swait.ge [sflag:s15], $0x200  }
0x46: {  	[sflag:s15] =	ssyncset.done $0x0  }
0x47: {  	[sflag:s15] =	ssyncadd.s32 $0xFFFFFE00  }
0x48: {  	[tilespmem:s3], [sflag:$0x1] =	stream.linear.gather [hbm4b:s11+s3], $0x80, $0x38;
	[tilespmem:$0x16C0] =	vst v63  }
0x49: {  	_ =	swait.ge [sflag:s21], $0x80  }
0x4a: {  	[sflag:s21] =	ssyncset.done $0x0  }
0x4b: {  	[sflag:s21] =	ssyncadd.s32 $0xFFFFFF80  }
0x4c: {  	[spmem:s1] =	stream.indirect.scatter.add.f32 [tilespmem:s14], [sflag:$0x3], $0x8, s22, s20, $0xb8;
	[tilespmem:$0x16C0] =	vst v63  }
0x4d: {  	_ =	swait.ge [sflag:s15], $0x200  }
0x4e: {  	[sflag:s15] =	ssyncset.done $0x0  }
0x4f: {  	[sflag:s15] =	ssyncadd.s32 $0xFFFFFE00  }
0x50: {  	[tilespmem:s18], [sflag:$0x2] =	stream.linear.gather [hbm4b:s10+s3], $0x80, $0x38;
	[tilespmem:$0x16C0] =	vst v63  }
0x51: {  	_ =	swait.ge [sflag:s19], $0x80  }
0x52: {  	[sflag:s19] =	ssyncset.done $0x0  }
0x53: {  	[sflag:s19] =	ssyncadd.s32 $0xFFFFFF80  }
0x54: {  	[spmem:s1] =	stream.indirect.scatter.add.f32 [tilespmem:s14], [sflag:$0x3], $0x8, s20, s20, $0xb8;
	[tilespmem:$0x16C0] =	vst v63  }
0x55: {  	_ =	swait.ge [sflag:s15], $0x200  }
0x56: {  	[sflag:s15] =	ssyncset.done $0x0  }
0x57: {  	[sflag:s15] =	ssyncadd.s32 $0xFFFFFE00  }
0x58: {  	[tilespmem:s3], [sflag:$0x1] =	stream.linear.gather [hbm4b:s10+s3], $0x80, $0x38;
	[tilespmem:$0x16C0] =	vst v63  }
0x59: {  	_ =	swait.ge [sflag:s21], $0x80  }
0x5a: {  	[sflag:s21] =	ssyncset.done $0x0  }
0x5b: {  	[sflag:s21] =	ssyncadd.s32 $0xFFFFFF80  }
0x5c: {  	[spmem:s1] =	stream.indirect.scatter.add.f32 [tilespmem:s14], [sflag:$0x3], $0x8, s22, s20, $0xb8;
	[tilespmem:$0x16C0] =	vst v63  }
0x5d: {  	_ =	swait.ge [sflag:s15], $0x200  }
0x5e: {  	[sflag:s15] =	ssyncset.done $0x0  }
0x5f: {  	[sflag:s15] =	ssyncadd.s32 $0xFFFFFE00  }
0x60: {  	[tilespmem:s18], [sflag:$0x2] =	stream.linear.gather [hbm4b:s10+s3], $0x80, $0x38;
	[tilespmem:$0x16C0] =	vst v63  }
0x61: {  	_ =	swait.ge [sflag:s19], $0x80  }
0x62: {  	[sflag:s19] =	ssyncset.done $0x0  }
0x63: {  	[sflag:s19] =	ssyncadd.s32 $0xFFFFFF80  }
0x64: {  	_ =	swait.ge [sflag:s21], $0x80  }
0x65: {  	s23 =	sadd.s32 $0x1, s23;
	[sflag:s21] =	ssyncset.done $0x0  }
0x66: {  	p0 =	sne.s32 s23, s9;
	[sflag:s21] =	ssyncadd.s32 $0xFFFFFF80  }
.Ltmp1:
0x67: {  	[bflag:$0x0] =	sbarrier.arrive $0xFFFF;
	(pc) =	sbr.rel @p0 .LBB2_1-.Ltmp1, $4  }
0x68: {  	[hbm:s8], [sflag:s16] =	dma.local [spmem:s17], $0x278  }
0x69: {  	_ =	swait.ge [sflag:s15], $0x278  }
0x6a: {  	[sflag:s15] =	ssyncset.done $0x0  }
0x6b: {  	[sflag:s15] =	ssyncadd.s32 $0xFFFFFD88  }
0x6c: {  	_ =	sfence.sel $0x180000  }
0x6d: {  	[bflag:$0x0] =	sbarrier.arrive $0xFFFF  }
0x6e: {  	p0 =	sne.s32 s2, $0x0;
	_ =	strace $0x90000047  }
0x6f: {  	s0 =	sadd.s32 @!p0 $0x100000, s0;
	[bflag:$0x2] =	sbarrier.arrive $0xFFFF  }
0x70: {  	[sflag:s0] =	ssyncadd.tile.s32 @!p0 $0x1;
	_ =	shalt  }
.Lfunc_end2:
_tile_overlayer_lowered:
.L_overlay_start_2:
0x71: {  	(tag) =	ssettag $0x2  }
0x72: {  	s0 =	rddreg [dreg:$0x0];
	s2 =	stileid.u32  }
0x73: {  	s1 =	rddreg [dreg:$0x1];
	p0 =	sne.s32 s2, $0x0  }
0x74: {  	s3 =	rddreg [dreg:$0x2];
	[bflag:$0x3] =	sbarrier.arrive $0xFFFF;
	s2 =	simm.s32 @!p0 $0x1C03  }
0x75: {  	[timem:s3], [sflag:s2] =	dma.local @!p0 [hbm:s0], s1  }
0x76: {  	s0 =	simm.s32 @!p0 $0x3  }
0x77: {  	_ =	swait.ge @!p0 [sflag:s0], s1  }
0x78: {  	s1 =	ssub.s32 @!p0 $0x0, s1;
	[sflag:s0] =	ssyncset.done @!p0 $0x0  }
0x79: {  	[sflag:s0] =	ssyncadd.s32 @!p0 s1  }
0x7a: {  	[bflag:$0x3] =	sbarrier.arrive $0xFFFF  }
0x7b: {  	_ =	shalt  }

</sc_bundles>
